<compile_context>
chip_gen: v7x
topology: tpu7x:2x2x1
jax: 0.10.2.dev20260603
libtpu: 0.0.44.dev20260713+nightly
codegen_flags: <defaults>
</compile_context>

<pallas_src>
import functools

import jax
import jax.numpy as jnp
from jax import lax
from jax.experimental import pallas as pl
from jax.experimental.pallas import tpu as pltpu
from jax.experimental.pallas import tpu_sc as plsc

K = 64
TH_SIMILAR_MIN = 0.5
TH_DIFFERENT_MAX = 0.1
_PREC = lax.Precision.DEFAULT
FT = 256



def _topk_body(cas_ref, sel_ref):
    c, t = cas_ref.shape[1], cas_ref.shape[2]
    cas = cas_ref[0]
    col = lax.broadcasted_iota(jnp.int32, (c, t), 1)
    one = jnp.ones((c, t), jnp.int32)
    zero = jnp.zeros((c, t), jnp.int32)

    bits = lax.bitcast_convert_type(cas, jnp.int32)
    key = bits ^ (lax.shift_right_arithmetic(bits, 31) & 0x7FFFFFFF)

    def cnt_ge(cand):
        return jnp.sum(jnp.where(key >= cand, one, zero),
                       axis=1, keepdims=True)

    pos = cnt_ge(jnp.zeros((c, 1), jnp.int32)) >= K
    tt = jnp.where(pos, jnp.int32(0), jnp.int32(-2147483648))
    cand = tt | (1 << 30)
    tt = jnp.where(cnt_ge(cand) >= K, cand, tt)
    for hb in range(29, 0, -2):
        b3 = tt | (3 << (hb - 1))
        b2 = tt | (1 << hb)
        b1 = tt | (1 << (hb - 1))
        c3 = cnt_ge(b3) >= K
        c2 = cnt_ge(b2) >= K
        c1 = cnt_ge(b1) >= K
        tt = jnp.where(c3, b3, jnp.where(c2, b2, jnp.where(c1, b1, tt)))

    gt = key > tt
    eq = key == tt
    n_gt = jnp.sum(jnp.where(gt, one, zero), axis=1, keepdims=True)
    need = K - n_gt

    def cnt_lt(cand):
        return jnp.sum(jnp.where(eq & (col < cand), one, zero),
                       axis=1, keepdims=True)

    nb = (t - 1).bit_length()
    bb = jnp.zeros((c, 1), jnp.int32)
    if nb % 2 == 1:
        cand = bb | (1 << (nb - 1))
        bb = jnp.where(cnt_lt(cand) < need, cand, bb)
        nb -= 1
    for hb in range(nb - 1, 0, -2):
        b3 = bb | (3 << (hb - 1))
        b2 = bb | (1 << hb)
        b1 = bb | (1 << (hb - 1))
        p3 = cnt_lt(b3) < need
        p2 = cnt_lt(b2) < need
        p1 = cnt_lt(b1) < need
        bb = jnp.where(p3, b3, jnp.where(p2, b2, jnp.where(p1, b1, bb)))

    sel = gt | (eq & (col < (bb + 1)))
    sel_ref[0] = jnp.where(sel, 1.0, 0.0)


def _topk_sel(cas_supp):
    b, c, t = cas_supp.shape
    return pl.pallas_call(
        _topk_body,
        grid=(b,),
        in_specs=[pl.BlockSpec((1, c, t), lambda i: (i, 0, 0))],
        out_specs=pl.BlockSpec((1, c, t), lambda i: (i, 0, 0)),
        out_shape=jax.ShapeDtypeStruct((b, c, t), jnp.float32),
    )(cas_supp)



def _compact(src_ref, idx_ref, match_fn, t):
    one16 = jnp.full((16,), 1, jnp.int32)
    zero16 = jnp.zeros((16,), jnp.int32)

    def body(i, cursor_v):
        for u in range(2):
            j = i * 2 + u
            v = src_ref[pl.ds(j * 16, 16)]
            m = match_fn(v)
            mi = jnp.where(m, one16, zero16)
            excl = plsc.cumsum(mi) - mi
            idx = lax.iota(jnp.int32, 16) + j * 16
            plsc.store_scatter(idx_ref, [excl + cursor_v], idx, mask=m)
            cursor_v = cursor_v + plsc.all_reduce_population_count(m)
        return cursor_v
    cv = lax.fori_loop(0, t // 32, body, jnp.zeros((16,), jnp.int32))
    return cv[0]


def _sc_gather(sel, click, etr, cls_arr):
    b, c, t = sel.shape
    d = etr.shape[2]
    nfg = c * K

    mesh = plsc.VectorSubcoreMesh(core_axis_name="c", subcore_axis_name="s")

    @functools.partial(
        pl.kernel, mesh=mesh,
        compiler_params=pltpu.CompilerParams(needs_layout_passes=False),
        out_type=[
            jax.ShapeDtypeStruct((b, nfg, d), jnp.float32),
            jax.ShapeDtypeStruct((b, t, d), jnp.float32),
            jax.ShapeDtypeStruct((b, 16), jnp.int32),
        ],
        scratch_types=[
            pltpu.VMEM((t,), jnp.float32),
            pltpu.VMEM((t,), jnp.int32),
            pltpu.VMEM((t + 32,), jnp.int32),
            pltpu.VMEM((K,), jnp.int32),
            pltpu.VMEM((128,), jnp.int32),
            pltpu.VMEM((K, 128), jnp.float32),
            pltpu.VMEM((128, 128), jnp.float32),
            pltpu.VMEM((16,), jnp.int32),
            pltpu.SemaphoreType.DMA,
        ],
    )
    def sck(sel_h, click_h, etr_h, cls_h,
            fg_h, bg_h, cnt_h,
            selv, clickv, idxv, idxfg, idxch, rowsf, rows, sv, sem):
        wid = lax.axis_index("s") * 2 + lax.axis_index("c")

        for i in range(10):
            task = wid * 10 + i
            bb = task // c
            cc = task - bb * c
            pltpu.sync_copy(sel_h.at[bb].at[cc], selv)
            n = _compact(selv, idxfg, lambda v: v > 0.5, t)
            del n
            pltpu.async_copy(etr_h.at[bb].at[idxfg], rowsf, sem).wait()
            pltpu.sync_copy(rowsf, fg_h.at[bb].at[pl.ds(cc * K, K)])

        @pl.when(wid < b)
        def _():
            bb = wid
            pltpu.sync_copy(cls_h, sv)
            clsv = sv[...]
            pltpu.sync_copy(click_h.at[bb], clickv)

            def zero(i, _):
                idxv[pl.ds(i * 16, 16)] = jnp.zeros((16,), jnp.int32)
                return 0
            lax.fori_loop(0, (t + 32) // 16, zero, 0)

            cnt = _compact(clickv, idxv, lambda v: v == clsv, t)

            sv[...] = jnp.zeros((16,), jnp.int32) + cnt
            pltpu.sync_copy(sv, cnt_h.at[bb])

            nch = (cnt + 127) // 128

            def gat(j, _):
                for k in range(8):
                    idxch[pl.ds(k * 16, 16)] = idxv[
                        pl.ds(j * 128 + k * 16, 16)]
                pltpu.async_copy(etr_h.at[bb].at[idxch], rows, sem).wait()
                pltpu.sync_copy(rows, bg_h.at[bb].at[pl.ds(j * 128, 128)])
                return 0
            lax.fori_loop(0, nch, gat, 0)

    return sck(sel, click, etr, cls_arr)



def _dotT(a, bmat):
    return lax.dot_general(a, bmat, (((1,), (1,)), ((), ())),
                           preferred_element_type=jnp.float32,
                           precision=_PREC)


def _rowsum(rowvec, colvec):
    return lax.dot_general(rowvec, colvec, (((1,), (0,)), ((), ())),
                           preferred_element_type=jnp.float32,
                           precision=_PREC)[0, 0]


def _main_body(cnt_ref, fg_ref, lab_ref, bg_ref, loss_ref, val_ref,
               fn_ref, bn_ref):
    nfg, d = fn_ref.shape
    t = bn_ref.shape[0]
    c = lab_ref.shape[2]
    nft = nfg // FT

    cnt = cnt_ref[0, 0, 0]
    c_bg = cnt.astype(jnp.float32)
    labf = (lab_ref[0] == 1).astype(jnp.float32)
    rsel = (lax.broadcasted_iota(jnp.int32, (c, nfg), 1) // K
            == lax.broadcasted_iota(jnp.int32, (c, nfg), 0)
            ).astype(jnp.float32)
    wgt = lax.dot_general(labf, rsel, (((1,), (0,)), ((), ())),
                          preferred_element_type=jnp.float32,
                          precision=_PREC)
    c_fg = jnp.sum(wgt)
    nbt = lax.div(cnt + (FT - 1), FT)

    for i in range(nft):
        rows = fg_ref[0, i * FT:(i + 1) * FT, :]
        n2 = jnp.sum(rows * rows, axis=1, keepdims=True)
        fn_ref[i * FT:(i + 1) * FT, :] = rows / jnp.sqrt(
            jnp.maximum(n2, 1e-24))

    def nrm(j, _):
        rows = bg_ref[0, pl.ds(j * FT, FT), :]
        n2 = jnp.sum(rows * rows, axis=1, keepdims=True)
        bn_ref[pl.ds(j * FT, FT), :] = rows / jnp.sqrt(
            jnp.maximum(n2, 1e-24))
        return 0
    lax.fori_loop(0, nbt, nrm, 0)

    s1 = jnp.float32(0.0)
    s3 = jnp.float32(0.0)
    for r in range(nft):
        fr = fn_ref[r * FT:(r + 1) * FT, :]
        w_r = wgt[:, r * FT:(r + 1) * FT]
        amin = jnp.full((FT, 1), jnp.inf, jnp.float32)
        for q in range(nft):
            g = _dotT(fr, fn_ref[q * FT:(q + 1) * FT, :])
            wm = wgt[:, q * FT:(q + 1) * FT] > 0
            amin = jnp.minimum(amin, jnp.min(
                jnp.where(wm, g, jnp.inf), axis=1, keepdims=True))
        s1 = s1 + _rowsum(w_r, jnp.maximum(TH_SIMILAR_MIN - amin, 0.0))

        def fb(j, cmax):
            g = _dotT(fr, bn_ref[pl.ds(j * FT, FT), :])
            lanes = lax.broadcasted_iota(jnp.int32, (1, FT), 1) + j * FT
            bm = lanes < cnt
            return jnp.maximum(cmax, jnp.max(
                jnp.where(bm, g, -jnp.inf), axis=1, keepdims=True))
        cmax = lax.fori_loop(0, nbt, fb,
                             jnp.full((FT, 1), -jnp.inf, jnp.float32))
        s3 = s3 + _rowsum(w_r, jnp.maximum(cmax - TH_DIFFERENT_MAX, 0.0))

    def brow(rj, s24):
        s2, s4 = s24
        br = bn_ref[pl.ds(rj * FT, FT), :]
        rmask = (lax.broadcasted_iota(jnp.int32, (FT, 1), 0)
                 + rj * FT) < cnt
        dmax = jnp.full((FT, 1), -jnp.inf, jnp.float32)
        for q in range(nft):
            g = _dotT(br, fn_ref[q * FT:(q + 1) * FT, :])
            wm = wgt[:, q * FT:(q + 1) * FT] > 0
            dmax = jnp.maximum(dmax, jnp.max(
                jnp.where(wm, g, -jnp.inf), axis=1, keepdims=True))
        rel4 = jnp.where(rmask,
                         jnp.maximum(dmax - TH_DIFFERENT_MAX, 0.0), 0.0)
        s4 = s4 + jnp.sum(rel4)

        def bb(cj, bmin):
            g = _dotT(br, bn_ref[pl.ds(cj * FT, FT), :])
            lanes = lax.broadcasted_iota(jnp.int32, (1, FT), 1) + cj * FT
            bm = lanes < cnt
            return jnp.minimum(bmin, jnp.min(
                jnp.where(bm, g, jnp.inf), axis=1, keepdims=True))
        bmin = lax.fori_loop(0, nbt, bb,
                             jnp.full((FT, 1), jnp.inf, jnp.float32))
        rel2 = jnp.where(rmask,
                         jnp.maximum(TH_SIMILAR_MIN - bmin, 0.0), 0.0)
        s2 = s2 + jnp.sum(rel2)
        return s2, s4

    s2, s4 = lax.fori_loop(0, nbt, brow,
                           (jnp.float32(0.0), jnp.float32(0.0)))

    loss_b = (s1 + s3) / c_fg + (s2 + s4) / c_bg
    valid = cnt > 0
    loss_ref[...] = jnp.zeros((1, 8, 128), jnp.float32) + jnp.where(
        valid, loss_b, 0.0)
    val_ref[...] = jnp.zeros((1, 8, 128), jnp.float32) + jnp.where(
        valid, 1.0, 0.0)


def _main(fgbuf, label, bgbuf, counts):
    b, nfg, d = fgbuf.shape
    t = bgbuf.shape[1]
    c = label.shape[1]
    lab3 = label.reshape(b, 1, c)
    cnt3 = counts.reshape(b, 1, 16)
    return pl.pallas_call(
        _main_body,
        grid=(b,),
        in_specs=[
            pl.BlockSpec((1, 1, 16), lambda i: (i, 0, 0),
                         memory_space=pltpu.SMEM),
            pl.BlockSpec((1, nfg, d), lambda i: (i, 0, 0)),
            pl.BlockSpec((1, 1, c), lambda i: (i, 0, 0)),
            pl.BlockSpec((1, t, d), lambda i: (i, 0, 0)),
        ],
        out_specs=[
            pl.BlockSpec((1, 8, 128), lambda i: (i, 0, 0)),
            pl.BlockSpec((1, 8, 128), lambda i: (i, 0, 0)),
        ],
        out_shape=[
            jax.ShapeDtypeStruct((b, 8, 128), jnp.float32),
            jax.ShapeDtypeStruct((b, 8, 128), jnp.float32),
        ],
        scratch_shapes=[
            pltpu.VMEM((nfg, d), jnp.float32),
            pltpu.VMEM((t, d), jnp.float32),
        ],
    )(cnt3, fgbuf, lab3, bgbuf)


def kernel(embeddings, click_labels, cas_supp, label, cls_num):
    b, d, t = embeddings.shape
    c = cas_supp.shape[1]

    sel = _topk_sel(cas_supp)
    etr = jnp.swapaxes(embeddings, 1, 2)
    cls_arr = jnp.zeros((16,), jnp.int32) + jnp.asarray(cls_num, jnp.int32)

    fgbuf, bgbuf, counts = _sc_gather(sel, click_labels, etr, cls_arr)
    lossm, validf = _main(fgbuf, label, bgbuf, counts)
    return jnp.sum(lossm[:, 0, 0]) / jnp.sum(validf[:, 0, 0])

# --- scband reference (transcript-rebuilt; emitter-appended) ---
"""Pipeline reference for scband-embedding-loss-32899449488181 (READ-ONLY COPY).

The authoritative reference and input builder live on the scoring server;
editing this copy changes nothing except your own understanding.
"""

import jax, jax.numpy as jnp
import numpy as np

K = 64
TH_SIMILAR_MIN = 0.5
TH_DIFFERENT_MAX = 0.1


def cosine_similarity(x1, x2, eps=1e-08):
    w1 = jnp.linalg.norm(x1, ord=2, axis=1, keepdims=True)
    w2 = jnp.linalg.norm(x2, ord=2, axis=1, keepdims=True)
    return (x1 @ x2.T) / jnp.clip(w1 * w2.T, eps)


def setup_inputs(seed: int = 0):
    key = jax.random.key(seed)
    k1, k2, k3, k4 = jax.random.split(key, 4)
    embeddings = jax.random.normal(k1, (16, 128, 4096), dtype=jnp.float32)
    click_labels = jax.random.randint(k2, (16, 4096), 0, 21, dtype=jnp.int32)
    cas_supp = jax.random.normal(k3, (16, 20, 4096), dtype=jnp.float32)
    label = jax.random.randint(k4, (16, 20), 0, 2, dtype=jnp.int32)
    return {"embeddings": embeddings, "click_labels": click_labels, "cas_supp": cas_supp, "label": label, "cls_num": 20}


def reference(embeddings, click_labels, cas_supp, label, cls_num):
    num_batch = embeddings.shape[0]
    loss_batch = jnp.float32(0.0)
    num_batch_dynamic = jnp.int32(0)
    for ibat in range(num_batch):
        click_label = click_labels[ibat]
        embedding = embeddings[ibat]
        bg_mask = click_label == cls_num
        c_bg = jnp.sum(bg_mask)
        bg_embedding = embedding.T
        label_b = label[ibat] == 1
        idx_all = jax.lax.top_k(cas_supp[ibat], K)[1]
        fg_idx = idx_all.reshape(-1)
        fg_mask = jnp.repeat(label_b, K)
        c_fg = jnp.sum(fg_mask)
        fg_embedding = embedding[:, fg_idx].T
        sim_fg2fg = cosine_similarity(fg_embedding, fg_embedding)
        sim_fg2fg_hard = jnp.min(jnp.where(fg_mask[None, :], sim_fg2fg, jnp.inf), axis=1)
        loss_fg2fg = jnp.sum(jnp.maximum(TH_SIMILAR_MIN - sim_fg2fg_hard, 0.0) * fg_mask) / c_fg
        sim_bg2bg = cosine_similarity(bg_embedding, bg_embedding)
        sim_bg2bg_hard = jnp.min(jnp.where(bg_mask[None, :], sim_bg2bg, jnp.inf), axis=1)
        loss_bg2bg = jnp.sum(jnp.maximum(TH_SIMILAR_MIN - sim_bg2bg_hard, 0.0) * bg_mask) / c_bg
        sim_fg2bg = cosine_similarity(fg_embedding, bg_embedding)
        sim_fg2bg_hard = jnp.max(jnp.where(bg_mask[None, :], sim_fg2bg, -jnp.inf), axis=1)
        loss_fg2bg = jnp.sum(jnp.maximum(sim_fg2bg_hard - TH_DIFFERENT_MAX, 0.0) * fg_mask) / c_fg
        sim_bg2fg_hard = jnp.max(jnp.where(fg_mask[:, None], sim_fg2bg, -jnp.inf), axis=0)
        loss_bg2fg = jnp.sum(jnp.maximum(sim_bg2fg_hard - TH_DIFFERENT_MAX, 0.0) * bg_mask) / c_bg
        valid = c_bg > 0
        loss_b = loss_fg2fg + loss_bg2bg + loss_fg2bg + loss_bg2fg
        loss_batch = loss_batch + jnp.where(valid, loss_b, jnp.float32(0.0))
        num_batch_dynamic = num_batch_dynamic + valid.astype(jnp.int32)
    loss_batch = loss_batch / num_batch_dynamic
    return loss_batch

if __name__ == "__main__":
    import jax
    _d = setup_inputs()
    print(jax.jit(kernel)(*tuple(_d.values())))

</pallas_src>

<mosaic_0001>
#map = affine_map<(d0, d1) -> (0, 0, 0)>
#map1 = affine_map<(d0, d1) -> (0, 0)>
#map2 = affine_map<(d0, d1) -> (0)>
module attributes {stable_mosaic.version = 14 : i64} {
  func.func @sck(%arg0: i32, %arg1: i32, %arg2: memref<16x20x4096xf32, #tpu.memory_space<hbm>>, %arg3: memref<16x4096xi32, #tpu.memory_space<hbm>>, %arg4: memref<16x4096x128xf32, #tpu.memory_space<hbm>>, %arg5: memref<16xi32, #tpu.memory_space<hbm>>, %arg6: memref<16x1280x128xf32, #tpu.memory_space<hbm>>, %arg7: memref<16x4096x128xf32, #tpu.memory_space<hbm>>, %arg8: memref<16x16xi32, #tpu.memory_space<hbm>>, %arg9: memref<4096xf32, #tpu.memory_space<vmem>>, %arg10: memref<4096xi32, #tpu.memory_space<vmem>>, %arg11: memref<4128xi32, #tpu.memory_space<vmem>>, %arg12: memref<64xi32, #tpu.memory_space<vmem>>, %arg13: memref<128xi32, #tpu.memory_space<vmem>>, %arg14: memref<64x128xf32, #tpu.memory_space<vmem>>, %arg15: memref<128x128xf32, #tpu.memory_space<vmem>>, %arg16: memref<16xi32, #tpu.memory_space<vmem>>, %arg17: memref<!tpu.dma_semaphore, #tpu.memory_space<semaphore_mem>>) attributes {dimension_semantics = [#tpu.dimension_semantics<core_parallel>, #tpu.dimension_semantics<subcore_parallel>], iteration_bounds = array<i64: 2, 16>, scalar_prefetch = 0 : i64, scratch_operands = 9 : i64, tpu.core_type = #tpu.core_type<sc_vector_subcore>, window_params = [{transform_indices = #map}, {transform_indices = #map1}, {transform_indices = #map}, {transform_indices = #map2}, {transform_indices = #map}, {transform_indices = #map}, {transform_indices = #map1}]} {
    %mul3A = arith.constant 2 : i32
    %mul3A_0 = arith.muli %arg1, %mul3A : i32
    %add3A = arith.addi %mul3A_0, %arg0 : i32
    %mul3A_1 = arith.constant 10 : i32
    %mul3A_2 = arith.muli %add3A, %mul3A_1 : i32
    %add3A_3 = arith.constant 0 : i32
    %add3A_4 = arith.addi %mul3A_2, %add3A_3 : i32
    %jit3A = arith.constant 20 : i32
    %div3A = arith.divsi %add3A_4, %jit3A : i32
    %sign3A = arith.constant 0 : i32
    %sign3A_5 = arith.cmpi sgt, %add3A_4, %sign3A : i32
    %sign3A_6 = arith.extui %sign3A_5 : i1 to i32
    %sign3A_7 = arith.constant 0 : i32
    %sign3A_8 = arith.cmpi slt, %add3A_4, %sign3A_7 : i32
    %sign3A_9 = arith.extui %sign3A_8 : i1 to i32
    %sign3A_10 = arith.subi %sign3A_6, %sign3A_9 : i32
    %sign3A_11 = arith.constant 0 : i32
    %sign3A_12 = arith.cmpi sgt, %jit3A, %sign3A_11 : i32
    %sign3A_13 = arith.extui %sign3A_12 : i1 to i32
    %sign3A_14 = arith.constant 0 : i32
    %sign3A_15 = arith.cmpi slt, %jit3A, %sign3A_14 : i32
    %sign3A_16 = arith.extui %sign3A_15 : i1 to i32
    %sign3A_17 = arith.subi %sign3A_13, %sign3A_16 : i32
    %ne3A = arith.cmpi ne, %sign3A_10, %sign3A_17 : i32
    %rem3A = arith.remsi %add3A_4, %jit3A : i32
    %ne3A_18 = arith.constant 0 : i32
    %ne3A_19 = arith.cmpi ne, %rem3A, %ne3A_18 : i32
    %and3A = arith.andi %ne3A, %ne3A_19 : i1
    %sub3A = arith.constant 1 : i32
    %sub3A_20 = arith.subi %div3A, %sub3A : i32
    %select_n3A = arith.select %and3A, %sub3A_20, %div3A : i32
    %mul3A_21 = arith.constant 20 : i32
    %mul3A_22 = arith.muli %select_n3A, %mul3A_21 : i32
    %sub3A_23 = arith.subi %add3A_4, %mul3A_22 : i32
    "tpu.region"() ({
      %run_scoped3A = tpu.sem_alloc : memref<!tpu.dma_semaphore, #tpu.memory_space<semaphore_mem>>
      %dma_start3A_599 = arith.constant 0 : i32
      %dma_start3A_600 = arith.constant 0 : i32
      %dma_start3A_601 = tpu.memref_slice %arg2[%select_n3A, %dma_start3A_599, %dma_start3A_600] : memref<16x20x4096xf32, #tpu.memory_space<hbm>> -> memref<1x20x4096xf32, #tpu.memory_space<hbm>>
      %dma_start3A_602 = tpu.memref_squeeze %dma_start3A_601 : memref<1x20x4096xf32, #tpu.memory_space<hbm>> -> memref<20x4096xf32, #tpu.memory_space<hbm>>
      %dma_start3A_603 = arith.constant 0 : i32
      %dma_start3A_604 = tpu.memref_slice %dma_start3A_602[%sub3A_23, %dma_start3A_603] : memref<20x4096xf32, #tpu.memory_space<hbm>> -> memref<1x4096xf32, #tpu.memory_space<hbm>>
      %dma_start3A_605 = tpu.memref_squeeze %dma_start3A_604 : memref<1x4096xf32, #tpu.memory_space<hbm>> -> memref<4096xf32, #tpu.memory_space<hbm>>
      %dma_start3A_606 = arith.constant 0 : i32
      %dma_start3A_607 = arith.constant 0 : i32
      %dma_start3A_608 = tpu.memref_slice %arg2[%select_n3A, %dma_start3A_606, %dma_start3A_607] : memref<16x20x4096xf32, #tpu.memory_space<hbm>> -> memref<1x20x4096xf32, #tpu.memory_space<hbm>>
      %dma_start3A_609 = tpu.memref_squeeze %dma_start3A_608 : memref<1x20x4096xf32, #tpu.memory_space<hbm>> -> memref<20x4096xf32, #tpu.memory_space<hbm>>
      %dma_start3A_610 = arith.constant 0 : i32
      %dma_start3A_611 = tpu.memref_slice %dma_start3A_609[%sub3A_23, %dma_start3A_610] : memref<20x4096xf32, #tpu.memory_space<hbm>> -> memref<1x4096xf32, #tpu.memory_space<hbm>>
      %dma_start3A_612 = tpu.memref_squeeze %dma_start3A_611 : memref<1x4096xf32, #tpu.memory_space<hbm>> -> memref<4096xf32, #tpu.memory_space<hbm>>
      tpu.enqueue_dma source(%dma_start3A_612 : memref<4096xf32, #tpu.memory_space<hbm>>) target(%arg9 : memref<4096xf32, #tpu.memory_space<vmem>>) target_semaphore(%run_scoped3A : memref<!tpu.dma_semaphore, #tpu.memory_space<semaphore_mem>>)
      %dma_wait3A_613 = arith.constant 0 : i32
      %dma_wait3A_614 = arith.constant 0 : i32
      %dma_wait3A_615 = tpu.memref_slice %arg2[%select_n3A, %dma_wait3A_613, %dma_wait3A_614] : memref<16x20x4096xf32, #tpu.memory_space<hbm>> -> memref<1x20x4096xf32, #tpu.memory_space<hbm>>
      %dma_wait3A_616 = tpu.memref_squeeze %dma_wait3A_615 : memref<1x20x4096xf32, #tpu.memory_space<hbm>> -> memref<20x4096xf32, #tpu.memory_space<hbm>>
      %dma_wait3A_617 = arith.constant 0 : i32
      %dma_wait3A_618 = tpu.memref_slice %dma_wait3A_616[%sub3A_23, %dma_wait3A_617] : memref<20x4096xf32, #tpu.memory_space<hbm>> -> memref<1x4096xf32, #tpu.memory_space<hbm>>
      %dma_wait3A_619 = tpu.memref_squeeze %dma_wait3A_618 : memref<1x4096xf32, #tpu.memory_space<hbm>> -> memref<4096xf32, #tpu.memory_space<hbm>>
      %dma_wait3A_620 = arith.constant 0 : i32
      %dma_wait3A_621 = arith.constant 0 : i32
      %dma_wait3A_622 = tpu.memref_slice %arg2[%select_n3A, %dma_wait3A_620, %dma_wait3A_621] : memref<16x20x4096xf32, #tpu.memory_space<hbm>> -> memref<1x20x4096xf32, #tpu.memory_space<hbm>>
      %dma_wait3A_623 = tpu.memref_squeeze %dma_wait3A_622 : memref<1x20x4096xf32, #tpu.memory_space<hbm>> -> memref<20x4096xf32, #tpu.memory_space<hbm>>
      %dma_wait3A_624 = arith.constant 0 : i32
      %dma_wait3A_625 = tpu.memref_slice %dma_wait3A_623[%sub3A_23, %dma_wait3A_624] : memref<20x4096xf32, #tpu.memory_space<hbm>> -> memref<1x4096xf32, #tpu.memory_space<hbm>>
      %dma_wait3A_626 = tpu.memref_squeeze %dma_wait3A_625 : memref<1x4096xf32, #tpu.memory_space<hbm>> -> memref<4096xf32, #tpu.memory_space<hbm>>
      tpu.wait_dma2 semaphore(%run_scoped3A : memref<!tpu.dma_semaphore, #tpu.memory_space<semaphore_mem>>) src(%dma_wait3A_626 : memref<4096xf32, #tpu.memory_space<hbm>>) dst(%arg9 : memref<4096xf32, #tpu.memory_space<vmem>>)
      tpu.yield
    }) : () -> ()
    %broadcast_in_dim3A = arith.constant 1 : i32
    %broadcast_in_dim3A_24 = vector.broadcast %broadcast_in_dim3A : i32 to vector<16xi32>
    %broadcast_in_dim3A_25 = arith.constant 0 : i32
    %broadcast_in_dim3A_26 = vector.broadcast %broadcast_in_dim3A_25 : i32 to vector<16xi32>
    %broadcast_in_dim3A_27 = arith.constant 0 : i32
    %broadcast_in_dim3A_28 = vector.broadcast %broadcast_in_dim3A_27 : i32 to vector<16xi32>
    %scan3A = arith.constant 0 : i32
    %scan3A_29 = arith.constant 128 : i32
    %scan3A_30 = arith.addi %scan3A, %scan3A_29 : i32
    %scan3A_31 = arith.constant 1 : i32
    %scan3A_32 = scf.for %scan3A_599 = %scan3A to %scan3A_30 step %scan3A_31 iter_args(%scan3A_600 = %broadcast_in_dim3A_28) -> (vector<16xi32>)  : i32 {
      %mul3A_601 = arith.constant 2 : i32
      %mul3A_602 = arith.muli %scan3A_599, %mul3A_601 : i32
      %add3A_603 = arith.constant 0 : i32
      %add3A_604 = arith.addi %mul3A_602, %add3A_603 : i32
      %mul3A_605 = arith.constant 16 : i32
      %mul3A_606 = arith.muli %add3A_604, %mul3A_605 : i32
      %get3A = arith.index_cast %mul3A_606 : i32 to index
      %get3A_607 = tpu.vector_load %arg9[%get3A] {strides = array<i32>} : memref<4096xf32, #tpu.memory_space<vmem>>, vector<16xf32>,
      %gt3A = arith.constant 5.000000e-01 : f32
      %gt3A_608 = vector.broadcast %gt3A : f32 to vector<16xf32>
      %gt3A_609 = arith.cmpf ogt, %get3A_607, %gt3A_608 : vector<16xf32>
      %select_n3A_610 = arith.select %gt3A_609, %broadcast_in_dim3A_24, %broadcast_in_dim3A_26 : vector<16xi1>, vector<16xi32>
      %broadcast_in_dim3A_611 = arith.constant true
      %broadcast_in_dim3A_612 = vector.broadcast %broadcast_in_dim3A_611 : i1 to vector<16xi1>
      %masked_cumsum3A = tpu.scan <sum>, %select_n3A_610 masked %broadcast_in_dim3A_612 : vector<16xi32>, vector<16xi1> -> vector<16xi32>
      %sub3A_613 = arith.subi %masked_cumsum3A, %select_n3A_610 : vector<16xi32>
      %iota3A = tpu.iota {dimensions = array<i32: 0>} : vector<16xi32>
      %mul3A_614 = arith.constant 16 : i32
      %mul3A_615 = arith.muli %add3A_604, %mul3A_614 : i32
      %add3A_616 = vector.broadcast %mul3A_615 : i32 to vector<16xi32>
      %add3A_617 = arith.addi %iota3A, %add3A_616 : vector<16xi32>
      %add3A_618 = arith.addi %sub3A_613, %scan3A_600 : vector<16xi32>
      tpu.vector_store_idx %arg12[%add3A_618], %add3A_617 masked %gt3A_609 : memref<64xi32, #tpu.memory_space<vmem>>[vector<16xi32>], vector<16xi32>, vector<16xi1>
      %all_reduce_population_count3A = tpu.all_reduce %gt3A_609 {dim = 0 : i64, kind = #tpu.reduction_kind<sum>} : vector<16xi1> -> vector<16xi32>
      %add3A_619 = arith.addi %scan3A_600, %all_reduce_population_count3A : vector<16xi32>
      %mul3A_620 = arith.constant 2 : i32
      %mul3A_621 = arith.muli %scan3A_599, %mul3A_620 : i32
      %add3A_622 = arith.constant 1 : i32
      %add3A_623 = arith.addi %mul3A_621, %add3A_622 : i32
      %mul3A_624 = arith.constant 16 : i32
      %mul3A_625 = arith.muli %add3A_623, %mul3A_624 : i32
      %get3A_626 = arith.index_cast %mul3A_625 : i32 to index
      %get3A_627 = tpu.vector_load %arg9[%get3A_626] {strides = array<i32>} : memref<4096xf32, #tpu.memory_space<vmem>>, vector<16xf32>,
      %gt3A_628 = arith.constant 5.000000e-01 : f32
      %gt3A_629 = vector.broadcast %gt3A_628 : f32 to vector<16xf32>
      %gt3A_630 = arith.cmpf ogt, %get3A_627, %gt3A_629 : vector<16xf32>
      %select_n3A_631 = arith.select %gt3A_630, %broadcast_in_dim3A_24, %broadcast_in_dim3A_26 : vector<16xi1>, vector<16xi32>
      %broadcast_in_dim3A_632 = arith.constant true
      %broadcast_in_dim3A_633 = vector.broadcast %broadcast_in_dim3A_632 : i1 to vector<16xi1>
      %masked_cumsum3A_634 = tpu.scan <sum>, %select_n3A_631 masked %broadcast_in_dim3A_633 : vector<16xi32>, vector<16xi1> -> vector<16xi32>
      %sub3A_635 = arith.subi %masked_cumsum3A_634, %select_n3A_631 : vector<16xi32>
      %iota3A_636 = tpu.iota {dimensions = array<i32: 0>} : vector<16xi32>
      %mul3A_637 = arith.constant 16 : i32
      %mul3A_638 = arith.muli %add3A_623, %mul3A_637 : i32
      %add3A_639 = vector.broadcast %mul3A_638 : i32 to vector<16xi32>
      %add3A_640 = arith.addi %iota3A_636, %add3A_639 : vector<16xi32>
      %add3A_641 = arith.addi %sub3A_635, %add3A_619 : vector<16xi32>
      tpu.vector_store_idx %arg12[%add3A_641], %add3A_640 masked %gt3A_630 : memref<64xi32, #tpu.memory_space<vmem>>[vector<16xi32>], vector<16xi32>, vector<16xi1>
      %all_reduce_population_count3A_642 = tpu.all_reduce %gt3A_630 {dim = 0 : i64, kind = #tpu.reduction_kind<sum>} : vector<16xi1> -> vector<16xi32>
      %add3A_643 = arith.addi %add3A_619, %all_reduce_population_count3A_642 : vector<16xi32>
      scf.yield %add3A_643 : vector<16xi32>
    }
    %scan3A_33 = arith.constant 128 : i32
    %slice3A = vector.extract_strided_slice %scan3A_32 {offsets = [0], sizes = [1], strides = [1]} : vector<16xi32> to vector<1xi32>
    %squeeze3A = vector.extract %slice3A[0] : i32 from vector<1xi32>
    %dma_start3A = arith.constant 0 : i32
    %dma_start3A_34 = arith.constant 0 : i32
    %dma_start3A_35 = tpu.memref_slice %arg4[%select_n3A, %dma_start3A, %dma_start3A_34] : memref<16x4096x128xf32, #tpu.memory_space<hbm>> -> memref<1x4096x128xf32, #tpu.memory_space<hbm>>
    %dma_start3A_36 = tpu.memref_squeeze %dma_start3A_35 : memref<1x4096x128xf32, #tpu.memory_space<hbm>> -> memref<4096x128xf32, #tpu.memory_space<hbm>>
    %dma_start3A_37 = arith.constant 0 : i32
    %dma_start3A_38 = arith.constant 0 : i32
    %dma_start3A_39 = tpu.memref_slice %dma_start3A_36[%dma_start3A_37, %dma_start3A_38] : memref<4096x128xf32, #tpu.memory_space<hbm>> -> memref<4096x128xf32, #tpu.memory_space<hbm>>
    tpu.enqueue_indirect_dma source(%dma_start3A_39 : memref<4096x128xf32, #tpu.memory_space<hbm>>) target(%arg14 : memref<64x128xf32, #tpu.memory_space<vmem>>) offsets(%arg12 : memref<64xi32, #tpu.memory_space<vmem>>) semaphore(%arg17 : memref<!tpu.dma_semaphore, #tpu.memory_space<semaphore_mem>>)
    %dma_wait3A = arith.constant 0 : i32
    %dma_wait3A_40 = arith.constant 0 : i32
    %dma_wait3A_41 = tpu.memref_slice %arg4[%select_n3A, %dma_wait3A, %dma_wait3A_40] : memref<16x4096x128xf32, #tpu.memory_space<hbm>> -> memref<1x4096x128xf32, #tpu.memory_space<hbm>>
    %dma_wait3A_42 = tpu.memref_squeeze %dma_wait3A_41 : memref<1x4096x128xf32, #tpu.memory_space<hbm>> -> memref<4096x128xf32, #tpu.memory_space<hbm>>
    %dma_wait3A_43 = arith.constant 0 : i32
    %dma_wait3A_44 = arith.constant 0 : i32
    %dma_wait3A_45 = tpu.memref_slice %dma_wait3A_42[%dma_wait3A_43, %dma_wait3A_44] : memref<4096x128xf32, #tpu.memory_space<hbm>> -> memref<4096x128xf32, #tpu.memory_space<hbm>>
    tpu.wait_indirect_dma semaphore(%arg17 : memref<!tpu.dma_semaphore, #tpu.memory_space<semaphore_mem>>) src(%dma_wait3A_45 : memref<4096x128xf32, #tpu.memory_space<hbm>>) dst(%arg14 : memref<64x128xf32, #tpu.memory_space<vmem>>)
    %mul3A_46 = arith.constant 64 : i32
    %mul3A_47 = arith.muli %sub3A_23, %mul3A_46 : i32
    "tpu.region"() ({
      %run_scoped3A = tpu.sem_alloc : memref<!tpu.dma_semaphore, #tpu.memory_space<semaphore_mem>>
      %dma_start3A_599 = arith.constant 0 : i32
      %dma_start3A_600 = arith.constant 0 : i32
      %dma_start3A_601 = tpu.memref_slice %arg6[%select_n3A, %dma_start3A_599, %dma_start3A_600] : memref<16x1280x128xf32, #tpu.memory_space<hbm>> -> memref<1x1280x128xf32, #tpu.memory_space<hbm>>
      %dma_start3A_602 = tpu.memref_squeeze %dma_start3A_601 : memref<1x1280x128xf32, #tpu.memory_space<hbm>> -> memref<1280x128xf32, #tpu.memory_space<hbm>>
      %dma_start3A_603 = arith.constant 0 : i32
      %dma_start3A_604 = tpu.memref_slice %dma_start3A_602[%mul3A_47, %dma_start3A_603] : memref<1280x128xf32, #tpu.memory_space<hbm>> -> memref<64x128xf32, #tpu.memory_space<hbm>>
      %dma_start3A_605 = arith.constant 0 : i32
      %dma_start3A_606 = arith.constant 0 : i32
      %dma_start3A_607 = tpu.memref_slice %arg6[%select_n3A, %dma_start3A_605, %dma_start3A_606] : memref<16x1280x128xf32, #tpu.memory_space<hbm>> -> memref<1x1280x128xf32, #tpu.memory_space<hbm>>
      %dma_start3A_608 = tpu.memref_squeeze %dma_start3A_607 : memref<1x1280x128xf32, #tpu.memory_space<hbm>> -> memref<1280x128xf32, #tpu.memory_space<hbm>>
      %dma_start3A_609 = arith.constant 0 : i32
      %dma_start3A_610 = tpu.memref_slice %dma_start3A_608[%mul3A_47, %dma_start3A_609] : memref<1280x128xf32, #tpu.memory_space<hbm>> -> memref<64x128xf32, #tpu.memory_space<hbm>>
      tpu.enqueue_dma source(%arg14 : memref<64x128xf32, #tpu.memory_space<vmem>>) target(%dma_start3A_610 : memref<64x128xf32, #tpu.memory_space<hbm>>) target_semaphore(%run_scoped3A : memref<!tpu.dma_semaphore, #tpu.memory_space<semaphore_mem>>)
      %dma_wait3A_611 = arith.constant 0 : i32
      %dma_wait3A_612 = arith.constant 0 : i32
      %dma_wait3A_613 = tpu.memref_slice %arg6[%select_n3A, %dma_wait3A_611, %dma_wait3A_612] : memref<16x1280x128xf32, #tpu.memory_space<hbm>> -> memref<1x1280x128xf32, #tpu.memory_space<hbm>>
      %dma_wait3A_614 = tpu.memref_squeeze %dma_wait3A_613 : memref<1x1280x128xf32, #tpu.memory_space<hbm>> -> memref<1280x128xf32, #tpu.memory_space<hbm>>
      %dma_wait3A_615 = arith.constant 0 : i32
      %dma_wait3A_616 = tpu.memref_slice %dma_wait3A_614[%mul3A_47, %dma_wait3A_615] : memref<1280x128xf32, #tpu.memory_space<hbm>> -> memref<64x128xf32, #tpu.memory_space<hbm>>
      %dma_wait3A_617 = arith.constant 0 : i32
      %dma_wait3A_618 = arith.constant 0 : i32
      %dma_wait3A_619 = tpu.memref_slice %arg6[%select_n3A, %dma_wait3A_617, %dma_wait3A_618] : memref<16x1280x128xf32, #tpu.memory_space<hbm>> -> memref<1x1280x128xf32, #tpu.memory_space<hbm>>
      %dma_wait3A_620 = tpu.memref_squeeze %dma_wait3A_619 : memref<1x1280x128xf32, #tpu.memory_space<hbm>> -> memref<1280x128xf32, #tpu.memory_space<hbm>>
      %dma_wait3A_621 = arith.constant 0 : i32
      %dma_wait3A_622 = tpu.memref_slice %dma_wait3A_620[%mul3A_47, %dma_wait3A_621] : memref<1280x128xf32, #tpu.memory_space<hbm>> -> memref<64x128xf32, #tpu.memory_space<hbm>>
      tpu.wait_dma2 semaphore(%run_scoped3A : memref<!tpu.dma_semaphore, #tpu.memory_space<semaphore_mem>>) src(%arg14 : memref<64x128xf32, #tpu.memory_space<vmem>>) dst(%dma_wait3A_622 : memref<64x128xf32, #tpu.memory_space<hbm>>)
      tpu.yield
    }) : () -> ()
    %mul3A_48 = arith.constant 10 : i32
    %mul3A_49 = arith.muli %add3A, %mul3A_48 : i32
    %add3A_50 = arith.constant 1 : i32
    %add3A_51 = arith.addi %mul3A_49, %add3A_50 : i32
    %jit3A_52 = arith.constant 20 : i32
    %div3A_53 = arith.divsi %add3A_51, %jit3A_52 : i32
    %sign3A_54 = arith.constant 0 : i32
    %sign3A_55 = arith.cmpi sgt, %add3A_51, %sign3A_54 : i32
    %sign3A_56 = arith.extui %sign3A_55 : i1 to i32
    %sign3A_57 = arith.constant 0 : i32
    %sign3A_58 = arith.cmpi slt, %add3A_51, %sign3A_57 : i32
    %sign3A_59 = arith.extui %sign3A_58 : i1 to i32
    %sign3A_60 = arith.subi %sign3A_56, %sign3A_59 : i32
    %sign3A_61 = arith.constant 0 : i32
    %sign3A_62 = arith.cmpi sgt, %jit3A_52, %sign3A_61 : i32
    %sign3A_63 = arith.extui %sign3A_62 : i1 to i32
    %sign3A_64 = arith.constant 0 : i32
    %sign3A_65 = arith.cmpi slt, %jit3A_52, %sign3A_64 : i32
    %sign3A_66 = arith.extui %sign3A_65 : i1 to i32
    %sign3A_67 = arith.subi %sign3A_63, %sign3A_66 : i32
    %ne3A_68 = arith.cmpi ne, %sign3A_60, %sign3A_67 : i32
    %rem3A_69 = arith.remsi %add3A_51, %jit3A_52 : i32
    %ne3A_70 = arith.constant 0 : i32
    %ne3A_71 = arith.cmpi ne, %rem3A_69, %ne3A_70 : i32
    %and3A_72 = arith.andi %ne3A_68, %ne3A_71 : i1
    %sub3A_73 = arith.constant 1 : i32
    %sub3A_74 = arith.subi %div3A_53, %sub3A_73 : i32
    %select_n3A_75 = arith.select %and3A_72, %sub3A_74, %div3A_53 : i32
    %mul3A_76 = arith.constant 20 : i32
    %mul3A_77 = arith.muli %select_n3A_75, %mul3A_76 : i32
    %sub3A_78 = arith.subi %add3A_51, %mul3A_77 : i32
    "tpu.region"() ({
      %run_scoped3A = tpu.sem_alloc : memref<!tpu.dma_semaphore, #tpu.memory_space<semaphore_mem>>
      %dma_start3A_599 = arith.constant 0 : i32
      %dma_start3A_600 = arith.constant 0 : i32
      %dma_start3A_601 = tpu.memref_slice %arg2[%select_n3A_75, %dma_start3A_599, %dma_start3A_600] : memref<16x20x4096xf32, #tpu.memory_space<hbm>> -> memref<1x20x4096xf32, #tpu.memory_space<hbm>>
      %dma_start3A_602 = tpu.memref_squeeze %dma_start3A_601 : memref<1x20x4096xf32, #tpu.memory_space<hbm>> -> memref<20x4096xf32, #tpu.memory_space<hbm>>
      %dma_start3A_603 = arith.constant 0 : i32
      %dma_start3A_604 = tpu.memref_slice %dma_start3A_602[%sub3A_78, %dma_start3A_603] : memref<20x4096xf32, #tpu.memory_space<hbm>> -> memref<1x4096xf32, #tpu.memory_space<hbm>>
      %dma_start3A_605 = tpu.memref_squeeze %dma_start3A_604 : memref<1x4096xf32, #tpu.memory_space<hbm>> -> memref<4096xf32, #tpu.memory_space<hbm>>
      %dma_start3A_606 = arith.constant 0 : i32
      %dma_start3A_607 = arith.constant 0 : i32
      %dma_start3A_608 = tpu.memref_slice %arg2[%select_n3A_75, %dma_start3A_606, %dma_start3A_607] : memref<16x20x4096xf32, #tpu.memory_space<hbm>> -> memref<1x20x4096xf32, #tpu.memory_space<hbm>>
      %dma_start3A_609 = tpu.memref_squeeze %dma_start3A_608 : memref<1x20x4096xf32, #tpu.memory_space<hbm>> -> memref<20x4096xf32, #tpu.memory_space<hbm>>
      %dma_start3A_610 = arith.constant 0 : i32
      %dma_start3A_611 = tpu.memref_slice %dma_start3A_609[%sub3A_78, %dma_start3A_610] : memref<20x4096xf32, #tpu.memory_space<hbm>> -> memref<1x4096xf32, #tpu.memory_space<hbm>>
      %dma_start3A_612 = tpu.memref_squeeze %dma_start3A_611 : memref<1x4096xf32, #tpu.memory_space<hbm>> -> memref<4096xf32, #tpu.memory_space<hbm>>
      tpu.enqueue_dma source(%dma_start3A_612 : memref<4096xf32, #tpu.memory_space<hbm>>) target(%arg9 : memref<4096xf32, #tpu.memory_space<vmem>>) target_semaphore(%run_scoped3A : memref<!tpu.dma_semaphore, #tpu.memory_space<semaphore_mem>>)
      %dma_wait3A_613 = arith.constant 0 : i32
      %dma_wait3A_614 = arith.constant 0 : i32
      %dma_wait3A_615 = tpu.memref_slice %arg2[%select_n3A_75, %dma_wait3A_613, %dma_wait3A_614] : memref<16x20x4096xf32, #tpu.memory_space<hbm>> -> memref<1x20x4096xf32, #tpu.memory_space<hbm>>
      %dma_wait3A_616 = tpu.memref_squeeze %dma_wait3A_615 : memref<1x20x4096xf32, #tpu.memory_space<hbm>> -> memref<20x4096xf32, #tpu.memory_space<hbm>>
      %dma_wait3A_617 = arith.constant 0 : i32
      %dma_wait3A_618 = tpu.memref_slice %dma_wait3A_616[%sub3A_78, %dma_wait3A_617] : memref<20x4096xf32, #tpu.memory_space<hbm>> -> memref<1x4096xf32, #tpu.memory_space<hbm>>
      %dma_wait3A_619 = tpu.memref_squeeze %dma_wait3A_618 : memref<1x4096xf32, #tpu.memory_space<hbm>> -> memref<4096xf32, #tpu.memory_space<hbm>>
      %dma_wait3A_620 = arith.constant 0 : i32
      %dma_wait3A_621 = arith.constant 0 : i32
      %dma_wait3A_622 = tpu.memref_slice %arg2[%select_n3A_75, %dma_wait3A_620, %dma_wait3A_621] : memref<16x20x4096xf32, #tpu.memory_space<hbm>> -> memref<1x20x4096xf32, #tpu.memory_space<hbm>>
      %dma_wait3A_623 = tpu.memref_squeeze %dma_wait3A_622 : memref<1x20x4096xf32, #tpu.memory_space<hbm>> -> memref<20x4096xf32, #tpu.memory_space<hbm>>
      %dma_wait3A_624 = arith.constant 0 : i32
      %dma_wait3A_625 = tpu.memref_slice %dma_wait3A_623[%sub3A_78, %dma_wait3A_624] : memref<20x4096xf32, #tpu.memory_space<hbm>> -> memref<1x4096xf32, #tpu.memory_space<hbm>>
      %dma_wait3A_626 = tpu.memref_squeeze %dma_wait3A_625 : memref<1x4096xf32, #tpu.memory_space<hbm>> -> memref<4096xf32, #tpu.memory_space<hbm>>
      tpu.wait_dma2 semaphore(%run_scoped3A : memref<!tpu.dma_semaphore, #tpu.memory_space<semaphore_mem>>) src(%dma_wait3A_626 : memref<4096xf32, #tpu.memory_space<hbm>>) dst(%arg9 : memref<4096xf32, #tpu.memory_space<vmem>>)
      tpu.yield
    }) : () -> ()
    %broadcast_in_dim3A_79 = arith.constant 1 : i32
    %broadcast_in_dim3A_80 = vector.broadcast %broadcast_in_dim3A_79 : i32 to vector<16xi32>
    %broadcast_in_dim3A_81 = arith.constant 0 : i32
    %broadcast_in_dim3A_82 = vector.broadcast %broadcast_in_dim3A_81 : i32 to vector<16xi32>
    %broadcast_in_dim3A_83 = arith.constant 0 : i32
    %broadcast_in_dim3A_84 = vector.broadcast %broadcast_in_dim3A_83 : i32 to vector<16xi32>
    %scan3A_85 = arith.constant 0 : i32
    %scan3A_86 = arith.constant 128 : i32
    %scan3A_87 = arith.addi %scan3A_85, %scan3A_86 : i32
    %scan3A_88 = arith.constant 1 : i32
    %scan3A_89 = scf.for %scan3A_599 = %scan3A_85 to %scan3A_87 step %scan3A_88 iter_args(%scan3A_600 = %broadcast_in_dim3A_84) -> (vector<16xi32>)  : i32 {
      %mul3A_601 = arith.constant 2 : i32
      %mul3A_602 = arith.muli %scan3A_599, %mul3A_601 : i32
      %add3A_603 = arith.constant 0 : i32
      %add3A_604 = arith.addi %mul3A_602, %add3A_603 : i32
      %mul3A_605 = arith.constant 16 : i32
      %mul3A_606 = arith.muli %add3A_604, %mul3A_605 : i32
      %get3A = arith.index_cast %mul3A_606 : i32 to index
      %get3A_607 = tpu.vector_load %arg9[%get3A] {strides = array<i32>} : memref<4096xf32, #tpu.memory_space<vmem>>, vector<16xf32>,
      %gt3A = arith.constant 5.000000e-01 : f32
      %gt3A_608 = vector.broadcast %gt3A : f32 to vector<16xf32>
      %gt3A_609 = arith.cmpf ogt, %get3A_607, %gt3A_608 : vector<16xf32>
      %select_n3A_610 = arith.select %gt3A_609, %broadcast_in_dim3A_80, %broadcast_in_dim3A_82 : vector<16xi1>, vector<16xi32>
      %broadcast_in_dim3A_611 = arith.constant true
      %broadcast_in_dim3A_612 = vector.broadcast %broadcast_in_dim3A_611 : i1 to vector<16xi1>
      %masked_cumsum3A = tpu.scan <sum>, %select_n3A_610 masked %broadcast_in_dim3A_612 : vector<16xi32>, vector<16xi1> -> vector<16xi32>
      %sub3A_613 = arith.subi %masked_cumsum3A, %select_n3A_610 : vector<16xi32>
      %iota3A = tpu.iota {dimensions = array<i32: 0>} : vector<16xi32>
      %mul3A_614 = arith.constant 16 : i32
      %mul3A_615 = arith.muli %add3A_604, %mul3A_614 : i32
      %add3A_616 = vector.broadcast %mul3A_615 : i32 to vector<16xi32>
      %add3A_617 = arith.addi %iota3A, %add3A_616 : vector<16xi32>
      %add3A_618 = arith.addi %sub3A_613, %scan3A_600 : vector<16xi32>
      tpu.vector_store_idx %arg12[%add3A_618], %add3A_617 masked %gt3A_609 : memref<64xi32, #tpu.memory_space<vmem>>[vector<16xi32>], vector<16xi32>, vector<16xi1>
      %all_reduce_population_count3A = tpu.all_reduce %gt3A_609 {dim = 0 : i64, kind = #tpu.reduction_kind<sum>} : vector<16xi1> -> vector<16xi32>
      %add3A_619 = arith.addi %scan3A_600, %all_reduce_population_count3A : vector<16xi32>
      %mul3A_620 = arith.constant 2 : i32
      %mul3A_621 = arith.muli %scan3A_599, %mul3A_620 : i32
      %add3A_622 = arith.constant 1 : i32
      %add3A_623 = arith.addi %mul3A_621, %add3A_622 : i32
      %mul3A_624 = arith.constant 16 : i32
      %mul3A_625 = arith.muli %add3A_623, %mul3A_624 : i32
      %get3A_626 = arith.index_cast %mul3A_625 : i32 to index
      %get3A_627 = tpu.vector_load %arg9[%get3A_626] {strides = array<i32>} : memref<4096xf32, #tpu.memory_space<vmem>>, vector<16xf32>,
      %gt3A_628 = arith.constant 5.000000e-01 : f32
      %gt3A_629 = vector.broadcast %gt3A_628 : f32 to vector<16xf32>
      %gt3A_630 = arith.cmpf ogt, %get3A_627, %gt3A_629 : vector<16xf32>
      %select_n3A_631 = arith.select %gt3A_630, %broadcast_in_dim3A_80, %broadcast_in_dim3A_82 : vector<16xi1>, vector<16xi32>
      %broadcast_in_dim3A_632 = arith.constant true
      %broadcast_in_dim3A_633 = vector.broadcast %broadcast_in_dim3A_632 : i1 to vector<16xi1>
      %masked_cumsum3A_634 = tpu.scan <sum>, %select_n3A_631 masked %broadcast_in_dim3A_633 : vector<16xi32>, vector<16xi1> -> vector<16xi32>
      %sub3A_635 = arith.subi %masked_cumsum3A_634, %select_n3A_631 : vector<16xi32>
      %iota3A_636 = tpu.iota {dimensions = array<i32: 0>} : vector<16xi32>
      %mul3A_637 = arith.constant 16 : i32
      %mul3A_638 = arith.muli %add3A_623, %mul3A_637 : i32
      %add3A_639 = vector.broadcast %mul3A_638 : i32 to vector<16xi32>
      %add3A_640 = arith.addi %iota3A_636, %add3A_639 : vector<16xi32>
      %add3A_641 = arith.addi %sub3A_635, %add3A_619 : vector<16xi32>
      tpu.vector_store_idx %arg12[%add3A_641], %add3A_640 masked %gt3A_630 : memref<64xi32, #tpu.memory_space<vmem>>[vector<16xi32>], vector<16xi32>, vector<16xi1>
      %all_reduce_population_count3A_642 = tpu.all_reduce %gt3A_630 {dim = 0 : i64, kind = #tpu.reduction_kind<sum>} : vector<16xi1> -> vector<16xi32>
      %add3A_643 = arith.addi %add3A_619, %all_reduce_population_count3A_642 : vector<16xi32>
      scf.yield %add3A_643 : vector<16xi32>
    }
    %scan3A_90 = arith.constant 128 : i32
    %slice3A_91 = vector.extract_strided_slice %scan3A_89 {offsets = [0], sizes = [1], strides = [1]} : vector<16xi32> to vector<1xi32>
    %squeeze3A_92 = vector.extract %slice3A_91[0] : i32 from vector<1xi32>
    %dma_start3A_93 = arith.constant 0 : i32
    %dma_start3A_94 = arith.constant 0 : i32
    %dma_start3A_95 = tpu.memref_slice %arg4[%select_n3A_75, %dma_start3A_93, %dma_start3A_94] : memref<16x4096x128xf32, #tpu.memory_space<hbm>> -> memref<1x4096x128xf32, #tpu.memory_space<hbm>>
    %dma_start3A_96 = tpu.memref_squeeze %dma_start3A_95 : memref<1x4096x128xf32, #tpu.memory_space<hbm>> -> memref<4096x128xf32, #tpu.memory_space<hbm>>
    %dma_start3A_97 = arith.constant 0 : i32
    %dma_start3A_98 = arith.constant 0 : i32
    %dma_start3A_99 = tpu.memref_slice %dma_start3A_96[%dma_start3A_97, %dma_start3A_98] : memref<4096x128xf32, #tpu.memory_space<hbm>> -> memref<4096x128xf32, #tpu.memory_space<hbm>>
    tpu.enqueue_indirect_dma source(%dma_start3A_99 : memref<4096x128xf32, #tpu.memory_space<hbm>>) target(%arg14 : memref<64x128xf32, #tpu.memory_space<vmem>>) offsets(%arg12 : memref<64xi32, #tpu.memory_space<vmem>>) semaphore(%arg17 : memref<!tpu.dma_semaphore, #tpu.memory_space<semaphore_mem>>)
    %dma_wait3A_100 = arith.constant 0 : i32
    %dma_wait3A_101 = arith.constant 0 : i32
    %dma_wait3A_102 = tpu.memref_slice %arg4[%select_n3A_75, %dma_wait3A_100, %dma_wait3A_101] : memref<16x4096x128xf32, #tpu.memory_space<hbm>> -> memref<1x4096x128xf32, #tpu.memory_space<hbm>>
    %dma_wait3A_103 = tpu.memref_squeeze %dma_wait3A_102 : memref<1x4096x128xf32, #tpu.memory_space<hbm>> -> memref<4096x128xf32, #tpu.memory_space<hbm>>
    %dma_wait3A_104 = arith.constant 0 : i32
    %dma_wait3A_105 = arith.constant 0 : i32
    %dma_wait3A_106 = tpu.memref_slice %dma_wait3A_103[%dma_wait3A_104, %dma_wait3A_105] : memref<4096x128xf32, #tpu.memory_space<hbm>> -> memref<4096x128xf32, #tpu.memory_space<hbm>>
    tpu.wait_indirect_dma semaphore(%arg17 : memref<!tpu.dma_semaphore, #tpu.memory_space<semaphore_mem>>) src(%dma_wait3A_106 : memref<4096x128xf32, #tpu.memory_space<hbm>>) dst(%arg14 : memref<64x128xf32, #tpu.memory_space<vmem>>)
    %mul3A_107 = arith.constant 64 : i32
    %mul3A_108 = arith.muli %sub3A_78, %mul3A_107 : i32
    "tpu.region"() ({
      %run_scoped3A = tpu.sem_alloc : memref<!tpu.dma_semaphore, #tpu.memory_space<semaphore_mem>>
      %dma_start3A_599 = arith.constant 0 : i32
      %dma_start3A_600 = arith.constant 0 : i32
      %dma_start3A_601 = tpu.memref_slice %arg6[%select_n3A_75, %dma_start3A_599, %dma_start3A_600] : memref<16x1280x128xf32, #tpu.memory_space<hbm>> -> memref<1x1280x128xf32, #tpu.memory_space<hbm>>
      %dma_start3A_602 = tpu.memref_squeeze %dma_start3A_601 : memref<1x1280x128xf32, #tpu.memory_space<hbm>> -> memref<1280x128xf32, #tpu.memory_space<hbm>>
      %dma_start3A_603 = arith.constant 0 : i32
      %dma_start3A_604 = tpu.memref_slice %dma_start3A_602[%mul3A_108, %dma_start3A_603] : memref<1280x128xf32, #tpu.memory_space<hbm>> -> memref<64x128xf32, #tpu.memory_space<hbm>>
      %dma_start3A_605 = arith.constant 0 : i32
      %dma_start3A_606 = arith.constant 0 : i32
      %dma_start3A_607 = tpu.memref_slice %arg6[%select_n3A_75, %dma_start3A_605, %dma_start3A_606] : memref<16x1280x128xf32, #tpu.memory_space<hbm>> -> memref<1x1280x128xf32, #tpu.memory_space<hbm>>
      %dma_start3A_608 = tpu.memref_squeeze %dma_start3A_607 : memref<1x1280x128xf32, #tpu.memory_space<hbm>> -> memref<1280x128xf32, #tpu.memory_space<hbm>>
      %dma_start3A_609 = arith.constant 0 : i32
      %dma_start3A_610 = tpu.memref_slice %dma_start3A_608[%mul3A_108, %dma_start3A_609] : memref<1280x128xf32, #tpu.memory_space<hbm>> -> memref<64x128xf32, #tpu.memory_space<hbm>>
      tpu.enqueue_dma source(%arg14 : memref<64x128xf32, #tpu.memory_space<vmem>>) target(%dma_start3A_610 : memref<64x128xf32, #tpu.memory_space<hbm>>) target_semaphore(%run_scoped3A : memref<!tpu.dma_semaphore, #tpu.memory_space<semaphore_mem>>)
      %dma_wait3A_611 = arith.constant 0 : i32
      %dma_wait3A_612 = arith.constant 0 : i32
      %dma_wait3A_613 = tpu.memref_slice %arg6[%select_n3A_75, %dma_wait3A_611, %dma_wait3A_612] : memref<16x1280x128xf32, #tpu.memory_space<hbm>> -> memref<1x1280x128xf32, #tpu.memory_space<hbm>>
      %dma_wait3A_614 = tpu.memref_squeeze %dma_wait3A_613 : memref<1x1280x128xf32, #tpu.memory_space<hbm>> -> memref<1280x128xf32, #tpu.memory_space<hbm>>
      %dma_wait3A_615 = arith.constant 0 : i32
      %dma_wait3A_616 = tpu.memref_slice %dma_wait3A_614[%mul3A_108, %dma_wait3A_615] : memref<1280x128xf32, #tpu.memory_space<hbm>> -> memref<64x128xf32, #tpu.memory_space<hbm>>
      %dma_wait3A_617 = arith.constant 0 : i32
      %dma_wait3A_618 = arith.constant 0 : i32
      %dma_wait3A_619 = tpu.memref_slice %arg6[%select_n3A_75, %dma_wait3A_617, %dma_wait3A_618] : memref<16x1280x128xf32, #tpu.memory_space<hbm>> -> memref<1x1280x128xf32, #tpu.memory_space<hbm>>
      %dma_wait3A_620 = tpu.memref_squeeze %dma_wait3A_619 : memref<1x1280x128xf32, #tpu.memory_space<hbm>> -> memref<1280x128xf32, #tpu.memory_space<hbm>>
      %dma_wait3A_621 = arith.constant 0 : i32
      %dma_wait3A_622 = tpu.memref_slice %dma_wait3A_620[%mul3A_108, %dma_wait3A_621] : memref<1280x128xf32, #tpu.memory_space<hbm>> -> memref<64x128xf32, #tpu.memory_space<hbm>>
      tpu.wait_dma2 semaphore(%run_scoped3A : memref<!tpu.dma_semaphore, #tpu.memory_space<semaphore_mem>>) src(%arg14 : memref<64x128xf32, #tpu.memory_space<vmem>>) dst(%dma_wait3A_622 : memref<64x128xf32, #tpu.memory_space<hbm>>)
      tpu.yield
    }) : () -> ()
    %mul3A_109 = arith.constant 10 : i32
    %mul3A_110 = arith.muli %add3A, %mul3A_109 : i32
    %add3A_111 = arith.constant 2 : i32
    %add3A_112 = arith.addi %mul3A_110, %add3A_111 : i32
    %jit3A_113 = arith.constant 20 : i32
    %div3A_114 = arith.divsi %add3A_112, %jit3A_113 : i32
    %sign3A_115 = arith.constant 0 : i32
    %sign3A_116 = arith.cmpi sgt, %add3A_112, %sign3A_115 : i32
    %sign3A_117 = arith.extui %sign3A_116 : i1 to i32
    %sign3A_118 = arith.constant 0 : i32
    %sign3A_119 = arith.cmpi slt, %add3A_112, %sign3A_118 : i32
    %sign3A_120 = arith.extui %sign3A_119 : i1 to i32
    %sign3A_121 = arith.subi %sign3A_117, %sign3A_120 : i32
    %sign3A_122 = arith.constant 0 : i32
    %sign3A_123 = arith.cmpi sgt, %jit3A_113, %sign3A_122 : i32
    %sign3A_124 = arith.extui %sign3A_123 : i1 to i32
    %sign3A_125 = arith.constant 0 : i32
    %sign3A_126 = arith.cmpi slt, %jit3A_113, %sign3A_125 : i32
    %sign3A_127 = arith.extui %sign3A_126 : i1 to i32
    %sign3A_128 = arith.subi %sign3A_124, %sign3A_127 : i32
    %ne3A_129 = arith.cmpi ne, %sign3A_121, %sign3A_128 : i32
    %rem3A_130 = arith.remsi %add3A_112, %jit3A_113 : i32
    %ne3A_131 = arith.constant 0 : i32
    %ne3A_132 = arith.cmpi ne, %rem3A_130, %ne3A_131 : i32
    %and3A_133 = arith.andi %ne3A_129, %ne3A_132 : i1
    %sub3A_134 = arith.constant 1 : i32
    %sub3A_135 = arith.subi %div3A_114, %sub3A_134 : i32
    %select_n3A_136 = arith.select %and3A_133, %sub3A_135, %div3A_114 : i32
    %mul3A_137 = arith.constant 20 : i32
    %mul3A_138 = arith.muli %select_n3A_136, %mul3A_137 : i32
    %sub3A_139 = arith.subi %add3A_112, %mul3A_138 : i32
    "tpu.region"() ({
      %run_scoped3A = tpu.sem_alloc : memref<!tpu.dma_semaphore, #tpu.memory_space<semaphore_mem>>
      %dma_start3A_599 = arith.constant 0 : i32
      %dma_start3A_600 = arith.constant 0 : i32
      %dma_start3A_601 = tpu.memref_slice %arg2[%select_n3A_136, %dma_start3A_599, %dma_start3A_600] : memref<16x20x4096xf32, #tpu.memory_space<hbm>> -> memref<1x20x4096xf32, #tpu.memory_space<hbm>>
      %dma_start3A_602 = tpu.memref_squeeze %dma_start3A_601 : memref<1x20x4096xf32, #tpu.memory_space<hbm>> -> memref<20x4096xf32, #tpu.memory_space<hbm>>
      %dma_start3A_603 = arith.constant 0 : i32
      %dma_start3A_604 = tpu.memref_slice %dma_start3A_602[%sub3A_139, %dma_start3A_603] : memref<20x4096xf32, #tpu.memory_space<hbm>> -> memref<1x4096xf32, #tpu.memory_space<hbm>>
      %dma_start3A_605 = tpu.memref_squeeze %dma_start3A_604 : memref<1x4096xf32, #tpu.memory_space<hbm>> -> memref<4096xf32, #tpu.memory_space<hbm>>
      %dma_start3A_606 = arith.constant 0 : i32
      %dma_start3A_607 = arith.constant 0 : i32
      %dma_start3A_608 = tpu.memref_slice %arg2[%select_n3A_136, %dma_start3A_606, %dma_start3A_607] : memref<16x20x4096xf32, #tpu.memory_space<hbm>> -> memref<1x20x4096xf32, #tpu.memory_space<hbm>>
      %dma_start3A_609 = tpu.memref_squeeze %dma_start3A_608 : memref<1x20x4096xf32, #tpu.memory_space<hbm>> -> memref<20x4096xf32, #tpu.memory_space<hbm>>
      %dma_start3A_610 = arith.constant 0 : i32
      %dma_start3A_611 = tpu.memref_slice %dma_start3A_609[%sub3A_139, %dma_start3A_610] : memref<20x4096xf32, #tpu.memory_space<hbm>> -> memref<1x4096xf32, #tpu.memory_space<hbm>>
      %dma_start3A_612 = tpu.memref_squeeze %dma_start3A_611 : memref<1x4096xf32, #tpu.memory_space<hbm>> -> memref<4096xf32, #tpu.memory_space<hbm>>
      tpu.enqueue_dma source(%dma_start3A_612 : memref<4096xf32, #tpu.memory_space<hbm>>) target(%arg9 : memref<4096xf32, #tpu.memory_space<vmem>>) target_semaphore(%run_scoped3A : memref<!tpu.dma_semaphore, #tpu.memory_space<semaphore_mem>>)
      %dma_wait3A_613 = arith.constant 0 : i32
      %dma_wait3A_614 = arith.constant 0 : i32
      %dma_wait3A_615 = tpu.memref_slice %arg2[%select_n3A_136, %dma_wait3A_613, %dma_wait3A_614] : memref<16x20x4096xf32, #tpu.memory_space<hbm>> -> memref<1x20x4096xf32, #tpu.memory_space<hbm>>
      %dma_wait3A_616 = tpu.memref_squeeze %dma_wait3A_615 : memref<1x20x4096xf32, #tpu.memory_space<hbm>> -> memref<20x4096xf32, #tpu.memory_space<hbm>>
      %dma_wait3A_617 = arith.constant 0 : i32
      %dma_wait3A_618 = tpu.memref_slice %dma_wait3A_616[%sub3A_139, %dma_wait3A_617] : memref<20x4096xf32, #tpu.memory_space<hbm>> -> memref<1x4096xf32, #tpu.memory_space<hbm>>
      %dma_wait3A_619 = tpu.memref_squeeze %dma_wait3A_618 : memref<1x4096xf32, #tpu.memory_space<hbm>> -> memref<4096xf32, #tpu.memory_space<hbm>>
      %dma_wait3A_620 = arith.constant 0 : i32
      %dma_wait3A_621 = arith.constant 0 : i32
      %dma_wait3A_622 = tpu.memref_slice %arg2[%select_n3A_136, %dma_wait3A_620, %dma_wait3A_621] : memref<16x20x4096xf32, #tpu.memory_space<hbm>> -> memref<1x20x4096xf32, #tpu.memory_space<hbm>>
      %dma_wait3A_623 = tpu.memref_squeeze %dma_wait3A_622 : memref<1x20x4096xf32, #tpu.memory_space<hbm>> -> memref<20x4096xf32, #tpu.memory_space<hbm>>
      %dma_wait3A_624 = arith.constant 0 : i32
      %dma_wait3A_625 = tpu.memref_slice %dma_wait3A_623[%sub3A_139, %dma_wait3A_624] : memref<20x4096xf32, #tpu.memory_space<hbm>> -> memref<1x4096xf32, #tpu.memory_space<hbm>>
      %dma_wait3A_626 = tpu.memref_squeeze %dma_wait3A_625 : memref<1x4096xf32, #tpu.memory_space<hbm>> -> memref<4096xf32, #tpu.memory_space<hbm>>
      tpu.wait_dma2 semaphore(%run_scoped3A : memref<!tpu.dma_semaphore, #tpu.memory_space<semaphore_mem>>) src(%dma_wait3A_626 : memref<4096xf32, #tpu.memory_space<hbm>>) dst(%arg9 : memref<4096xf32, #tpu.memory_space<vmem>>)
      tpu.yield
    }) : () -> ()
    %broadcast_in_dim3A_140 = arith.constant 1 : i32
    %broadcast_in_dim3A_141 = vector.broadcast %broadcast_in_dim3A_140 : i32 to vector<16xi32>
    %broadcast_in_dim3A_142 = arith.constant 0 : i32
    %broadcast_in_dim3A_143 = vector.broadcast %broadcast_in_dim3A_142 : i32 to vector<16xi32>
    %broadcast_in_dim3A_144 = arith.constant 0 : i32
    %broadcast_in_dim3A_145 = vector.broadcast %broadcast_in_dim3A_144 : i32 to vector<16xi32>
    %scan3A_146 = arith.constant 0 : i32
    %scan3A_147 = arith.constant 128 : i32
    %scan3A_148 = arith.addi %scan3A_146, %scan3A_147 : i32
    %scan3A_149 = arith.constant 1 : i32
    %scan3A_150 = scf.for %scan3A_599 = %scan3A_146 to %scan3A_148 step %scan3A_149 iter_args(%scan3A_600 = %broadcast_in_dim3A_145) -> (vector<16xi32>)  : i32 {
      %mul3A_601 = arith.constant 2 : i32
      %mul3A_602 = arith.muli %scan3A_599, %mul3A_601 : i32
      %add3A_603 = arith.constant 0 : i32
      %add3A_604 = arith.addi %mul3A_602, %add3A_603 : i32
      %mul3A_605 = arith.constant 16 : i32
      %mul3A_606 = arith.muli %add3A_604, %mul3A_605 : i32
      %get3A = arith.index_cast %mul3A_606 : i32 to index
      %get3A_607 = tpu.vector_load %arg9[%get3A] {strides = array<i32>} : memref<4096xf32, #tpu.memory_space<vmem>>, vector<16xf32>,
      %gt3A = arith.constant 5.000000e-01 : f32
      %gt3A_608 = vector.broadcast %gt3A : f32 to vector<16xf32>
      %gt3A_609 = arith.cmpf ogt, %get3A_607, %gt3A_608 : vector<16xf32>
      %select_n3A_610 = arith.select %gt3A_609, %broadcast_in_dim3A_141, %broadcast_in_dim3A_143 : vector<16xi1>, vector<16xi32>
      %broadcast_in_dim3A_611 = arith.constant true
      %broadcast_in_dim3A_612 = vector.broadcast %broadcast_in_dim3A_611 : i1 to vector<16xi1>
      %masked_cumsum3A = tpu.scan <sum>, %select_n3A_610 masked %broadcast_in_dim3A_612 : vector<16xi32>, vector<16xi1> -> vector<16xi32>
      %sub3A_613 = arith.subi %masked_cumsum3A, %select_n3A_610 : vector<16xi32>
      %iota3A = tpu.iota {dimensions = array<i32: 0>} : vector<16xi32>
      %mul3A_614 = arith.constant 16 : i32
      %mul3A_615 = arith.muli %add3A_604, %mul3A_614 : i32
      %add3A_616 = vector.broadcast %mul3A_615 : i32 to vector<16xi32>
      %add3A_617 = arith.addi %iota3A, %add3A_616 : vector<16xi32>
      %add3A_618 = arith.addi %sub3A_613, %scan3A_600 : vector<16xi32>
      tpu.vector_store_idx %arg12[%add3A_618], %add3A_617 masked %gt3A_609 : memref<64xi32, #tpu.memory_space<vmem>>[vector<16xi32>], vector<16xi32>, vector<16xi1>
      %all_reduce_population_count3A = tpu.all_reduce %gt3A_609 {dim = 0 : i64, kind = #tpu.reduction_kind<sum>} : vector<16xi1> -> vector<16xi32>
      %add3A_619 = arith.addi %scan3A_600, %all_reduce_population_count3A : vector<16xi32>
      %mul3A_620 = arith.constant 2 : i32
      %mul3A_621 = arith.muli %scan3A_599, %mul3A_620 : i32
      %add3A_622 = arith.constant 1 : i32
      %add3A_623 = arith.addi %mul3A_621, %add3A_622 : i32
      %mul3A_624 = arith.constant 16 : i32
      %mul3A_625 = arith.muli %add3A_623, %mul3A_624 : i32
      %get3A_626 = arith.index_cast %mul3A_625 : i32 to index
      %get3A_627 = tpu.vector_load %arg9[%get3A_626] {strides = array<i32>} : memref<4096xf32, #tpu.memory_space<vmem>>, vector<16xf32>,
      %gt3A_628 = arith.constant 5.000000e-01 : f32
      %gt3A_629 = vector.broadcast %gt3A_628 : f32 to vector<16xf32>
      %gt3A_630 = arith.cmpf ogt, %get3A_627, %gt3A_629 : vector<16xf32>
      %select_n3A_631 = arith.select %gt3A_630, %broadcast_in_dim3A_141, %broadcast_in_dim3A_143 : vector<16xi1>, vector<16xi32>
      %broadcast_in_dim3A_632 = arith.constant true
      %broadcast_in_dim3A_633 = vector.broadcast %broadcast_in_dim3A_632 : i1 to vector<16xi1>
      %masked_cumsum3A_634 = tpu.scan <sum>, %select_n3A_631 masked %broadcast_in_dim3A_633 : vector<16xi32>, vector<16xi1> -> vector<16xi32>
      %sub3A_635 = arith.subi %masked_cumsum3A_634, %select_n3A_631 : vector<16xi32>
      %iota3A_636 = tpu.iota {dimensions = array<i32: 0>} : vector<16xi32>
      %mul3A_637 = arith.constant 16 : i32
      %mul3A_638 = arith.muli %add3A_623, %mul3A_637 : i32
      %add3A_639 = vector.broadcast %mul3A_638 : i32 to vector<16xi32>
      %add3A_640 = arith.addi %iota3A_636, %add3A_639 : vector<16xi32>
      %add3A_641 = arith.addi %sub3A_635, %add3A_619 : vector<16xi32>
      tpu.vector_store_idx %arg12[%add3A_641], %add3A_640 masked %gt3A_630 : memref<64xi32, #tpu.memory_space<vmem>>[vector<16xi32>], vector<16xi32>, vector<16xi1>
      %all_reduce_population_count3A_642 = tpu.all_reduce %gt3A_630 {dim = 0 : i64, kind = #tpu.reduction_kind<sum>} : vector<16xi1> -> vector<16xi32>
      %add3A_643 = arith.addi %add3A_619, %all_reduce_population_count3A_642 : vector<16xi32>
      scf.yield %add3A_643 : vector<16xi32>
    }
    %scan3A_151 = arith.constant 128 : i32
    %slice3A_152 = vector.extract_strided_slice %scan3A_150 {offsets = [0], sizes = [1], strides = [1]} : vector<16xi32> to vector<1xi32>
    %squeeze3A_153 = vector.extract %slice3A_152[0] : i32 from vector<1xi32>
    %dma_start3A_154 = arith.constant 0 : i32
    %dma_start3A_155 = arith.constant 0 : i32
    %dma_start3A_156 = tpu.memref_slice %arg4[%select_n3A_136, %dma_start3A_154, %dma_start3A_155] : memref<16x4096x128xf32, #tpu.memory_space<hbm>> -> memref<1x4096x128xf32, #tpu.memory_space<hbm>>
    %dma_start3A_157 = tpu.memref_squeeze %dma_start3A_156 : memref<1x4096x128xf32, #tpu.memory_space<hbm>> -> memref<4096x128xf32, #tpu.memory_space<hbm>>
    %dma_start3A_158 = arith.constant 0 : i32
    %dma_start3A_159 = arith.constant 0 : i32
    %dma_start3A_160 = tpu.memref_slice %dma_start3A_157[%dma_start3A_158, %dma_start3A_159] : memref<4096x128xf32, #tpu.memory_space<hbm>> -> memref<4096x128xf32, #tpu.memory_space<hbm>>
    tpu.enqueue_indirect_dma source(%dma_start3A_160 : memref<4096x128xf32, #tpu.memory_space<hbm>>) target(%arg14 : memref<64x128xf32, #tpu.memory_space<vmem>>) offsets(%arg12 : memref<64xi32, #tpu.memory_space<vmem>>) semaphore(%arg17 : memref<!tpu.dma_semaphore, #tpu.memory_space<semaphore_mem>>)
    %dma_wait3A_161 = arith.constant 0 : i32
    %dma_wait3A_162 = arith.constant 0 : i32
    %dma_wait3A_163 = tpu.memref_slice %arg4[%select_n3A_136, %dma_wait3A_161, %dma_wait3A_162] : memref<16x4096x128xf32, #tpu.memory_space<hbm>> -> memref<1x4096x128xf32, #tpu.memory_space<hbm>>
    %dma_wait3A_164 = tpu.memref_squeeze %dma_wait3A_163 : memref<1x4096x128xf32, #tpu.memory_space<hbm>> -> memref<4096x128xf32, #tpu.memory_space<hbm>>
    %dma_wait3A_165 = arith.constant 0 : i32
    %dma_wait3A_166 = arith.constant 0 : i32
    %dma_wait3A_167 = tpu.memref_slice %dma_wait3A_164[%dma_wait3A_165, %dma_wait3A_166] : memref<4096x128xf32, #tpu.memory_space<hbm>> -> memref<4096x128xf32, #tpu.memory_space<hbm>>
    tpu.wait_indirect_dma semaphore(%arg17 : memref<!tpu.dma_semaphore, #tpu.memory_space<semaphore_mem>>) src(%dma_wait3A_167 : memref<4096x128xf32, #tpu.memory_space<hbm>>) dst(%arg14 : memref<64x128xf32, #tpu.memory_space<vmem>>)
    %mul3A_168 = arith.constant 64 : i32
    %mul3A_169 = arith.muli %sub3A_139, %mul3A_168 : i32
    "tpu.region"() ({
      %run_scoped3A = tpu.sem_alloc : memref<!tpu.dma_semaphore, #tpu.memory_space<semaphore_mem>>
      %dma_start3A_599 = arith.constant 0 : i32
      %dma_start3A_600 = arith.constant 0 : i32
      %dma_start3A_601 = tpu.memref_slice %arg6[%select_n3A_136, %dma_start3A_599, %dma_start3A_600] : memref<16x1280x128xf32, #tpu.memory_space<hbm>> -> memref<1x1280x128xf32, #tpu.memory_space<hbm>>
      %dma_start3A_602 = tpu.memref_squeeze %dma_start3A_601 : memref<1x1280x128xf32, #tpu.memory_space<hbm>> -> memref<1280x128xf32, #tpu.memory_space<hbm>>
      %dma_start3A_603 = arith.constant 0 : i32
      %dma_start3A_604 = tpu.memref_slice %dma_start3A_602[%mul3A_169, %dma_start3A_603] : memref<1280x128xf32, #tpu.memory_space<hbm>> -> memref<64x128xf32, #tpu.memory_space<hbm>>
      %dma_start3A_605 = arith.constant 0 : i32
      %dma_start3A_606 = arith.constant 0 : i32
      %dma_start3A_607 = tpu.memref_slice %arg6[%select_n3A_136, %dma_start3A_605, %dma_start3A_606] : memref<16x1280x128xf32, #tpu.memory_space<hbm>> -> memref<1x1280x128xf32, #tpu.memory_space<hbm>>
      %dma_start3A_608 = tpu.memref_squeeze %dma_start3A_607 : memref<1x1280x128xf32, #tpu.memory_space<hbm>> -> memref<1280x128xf32, #tpu.memory_space<hbm>>
      %dma_start3A_609 = arith.constant 0 : i32
      %dma_start3A_610 = tpu.memref_slice %dma_start3A_608[%mul3A_169, %dma_start3A_609] : memref<1280x128xf32, #tpu.memory_space<hbm>> -> memref<64x128xf32, #tpu.memory_space<hbm>>
      tpu.enqueue_dma source(%arg14 : memref<64x128xf32, #tpu.memory_space<vmem>>) target(%dma_start3A_610 : memref<64x128xf32, #tpu.memory_space<hbm>>) target_semaphore(%run_scoped3A : memref<!tpu.dma_semaphore, #tpu.memory_space<semaphore_mem>>)
      %dma_wait3A_611 = arith.constant 0 : i32
      %dma_wait3A_612 = arith.constant 0 : i32
      %dma_wait3A_613 = tpu.memref_slice %arg6[%select_n3A_136, %dma_wait3A_611, %dma_wait3A_612] : memref<16x1280x128xf32, #tpu.memory_space<hbm>> -> memref<1x1280x128xf32, #tpu.memory_space<hbm>>
      %dma_wait3A_614 = tpu.memref_squeeze %dma_wait3A_613 : memref<1x1280x128xf32, #tpu.memory_space<hbm>> -> memref<1280x128xf32, #tpu.memory_space<hbm>>
      %dma_wait3A_615 = arith.constant 0 : i32
      %dma_wait3A_616 = tpu.memref_slice %dma_wait3A_614[%mul3A_169, %dma_wait3A_615] : memref<1280x128xf32, #tpu.memory_space<hbm>> -> memref<64x128xf32, #tpu.memory_space<hbm>>
      %dma_wait3A_617 = arith.constant 0 : i32
      %dma_wait3A_618 = arith.constant 0 : i32
      %dma_wait3A_619 = tpu.memref_slice %arg6[%select_n3A_136, %dma_wait3A_617, %dma_wait3A_618] : memref<16x1280x128xf32, #tpu.memory_space<hbm>> -> memref<1x1280x128xf32, #tpu.memory_space<hbm>>
      %dma_wait3A_620 = tpu.memref_squeeze %dma_wait3A_619 : memref<1x1280x128xf32, #tpu.memory_space<hbm>> -> memref<1280x128xf32, #tpu.memory_space<hbm>>
      %dma_wait3A_621 = arith.constant 0 : i32
      %dma_wait3A_622 = tpu.memref_slice %dma_wait3A_620[%mul3A_169, %dma_wait3A_621] : memref<1280x128xf32, #tpu.memory_space<hbm>> -> memref<64x128xf32, #tpu.memory_space<hbm>>
      tpu.wait_dma2 semaphore(%run_scoped3A : memref<!tpu.dma_semaphore, #tpu.memory_space<semaphore_mem>>) src(%arg14 : memref<64x128xf32, #tpu.memory_space<vmem>>) dst(%dma_wait3A_622 : memref<64x128xf32, #tpu.memory_space<hbm>>)
      tpu.yield
    }) : () -> ()
    %mul3A_170 = arith.constant 10 : i32
    %mul3A_171 = arith.muli %add3A, %mul3A_170 : i32
    %add3A_172 = arith.constant 3 : i32
    %add3A_173 = arith.addi %mul3A_171, %add3A_172 : i32
    %jit3A_174 = arith.constant 20 : i32
    %div3A_175 = arith.divsi %add3A_173, %jit3A_174 : i32
    %sign3A_176 = arith.constant 0 : i32
    %sign3A_177 = arith.cmpi sgt, %add3A_173, %sign3A_176 : i32
    %sign3A_178 = arith.extui %sign3A_177 : i1 to i32
    %sign3A_179 = arith.constant 0 : i32
    %sign3A_180 = arith.cmpi slt, %add3A_173, %sign3A_179 : i32
    %sign3A_181 = arith.extui %sign3A_180 : i1 to i32
    %sign3A_182 = arith.subi %sign3A_178, %sign3A_181 : i32
    %sign3A_183 = arith.constant 0 : i32
    %sign3A_184 = arith.cmpi sgt, %jit3A_174, %sign3A_183 : i32
    %sign3A_185 = arith.extui %sign3A_184 : i1 to i32
    %sign3A_186 = arith.constant 0 : i32
    %sign3A_187 = arith.cmpi slt, %jit3A_174, %sign3A_186 : i32
    %sign3A_188 = arith.extui %sign3A_187 : i1 to i32
    %sign3A_189 = arith.subi %sign3A_185, %sign3A_188 : i32
    %ne3A_190 = arith.cmpi ne, %sign3A_182, %sign3A_189 : i32
    %rem3A_191 = arith.remsi %add3A_173, %jit3A_174 : i32
    %ne3A_192 = arith.constant 0 : i32
    %ne3A_193 = arith.cmpi ne, %rem3A_191, %ne3A_192 : i32
    %and3A_194 = arith.andi %ne3A_190, %ne3A_193 : i1
    %sub3A_195 = arith.constant 1 : i32
    %sub3A_196 = arith.subi %div3A_175, %sub3A_195 : i32
    %select_n3A_197 = arith.select %and3A_194, %sub3A_196, %div3A_175 : i32
    %mul3A_198 = arith.constant 20 : i32
    %mul3A_199 = arith.muli %select_n3A_197, %mul3A_198 : i32
    %sub3A_200 = arith.subi %add3A_173, %mul3A_199 : i32
    "tpu.region"() ({
      %run_scoped3A = tpu.sem_alloc : memref<!tpu.dma_semaphore, #tpu.memory_space<semaphore_mem>>
      %dma_start3A_599 = arith.constant 0 : i32
      %dma_start3A_600 = arith.constant 0 : i32
      %dma_start3A_601 = tpu.memref_slice %arg2[%select_n3A_197, %dma_start3A_599, %dma_start3A_600] : memref<16x20x4096xf32, #tpu.memory_space<hbm>> -> memref<1x20x4096xf32, #tpu.memory_space<hbm>>
      %dma_start3A_602 = tpu.memref_squeeze %dma_start3A_601 : memref<1x20x4096xf32, #tpu.memory_space<hbm>> -> memref<20x4096xf32, #tpu.memory_space<hbm>>
      %dma_start3A_603 = arith.constant 0 : i32
      %dma_start3A_604 = tpu.memref_slice %dma_start3A_602[%sub3A_200, %dma_start3A_603] : memref<20x4096xf32, #tpu.memory_space<hbm>> -> memref<1x4096xf32, #tpu.memory_space<hbm>>
      %dma_start3A_605 = tpu.memref_squeeze %dma_start3A_604 : memref<1x4096xf32, #tpu.memory_space<hbm>> -> memref<4096xf32, #tpu.memory_space<hbm>>
      %dma_start3A_606 = arith.constant 0 : i32
      %dma_start3A_607 = arith.constant 0 : i32
      %dma_start3A_608 = tpu.memref_slice %arg2[%select_n3A_197, %dma_start3A_606, %dma_start3A_607] : memref<16x20x4096xf32, #tpu.memory_space<hbm>> -> memref<1x20x4096xf32, #tpu.memory_space<hbm>>
      %dma_start3A_609 = tpu.memref_squeeze %dma_start3A_608 : memref<1x20x4096xf32, #tpu.memory_space<hbm>> -> memref<20x4096xf32, #tpu.memory_space<hbm>>
      %dma_start3A_610 = arith.constant 0 : i32
      %dma_start3A_611 = tpu.memref_slice %dma_start3A_609[%sub3A_200, %dma_start3A_610] : memref<20x4096xf32, #tpu.memory_space<hbm>> -> memref<1x4096xf32, #tpu.memory_space<hbm>>
      %dma_start3A_612 = tpu.memref_squeeze %dma_start3A_611 : memref<1x4096xf32, #tpu.memory_space<hbm>> -> memref<4096xf32, #tpu.memory_space<hbm>>
      tpu.enqueue_dma source(%dma_start3A_612 : memref<4096xf32, #tpu.memory_space<hbm>>) target(%arg9 : memref<4096xf32, #tpu.memory_space<vmem>>) target_semaphore(%run_scoped3A : memref<!tpu.dma_semaphore, #tpu.memory_space<semaphore_mem>>)
      %dma_wait3A_613 = arith.constant 0 : i32
      %dma_wait3A_614 = arith.constant 0 : i32
      %dma_wait3A_615 = tpu.memref_slice %arg2[%select_n3A_197, %dma_wait3A_613, %dma_wait3A_614] : memref<16x20x4096xf32, #tpu.memory_space<hbm>> -> memref<1x20x4096xf32, #tpu.memory_space<hbm>>
      %dma_wait3A_616 = tpu.memref_squeeze %dma_wait3A_615 : memref<1x20x4096xf32, #tpu.memory_space<hbm>> -> memref<20x4096xf32, #tpu.memory_space<hbm>>
      %dma_wait3A_617 = arith.constant 0 : i32
      %dma_wait3A_618 = tpu.memref_slice %dma_wait3A_616[%sub3A_200, %dma_wait3A_617] : memref<20x4096xf32, #tpu.memory_space<hbm>> -> memref<1x4096xf32, #tpu.memory_space<hbm>>
      %dma_wait3A_619 = tpu.memref_squeeze %dma_wait3A_618 : memref<1x4096xf32, #tpu.memory_space<hbm>> -> memref<4096xf32, #tpu.memory_space<hbm>>
      %dma_wait3A_620 = arith.constant 0 : i32
      %dma_wait3A_621 = arith.constant 0 : i32
      %dma_wait3A_622 = tpu.memref_slice %arg2[%select_n3A_197, %dma_wait3A_620, %dma_wait3A_621] : memref<16x20x4096xf32, #tpu.memory_space<hbm>> -> memref<1x20x4096xf32, #tpu.memory_space<hbm>>
      %dma_wait3A_623 = tpu.memref_squeeze %dma_wait3A_622 : memref<1x20x4096xf32, #tpu.memory_space<hbm>> -> memref<20x4096xf32, #tpu.memory_space<hbm>>
      %dma_wait3A_624 = arith.constant 0 : i32
      %dma_wait3A_625 = tpu.memref_slice %dma_wait3A_623[%sub3A_200, %dma_wait3A_624] : memref<20x4096xf32, #tpu.memory_space<hbm>> -> memref<1x4096xf32, #tpu.memory_space<hbm>>
      %dma_wait3A_626 = tpu.memref_squeeze %dma_wait3A_625 : memref<1x4096xf32, #tpu.memory_space<hbm>> -> memref<4096xf32, #tpu.memory_space<hbm>>
      tpu.wait_dma2 semaphore(%run_scoped3A : memref<!tpu.dma_semaphore, #tpu.memory_space<semaphore_mem>>) src(%dma_wait3A_626 : memref<4096xf32, #tpu.memory_space<hbm>>) dst(%arg9 : memref<4096xf32, #tpu.memory_space<vmem>>)
      tpu.yield
    }) : () -> ()
    %broadcast_in_dim3A_201 = arith.constant 1 : i32
    %broadcast_in_dim3A_202 = vector.broadcast %broadcast_in_dim3A_201 : i32 to vector<16xi32>
    %broadcast_in_dim3A_203 = arith.constant 0 : i32
    %broadcast_in_dim3A_204 = vector.broadcast %broadcast_in_dim3A_203 : i32 to vector<16xi32>
    %broadcast_in_dim3A_205 = arith.constant 0 : i32
    %broadcast_in_dim3A_206 = vector.broadcast %broadcast_in_dim3A_205 : i32 to vector<16xi32>
    %scan3A_207 = arith.constant 0 : i32
    %scan3A_208 = arith.constant 128 : i32
    %scan3A_209 = arith.addi %scan3A_207, %scan3A_208 : i32
    %scan3A_210 = arith.constant 1 : i32
    %scan3A_211 = scf.for %scan3A_599 = %scan3A_207 to %scan3A_209 step %scan3A_210 iter_args(%scan3A_600 = %broadcast_in_dim3A_206) -> (vector<16xi32>)  : i32 {
      %mul3A_601 = arith.constant 2 : i32
      %mul3A_602 = arith.muli %scan3A_599, %mul3A_601 : i32
      %add3A_603 = arith.constant 0 : i32
      %add3A_604 = arith.addi %mul3A_602, %add3A_603 : i32
      %mul3A_605 = arith.constant 16 : i32
      %mul3A_606 = arith.muli %add3A_604, %mul3A_605 : i32
      %get3A = arith.index_cast %mul3A_606 : i32 to index
      %get3A_607 = tpu.vector_load %arg9[%get3A] {strides = array<i32>} : memref<4096xf32, #tpu.memory_space<vmem>>, vector<16xf32>,
      %gt3A = arith.constant 5.000000e-01 : f32
      %gt3A_608 = vector.broadcast %gt3A : f32 to vector<16xf32>
      %gt3A_609 = arith.cmpf ogt, %get3A_607, %gt3A_608 : vector<16xf32>
      %select_n3A_610 = arith.select %gt3A_609, %broadcast_in_dim3A_202, %broadcast_in_dim3A_204 : vector<16xi1>, vector<16xi32>
      %broadcast_in_dim3A_611 = arith.constant true
      %broadcast_in_dim3A_612 = vector.broadcast %broadcast_in_dim3A_611 : i1 to vector<16xi1>
      %masked_cumsum3A = tpu.scan <sum>, %select_n3A_610 masked %broadcast_in_dim3A_612 : vector<16xi32>, vector<16xi1> -> vector<16xi32>
      %sub3A_613 = arith.subi %masked_cumsum3A, %select_n3A_610 : vector<16xi32>
      %iota3A = tpu.iota {dimensions = array<i32: 0>} : vector<16xi32>
      %mul3A_614 = arith.constant 16 : i32
      %mul3A_615 = arith.muli %add3A_604, %mul3A_614 : i32
      %add3A_616 = vector.broadcast %mul3A_615 : i32 to vector<16xi32>
      %add3A_617 = arith.addi %iota3A, %add3A_616 : vector<16xi32>
      %add3A_618 = arith.addi %sub3A_613, %scan3A_600 : vector<16xi32>
      tpu.vector_store_idx %arg12[%add3A_618], %add3A_617 masked %gt3A_609 : memref<64xi32, #tpu.memory_space<vmem>>[vector<16xi32>], vector<16xi32>, vector<16xi1>
      %all_reduce_population_count3A = tpu.all_reduce %gt3A_609 {dim = 0 : i64, kind = #tpu.reduction_kind<sum>} : vector<16xi1> -> vector<16xi32>
      %add3A_619 = arith.addi %scan3A_600, %all_reduce_population_count3A : vector<16xi32>
      %mul3A_620 = arith.constant 2 : i32
      %mul3A_621 = arith.muli %scan3A_599, %mul3A_620 : i32
      %add3A_622 = arith.constant 1 : i32
      %add3A_623 = arith.addi %mul3A_621, %add3A_622 : i32
      %mul3A_624 = arith.constant 16 : i32
      %mul3A_625 = arith.muli %add3A_623, %mul3A_624 : i32
      %get3A_626 = arith.index_cast %mul3A_625 : i32 to index
      %get3A_627 = tpu.vector_load %arg9[%get3A_626] {strides = array<i32>} : memref<4096xf32, #tpu.memory_space<vmem>>, vector<16xf32>,
      %gt3A_628 = arith.constant 5.000000e-01 : f32
      %gt3A_629 = vector.broadcast %gt3A_628 : f32 to vector<16xf32>
      %gt3A_630 = arith.cmpf ogt, %get3A_627, %gt3A_629 : vector<16xf32>
      %select_n3A_631 = arith.select %gt3A_630, %broadcast_in_dim3A_202, %broadcast_in_dim3A_204 : vector<16xi1>, vector<16xi32>
      %broadcast_in_dim3A_632 = arith.constant true
      %broadcast_in_dim3A_633 = vector.broadcast %broadcast_in_dim3A_632 : i1 to vector<16xi1>
      %masked_cumsum3A_634 = tpu.scan <sum>, %select_n3A_631 masked %broadcast_in_dim3A_633 : vector<16xi32>, vector<16xi1> -> vector<16xi32>
      %sub3A_635 = arith.subi %masked_cumsum3A_634, %select_n3A_631 : vector<16xi32>
      %iota3A_636 = tpu.iota {dimensions = array<i32: 0>} : vector<16xi32>
      %mul3A_637 = arith.constant 16 : i32
      %mul3A_638 = arith.muli %add3A_623, %mul3A_637 : i32
      %add3A_639 = vector.broadcast %mul3A_638 : i32 to vector<16xi32>
      %add3A_640 = arith.addi %iota3A_636, %add3A_639 : vector<16xi32>
      %add3A_641 = arith.addi %sub3A_635, %add3A_619 : vector<16xi32>
      tpu.vector_store_idx %arg12[%add3A_641], %add3A_640 masked %gt3A_630 : memref<64xi32, #tpu.memory_space<vmem>>[vector<16xi32>], vector<16xi32>, vector<16xi1>
      %all_reduce_population_count3A_642 = tpu.all_reduce %gt3A_630 {dim = 0 : i64, kind = #tpu.reduction_kind<sum>} : vector<16xi1> -> vector<16xi32>
      %add3A_643 = arith.addi %add3A_619, %all_reduce_population_count3A_642 : vector<16xi32>
      scf.yield %add3A_643 : vector<16xi32>
    }
    %scan3A_212 = arith.constant 128 : i32
    %slice3A_213 = vector.extract_strided_slice %scan3A_211 {offsets = [0], sizes = [1], strides = [1]} : vector<16xi32> to vector<1xi32>
    %squeeze3A_214 = vector.extract %slice3A_213[0] : i32 from vector<1xi32>
    %dma_start3A_215 = arith.constant 0 : i32
    %dma_start3A_216 = arith.constant 0 : i32
    %dma_start3A_217 = tpu.memref_slice %arg4[%select_n3A_197, %dma_start3A_215, %dma_start3A_216] : memref<16x4096x128xf32, #tpu.memory_space<hbm>> -> memref<1x4096x128xf32, #tpu.memory_space<hbm>>
    %dma_start3A_218 = tpu.memref_squeeze %dma_start3A_217 : memref<1x4096x128xf32, #tpu.memory_space<hbm>> -> memref<4096x128xf32, #tpu.memory_space<hbm>>
    %dma_start3A_219 = arith.constant 0 : i32
    %dma_start3A_220 = arith.constant 0 : i32
    %dma_start3A_221 = tpu.memref_slice %dma_start3A_218[%dma_start3A_219, %dma_start3A_220] : memref<4096x128xf32, #tpu.memory_space<hbm>> -> memref<4096x128xf32, #tpu.memory_space<hbm>>
    tpu.enqueue_indirect_dma source(%dma_start3A_221 : memref<4096x128xf32, #tpu.memory_space<hbm>>) target(%arg14 : memref<64x128xf32, #tpu.memory_space<vmem>>) offsets(%arg12 : memref<64xi32, #tpu.memory_space<vmem>>) semaphore(%arg17 : memref<!tpu.dma_semaphore, #tpu.memory_space<semaphore_mem>>)
    %dma_wait3A_222 = arith.constant 0 : i32
    %dma_wait3A_223 = arith.constant 0 : i32
    %dma_wait3A_224 = tpu.memref_slice %arg4[%select_n3A_197, %dma_wait3A_222, %dma_wait3A_223] : memref<16x4096x128xf32, #tpu.memory_space<hbm>> -> memref<1x4096x128xf32, #tpu.memory_space<hbm>>
    %dma_wait3A_225 = tpu.memref_squeeze %dma_wait3A_224 : memref<1x4096x128xf32, #tpu.memory_space<hbm>> -> memref<4096x128xf32, #tpu.memory_space<hbm>>
    %dma_wait3A_226 = arith.constant 0 : i32
    %dma_wait3A_227 = arith.constant 0 : i32
    %dma_wait3A_228 = tpu.memref_slice %dma_wait3A_225[%dma_wait3A_226, %dma_wait3A_227] : memref<4096x128xf32, #tpu.memory_space<hbm>> -> memref<4096x128xf32, #tpu.memory_space<hbm>>
    tpu.wait_indirect_dma semaphore(%arg17 : memref<!tpu.dma_semaphore, #tpu.memory_space<semaphore_mem>>) src(%dma_wait3A_228 : memref<4096x128xf32, #tpu.memory_space<hbm>>) dst(%arg14 : memref<64x128xf32, #tpu.memory_space<vmem>>)
    %mul3A_229 = arith.constant 64 : i32
    %mul3A_230 = arith.muli %sub3A_200, %mul3A_229 : i32
    "tpu.region"() ({
      %run_scoped3A = tpu.sem_alloc : memref<!tpu.dma_semaphore, #tpu.memory_space<semaphore_mem>>
      %dma_start3A_599 = arith.constant 0 : i32
      %dma_start3A_600 = arith.constant 0 : i32
      %dma_start3A_601 = tpu.memref_slice %arg6[%select_n3A_197, %dma_start3A_599, %dma_start3A_600] : memref<16x1280x128xf32, #tpu.memory_space<hbm>> -> memref<1x1280x128xf32, #tpu.memory_space<hbm>>
      %dma_start3A_602 = tpu.memref_squeeze %dma_start3A_601 : memref<1x1280x128xf32, #tpu.memory_space<hbm>> -> memref<1280x128xf32, #tpu.memory_space<hbm>>
      %dma_start3A_603 = arith.constant 0 : i32
      %dma_start3A_604 = tpu.memref_slice %dma_start3A_602[%mul3A_230, %dma_start3A_603] : memref<1280x128xf32, #tpu.memory_space<hbm>> -> memref<64x128xf32, #tpu.memory_space<hbm>>
      %dma_start3A_605 = arith.constant 0 : i32
      %dma_start3A_606 = arith.constant 0 : i32
      %dma_start3A_607 = tpu.memref_slice %arg6[%select_n3A_197, %dma_start3A_605, %dma_start3A_606] : memref<16x1280x128xf32, #tpu.memory_space<hbm>> -> memref<1x1280x128xf32, #tpu.memory_space<hbm>>
      %dma_start3A_608 = tpu.memref_squeeze %dma_start3A_607 : memref<1x1280x128xf32, #tpu.memory_space<hbm>> -> memref<1280x128xf32, #tpu.memory_space<hbm>>
      %dma_start3A_609 = arith.constant 0 : i32
      %dma_start3A_610 = tpu.memref_slice %dma_start3A_608[%mul3A_230, %dma_start3A_609] : memref<1280x128xf32, #tpu.memory_space<hbm>> -> memref<64x128xf32, #tpu.memory_space<hbm>>
      tpu.enqueue_dma source(%arg14 : memref<64x128xf32, #tpu.memory_space<vmem>>) target(%dma_start3A_610 : memref<64x128xf32, #tpu.memory_space<hbm>>) target_semaphore(%run_scoped3A : memref<!tpu.dma_semaphore, #tpu.memory_space<semaphore_mem>>)
      %dma_wait3A_611 = arith.constant 0 : i32
      %dma_wait3A_612 = arith.constant 0 : i32
      %dma_wait3A_613 = tpu.memref_slice %arg6[%select_n3A_197, %dma_wait3A_611, %dma_wait3A_612] : memref<16x1280x128xf32, #tpu.memory_space<hbm>> -> memref<1x1280x128xf32, #tpu.memory_space<hbm>>
      %dma_wait3A_614 = tpu.memref_squeeze %dma_wait3A_613 : memref<1x1280x128xf32, #tpu.memory_space<hbm>> -> memref<1280x128xf32, #tpu.memory_space<hbm>>
      %dma_wait3A_615 = arith.constant 0 : i32
      %dma_wait3A_616 = tpu.memref_slice %dma_wait3A_614[%mul3A_230, %dma_wait3A_615] : memref<1280x128xf32, #tpu.memory_space<hbm>> -> memref<64x128xf32, #tpu.memory_space<hbm>>
      %dma_wait3A_617 = arith.constant 0 : i32
      %dma_wait3A_618 = arith.constant 0 : i32
      %dma_wait3A_619 = tpu.memref_slice %arg6[%select_n3A_197, %dma_wait3A_617, %dma_wait3A_618] : memref<16x1280x128xf32, #tpu.memory_space<hbm>> -> memref<1x1280x128xf32, #tpu.memory_space<hbm>>
      %dma_wait3A_620 = tpu.memref_squeeze %dma_wait3A_619 : memref<1x1280x128xf32, #tpu.memory_space<hbm>> -> memref<1280x128xf32, #tpu.memory_space<hbm>>
      %dma_wait3A_621 = arith.constant 0 : i32
      %dma_wait3A_622 = tpu.memref_slice %dma_wait3A_620[%mul3A_230, %dma_wait3A_621] : memref<1280x128xf32, #tpu.memory_space<hbm>> -> memref<64x128xf32, #tpu.memory_space<hbm>>
      tpu.wait_dma2 semaphore(%run_scoped3A : memref<!tpu.dma_semaphore, #tpu.memory_space<semaphore_mem>>) src(%arg14 : memref<64x128xf32, #tpu.memory_space<vmem>>) dst(%dma_wait3A_622 : memref<64x128xf32, #tpu.memory_space<hbm>>)
      tpu.yield
    }) : () -> ()
    %mul3A_231 = arith.constant 10 : i32
    %mul3A_232 = arith.muli %add3A, %mul3A_231 : i32
    %add3A_233 = arith.constant 4 : i32
    %add3A_234 = arith.addi %mul3A_232, %add3A_233 : i32
    %jit3A_235 = arith.constant 20 : i32
    %div3A_236 = arith.divsi %add3A_234, %jit3A_235 : i32
    %sign3A_237 = arith.constant 0 : i32
    %sign3A_238 = arith.cmpi sgt, %add3A_234, %sign3A_237 : i32
    %sign3A_239 = arith.extui %sign3A_238 : i1 to i32
    %sign3A_240 = arith.constant 0 : i32
    %sign3A_241 = arith.cmpi slt, %add3A_234, %sign3A_240 : i32
    %sign3A_242 = arith.extui %sign3A_241 : i1 to i32
    %sign3A_243 = arith.subi %sign3A_239, %sign3A_242 : i32
    %sign3A_244 = arith.constant 0 : i32
    %sign3A_245 = arith.cmpi sgt, %jit3A_235, %sign3A_244 : i32
    %sign3A_246 = arith.extui %sign3A_245 : i1 to i32
    %sign3A_247 = arith.constant 0 : i32
    %sign3A_248 = arith.cmpi slt, %jit3A_235, %sign3A_247 : i32
    %sign3A_249 = arith.extui %sign3A_248 : i1 to i32
    %sign3A_250 = arith.subi %sign3A_246, %sign3A_249 : i32
    %ne3A_251 = arith.cmpi ne, %sign3A_243, %sign3A_250 : i32
    %rem3A_252 = arith.remsi %add3A_234, %jit3A_235 : i32
    %ne3A_253 = arith.constant 0 : i32
    %ne3A_254 = arith.cmpi ne, %rem3A_252, %ne3A_253 : i32
    %and3A_255 = arith.andi %ne3A_251, %ne3A_254 : i1
    %sub3A_256 = arith.constant 1 : i32
    %sub3A_257 = arith.subi %div3A_236, %sub3A_256 : i32
    %select_n3A_258 = arith.select %and3A_255, %sub3A_257, %div3A_236 : i32
    %mul3A_259 = arith.constant 20 : i32
    %mul3A_260 = arith.muli %select_n3A_258, %mul3A_259 : i32
    %sub3A_261 = arith.subi %add3A_234, %mul3A_260 : i32
    "tpu.region"() ({
      %run_scoped3A = tpu.sem_alloc : memref<!tpu.dma_semaphore, #tpu.memory_space<semaphore_mem>>
      %dma_start3A_599 = arith.constant 0 : i32
      %dma_start3A_600 = arith.constant 0 : i32
      %dma_start3A_601 = tpu.memref_slice %arg2[%select_n3A_258, %dma_start3A_599, %dma_start3A_600] : memref<16x20x4096xf32, #tpu.memory_space<hbm>> -> memref<1x20x4096xf32, #tpu.memory_space<hbm>>
      %dma_start3A_602 = tpu.memref_squeeze %dma_start3A_601 : memref<1x20x4096xf32, #tpu.memory_space<hbm>> -> memref<20x4096xf32, #tpu.memory_space<hbm>>
      %dma_start3A_603 = arith.constant 0 : i32
      %dma_start3A_604 = tpu.memref_slice %dma_start3A_602[%sub3A_261, %dma_start3A_603] : memref<20x4096xf32, #tpu.memory_space<hbm>> -> memref<1x4096xf32, #tpu.memory_space<hbm>>
      %dma_start3A_605 = tpu.memref_squeeze %dma_start3A_604 : memref<1x4096xf32, #tpu.memory_space<hbm>> -> memref<4096xf32, #tpu.memory_space<hbm>>
      %dma_start3A_606 = arith.constant 0 : i32
      %dma_start3A_607 = arith.constant 0 : i32
      %dma_start3A_608 = tpu.memref_slice %arg2[%select_n3A_258, %dma_start3A_606, %dma_start3A_607] : memref<16x20x4096xf32, #tpu.memory_space<hbm>> -> memref<1x20x4096xf32, #tpu.memory_space<hbm>>
      %dma_start3A_609 = tpu.memref_squeeze %dma_start3A_608 : memref<1x20x4096xf32, #tpu.memory_space<hbm>> -> memref<20x4096xf32, #tpu.memory_space<hbm>>
      %dma_start3A_610 = arith.constant 0 : i32
      %dma_start3A_611 = tpu.memref_slice %dma_start3A_609[%sub3A_261, %dma_start3A_610] : memref<20x4096xf32, #tpu.memory_space<hbm>> -> memref<1x4096xf32, #tpu.memory_space<hbm>>
      %dma_start3A_612 = tpu.memref_squeeze %dma_start3A_611 : memref<1x4096xf32, #tpu.memory_space<hbm>> -> memref<4096xf32, #tpu.memory_space<hbm>>
      tpu.enqueue_dma source(%dma_start3A_612 : memref<4096xf32, #tpu.memory_space<hbm>>) target(%arg9 : memref<4096xf32, #tpu.memory_space<vmem>>) target_semaphore(%run_scoped3A : memref<!tpu.dma_semaphore, #tpu.memory_space<semaphore_mem>>)
      %dma_wait3A_613 = arith.constant 0 : i32
      %dma_wait3A_614 = arith.constant 0 : i32
      %dma_wait3A_615 = tpu.memref_slice %arg2[%select_n3A_258, %dma_wait3A_613, %dma_wait3A_614] : memref<16x20x4096xf32, #tpu.memory_space<hbm>> -> memref<1x20x4096xf32, #tpu.memory_space<hbm>>
      %dma_wait3A_616 = tpu.memref_squeeze %dma_wait3A_615 : memref<1x20x4096xf32, #tpu.memory_space<hbm>> -> memref<20x4096xf32, #tpu.memory_space<hbm>>
      %dma_wait3A_617 = arith.constant 0 : i32
      %dma_wait3A_618 = tpu.memref_slice %dma_wait3A_616[%sub3A_261, %dma_wait3A_617] : memref<20x4096xf32, #tpu.memory_space<hbm>> -> memref<1x4096xf32, #tpu.memory_space<hbm>>
      %dma_wait3A_619 = tpu.memref_squeeze %dma_wait3A_618 : memref<1x4096xf32, #tpu.memory_space<hbm>> -> memref<4096xf32, #tpu.memory_space<hbm>>
      %dma_wait3A_620 = arith.constant 0 : i32
      %dma_wait3A_621 = arith.constant 0 : i32
      %dma_wait3A_622 = tpu.memref_slice %arg2[%select_n3A_258, %dma_wait3A_620, %dma_wait3A_621] : memref<16x20x4096xf32, #tpu.memory_space<hbm>> -> memref<1x20x4096xf32, #tpu.memory_space<hbm>>
      %dma_wait3A_623 = tpu.memref_squeeze %dma_wait3A_622 : memref<1x20x4096xf32, #tpu.memory_space<hbm>> -> memref<20x4096xf32, #tpu.memory_space<hbm>>
      %dma_wait3A_624 = arith.constant 0 : i32
      %dma_wait3A_625 = tpu.memref_slice %dma_wait3A_623[%sub3A_261, %dma_wait3A_624] : memref<20x4096xf32, #tpu.memory_space<hbm>> -> memref<1x4096xf32, #tpu.memory_space<hbm>>
      %dma_wait3A_626 = tpu.memref_squeeze %dma_wait3A_625 : memref<1x4096xf32, #tpu.memory_space<hbm>> -> memref<4096xf32, #tpu.memory_space<hbm>>
      tpu.wait_dma2 semaphore(%run_scoped3A : memref<!tpu.dma_semaphore, #tpu.memory_space<semaphore_mem>>) src(%dma_wait3A_626 : memref<4096xf32, #tpu.memory_space<hbm>>) dst(%arg9 : memref<4096xf32, #tpu.memory_space<vmem>>)
      tpu.yield
    }) : () -> ()
    %broadcast_in_dim3A_262 = arith.constant 1 : i32
    %broadcast_in_dim3A_263 = vector.broadcast %broadcast_in_dim3A_262 : i32 to vector<16xi32>
    %broadcast_in_dim3A_264 = arith.constant 0 : i32
    %broadcast_in_dim3A_265 = vector.broadcast %broadcast_in_dim3A_264 : i32 to vector<16xi32>
    %broadcast_in_dim3A_266 = arith.constant 0 : i32
    %broadcast_in_dim3A_267 = vector.broadcast %broadcast_in_dim3A_266 : i32 to vector<16xi32>
    %scan3A_268 = arith.constant 0 : i32
    %scan3A_269 = arith.constant 128 : i32
    %scan3A_270 = arith.addi %scan3A_268, %scan3A_269 : i32
    %scan3A_271 = arith.constant 1 : i32
    %scan3A_272 = scf.for %scan3A_599 = %scan3A_268 to %scan3A_270 step %scan3A_271 iter_args(%scan3A_600 = %broadcast_in_dim3A_267) -> (vector<16xi32>)  : i32 {
      %mul3A_601 = arith.constant 2 : i32
      %mul3A_602 = arith.muli %scan3A_599, %mul3A_601 : i32
      %add3A_603 = arith.constant 0 : i32
      %add3A_604 = arith.addi %mul3A_602, %add3A_603 : i32
      %mul3A_605 = arith.constant 16 : i32
      %mul3A_606 = arith.muli %add3A_604, %mul3A_605 : i32
      %get3A = arith.index_cast %mul3A_606 : i32 to index
      %get3A_607 = tpu.vector_load %arg9[%get3A] {strides = array<i32>} : memref<4096xf32, #tpu.memory_space<vmem>>, vector<16xf32>,
      %gt3A = arith.constant 5.000000e-01 : f32
      %gt3A_608 = vector.broadcast %gt3A : f32 to vector<16xf32>
      %gt3A_609 = arith.cmpf ogt, %get3A_607, %gt3A_608 : vector<16xf32>
      %select_n3A_610 = arith.select %gt3A_609, %broadcast_in_dim3A_263, %broadcast_in_dim3A_265 : vector<16xi1>, vector<16xi32>
      %broadcast_in_dim3A_611 = arith.constant true
      %broadcast_in_dim3A_612 = vector.broadcast %broadcast_in_dim3A_611 : i1 to vector<16xi1>
      %masked_cumsum3A = tpu.scan <sum>, %select_n3A_610 masked %broadcast_in_dim3A_612 : vector<16xi32>, vector<16xi1> -> vector<16xi32>
      %sub3A_613 = arith.subi %masked_cumsum3A, %select_n3A_610 : vector<16xi32>
      %iota3A = tpu.iota {dimensions = array<i32: 0>} : vector<16xi32>
      %mul3A_614 = arith.constant 16 : i32
      %mul3A_615 = arith.muli %add3A_604, %mul3A_614 : i32
      %add3A_616 = vector.broadcast %mul3A_615 : i32 to vector<16xi32>
      %add3A_617 = arith.addi %iota3A, %add3A_616 : vector<16xi32>
      %add3A_618 = arith.addi %sub3A_613, %scan3A_600 : vector<16xi32>
      tpu.vector_store_idx %arg12[%add3A_618], %add3A_617 masked %gt3A_609 : memref<64xi32, #tpu.memory_space<vmem>>[vector<16xi32>], vector<16xi32>, vector<16xi1>
      %all_reduce_population_count3A = tpu.all_reduce %gt3A_609 {dim = 0 : i64, kind = #tpu.reduction_kind<sum>} : vector<16xi1> -> vector<16xi32>
      %add3A_619 = arith.addi %scan3A_600, %all_reduce_population_count3A : vector<16xi32>
      %mul3A_620 = arith.constant 2 : i32
      %mul3A_621 = arith.muli %scan3A_599, %mul3A_620 : i32
      %add3A_622 = arith.constant 1 : i32
      %add3A_623 = arith.addi %mul3A_621, %add3A_622 : i32
      %mul3A_624 = arith.constant 16 : i32
      %mul3A_625 = arith.muli %add3A_623, %mul3A_624 : i32
      %get3A_626 = arith.index_cast %mul3A_625 : i32 to index
      %get3A_627 = tpu.vector_load %arg9[%get3A_626] {strides = array<i32>} : memref<4096xf32, #tpu.memory_space<vmem>>, vector<16xf32>,
      %gt3A_628 = arith.constant 5.000000e-01 : f32
      %gt3A_629 = vector.broadcast %gt3A_628 : f32 to vector<16xf32>
      %gt3A_630 = arith.cmpf ogt, %get3A_627, %gt3A_629 : vector<16xf32>
      %select_n3A_631 = arith.select %gt3A_630, %broadcast_in_dim3A_263, %broadcast_in_dim3A_265 : vector<16xi1>, vector<16xi32>
      %broadcast_in_dim3A_632 = arith.constant true
      %broadcast_in_dim3A_633 = vector.broadcast %broadcast_in_dim3A_632 : i1 to vector<16xi1>
      %masked_cumsum3A_634 = tpu.scan <sum>, %select_n3A_631 masked %broadcast_in_dim3A_633 : vector<16xi32>, vector<16xi1> -> vector<16xi32>
      %sub3A_635 = arith.subi %masked_cumsum3A_634, %select_n3A_631 : vector<16xi32>
      %iota3A_636 = tpu.iota {dimensions = array<i32: 0>} : vector<16xi32>
      %mul3A_637 = arith.constant 16 : i32
      %mul3A_638 = arith.muli %add3A_623, %mul3A_637 : i32
      %add3A_639 = vector.broadcast %mul3A_638 : i32 to vector<16xi32>
      %add3A_640 = arith.addi %iota3A_636, %add3A_639 : vector<16xi32>
      %add3A_641 = arith.addi %sub3A_635, %add3A_619 : vector<16xi32>
      tpu.vector_store_idx %arg12[%add3A_641], %add3A_640 masked %gt3A_630 : memref<64xi32, #tpu.memory_space<vmem>>[vector<16xi32>], vector<16xi32>, vector<16xi1>
      %all_reduce_population_count3A_642 = tpu.all_reduce %gt3A_630 {dim = 0 : i64, kind = #tpu.reduction_kind<sum>} : vector<16xi1> -> vector<16xi32>
      %add3A_643 = arith.addi %add3A_619, %all_reduce_population_count3A_642 : vector<16xi32>
      scf.yield %add3A_643 : vector<16xi32>
    }
    %scan3A_273 = arith.constant 128 : i32
    %slice3A_274 = vector.extract_strided_slice %scan3A_272 {offsets = [0], sizes = [1], strides = [1]} : vector<16xi32> to vector<1xi32>
    %squeeze3A_275 = vector.extract %slice3A_274[0] : i32 from vector<1xi32>
    %dma_start3A_276 = arith.constant 0 : i32
    %dma_start3A_277 = arith.constant 0 : i32
    %dma_start3A_278 = tpu.memref_slice %arg4[%select_n3A_258, %dma_start3A_276, %dma_start3A_277] : memref<16x4096x128xf32, #tpu.memory_space<hbm>> -> memref<1x4096x128xf32, #tpu.memory_space<hbm>>
    %dma_start3A_279 = tpu.memref_squeeze %dma_start3A_278 : memref<1x4096x128xf32, #tpu.memory_space<hbm>> -> memref<4096x128xf32, #tpu.memory_space<hbm>>
    %dma_start3A_280 = arith.constant 0 : i32
    %dma_start3A_281 = arith.constant 0 : i32
    %dma_start3A_282 = tpu.memref_slice %dma_start3A_279[%dma_start3A_280, %dma_start3A_281] : memref<4096x128xf32, #tpu.memory_space<hbm>> -> memref<4096x128xf32, #tpu.memory_space<hbm>>
    tpu.enqueue_indirect_dma source(%dma_start3A_282 : memref<4096x128xf32, #tpu.memory_space<hbm>>) target(%arg14 : memref<64x128xf32, #tpu.memory_space<vmem>>) offsets(%arg12 : memref<64xi32, #tpu.memory_space<vmem>>) semaphore(%arg17 : memref<!tpu.dma_semaphore, #tpu.memory_space<semaphore_mem>>)
    %dma_wait3A_283 = arith.constant 0 : i32
    %dma_wait3A_284 = arith.constant 0 : i32
    %dma_wait3A_285 = tpu.memref_slice %arg4[%select_n3A_258, %dma_wait3A_283, %dma_wait3A_284] : memref<16x4096x128xf32, #tpu.memory_space<hbm>> -> memref<1x4096x128xf32, #tpu.memory_space<hbm>>
    %dma_wait3A_286 = tpu.memref_squeeze %dma_wait3A_285 : memref<1x4096x128xf32, #tpu.memory_space<hbm>> -> memref<4096x128xf32, #tpu.memory_space<hbm>>
    %dma_wait3A_287 = arith.constant 0 : i32
    %dma_wait3A_288 = arith.constant 0 : i32
    %dma_wait3A_289 = tpu.memref_slice %dma_wait3A_286[%dma_wait3A_287, %dma_wait3A_288] : memref<4096x128xf32, #tpu.memory_space<hbm>> -> memref<4096x128xf32, #tpu.memory_space<hbm>>
    tpu.wait_indirect_dma semaphore(%arg17 : memref<!tpu.dma_semaphore, #tpu.memory_space<semaphore_mem>>) src(%dma_wait3A_289 : memref<4096x128xf32, #tpu.memory_space<hbm>>) dst(%arg14 : memref<64x128xf32, #tpu.memory_space<vmem>>)
    %mul3A_290 = arith.constant 64 : i32
    %mul3A_291 = arith.muli %sub3A_261, %mul3A_290 : i32
    "tpu.region"() ({
      %run_scoped3A = tpu.sem_alloc : memref<!tpu.dma_semaphore, #tpu.memory_space<semaphore_mem>>
      %dma_start3A_599 = arith.constant 0 : i32
      %dma_start3A_600 = arith.constant 0 : i32
      %dma_start3A_601 = tpu.memref_slice %arg6[%select_n3A_258, %dma_start3A_599, %dma_start3A_600] : memref<16x1280x128xf32, #tpu.memory_space<hbm>> -> memref<1x1280x128xf32, #tpu.memory_space<hbm>>
      %dma_start3A_602 = tpu.memref_squeeze %dma_start3A_601 : memref<1x1280x128xf32, #tpu.memory_space<hbm>> -> memref<1280x128xf32, #tpu.memory_space<hbm>>
      %dma_start3A_603 = arith.constant 0 : i32
      %dma_start3A_604 = tpu.memref_slice %dma_start3A_602[%mul3A_291, %dma_start3A_603] : memref<1280x128xf32, #tpu.memory_space<hbm>> -> memref<64x128xf32, #tpu.memory_space<hbm>>
      %dma_start3A_605 = arith.constant 0 : i32
      %dma_start3A_606 = arith.constant 0 : i32
      %dma_start3A_607 = tpu.memref_slice %arg6[%select_n3A_258, %dma_start3A_605, %dma_start3A_606] : memref<16x1280x128xf32, #tpu.memory_space<hbm>> -> memref<1x1280x128xf32, #tpu.memory_space<hbm>>
      %dma_start3A_608 = tpu.memref_squeeze %dma_start3A_607 : memref<1x1280x128xf32, #tpu.memory_space<hbm>> -> memref<1280x128xf32, #tpu.memory_space<hbm>>
      %dma_start3A_609 = arith.constant 0 : i32
      %dma_start3A_610 = tpu.memref_slice %dma_start3A_608[%mul3A_291, %dma_start3A_609] : memref<1280x128xf32, #tpu.memory_space<hbm>> -> memref<64x128xf32, #tpu.memory_space<hbm>>
      tpu.enqueue_dma source(%arg14 : memref<64x128xf32, #tpu.memory_space<vmem>>) target(%dma_start3A_610 : memref<64x128xf32, #tpu.memory_space<hbm>>) target_semaphore(%run_scoped3A : memref<!tpu.dma_semaphore, #tpu.memory_space<semaphore_mem>>)
      %dma_wait3A_611 = arith.constant 0 : i32
      %dma_wait3A_612 = arith.constant 0 : i32
      %dma_wait3A_613 = tpu.memref_slice %arg6[%select_n3A_258, %dma_wait3A_611, %dma_wait3A_612] : memref<16x1280x128xf32, #tpu.memory_space<hbm>> -> memref<1x1280x128xf32, #tpu.memory_space<hbm>>
      %dma_wait3A_614 = tpu.memref_squeeze %dma_wait3A_613 : memref<1x1280x128xf32, #tpu.memory_space<hbm>> -> memref<1280x128xf32, #tpu.memory_space<hbm>>
      %dma_wait3A_615 = arith.constant 0 : i32
      %dma_wait3A_616 = tpu.memref_slice %dma_wait3A_614[%mul3A_291, %dma_wait3A_615] : memref<1280x128xf32, #tpu.memory_space<hbm>> -> memref<64x128xf32, #tpu.memory_space<hbm>>
      %dma_wait3A_617 = arith.constant 0 : i32
      %dma_wait3A_618 = arith.constant 0 : i32
      %dma_wait3A_619 = tpu.memref_slice %arg6[%select_n3A_258, %dma_wait3A_617, %dma_wait3A_618] : memref<16x1280x128xf32, #tpu.memory_space<hbm>> -> memref<1x1280x128xf32, #tpu.memory_space<hbm>>
      %dma_wait3A_620 = tpu.memref_squeeze %dma_wait3A_619 : memref<1x1280x128xf32, #tpu.memory_space<hbm>> -> memref<1280x128xf32, #tpu.memory_space<hbm>>
      %dma_wait3A_621 = arith.constant 0 : i32
      %dma_wait3A_622 = tpu.memref_slice %dma_wait3A_620[%mul3A_291, %dma_wait3A_621] : memref<1280x128xf32, #tpu.memory_space<hbm>> -> memref<64x128xf32, #tpu.memory_space<hbm>>
      tpu.wait_dma2 semaphore(%run_scoped3A : memref<!tpu.dma_semaphore, #tpu.memory_space<semaphore_mem>>) src(%arg14 : memref<64x128xf32, #tpu.memory_space<vmem>>) dst(%dma_wait3A_622 : memref<64x128xf32, #tpu.memory_space<hbm>>)
      tpu.yield
    }) : () -> ()
    %mul3A_292 = arith.constant 10 : i32
    %mul3A_293 = arith.muli %add3A, %mul3A_292 : i32
    %add3A_294 = arith.constant 5 : i32
    %add3A_295 = arith.addi %mul3A_293, %add3A_294 : i32
    %jit3A_296 = arith.constant 20 : i32
    %div3A_297 = arith.divsi %add3A_295, %jit3A_296 : i32
    %sign3A_298 = arith.constant 0 : i32
    %sign3A_299 = arith.cmpi sgt, %add3A_295, %sign3A_298 : i32
    %sign3A_300 = arith.extui %sign3A_299 : i1 to i32
    %sign3A_301 = arith.constant 0 : i32
    %sign3A_302 = arith.cmpi slt, %add3A_295, %sign3A_301 : i32
    %sign3A_303 = arith.extui %sign3A_302 : i1 to i32
    %sign3A_304 = arith.subi %sign3A_300, %sign3A_303 : i32
    %sign3A_305 = arith.constant 0 : i32
    %sign3A_306 = arith.cmpi sgt, %jit3A_296, %sign3A_305 : i32
    %sign3A_307 = arith.extui %sign3A_306 : i1 to i32
    %sign3A_308 = arith.constant 0 : i32
    %sign3A_309 = arith.cmpi slt, %jit3A_296, %sign3A_308 : i32
    %sign3A_310 = arith.extui %sign3A_309 : i1 to i32
    %sign3A_311 = arith.subi %sign3A_307, %sign3A_310 : i32
    %ne3A_312 = arith.cmpi ne, %sign3A_304, %sign3A_311 : i32
    %rem3A_313 = arith.remsi %add3A_295, %jit3A_296 : i32
    %ne3A_314 = arith.constant 0 : i32
    %ne3A_315 = arith.cmpi ne, %rem3A_313, %ne3A_314 : i32
    %and3A_316 = arith.andi %ne3A_312, %ne3A_315 : i1
    %sub3A_317 = arith.constant 1 : i32
    %sub3A_318 = arith.subi %div3A_297, %sub3A_317 : i32
    %select_n3A_319 = arith.select %and3A_316, %sub3A_318, %div3A_297 : i32
    %mul3A_320 = arith.constant 20 : i32
    %mul3A_321 = arith.muli %select_n3A_319, %mul3A_320 : i32
    %sub3A_322 = arith.subi %add3A_295, %mul3A_321 : i32
    "tpu.region"() ({
      %run_scoped3A = tpu.sem_alloc : memref<!tpu.dma_semaphore, #tpu.memory_space<semaphore_mem>>
      %dma_start3A_599 = arith.constant 0 : i32
      %dma_start3A_600 = arith.constant 0 : i32
      %dma_start3A_601 = tpu.memref_slice %arg2[%select_n3A_319, %dma_start3A_599, %dma_start3A_600] : memref<16x20x4096xf32, #tpu.memory_space<hbm>> -> memref<1x20x4096xf32, #tpu.memory_space<hbm>>
      %dma_start3A_602 = tpu.memref_squeeze %dma_start3A_601 : memref<1x20x4096xf32, #tpu.memory_space<hbm>> -> memref<20x4096xf32, #tpu.memory_space<hbm>>
      %dma_start3A_603 = arith.constant 0 : i32
      %dma_start3A_604 = tpu.memref_slice %dma_start3A_602[%sub3A_322, %dma_start3A_603] : memref<20x4096xf32, #tpu.memory_space<hbm>> -> memref<1x4096xf32, #tpu.memory_space<hbm>>
      %dma_start3A_605 = tpu.memref_squeeze %dma_start3A_604 : memref<1x4096xf32, #tpu.memory_space<hbm>> -> memref<4096xf32, #tpu.memory_space<hbm>>
      %dma_start3A_606 = arith.constant 0 : i32
      %dma_start3A_607 = arith.constant 0 : i32
      %dma_start3A_608 = tpu.memref_slice %arg2[%select_n3A_319, %dma_start3A_606, %dma_start3A_607] : memref<16x20x4096xf32, #tpu.memory_space<hbm>> -> memref<1x20x4096xf32, #tpu.memory_space<hbm>>
      %dma_start3A_609 = tpu.memref_squeeze %dma_start3A_608 : memref<1x20x4096xf32, #tpu.memory_space<hbm>> -> memref<20x4096xf32, #tpu.memory_space<hbm>>
      %dma_start3A_610 = arith.constant 0 : i32
      %dma_start3A_611 = tpu.memref_slice %dma_start3A_609[%sub3A_322, %dma_start3A_610] : memref<20x4096xf32, #tpu.memory_space<hbm>> -> memref<1x4096xf32, #tpu.memory_space<hbm>>
      %dma_start3A_612 = tpu.memref_squeeze %dma_start3A_611 : memref<1x4096xf32, #tpu.memory_space<hbm>> -> memref<4096xf32, #tpu.memory_space<hbm>>
      tpu.enqueue_dma source(%dma_start3A_612 : memref<4096xf32, #tpu.memory_space<hbm>>) target(%arg9 : memref<4096xf32, #tpu.memory_space<vmem>>) target_semaphore(%run_scoped3A : memref<!tpu.dma_semaphore, #tpu.memory_space<semaphore_mem>>)
      %dma_wait3A_613 = arith.constant 0 : i32
      %dma_wait3A_614 = arith.constant 0 : i32
      %dma_wait3A_615 = tpu.memref_slice %arg2[%select_n3A_319, %dma_wait3A_613, %dma_wait3A_614] : memref<16x20x4096xf32, #tpu.memory_space<hbm>> -> memref<1x20x4096xf32, #tpu.memory_space<hbm>>
      %dma_wait3A_616 = tpu.memref_squeeze %dma_wait3A_615 : memref<1x20x4096xf32, #tpu.memory_space<hbm>> -> memref<20x4096xf32, #tpu.memory_space<hbm>>
      %dma_wait3A_617 = arith.constant 0 : i32
      %dma_wait3A_618 = tpu.memref_slice %dma_wait3A_616[%sub3A_322, %dma_wait3A_617] : memref<20x4096xf32, #tpu.memory_space<hbm>> -> memref<1x4096xf32, #tpu.memory_space<hbm>>
      %dma_wait3A_619 = tpu.memref_squeeze %dma_wait3A_618 : memref<1x4096xf32, #tpu.memory_space<hbm>> -> memref<4096xf32, #tpu.memory_space<hbm>>
      %dma_wait3A_620 = arith.constant 0 : i32
      %dma_wait3A_621 = arith.constant 0 : i32
      %dma_wait3A_622 = tpu.memref_slice %arg2[%select_n3A_319, %dma_wait3A_620, %dma_wait3A_621] : memref<16x20x4096xf32, #tpu.memory_space<hbm>> -> memref<1x20x4096xf32, #tpu.memory_space<hbm>>
      %dma_wait3A_623 = tpu.memref_squeeze %dma_wait3A_622 : memref<1x20x4096xf32, #tpu.memory_space<hbm>> -> memref<20x4096xf32, #tpu.memory_space<hbm>>
      %dma_wait3A_624 = arith.constant 0 : i32
      %dma_wait3A_625 = tpu.memref_slice %dma_wait3A_623[%sub3A_322, %dma_wait3A_624] : memref<20x4096xf32, #tpu.memory_space<hbm>> -> memref<1x4096xf32, #tpu.memory_space<hbm>>
      %dma_wait3A_626 = tpu.memref_squeeze %dma_wait3A_625 : memref<1x4096xf32, #tpu.memory_space<hbm>> -> memref<4096xf32, #tpu.memory_space<hbm>>
      tpu.wait_dma2 semaphore(%run_scoped3A : memref<!tpu.dma_semaphore, #tpu.memory_space<semaphore_mem>>) src(%dma_wait3A_626 : memref<4096xf32, #tpu.memory_space<hbm>>) dst(%arg9 : memref<4096xf32, #tpu.memory_space<vmem>>)
      tpu.yield
    }) : () -> ()
    %broadcast_in_dim3A_323 = arith.constant 1 : i32
    %broadcast_in_dim3A_324 = vector.broadcast %broadcast_in_dim3A_323 : i32 to vector<16xi32>
    %broadcast_in_dim3A_325 = arith.constant 0 : i32
    %broadcast_in_dim3A_326 = vector.broadcast %broadcast_in_dim3A_325 : i32 to vector<16xi32>
    %broadcast_in_dim3A_327 = arith.constant 0 : i32
    %broadcast_in_dim3A_328 = vector.broadcast %broadcast_in_dim3A_327 : i32 to vector<16xi32>
    %scan3A_329 = arith.constant 0 : i32
    %scan3A_330 = arith.constant 128 : i32
    %scan3A_331 = arith.addi %scan3A_329, %scan3A_330 : i32
    %scan3A_332 = arith.constant 1 : i32
    %scan3A_333 = scf.for %scan3A_599 = %scan3A_329 to %scan3A_331 step %scan3A_332 iter_args(%scan3A_600 = %broadcast_in_dim3A_328) -> (vector<16xi32>)  : i32 {
      %mul3A_601 = arith.constant 2 : i32
      %mul3A_602 = arith.muli %scan3A_599, %mul3A_601 : i32
      %add3A_603 = arith.constant 0 : i32
      %add3A_604 = arith.addi %mul3A_602, %add3A_603 : i32
      %mul3A_605 = arith.constant 16 : i32
      %mul3A_606 = arith.muli %add3A_604, %mul3A_605 : i32
      %get3A = arith.index_cast %mul3A_606 : i32 to index
      %get3A_607 = tpu.vector_load %arg9[%get3A] {strides = array<i32>} : memref<4096xf32, #tpu.memory_space<vmem>>, vector<16xf32>,
      %gt3A = arith.constant 5.000000e-01 : f32
      %gt3A_608 = vector.broadcast %gt3A : f32 to vector<16xf32>
      %gt3A_609 = arith.cmpf ogt, %get3A_607, %gt3A_608 : vector<16xf32>
      %select_n3A_610 = arith.select %gt3A_609, %broadcast_in_dim3A_324, %broadcast_in_dim3A_326 : vector<16xi1>, vector<16xi32>
      %broadcast_in_dim3A_611 = arith.constant true
      %broadcast_in_dim3A_612 = vector.broadcast %broadcast_in_dim3A_611 : i1 to vector<16xi1>
      %masked_cumsum3A = tpu.scan <sum>, %select_n3A_610 masked %broadcast_in_dim3A_612 : vector<16xi32>, vector<16xi1> -> vector<16xi32>
      %sub3A_613 = arith.subi %masked_cumsum3A, %select_n3A_610 : vector<16xi32>
      %iota3A = tpu.iota {dimensions = array<i32: 0>} : vector<16xi32>
      %mul3A_614 = arith.constant 16 : i32
      %mul3A_615 = arith.muli %add3A_604, %mul3A_614 : i32
      %add3A_616 = vector.broadcast %mul3A_615 : i32 to vector<16xi32>
      %add3A_617 = arith.addi %iota3A, %add3A_616 : vector<16xi32>
      %add3A_618 = arith.addi %sub3A_613, %scan3A_600 : vector<16xi32>
      tpu.vector_store_idx %arg12[%add3A_618], %add3A_617 masked %gt3A_609 : memref<64xi32, #tpu.memory_space<vmem>>[vector<16xi32>], vector<16xi32>, vector<16xi1>
      %all_reduce_population_count3A = tpu.all_reduce %gt3A_609 {dim = 0 : i64, kind = #tpu.reduction_kind<sum>} : vector<16xi1> -> vector<16xi32>
      %add3A_619 = arith.addi %scan3A_600, %all_reduce_population_count3A : vector<16xi32>
      %mul3A_620 = arith.constant 2 : i32
      %mul3A_621 = arith.muli %scan3A_599, %mul3A_620 : i32
      %add3A_622 = arith.constant 1 : i32
      %add3A_623 = arith.addi %mul3A_621, %add3A_622 : i32
      %mul3A_624 = arith.constant 16 : i32
      %mul3A_625 = arith.muli %add3A_623, %mul3A_624 : i32
      %get3A_626 = arith.index_cast %mul3A_625 : i32 to index
      %get3A_627 = tpu.vector_load %arg9[%get3A_626] {strides = array<i32>} : memref<4096xf32, #tpu.memory_space<vmem>>, vector<16xf32>,
      %gt3A_628 = arith.constant 5.000000e-01 : f32
      %gt3A_629 = vector.broadcast %gt3A_628 : f32 to vector<16xf32>
      %gt3A_630 = arith.cmpf ogt, %get3A_627, %gt3A_629 : vector<16xf32>
      %select_n3A_631 = arith.select %gt3A_630, %broadcast_in_dim3A_324, %broadcast_in_dim3A_326 : vector<16xi1>, vector<16xi32>
      %broadcast_in_dim3A_632 = arith.constant true
      %broadcast_in_dim3A_633 = vector.broadcast %broadcast_in_dim3A_632 : i1 to vector<16xi1>
      %masked_cumsum3A_634 = tpu.scan <sum>, %select_n3A_631 masked %broadcast_in_dim3A_633 : vector<16xi32>, vector<16xi1> -> vector<16xi32>
      %sub3A_635 = arith.subi %masked_cumsum3A_634, %select_n3A_631 : vector<16xi32>
      %iota3A_636 = tpu.iota {dimensions = array<i32: 0>} : vector<16xi32>
      %mul3A_637 = arith.constant 16 : i32
      %mul3A_638 = arith.muli %add3A_623, %mul3A_637 : i32
      %add3A_639 = vector.broadcast %mul3A_638 : i32 to vector<16xi32>
      %add3A_640 = arith.addi %iota3A_636, %add3A_639 : vector<16xi32>
      %add3A_641 = arith.addi %sub3A_635, %add3A_619 : vector<16xi32>
      tpu.vector_store_idx %arg12[%add3A_641], %add3A_640 masked %gt3A_630 : memref<64xi32, #tpu.memory_space<vmem>>[vector<16xi32>], vector<16xi32>, vector<16xi1>
      %all_reduce_population_count3A_642 = tpu.all_reduce %gt3A_630 {dim = 0 : i64, kind = #tpu.reduction_kind<sum>} : vector<16xi1> -> vector<16xi32>
      %add3A_643 = arith.addi %add3A_619, %all_reduce_population_count3A_642 : vector<16xi32>
      scf.yield %add3A_643 : vector<16xi32>
    }
    %scan3A_334 = arith.constant 128 : i32
    %slice3A_335 = vector.extract_strided_slice %scan3A_333 {offsets = [0], sizes = [1], strides = [1]} : vector<16xi32> to vector<1xi32>
    %squeeze3A_336 = vector.extract %slice3A_335[0] : i32 from vector<1xi32>
    %dma_start3A_337 = arith.constant 0 : i32
    %dma_start3A_338 = arith.constant 0 : i32
    %dma_start3A_339 = tpu.memref_slice %arg4[%select_n3A_319, %dma_start3A_337, %dma_start3A_338] : memref<16x4096x128xf32, #tpu.memory_space<hbm>> -> memref<1x4096x128xf32, #tpu.memory_space<hbm>>
    %dma_start3A_340 = tpu.memref_squeeze %dma_start3A_339 : memref<1x4096x128xf32, #tpu.memory_space<hbm>> -> memref<4096x128xf32, #tpu.memory_space<hbm>>
    %dma_start3A_341 = arith.constant 0 : i32
    %dma_start3A_342 = arith.constant 0 : i32
    %dma_start3A_343 = tpu.memref_slice %dma_start3A_340[%dma_start3A_341, %dma_start3A_342] : memref<4096x128xf32, #tpu.memory_space<hbm>> -> memref<4096x128xf32, #tpu.memory_space<hbm>>
    tpu.enqueue_indirect_dma source(%dma_start3A_343 : memref<4096x128xf32, #tpu.memory_space<hbm>>) target(%arg14 : memref<64x128xf32, #tpu.memory_space<vmem>>) offsets(%arg12 : memref<64xi32, #tpu.memory_space<vmem>>) semaphore(%arg17 : memref<!tpu.dma_semaphore, #tpu.memory_space<semaphore_mem>>)
    %dma_wait3A_344 = arith.constant 0 : i32
    %dma_wait3A_345 = arith.constant 0 : i32
    %dma_wait3A_346 = tpu.memref_slice %arg4[%select_n3A_319, %dma_wait3A_344, %dma_wait3A_345] : memref<16x4096x128xf32, #tpu.memory_space<hbm>> -> memref<1x4096x128xf32, #tpu.memory_space<hbm>>
    %dma_wait3A_347 = tpu.memref_squeeze %dma_wait3A_346 : memref<1x4096x128xf32, #tpu.memory_space<hbm>> -> memref<4096x128xf32, #tpu.memory_space<hbm>>
    %dma_wait3A_348 = arith.constant 0 : i32
    %dma_wait3A_349 = arith.constant 0 : i32
    %dma_wait3A_350 = tpu.memref_slice %dma_wait3A_347[%dma_wait3A_348, %dma_wait3A_349] : memref<4096x128xf32, #tpu.memory_space<hbm>> -> memref<4096x128xf32, #tpu.memory_space<hbm>>
    tpu.wait_indirect_dma semaphore(%arg17 : memref<!tpu.dma_semaphore, #tpu.memory_space<semaphore_mem>>) src(%dma_wait3A_350 : memref<4096x128xf32, #tpu.memory_space<hbm>>) dst(%arg14 : memref<64x128xf32, #tpu.memory_space<vmem>>)
    %mul3A_351 = arith.constant 64 : i32
    %mul3A_352 = arith.muli %sub3A_322, %mul3A_351 : i32
    "tpu.region"() ({
      %run_scoped3A = tpu.sem_alloc : memref<!tpu.dma_semaphore, #tpu.memory_space<semaphore_mem>>
      %dma_start3A_599 = arith.constant 0 : i32
      %dma_start3A_600 = arith.constant 0 : i32
      %dma_start3A_601 = tpu.memref_slice %arg6[%select_n3A_319, %dma_start3A_599, %dma_start3A_600] : memref<16x1280x128xf32, #tpu.memory_space<hbm>> -> memref<1x1280x128xf32, #tpu.memory_space<hbm>>
      %dma_start3A_602 = tpu.memref_squeeze %dma_start3A_601 : memref<1x1280x128xf32, #tpu.memory_space<hbm>> -> memref<1280x128xf32, #tpu.memory_space<hbm>>
      %dma_start3A_603 = arith.constant 0 : i32
      %dma_start3A_604 = tpu.memref_slice %dma_start3A_602[%mul3A_352, %dma_start3A_603] : memref<1280x128xf32, #tpu.memory_space<hbm>> -> memref<64x128xf32, #tpu.memory_space<hbm>>
      %dma_start3A_605 = arith.constant 0 : i32
      %dma_start3A_606 = arith.constant 0 : i32
      %dma_start3A_607 = tpu.memref_slice %arg6[%select_n3A_319, %dma_start3A_605, %dma_start3A_606] : memref<16x1280x128xf32, #tpu.memory_space<hbm>> -> memref<1x1280x128xf32, #tpu.memory_space<hbm>>
      %dma_start3A_608 = tpu.memref_squeeze %dma_start3A_607 : memref<1x1280x128xf32, #tpu.memory_space<hbm>> -> memref<1280x128xf32, #tpu.memory_space<hbm>>
      %dma_start3A_609 = arith.constant 0 : i32
      %dma_start3A_610 = tpu.memref_slice %dma_start3A_608[%mul3A_352, %dma_start3A_609] : memref<1280x128xf32, #tpu.memory_space<hbm>> -> memref<64x128xf32, #tpu.memory_space<hbm>>
      tpu.enqueue_dma source(%arg14 : memref<64x128xf32, #tpu.memory_space<vmem>>) target(%dma_start3A_610 : memref<64x128xf32, #tpu.memory_space<hbm>>) target_semaphore(%run_scoped3A : memref<!tpu.dma_semaphore, #tpu.memory_space<semaphore_mem>>)
      %dma_wait3A_611 = arith.constant 0 : i32
      %dma_wait3A_612 = arith.constant 0 : i32
      %dma_wait3A_613 = tpu.memref_slice %arg6[%select_n3A_319, %dma_wait3A_611, %dma_wait3A_612] : memref<16x1280x128xf32, #tpu.memory_space<hbm>> -> memref<1x1280x128xf32, #tpu.memory_space<hbm>>
      %dma_wait3A_614 = tpu.memref_squeeze %dma_wait3A_613 : memref<1x1280x128xf32, #tpu.memory_space<hbm>> -> memref<1280x128xf32, #tpu.memory_space<hbm>>
      %dma_wait3A_615 = arith.constant 0 : i32
      %dma_wait3A_616 = tpu.memref_slice %dma_wait3A_614[%mul3A_352, %dma_wait3A_615] : memref<1280x128xf32, #tpu.memory_space<hbm>> -> memref<64x128xf32, #tpu.memory_space<hbm>>
      %dma_wait3A_617 = arith.constant 0 : i32
      %dma_wait3A_618 = arith.constant 0 : i32
      %dma_wait3A_619 = tpu.memref_slice %arg6[%select_n3A_319, %dma_wait3A_617, %dma_wait3A_618] : memref<16x1280x128xf32, #tpu.memory_space<hbm>> -> memref<1x1280x128xf32, #tpu.memory_space<hbm>>
      %dma_wait3A_620 = tpu.memref_squeeze %dma_wait3A_619 : memref<1x1280x128xf32, #tpu.memory_space<hbm>> -> memref<1280x128xf32, #tpu.memory_space<hbm>>
      %dma_wait3A_621 = arith.constant 0 : i32
      %dma_wait3A_622 = tpu.memref_slice %dma_wait3A_620[%mul3A_352, %dma_wait3A_621] : memref<1280x128xf32, #tpu.memory_space<hbm>> -> memref<64x128xf32, #tpu.memory_space<hbm>>
      tpu.wait_dma2 semaphore(%run_scoped3A : memref<!tpu.dma_semaphore, #tpu.memory_space<semaphore_mem>>) src(%arg14 : memref<64x128xf32, #tpu.memory_space<vmem>>) dst(%dma_wait3A_622 : memref<64x128xf32, #tpu.memory_space<hbm>>)
      tpu.yield
    }) : () -> ()
    %mul3A_353 = arith.constant 10 : i32
    %mul3A_354 = arith.muli %add3A, %mul3A_353 : i32
    %add3A_355 = arith.constant 6 : i32
    %add3A_356 = arith.addi %mul3A_354, %add3A_355 : i32
    %jit3A_357 = arith.constant 20 : i32
    %div3A_358 = arith.divsi %add3A_356, %jit3A_357 : i32
    %sign3A_359 = arith.constant 0 : i32
    %sign3A_360 = arith.cmpi sgt, %add3A_356, %sign3A_359 : i32
    %sign3A_361 = arith.extui %sign3A_360 : i1 to i32
    %sign3A_362 = arith.constant 0 : i32
    %sign3A_363 = arith.cmpi slt, %add3A_356, %sign3A_362 : i32
    %sign3A_364 = arith.extui %sign3A_363 : i1 to i32
    %sign3A_365 = arith.subi %sign3A_361, %sign3A_364 : i32
    %sign3A_366 = arith.constant 0 : i32
    %sign3A_367 = arith.cmpi sgt, %jit3A_357, %sign3A_366 : i32
    %sign3A_368 = arith.extui %sign3A_367 : i1 to i32
    %sign3A_369 = arith.constant 0 : i32
    %sign3A_370 = arith.cmpi slt, %jit3A_357, %sign3A_369 : i32
    %sign3A_371 = arith.extui %sign3A_370 : i1 to i32
    %sign3A_372 = arith.subi %sign3A_368, %sign3A_371 : i32
    %ne3A_373 = arith.cmpi ne, %sign3A_365, %sign3A_372 : i32
    %rem3A_374 = arith.remsi %add3A_356, %jit3A_357 : i32
    %ne3A_375 = arith.constant 0 : i32
    %ne3A_376 = arith.cmpi ne, %rem3A_374, %ne3A_375 : i32
    %and3A_377 = arith.andi %ne3A_373, %ne3A_376 : i1
    %sub3A_378 = arith.constant 1 : i32
    %sub3A_379 = arith.subi %div3A_358, %sub3A_378 : i32
    %select_n3A_380 = arith.select %and3A_377, %sub3A_379, %div3A_358 : i32
    %mul3A_381 = arith.constant 20 : i32
    %mul3A_382 = arith.muli %select_n3A_380, %mul3A_381 : i32
    %sub3A_383 = arith.subi %add3A_356, %mul3A_382 : i32
    "tpu.region"() ({
      %run_scoped3A = tpu.sem_alloc : memref<!tpu.dma_semaphore, #tpu.memory_space<semaphore_mem>>
      %dma_start3A_599 = arith.constant 0 : i32
      %dma_start3A_600 = arith.constant 0 : i32
      %dma_start3A_601 = tpu.memref_slice %arg2[%select_n3A_380, %dma_start3A_599, %dma_start3A_600] : memref<16x20x4096xf32, #tpu.memory_space<hbm>> -> memref<1x20x4096xf32, #tpu.memory_space<hbm>>
      %dma_start3A_602 = tpu.memref_squeeze %dma_start3A_601 : memref<1x20x4096xf32, #tpu.memory_space<hbm>> -> memref<20x4096xf32, #tpu.memory_space<hbm>>
      %dma_start3A_603 = arith.constant 0 : i32
      %dma_start3A_604 = tpu.memref_slice %dma_start3A_602[%sub3A_383, %dma_start3A_603] : memref<20x4096xf32, #tpu.memory_space<hbm>> -> memref<1x4096xf32, #tpu.memory_space<hbm>>
      %dma_start3A_605 = tpu.memref_squeeze %dma_start3A_604 : memref<1x4096xf32, #tpu.memory_space<hbm>> -> memref<4096xf32, #tpu.memory_space<hbm>>
      %dma_start3A_606 = arith.constant 0 : i32
      %dma_start3A_607 = arith.constant 0 : i32
      %dma_start3A_608 = tpu.memref_slice %arg2[%select_n3A_380, %dma_start3A_606, %dma_start3A_607] : memref<16x20x4096xf32, #tpu.memory_space<hbm>> -> memref<1x20x4096xf32, #tpu.memory_space<hbm>>
      %dma_start3A_609 = tpu.memref_squeeze %dma_start3A_608 : memref<1x20x4096xf32, #tpu.memory_space<hbm>> -> memref<20x4096xf32, #tpu.memory_space<hbm>>
      %dma_start3A_610 = arith.constant 0 : i32
      %dma_start3A_611 = tpu.memref_slice %dma_start3A_609[%sub3A_383, %dma_start3A_610] : memref<20x4096xf32, #tpu.memory_space<hbm>> -> memref<1x4096xf32, #tpu.memory_space<hbm>>
      %dma_start3A_612 = tpu.memref_squeeze %dma_start3A_611 : memref<1x4096xf32, #tpu.memory_space<hbm>> -> memref<4096xf32, #tpu.memory_space<hbm>>
      tpu.enqueue_dma source(%dma_start3A_612 : memref<4096xf32, #tpu.memory_space<hbm>>) target(%arg9 : memref<4096xf32, #tpu.memory_space<vmem>>) target_semaphore(%run_scoped3A : memref<!tpu.dma_semaphore, #tpu.memory_space<semaphore_mem>>)
      %dma_wait3A_613 = arith.constant 0 : i32
      %dma_wait3A_614 = arith.constant 0 : i32
      %dma_wait3A_615 = tpu.memref_slice %arg2[%select_n3A_380, %dma_wait3A_613, %dma_wait3A_614] : memref<16x20x4096xf32, #tpu.memory_space<hbm>> -> memref<1x20x4096xf32, #tpu.memory_space<hbm>>
      %dma_wait3A_616 = tpu.memref_squeeze %dma_wait3A_615 : memref<1x20x4096xf32, #tpu.memory_space<hbm>> -> memref<20x4096xf32, #tpu.memory_space<hbm>>
      %dma_wait3A_617 = arith.constant 0 : i32
      %dma_wait3A_618 = tpu.memref_slice %dma_wait3A_616[%sub3A_383, %dma_wait3A_617] : memref<20x4096xf32, #tpu.memory_space<hbm>> -> memref<1x4096xf32, #tpu.memory_space<hbm>>
      %dma_wait3A_619 = tpu.memref_squeeze %dma_wait3A_618 : memref<1x4096xf32, #tpu.memory_space<hbm>> -> memref<4096xf32, #tpu.memory_space<hbm>>
      %dma_wait3A_620 = arith.constant 0 : i32
      %dma_wait3A_621 = arith.constant 0 : i32
      %dma_wait3A_622 = tpu.memref_slice %arg2[%select_n3A_380, %dma_wait3A_620, %dma_wait3A_621] : memref<16x20x4096xf32, #tpu.memory_space<hbm>> -> memref<1x20x4096xf32, #tpu.memory_space<hbm>>
      %dma_wait3A_623 = tpu.memref_squeeze %dma_wait3A_622 : memref<1x20x4096xf32, #tpu.memory_space<hbm>> -> memref<20x4096xf32, #tpu.memory_space<hbm>>
      %dma_wait3A_624 = arith.constant 0 : i32
      %dma_wait3A_625 = tpu.memref_slice %dma_wait3A_623[%sub3A_383, %dma_wait3A_624] : memref<20x4096xf32, #tpu.memory_space<hbm>> -> memref<1x4096xf32, #tpu.memory_space<hbm>>
      %dma_wait3A_626 = tpu.memref_squeeze %dma_wait3A_625 : memref<1x4096xf32, #tpu.memory_space<hbm>> -> memref<4096xf32, #tpu.memory_space<hbm>>
      tpu.wait_dma2 semaphore(%run_scoped3A : memref<!tpu.dma_semaphore, #tpu.memory_space<semaphore_mem>>) src(%dma_wait3A_626 : memref<4096xf32, #tpu.memory_space<hbm>>) dst(%arg9 : memref<4096xf32, #tpu.memory_space<vmem>>)
      tpu.yield
    }) : () -> ()
    %broadcast_in_dim3A_384 = arith.constant 1 : i32
    %broadcast_in_dim3A_385 = vector.broadcast %broadcast_in_dim3A_384 : i32 to vector<16xi32>
    %broadcast_in_dim3A_386 = arith.constant 0 : i32
    %broadcast_in_dim3A_387 = vector.broadcast %broadcast_in_dim3A_386 : i32 to vector<16xi32>
    %broadcast_in_dim3A_388 = arith.constant 0 : i32
    %broadcast_in_dim3A_389 = vector.broadcast %broadcast_in_dim3A_388 : i32 to vector<16xi32>
    %scan3A_390 = arith.constant 0 : i32
    %scan3A_391 = arith.constant 128 : i32
    %scan3A_392 = arith.addi %scan3A_390, %scan3A_391 : i32
    %scan3A_393 = arith.constant 1 : i32
    %scan3A_394 = scf.for %scan3A_599 = %scan3A_390 to %scan3A_392 step %scan3A_393 iter_args(%scan3A_600 = %broadcast_in_dim3A_389) -> (vector<16xi32>)  : i32 {
      %mul3A_601 = arith.constant 2 : i32
      %mul3A_602 = arith.muli %scan3A_599, %mul3A_601 : i32
      %add3A_603 = arith.constant 0 : i32
      %add3A_604 = arith.addi %mul3A_602, %add3A_603 : i32
      %mul3A_605 = arith.constant 16 : i32
      %mul3A_606 = arith.muli %add3A_604, %mul3A_605 : i32
      %get3A = arith.index_cast %mul3A_606 : i32 to index
      %get3A_607 = tpu.vector_load %arg9[%get3A] {strides = array<i32>} : memref<4096xf32, #tpu.memory_space<vmem>>, vector<16xf32>,
      %gt3A = arith.constant 5.000000e-01 : f32
      %gt3A_608 = vector.broadcast %gt3A : f32 to vector<16xf32>
      %gt3A_609 = arith.cmpf ogt, %get3A_607, %gt3A_608 : vector<16xf32>
      %select_n3A_610 = arith.select %gt3A_609, %broadcast_in_dim3A_385, %broadcast_in_dim3A_387 : vector<16xi1>, vector<16xi32>
      %broadcast_in_dim3A_611 = arith.constant true
      %broadcast_in_dim3A_612 = vector.broadcast %broadcast_in_dim3A_611 : i1 to vector<16xi1>
      %masked_cumsum3A = tpu.scan <sum>, %select_n3A_610 masked %broadcast_in_dim3A_612 : vector<16xi32>, vector<16xi1> -> vector<16xi32>
      %sub3A_613 = arith.subi %masked_cumsum3A, %select_n3A_610 : vector<16xi32>
      %iota3A = tpu.iota {dimensions = array<i32: 0>} : vector<16xi32>
      %mul3A_614 = arith.constant 16 : i32
      %mul3A_615 = arith.muli %add3A_604, %mul3A_614 : i32
      %add3A_616 = vector.broadcast %mul3A_615 : i32 to vector<16xi32>
      %add3A_617 = arith.addi %iota3A, %add3A_616 : vector<16xi32>
      %add3A_618 = arith.addi %sub3A_613, %scan3A_600 : vector<16xi32>
      tpu.vector_store_idx %arg12[%add3A_618], %add3A_617 masked %gt3A_609 : memref<64xi32, #tpu.memory_space<vmem>>[vector<16xi32>], vector<16xi32>, vector<16xi1>
      %all_reduce_population_count3A = tpu.all_reduce %gt3A_609 {dim = 0 : i64, kind = #tpu.reduction_kind<sum>} : vector<16xi1> -> vector<16xi32>
      %add3A_619 = arith.addi %scan3A_600, %all_reduce_population_count3A : vector<16xi32>
      %mul3A_620 = arith.constant 2 : i32
      %mul3A_621 = arith.muli %scan3A_599, %mul3A_620 : i32
      %add3A_622 = arith.constant 1 : i32
      %add3A_623 = arith.addi %mul3A_621, %add3A_622 : i32
      %mul3A_624 = arith.constant 16 : i32
      %mul3A_625 = arith.muli %add3A_623, %mul3A_624 : i32
      %get3A_626 = arith.index_cast %mul3A_625 : i32 to index
      %get3A_627 = tpu.vector_load %arg9[%get3A_626] {strides = array<i32>} : memref<4096xf32, #tpu.memory_space<vmem>>, vector<16xf32>,
      %gt3A_628 = arith.constant 5.000000e-01 : f32
      %gt3A_629 = vector.broadcast %gt3A_628 : f32 to vector<16xf32>
      %gt3A_630 = arith.cmpf ogt, %get3A_627, %gt3A_629 : vector<16xf32>
      %select_n3A_631 = arith.select %gt3A_630, %broadcast_in_dim3A_385, %broadcast_in_dim3A_387 : vector<16xi1>, vector<16xi32>
      %broadcast_in_dim3A_632 = arith.constant true
      %broadcast_in_dim3A_633 = vector.broadcast %broadcast_in_dim3A_632 : i1 to vector<16xi1>
      %masked_cumsum3A_634 = tpu.scan <sum>, %select_n3A_631 masked %broadcast_in_dim3A_633 : vector<16xi32>, vector<16xi1> -> vector<16xi32>
      %sub3A_635 = arith.subi %masked_cumsum3A_634, %select_n3A_631 : vector<16xi32>
      %iota3A_636 = tpu.iota {dimensions = array<i32: 0>} : vector<16xi32>
      %mul3A_637 = arith.constant 16 : i32
      %mul3A_638 = arith.muli %add3A_623, %mul3A_637 : i32
      %add3A_639 = vector.broadcast %mul3A_638 : i32 to vector<16xi32>
      %add3A_640 = arith.addi %iota3A_636, %add3A_639 : vector<16xi32>
      %add3A_641 = arith.addi %sub3A_635, %add3A_619 : vector<16xi32>
      tpu.vector_store_idx %arg12[%add3A_641], %add3A_640 masked %gt3A_630 : memref<64xi32, #tpu.memory_space<vmem>>[vector<16xi32>], vector<16xi32>, vector<16xi1>
      %all_reduce_population_count3A_642 = tpu.all_reduce %gt3A_630 {dim = 0 : i64, kind = #tpu.reduction_kind<sum>} : vector<16xi1> -> vector<16xi32>
      %add3A_643 = arith.addi %add3A_619, %all_reduce_population_count3A_642 : vector<16xi32>
      scf.yield %add3A_643 : vector<16xi32>
    }
    %scan3A_395 = arith.constant 128 : i32
    %slice3A_396 = vector.extract_strided_slice %scan3A_394 {offsets = [0], sizes = [1], strides = [1]} : vector<16xi32> to vector<1xi32>
    %squeeze3A_397 = vector.extract %slice3A_396[0] : i32 from vector<1xi32>
    %dma_start3A_398 = arith.constant 0 : i32
    %dma_start3A_399 = arith.constant 0 : i32
    %dma_start3A_400 = tpu.memref_slice %arg4[%select_n3A_380, %dma_start3A_398, %dma_start3A_399] : memref<16x4096x128xf32, #tpu.memory_space<hbm>> -> memref<1x4096x128xf32, #tpu.memory_space<hbm>>
    %dma_start3A_401 = tpu.memref_squeeze %dma_start3A_400 : memref<1x4096x128xf32, #tpu.memory_space<hbm>> -> memref<4096x128xf32, #tpu.memory_space<hbm>>
    %dma_start3A_402 = arith.constant 0 : i32
    %dma_start3A_403 = arith.constant 0 : i32
    %dma_start3A_404 = tpu.memref_slice %dma_start3A_401[%dma_start3A_402, %dma_start3A_403] : memref<4096x128xf32, #tpu.memory_space<hbm>> -> memref<4096x128xf32, #tpu.memory_space<hbm>>
    tpu.enqueue_indirect_dma source(%dma_start3A_404 : memref<4096x128xf32, #tpu.memory_space<hbm>>) target(%arg14 : memref<64x128xf32, #tpu.memory_space<vmem>>) offsets(%arg12 : memref<64xi32, #tpu.memory_space<vmem>>) semaphore(%arg17 : memref<!tpu.dma_semaphore, #tpu.memory_space<semaphore_mem>>)
    %dma_wait3A_405 = arith.constant 0 : i32
    %dma_wait3A_406 = arith.constant 0 : i32
    %dma_wait3A_407 = tpu.memref_slice %arg4[%select_n3A_380, %dma_wait3A_405, %dma_wait3A_406] : memref<16x4096x128xf32, #tpu.memory_space<hbm>> -> memref<1x4096x128xf32, #tpu.memory_space<hbm>>
    %dma_wait3A_408 = tpu.memref_squeeze %dma_wait3A_407 : memref<1x4096x128xf32, #tpu.memory_space<hbm>> -> memref<4096x128xf32, #tpu.memory_space<hbm>>
    %dma_wait3A_409 = arith.constant 0 : i32
    %dma_wait3A_410 = arith.constant 0 : i32
    %dma_wait3A_411 = tpu.memref_slice %dma_wait3A_408[%dma_wait3A_409, %dma_wait3A_410] : memref<4096x128xf32, #tpu.memory_space<hbm>> -> memref<4096x128xf32, #tpu.memory_space<hbm>>
    tpu.wait_indirect_dma semaphore(%arg17 : memref<!tpu.dma_semaphore, #tpu.memory_space<semaphore_mem>>) src(%dma_wait3A_411 : memref<4096x128xf32, #tpu.memory_space<hbm>>) dst(%arg14 : memref<64x128xf32, #tpu.memory_space<vmem>>)
    %mul3A_412 = arith.constant 64 : i32
    %mul3A_413 = arith.muli %sub3A_383, %mul3A_412 : i32
    "tpu.region"() ({
      %run_scoped3A = tpu.sem_alloc : memref<!tpu.dma_semaphore, #tpu.memory_space<semaphore_mem>>
      %dma_start3A_599 = arith.constant 0 : i32
      %dma_start3A_600 = arith.constant 0 : i32
      %dma_start3A_601 = tpu.memref_slice %arg6[%select_n3A_380, %dma_start3A_599, %dma_start3A_600] : memref<16x1280x128xf32, #tpu.memory_space<hbm>> -> memref<1x1280x128xf32, #tpu.memory_space<hbm>>
      %dma_start3A_602 = tpu.memref_squeeze %dma_start3A_601 : memref<1x1280x128xf32, #tpu.memory_space<hbm>> -> memref<1280x128xf32, #tpu.memory_space<hbm>>
      %dma_start3A_603 = arith.constant 0 : i32
      %dma_start3A_604 = tpu.memref_slice %dma_start3A_602[%mul3A_413, %dma_start3A_603] : memref<1280x128xf32, #tpu.memory_space<hbm>> -> memref<64x128xf32, #tpu.memory_space<hbm>>
      %dma_start3A_605 = arith.constant 0 : i32
      %dma_start3A_606 = arith.constant 0 : i32
      %dma_start3A_607 = tpu.memref_slice %arg6[%select_n3A_380, %dma_start3A_605, %dma_start3A_606] : memref<16x1280x128xf32, #tpu.memory_space<hbm>> -> memref<1x1280x128xf32, #tpu.memory_space<hbm>>
      %dma_start3A_608 = tpu.memref_squeeze %dma_start3A_607 : memref<1x1280x128xf32, #tpu.memory_space<hbm>> -> memref<1280x128xf32, #tpu.memory_space<hbm>>
      %dma_start3A_609 = arith.constant 0 : i32
      %dma_start3A_610 = tpu.memref_slice %dma_start3A_608[%mul3A_413, %dma_start3A_609] : memref<1280x128xf32, #tpu.memory_space<hbm>> -> memref<64x128xf32, #tpu.memory_space<hbm>>
      tpu.enqueue_dma source(%arg14 : memref<64x128xf32, #tpu.memory_space<vmem>>) target(%dma_start3A_610 : memref<64x128xf32, #tpu.memory_space<hbm>>) target_semaphore(%run_scoped3A : memref<!tpu.dma_semaphore, #tpu.memory_space<semaphore_mem>>)
      %dma_wait3A_611 = arith.constant 0 : i32
      %dma_wait3A_612 = arith.constant 0 : i32
      %dma_wait3A_613 = tpu.memref_slice %arg6[%select_n3A_380, %dma_wait3A_611, %dma_wait3A_612] : memref<16x1280x128xf32, #tpu.memory_space<hbm>> -> memref<1x1280x128xf32, #tpu.memory_space<hbm>>
      %dma_wait3A_614 = tpu.memref_squeeze %dma_wait3A_613 : memref<1x1280x128xf32, #tpu.memory_space<hbm>> -> memref<1280x128xf32, #tpu.memory_space<hbm>>
      %dma_wait3A_615 = arith.constant 0 : i32
      %dma_wait3A_616 = tpu.memref_slice %dma_wait3A_614[%mul3A_413, %dma_wait3A_615] : memref<1280x128xf32, #tpu.memory_space<hbm>> -> memref<64x128xf32, #tpu.memory_space<hbm>>
      %dma_wait3A_617 = arith.constant 0 : i32
      %dma_wait3A_618 = arith.constant 0 : i32
      %dma_wait3A_619 = tpu.memref_slice %arg6[%select_n3A_380, %dma_wait3A_617, %dma_wait3A_618] : memref<16x1280x128xf32, #tpu.memory_space<hbm>> -> memref<1x1280x128xf32, #tpu.memory_space<hbm>>
      %dma_wait3A_620 = tpu.memref_squeeze %dma_wait3A_619 : memref<1x1280x128xf32, #tpu.memory_space<hbm>> -> memref<1280x128xf32, #tpu.memory_space<hbm>>
      %dma_wait3A_621 = arith.constant 0 : i32
      %dma_wait3A_622 = tpu.memref_slice %dma_wait3A_620[%mul3A_413, %dma_wait3A_621] : memref<1280x128xf32, #tpu.memory_space<hbm>> -> memref<64x128xf32, #tpu.memory_space<hbm>>
      tpu.wait_dma2 semaphore(%run_scoped3A : memref<!tpu.dma_semaphore, #tpu.memory_space<semaphore_mem>>) src(%arg14 : memref<64x128xf32, #tpu.memory_space<vmem>>) dst(%dma_wait3A_622 : memref<64x128xf32, #tpu.memory_space<hbm>>)
      tpu.yield
    }) : () -> ()
    %mul3A_414 = arith.constant 10 : i32
    %mul3A_415 = arith.muli %add3A, %mul3A_414 : i32
    %add3A_416 = arith.constant 7 : i32
    %add3A_417 = arith.addi %mul3A_415, %add3A_416 : i32
    %jit3A_418 = arith.constant 20 : i32
    %div3A_419 = arith.divsi %add3A_417, %jit3A_418 : i32
    %sign3A_420 = arith.constant 0 : i32
    %sign3A_421 = arith.cmpi sgt, %add3A_417, %sign3A_420 : i32
    %sign3A_422 = arith.extui %sign3A_421 : i1 to i32
    %sign3A_423 = arith.constant 0 : i32
    %sign3A_424 = arith.cmpi slt, %add3A_417, %sign3A_423 : i32
    %sign3A_425 = arith.extui %sign3A_424 : i1 to i32
    %sign3A_426 = arith.subi %sign3A_422, %sign3A_425 : i32
    %sign3A_427 = arith.constant 0 : i32
    %sign3A_428 = arith.cmpi sgt, %jit3A_418, %sign3A_427 : i32
    %sign3A_429 = arith.extui %sign3A_428 : i1 to i32
    %sign3A_430 = arith.constant 0 : i32
    %sign3A_431 = arith.cmpi slt, %jit3A_418, %sign3A_430 : i32
    %sign3A_432 = arith.extui %sign3A_431 : i1 to i32
    %sign3A_433 = arith.subi %sign3A_429, %sign3A_432 : i32
    %ne3A_434 = arith.cmpi ne, %sign3A_426, %sign3A_433 : i32
    %rem3A_435 = arith.remsi %add3A_417, %jit3A_418 : i32
    %ne3A_436 = arith.constant 0 : i32
    %ne3A_437 = arith.cmpi ne, %rem3A_435, %ne3A_436 : i32
    %and3A_438 = arith.andi %ne3A_434, %ne3A_437 : i1
    %sub3A_439 = arith.constant 1 : i32
    %sub3A_440 = arith.subi %div3A_419, %sub3A_439 : i32
    %select_n3A_441 = arith.select %and3A_438, %sub3A_440, %div3A_419 : i32
    %mul3A_442 = arith.constant 20 : i32
    %mul3A_443 = arith.muli %select_n3A_441, %mul3A_442 : i32
    %sub3A_444 = arith.subi %add3A_417, %mul3A_443 : i32
    "tpu.region"() ({
      %run_scoped3A = tpu.sem_alloc : memref<!tpu.dma_semaphore, #tpu.memory_space<semaphore_mem>>
      %dma_start3A_599 = arith.constant 0 : i32
      %dma_start3A_600 = arith.constant 0 : i32
      %dma_start3A_601 = tpu.memref_slice %arg2[%select_n3A_441, %dma_start3A_599, %dma_start3A_600] : memref<16x20x4096xf32, #tpu.memory_space<hbm>> -> memref<1x20x4096xf32, #tpu.memory_space<hbm>>
      %dma_start3A_602 = tpu.memref_squeeze %dma_start3A_601 : memref<1x20x4096xf32, #tpu.memory_space<hbm>> -> memref<20x4096xf32, #tpu.memory_space<hbm>>
      %dma_start3A_603 = arith.constant 0 : i32
      %dma_start3A_604 = tpu.memref_slice %dma_start3A_602[%sub3A_444, %dma_start3A_603] : memref<20x4096xf32, #tpu.memory_space<hbm>> -> memref<1x4096xf32, #tpu.memory_space<hbm>>
      %dma_start3A_605 = tpu.memref_squeeze %dma_start3A_604 : memref<1x4096xf32, #tpu.memory_space<hbm>> -> memref<4096xf32, #tpu.memory_space<hbm>>
      %dma_start3A_606 = arith.constant 0 : i32
      %dma_start3A_607 = arith.constant 0 : i32
      %dma_start3A_608 = tpu.memref_slice %arg2[%select_n3A_441, %dma_start3A_606, %dma_start3A_607] : memref<16x20x4096xf32, #tpu.memory_space<hbm>> -> memref<1x20x4096xf32, #tpu.memory_space<hbm>>
      %dma_start3A_609 = tpu.memref_squeeze %dma_start3A_608 : memref<1x20x4096xf32, #tpu.memory_space<hbm>> -> memref<20x4096xf32, #tpu.memory_space<hbm>>
      %dma_start3A_610 = arith.constant 0 : i32
      %dma_start3A_611 = tpu.memref_slice %dma_start3A_609[%sub3A_444, %dma_start3A_610] : memref<20x4096xf32, #tpu.memory_space<hbm>> -> memref<1x4096xf32, #tpu.memory_space<hbm>>
      %dma_start3A_612 = tpu.memref_squeeze %dma_start3A_611 : memref<1x4096xf32, #tpu.memory_space<hbm>> -> memref<4096xf32, #tpu.memory_space<hbm>>
      tpu.enqueue_dma source(%dma_start3A_612 : memref<4096xf32, #tpu.memory_space<hbm>>) target(%arg9 : memref<4096xf32, #tpu.memory_space<vmem>>) target_semaphore(%run_scoped3A : memref<!tpu.dma_semaphore, #tpu.memory_space<semaphore_mem>>)
      %dma_wait3A_613 = arith.constant 0 : i32
      %dma_wait3A_614 = arith.constant 0 : i32
      %dma_wait3A_615 = tpu.memref_slice %arg2[%select_n3A_441, %dma_wait3A_613, %dma_wait3A_614] : memref<16x20x4096xf32, #tpu.memory_space<hbm>> -> memref<1x20x4096xf32, #tpu.memory_space<hbm>>
      %dma_wait3A_616 = tpu.memref_squeeze %dma_wait3A_615 : memref<1x20x4096xf32, #tpu.memory_space<hbm>> -> memref<20x4096xf32, #tpu.memory_space<hbm>>
      %dma_wait3A_617 = arith.constant 0 : i32
      %dma_wait3A_618 = tpu.memref_slice %dma_wait3A_616[%sub3A_444, %dma_wait3A_617] : memref<20x4096xf32, #tpu.memory_space<hbm>> -> memref<1x4096xf32, #tpu.memory_space<hbm>>
      %dma_wait3A_619 = tpu.memref_squeeze %dma_wait3A_618 : memref<1x4096xf32, #tpu.memory_space<hbm>> -> memref<4096xf32, #tpu.memory_space<hbm>>
      %dma_wait3A_620 = arith.constant 0 : i32
      %dma_wait3A_621 = arith.constant 0 : i32
      %dma_wait3A_622 = tpu.memref_slice %arg2[%select_n3A_441, %dma_wait3A_620, %dma_wait3A_621] : memref<16x20x4096xf32, #tpu.memory_space<hbm>> -> memref<1x20x4096xf32, #tpu.memory_space<hbm>>
      %dma_wait3A_623 = tpu.memref_squeeze %dma_wait3A_622 : memref<1x20x4096xf32, #tpu.memory_space<hbm>> -> memref<20x4096xf32, #tpu.memory_space<hbm>>
      %dma_wait3A_624 = arith.constant 0 : i32
      %dma_wait3A_625 = tpu.memref_slice %dma_wait3A_623[%sub3A_444, %dma_wait3A_624] : memref<20x4096xf32, #tpu.memory_space<hbm>> -> memref<1x4096xf32, #tpu.memory_space<hbm>>
      %dma_wait3A_626 = tpu.memref_squeeze %dma_wait3A_625 : memref<1x4096xf32, #tpu.memory_space<hbm>> -> memref<4096xf32, #tpu.memory_space<hbm>>
      tpu.wait_dma2 semaphore(%run_scoped3A : memref<!tpu.dma_semaphore, #tpu.memory_space<semaphore_mem>>) src(%dma_wait3A_626 : memref<4096xf32, #tpu.memory_space<hbm>>) dst(%arg9 : memref<4096xf32, #tpu.memory_space<vmem>>)
      tpu.yield
    }) : () -> ()
    %broadcast_in_dim3A_445 = arith.constant 1 : i32
    %broadcast_in_dim3A_446 = vector.broadcast %broadcast_in_dim3A_445 : i32 to vector<16xi32>
    %broadcast_in_dim3A_447 = arith.constant 0 : i32
    %broadcast_in_dim3A_448 = vector.broadcast %broadcast_in_dim3A_447 : i32 to vector<16xi32>
    %broadcast_in_dim3A_449 = arith.constant 0 : i32
    %broadcast_in_dim3A_450 = vector.broadcast %broadcast_in_dim3A_449 : i32 to vector<16xi32>
    %scan3A_451 = arith.constant 0 : i32
    %scan3A_452 = arith.constant 128 : i32
    %scan3A_453 = arith.addi %scan3A_451, %scan3A_452 : i32
    %scan3A_454 = arith.constant 1 : i32
    %scan3A_455 = scf.for %scan3A_599 = %scan3A_451 to %scan3A_453 step %scan3A_454 iter_args(%scan3A_600 = %broadcast_in_dim3A_450) -> (vector<16xi32>)  : i32 {
      %mul3A_601 = arith.constant 2 : i32
      %mul3A_602 = arith.muli %scan3A_599, %mul3A_601 : i32
      %add3A_603 = arith.constant 0 : i32
      %add3A_604 = arith.addi %mul3A_602, %add3A_603 : i32
      %mul3A_605 = arith.constant 16 : i32
      %mul3A_606 = arith.muli %add3A_604, %mul3A_605 : i32
      %get3A = arith.index_cast %mul3A_606 : i32 to index
      %get3A_607 = tpu.vector_load %arg9[%get3A] {strides = array<i32>} : memref<4096xf32, #tpu.memory_space<vmem>>, vector<16xf32>,
      %gt3A = arith.constant 5.000000e-01 : f32
      %gt3A_608 = vector.broadcast %gt3A : f32 to vector<16xf32>
      %gt3A_609 = arith.cmpf ogt, %get3A_607, %gt3A_608 : vector<16xf32>
      %select_n3A_610 = arith.select %gt3A_609, %broadcast_in_dim3A_446, %broadcast_in_dim3A_448 : vector<16xi1>, vector<16xi32>
      %broadcast_in_dim3A_611 = arith.constant true
      %broadcast_in_dim3A_612 = vector.broadcast %broadcast_in_dim3A_611 : i1 to vector<16xi1>
      %masked_cumsum3A = tpu.scan <sum>, %select_n3A_610 masked %broadcast_in_dim3A_612 : vector<16xi32>, vector<16xi1> -> vector<16xi32>
      %sub3A_613 = arith.subi %masked_cumsum3A, %select_n3A_610 : vector<16xi32>
      %iota3A = tpu.iota {dimensions = array<i32: 0>} : vector<16xi32>
      %mul3A_614 = arith.constant 16 : i32
      %mul3A_615 = arith.muli %add3A_604, %mul3A_614 : i32
      %add3A_616 = vector.broadcast %mul3A_615 : i32 to vector<16xi32>
      %add3A_617 = arith.addi %iota3A, %add3A_616 : vector<16xi32>
      %add3A_618 = arith.addi %sub3A_613, %scan3A_600 : vector<16xi32>
      tpu.vector_store_idx %arg12[%add3A_618], %add3A_617 masked %gt3A_609 : memref<64xi32, #tpu.memory_space<vmem>>[vector<16xi32>], vector<16xi32>, vector<16xi1>
      %all_reduce_population_count3A = tpu.all_reduce %gt3A_609 {dim = 0 : i64, kind = #tpu.reduction_kind<sum>} : vector<16xi1> -> vector<16xi32>
      %add3A_619 = arith.addi %scan3A_600, %all_reduce_population_count3A : vector<16xi32>
      %mul3A_620 = arith.constant 2 : i32
      %mul3A_621 = arith.muli %scan3A_599, %mul3A_620 : i32
      %add3A_622 = arith.constant 1 : i32
      %add3A_623 = arith.addi %mul3A_621, %add3A_622 : i32
      %mul3A_624 = arith.constant 16 : i32
      %mul3A_625 = arith.muli %add3A_623, %mul3A_624 : i32
      %get3A_626 = arith.index_cast %mul3A_625 : i32 to index
      %get3A_627 = tpu.vector_load %arg9[%get3A_626] {strides = array<i32>} : memref<4096xf32, #tpu.memory_space<vmem>>, vector<16xf32>,
      %gt3A_628 = arith.constant 5.000000e-01 : f32
      %gt3A_629 = vector.broadcast %gt3A_628 : f32 to vector<16xf32>
      %gt3A_630 = arith.cmpf ogt, %get3A_627, %gt3A_629 : vector<16xf32>
      %select_n3A_631 = arith.select %gt3A_630, %broadcast_in_dim3A_446, %broadcast_in_dim3A_448 : vector<16xi1>, vector<16xi32>
      %broadcast_in_dim3A_632 = arith.constant true
      %broadcast_in_dim3A_633 = vector.broadcast %broadcast_in_dim3A_632 : i1 to vector<16xi1>
      %masked_cumsum3A_634 = tpu.scan <sum>, %select_n3A_631 masked %broadcast_in_dim3A_633 : vector<16xi32>, vector<16xi1> -> vector<16xi32>
      %sub3A_635 = arith.subi %masked_cumsum3A_634, %select_n3A_631 : vector<16xi32>
      %iota3A_636 = tpu.iota {dimensions = array<i32: 0>} : vector<16xi32>
      %mul3A_637 = arith.constant 16 : i32
      %mul3A_638 = arith.muli %add3A_623, %mul3A_637 : i32
      %add3A_639 = vector.broadcast %mul3A_638 : i32 to vector<16xi32>
      %add3A_640 = arith.addi %iota3A_636, %add3A_639 : vector<16xi32>
      %add3A_641 = arith.addi %sub3A_635, %add3A_619 : vector<16xi32>
      tpu.vector_store_idx %arg12[%add3A_641], %add3A_640 masked %gt3A_630 : memref<64xi32, #tpu.memory_space<vmem>>[vector<16xi32>], vector<16xi32>, vector<16xi1>
      %all_reduce_population_count3A_642 = tpu.all_reduce %gt3A_630 {dim = 0 : i64, kind = #tpu.reduction_kind<sum>} : vector<16xi1> -> vector<16xi32>
      %add3A_643 = arith.addi %add3A_619, %all_reduce_population_count3A_642 : vector<16xi32>
      scf.yield %add3A_643 : vector<16xi32>
    }
    %scan3A_456 = arith.constant 128 : i32
    %slice3A_457 = vector.extract_strided_slice %scan3A_455 {offsets = [0], sizes = [1], strides = [1]} : vector<16xi32> to vector<1xi32>
    %squeeze3A_458 = vector.extract %slice3A_457[0] : i32 from vector<1xi32>
    %dma_start3A_459 = arith.constant 0 : i32
    %dma_start3A_460 = arith.constant 0 : i32
    %dma_start3A_461 = tpu.memref_slice %arg4[%select_n3A_441, %dma_start3A_459, %dma_start3A_460] : memref<16x4096x128xf32, #tpu.memory_space<hbm>> -> memref<1x4096x128xf32, #tpu.memory_space<hbm>>
    %dma_start3A_462 = tpu.memref_squeeze %dma_start3A_461 : memref<1x4096x128xf32, #tpu.memory_space<hbm>> -> memref<4096x128xf32, #tpu.memory_space<hbm>>
    %dma_start3A_463 = arith.constant 0 : i32
    %dma_start3A_464 = arith.constant 0 : i32
    %dma_start3A_465 = tpu.memref_slice %dma_start3A_462[%dma_start3A_463, %dma_start3A_464] : memref<4096x128xf32, #tpu.memory_space<hbm>> -> memref<4096x128xf32, #tpu.memory_space<hbm>>
    tpu.enqueue_indirect_dma source(%dma_start3A_465 : memref<4096x128xf32, #tpu.memory_space<hbm>>) target(%arg14 : memref<64x128xf32, #tpu.memory_space<vmem>>) offsets(%arg12 : memref<64xi32, #tpu.memory_space<vmem>>) semaphore(%arg17 : memref<!tpu.dma_semaphore, #tpu.memory_space<semaphore_mem>>)
    %dma_wait3A_466 = arith.constant 0 : i32
    %dma_wait3A_467 = arith.constant 0 : i32
    %dma_wait3A_468 = tpu.memref_slice %arg4[%select_n3A_441, %dma_wait3A_466, %dma_wait3A_467] : memref<16x4096x128xf32, #tpu.memory_space<hbm>> -> memref<1x4096x128xf32, #tpu.memory_space<hbm>>
    %dma_wait3A_469 = tpu.memref_squeeze %dma_wait3A_468 : memref<1x4096x128xf32, #tpu.memory_space<hbm>> -> memref<4096x128xf32, #tpu.memory_space<hbm>>
    %dma_wait3A_470 = arith.constant 0 : i32
    %dma_wait3A_471 = arith.constant 0 : i32
    %dma_wait3A_472 = tpu.memref_slice %dma_wait3A_469[%dma_wait3A_470, %dma_wait3A_471] : memref<4096x128xf32, #tpu.memory_space<hbm>> -> memref<4096x128xf32, #tpu.memory_space<hbm>>
    tpu.wait_indirect_dma semaphore(%arg17 : memref<!tpu.dma_semaphore, #tpu.memory_space<semaphore_mem>>) src(%dma_wait3A_472 : memref<4096x128xf32, #tpu.memory_space<hbm>>) dst(%arg14 : memref<64x128xf32, #tpu.memory_space<vmem>>)
    %mul3A_473 = arith.constant 64 : i32
    %mul3A_474 = arith.muli %sub3A_444, %mul3A_473 : i32
    "tpu.region"() ({
      %run_scoped3A = tpu.sem_alloc : memref<!tpu.dma_semaphore, #tpu.memory_space<semaphore_mem>>
      %dma_start3A_599 = arith.constant 0 : i32
      %dma_start3A_600 = arith.constant 0 : i32
      %dma_start3A_601 = tpu.memref_slice %arg6[%select_n3A_441, %dma_start3A_599, %dma_start3A_600] : memref<16x1280x128xf32, #tpu.memory_space<hbm>> -> memref<1x1280x128xf32, #tpu.memory_space<hbm>>
      %dma_start3A_602 = tpu.memref_squeeze %dma_start3A_601 : memref<1x1280x128xf32, #tpu.memory_space<hbm>> -> memref<1280x128xf32, #tpu.memory_space<hbm>>
      %dma_start3A_603 = arith.constant 0 : i32
      %dma_start3A_604 = tpu.memref_slice %dma_start3A_602[%mul3A_474, %dma_start3A_603] : memref<1280x128xf32, #tpu.memory_space<hbm>> -> memref<64x128xf32, #tpu.memory_space<hbm>>
      %dma_start3A_605 = arith.constant 0 : i32
      %dma_start3A_606 = arith.constant 0 : i32
      %dma_start3A_607 = tpu.memref_slice %arg6[%select_n3A_441, %dma_start3A_605, %dma_start3A_606] : memref<16x1280x128xf32, #tpu.memory_space<hbm>> -> memref<1x1280x128xf32, #tpu.memory_space<hbm>>
      %dma_start3A_608 = tpu.memref_squeeze %dma_start3A_607 : memref<1x1280x128xf32, #tpu.memory_space<hbm>> -> memref<1280x128xf32, #tpu.memory_space<hbm>>
      %dma_start3A_609 = arith.constant 0 : i32
      %dma_start3A_610 = tpu.memref_slice %dma_start3A_608[%mul3A_474, %dma_start3A_609] : memref<1280x128xf32, #tpu.memory_space<hbm>> -> memref<64x128xf32, #tpu.memory_space<hbm>>
      tpu.enqueue_dma source(%arg14 : memref<64x128xf32, #tpu.memory_space<vmem>>) target(%dma_start3A_610 : memref<64x128xf32, #tpu.memory_space<hbm>>) target_semaphore(%run_scoped3A : memref<!tpu.dma_semaphore, #tpu.memory_space<semaphore_mem>>)
      %dma_wait3A_611 = arith.constant 0 : i32
      %dma_wait3A_612 = arith.constant 0 : i32
      %dma_wait3A_613 = tpu.memref_slice %arg6[%select_n3A_441, %dma_wait3A_611, %dma_wait3A_612] : memref<16x1280x128xf32, #tpu.memory_space<hbm>> -> memref<1x1280x128xf32, #tpu.memory_space<hbm>>
      %dma_wait3A_614 = tpu.memref_squeeze %dma_wait3A_613 : memref<1x1280x128xf32, #tpu.memory_space<hbm>> -> memref<1280x128xf32, #tpu.memory_space<hbm>>
      %dma_wait3A_615 = arith.constant 0 : i32
      %dma_wait3A_616 = tpu.memref_slice %dma_wait3A_614[%mul3A_474, %dma_wait3A_615] : memref<1280x128xf32, #tpu.memory_space<hbm>> -> memref<64x128xf32, #tpu.memory_space<hbm>>
      %dma_wait3A_617 = arith.constant 0 : i32
      %dma_wait3A_618 = arith.constant 0 : i32
      %dma_wait3A_619 = tpu.memref_slice %arg6[%select_n3A_441, %dma_wait3A_617, %dma_wait3A_618] : memref<16x1280x128xf32, #tpu.memory_space<hbm>> -> memref<1x1280x128xf32, #tpu.memory_space<hbm>>
      %dma_wait3A_620 = tpu.memref_squeeze %dma_wait3A_619 : memref<1x1280x128xf32, #tpu.memory_space<hbm>> -> memref<1280x128xf32, #tpu.memory_space<hbm>>
      %dma_wait3A_621 = arith.constant 0 : i32
      %dma_wait3A_622 = tpu.memref_slice %dma_wait3A_620[%mul3A_474, %dma_wait3A_621] : memref<1280x128xf32, #tpu.memory_space<hbm>> -> memref<64x128xf32, #tpu.memory_space<hbm>>
      tpu.wait_dma2 semaphore(%run_scoped3A : memref<!tpu.dma_semaphore, #tpu.memory_space<semaphore_mem>>) src(%arg14 : memref<64x128xf32, #tpu.memory_space<vmem>>) dst(%dma_wait3A_622 : memref<64x128xf32, #tpu.memory_space<hbm>>)
      tpu.yield
    }) : () -> ()
    %mul3A_475 = arith.constant 10 : i32
    %mul3A_476 = arith.muli %add3A, %mul3A_475 : i32
    %add3A_477 = arith.constant 8 : i32
    %add3A_478 = arith.addi %mul3A_476, %add3A_477 : i32
    %jit3A_479 = arith.constant 20 : i32
    %div3A_480 = arith.divsi %add3A_478, %jit3A_479 : i32
    %sign3A_481 = arith.constant 0 : i32
    %sign3A_482 = arith.cmpi sgt, %add3A_478, %sign3A_481 : i32
    %sign3A_483 = arith.extui %sign3A_482 : i1 to i32
    %sign3A_484 = arith.constant 0 : i32
    %sign3A_485 = arith.cmpi slt, %add3A_478, %sign3A_484 : i32
    %sign3A_486 = arith.extui %sign3A_485 : i1 to i32
    %sign3A_487 = arith.subi %sign3A_483, %sign3A_486 : i32
    %sign3A_488 = arith.constant 0 : i32
    %sign3A_489 = arith.cmpi sgt, %jit3A_479, %sign3A_488 : i32
    %sign3A_490 = arith.extui %sign3A_489 : i1 to i32
    %sign3A_491 = arith.constant 0 : i32
    %sign3A_492 = arith.cmpi slt, %jit3A_479, %sign3A_491 : i32
    %sign3A_493 = arith.extui %sign3A_492 : i1 to i32
    %sign3A_494 = arith.subi %sign3A_490, %sign3A_493 : i32
    %ne3A_495 = arith.cmpi ne, %sign3A_487, %sign3A_494 : i32
    %rem3A_496 = arith.remsi %add3A_478, %jit3A_479 : i32
    %ne3A_497 = arith.constant 0 : i32
    %ne3A_498 = arith.cmpi ne, %rem3A_496, %ne3A_497 : i32
    %and3A_499 = arith.andi %ne3A_495, %ne3A_498 : i1
    %sub3A_500 = arith.constant 1 : i32
    %sub3A_501 = arith.subi %div3A_480, %sub3A_500 : i32
    %select_n3A_502 = arith.select %and3A_499, %sub3A_501, %div3A_480 : i32
    %mul3A_503 = arith.constant 20 : i32
    %mul3A_504 = arith.muli %select_n3A_502, %mul3A_503 : i32
    %sub3A_505 = arith.subi %add3A_478, %mul3A_504 : i32
    "tpu.region"() ({
      %run_scoped3A = tpu.sem_alloc : memref<!tpu.dma_semaphore, #tpu.memory_space<semaphore_mem>>
      %dma_start3A_599 = arith.constant 0 : i32
      %dma_start3A_600 = arith.constant 0 : i32
      %dma_start3A_601 = tpu.memref_slice %arg2[%select_n3A_502, %dma_start3A_599, %dma_start3A_600] : memref<16x20x4096xf32, #tpu.memory_space<hbm>> -> memref<1x20x4096xf32, #tpu.memory_space<hbm>>
      %dma_start3A_602 = tpu.memref_squeeze %dma_start3A_601 : memref<1x20x4096xf32, #tpu.memory_space<hbm>> -> memref<20x4096xf32, #tpu.memory_space<hbm>>
      %dma_start3A_603 = arith.constant 0 : i32
      %dma_start3A_604 = tpu.memref_slice %dma_start3A_602[%sub3A_505, %dma_start3A_603] : memref<20x4096xf32, #tpu.memory_space<hbm>> -> memref<1x4096xf32, #tpu.memory_space<hbm>>
      %dma_start3A_605 = tpu.memref_squeeze %dma_start3A_604 : memref<1x4096xf32, #tpu.memory_space<hbm>> -> memref<4096xf32, #tpu.memory_space<hbm>>
      %dma_start3A_606 = arith.constant 0 : i32
      %dma_start3A_607 = arith.constant 0 : i32
      %dma_start3A_608 = tpu.memref_slice %arg2[%select_n3A_502, %dma_start3A_606, %dma_start3A_607] : memref<16x20x4096xf32, #tpu.memory_space<hbm>> -> memref<1x20x4096xf32, #tpu.memory_space<hbm>>
      %dma_start3A_609 = tpu.memref_squeeze %dma_start3A_608 : memref<1x20x4096xf32, #tpu.memory_space<hbm>> -> memref<20x4096xf32, #tpu.memory_space<hbm>>
      %dma_start3A_610 = arith.constant 0 : i32
      %dma_start3A_611 = tpu.memref_slice %dma_start3A_609[%sub3A_505, %dma_start3A_610] : memref<20x4096xf32, #tpu.memory_space<hbm>> -> memref<1x4096xf32, #tpu.memory_space<hbm>>
      %dma_start3A_612 = tpu.memref_squeeze %dma_start3A_611 : memref<1x4096xf32, #tpu.memory_space<hbm>> -> memref<4096xf32, #tpu.memory_space<hbm>>
      tpu.enqueue_dma source(%dma_start3A_612 : memref<4096xf32, #tpu.memory_space<hbm>>) target(%arg9 : memref<4096xf32, #tpu.memory_space<vmem>>) target_semaphore(%run_scoped3A : memref<!tpu.dma_semaphore, #tpu.memory_space<semaphore_mem>>)
      %dma_wait3A_613 = arith.constant 0 : i32
      %dma_wait3A_614 = arith.constant 0 : i32
      %dma_wait3A_615 = tpu.memref_slice %arg2[%select_n3A_502, %dma_wait3A_613, %dma_wait3A_614] : memref<16x20x4096xf32, #tpu.memory_space<hbm>> -> memref<1x20x4096xf32, #tpu.memory_space<hbm>>
      %dma_wait3A_616 = tpu.memref_squeeze %dma_wait3A_615 : memref<1x20x4096xf32, #tpu.memory_space<hbm>> -> memref<20x4096xf32, #tpu.memory_space<hbm>>
      %dma_wait3A_617 = arith.constant 0 : i32
      %dma_wait3A_618 = tpu.memref_slice %dma_wait3A_616[%sub3A_505, %dma_wait3A_617] : memref<20x4096xf32, #tpu.memory_space<hbm>> -> memref<1x4096xf32, #tpu.memory_space<hbm>>
      %dma_wait3A_619 = tpu.memref_squeeze %dma_wait3A_618 : memref<1x4096xf32, #tpu.memory_space<hbm>> -> memref<4096xf32, #tpu.memory_space<hbm>>
      %dma_wait3A_620 = arith.constant 0 : i32
      %dma_wait3A_621 = arith.constant 0 : i32
      %dma_wait3A_622 = tpu.memref_slice %arg2[%select_n3A_502, %dma_wait3A_620, %dma_wait3A_621] : memref<16x20x4096xf32, #tpu.memory_space<hbm>> -> memref<1x20x4096xf32, #tpu.memory_space<hbm>>
      %dma_wait3A_623 = tpu.memref_squeeze %dma_wait3A_622 : memref<1x20x4096xf32, #tpu.memory_space<hbm>> -> memref<20x4096xf32, #tpu.memory_space<hbm>>
      %dma_wait3A_624 = arith.constant 0 : i32
      %dma_wait3A_625 = tpu.memref_slice %dma_wait3A_623[%sub3A_505, %dma_wait3A_624] : memref<20x4096xf32, #tpu.memory_space<hbm>> -> memref<1x4096xf32, #tpu.memory_space<hbm>>
      %dma_wait3A_626 = tpu.memref_squeeze %dma_wait3A_625 : memref<1x4096xf32, #tpu.memory_space<hbm>> -> memref<4096xf32, #tpu.memory_space<hbm>>
      tpu.wait_dma2 semaphore(%run_scoped3A : memref<!tpu.dma_semaphore, #tpu.memory_space<semaphore_mem>>) src(%dma_wait3A_626 : memref<4096xf32, #tpu.memory_space<hbm>>) dst(%arg9 : memref<4096xf32, #tpu.memory_space<vmem>>)
      tpu.yield
    }) : () -> ()
    %broadcast_in_dim3A_506 = arith.constant 1 : i32
    %broadcast_in_dim3A_507 = vector.broadcast %broadcast_in_dim3A_506 : i32 to vector<16xi32>
    %broadcast_in_dim3A_508 = arith.constant 0 : i32
    %broadcast_in_dim3A_509 = vector.broadcast %broadcast_in_dim3A_508 : i32 to vector<16xi32>
    %broadcast_in_dim3A_510 = arith.constant 0 : i32
    %broadcast_in_dim3A_511 = vector.broadcast %broadcast_in_dim3A_510 : i32 to vector<16xi32>
    %scan3A_512 = arith.constant 0 : i32
    %scan3A_513 = arith.constant 128 : i32
    %scan3A_514 = arith.addi %scan3A_512, %scan3A_513 : i32
    %scan3A_515 = arith.constant 1 : i32
    %scan3A_516 = scf.for %scan3A_599 = %scan3A_512 to %scan3A_514 step %scan3A_515 iter_args(%scan3A_600 = %broadcast_in_dim3A_511) -> (vector<16xi32>)  : i32 {
      %mul3A_601 = arith.constant 2 : i32
      %mul3A_602 = arith.muli %scan3A_599, %mul3A_601 : i32
      %add3A_603 = arith.constant 0 : i32
      %add3A_604 = arith.addi %mul3A_602, %add3A_603 : i32
      %mul3A_605 = arith.constant 16 : i32
      %mul3A_606 = arith.muli %add3A_604, %mul3A_605 : i32
      %get3A = arith.index_cast %mul3A_606 : i32 to index
      %get3A_607 = tpu.vector_load %arg9[%get3A] {strides = array<i32>} : memref<4096xf32, #tpu.memory_space<vmem>>, vector<16xf32>,
      %gt3A = arith.constant 5.000000e-01 : f32
      %gt3A_608 = vector.broadcast %gt3A : f32 to vector<16xf32>
      %gt3A_609 = arith.cmpf ogt, %get3A_607, %gt3A_608 : vector<16xf32>
      %select_n3A_610 = arith.select %gt3A_609, %broadcast_in_dim3A_507, %broadcast_in_dim3A_509 : vector<16xi1>, vector<16xi32>
      %broadcast_in_dim3A_611 = arith.constant true
      %broadcast_in_dim3A_612 = vector.broadcast %broadcast_in_dim3A_611 : i1 to vector<16xi1>
      %masked_cumsum3A = tpu.scan <sum>, %select_n3A_610 masked %broadcast_in_dim3A_612 : vector<16xi32>, vector<16xi1> -> vector<16xi32>
      %sub3A_613 = arith.subi %masked_cumsum3A, %select_n3A_610 : vector<16xi32>
      %iota3A = tpu.iota {dimensions = array<i32: 0>} : vector<16xi32>
      %mul3A_614 = arith.constant 16 : i32
      %mul3A_615 = arith.muli %add3A_604, %mul3A_614 : i32
      %add3A_616 = vector.broadcast %mul3A_615 : i32 to vector<16xi32>
      %add3A_617 = arith.addi %iota3A, %add3A_616 : vector<16xi32>
      %add3A_618 = arith.addi %sub3A_613, %scan3A_600 : vector<16xi32>
      tpu.vector_store_idx %arg12[%add3A_618], %add3A_617 masked %gt3A_609 : memref<64xi32, #tpu.memory_space<vmem>>[vector<16xi32>], vector<16xi32>, vector<16xi1>
      %all_reduce_population_count3A = tpu.all_reduce %gt3A_609 {dim = 0 : i64, kind = #tpu.reduction_kind<sum>} : vector<16xi1> -> vector<16xi32>
      %add3A_619 = arith.addi %scan3A_600, %all_reduce_population_count3A : vector<16xi32>
      %mul3A_620 = arith.constant 2 : i32
      %mul3A_621 = arith.muli %scan3A_599, %mul3A_620 : i32
      %add3A_622 = arith.constant 1 : i32
      %add3A_623 = arith.addi %mul3A_621, %add3A_622 : i32
      %mul3A_624 = arith.constant 16 : i32
      %mul3A_625 = arith.muli %add3A_623, %mul3A_624 : i32
      %get3A_626 = arith.index_cast %mul3A_625 : i32 to index
      %get3A_627 = tpu.vector_load %arg9[%get3A_626] {strides = array<i32>} : memref<4096xf32, #tpu.memory_space<vmem>>, vector<16xf32>,
      %gt3A_628 = arith.constant 5.000000e-01 : f32
      %gt3A_629 = vector.broadcast %gt3A_628 : f32 to vector<16xf32>
      %gt3A_630 = arith.cmpf ogt, %get3A_627, %gt3A_629 : vector<16xf32>
      %select_n3A_631 = arith.select %gt3A_630, %broadcast_in_dim3A_507, %broadcast_in_dim3A_509 : vector<16xi1>, vector<16xi32>
      %broadcast_in_dim3A_632 = arith.constant true
      %broadcast_in_dim3A_633 = vector.broadcast %broadcast_in_dim3A_632 : i1 to vector<16xi1>
      %masked_cumsum3A_634 = tpu.scan <sum>, %select_n3A_631 masked %broadcast_in_dim3A_633 : vector<16xi32>, vector<16xi1> -> vector<16xi32>
      %sub3A_635 = arith.subi %masked_cumsum3A_634, %select_n3A_631 : vector<16xi32>
      %iota3A_636 = tpu.iota {dimensions = array<i32: 0>} : vector<16xi32>
      %mul3A_637 = arith.constant 16 : i32
      %mul3A_638 = arith.muli %add3A_623, %mul3A_637 : i32
      %add3A_639 = vector.broadcast %mul3A_638 : i32 to vector<16xi32>
      %add3A_640 = arith.addi %iota3A_636, %add3A_639 : vector<16xi32>
      %add3A_641 = arith.addi %sub3A_635, %add3A_619 : vector<16xi32>
      tpu.vector_store_idx %arg12[%add3A_641], %add3A_640 masked %gt3A_630 : memref<64xi32, #tpu.memory_space<vmem>>[vector<16xi32>], vector<16xi32>, vector<16xi1>
      %all_reduce_population_count3A_642 = tpu.all_reduce %gt3A_630 {dim = 0 : i64, kind = #tpu.reduction_kind<sum>} : vector<16xi1> -> vector<16xi32>
      %add3A_643 = arith.addi %add3A_619, %all_reduce_population_count3A_642 : vector<16xi32>
      scf.yield %add3A_643 : vector<16xi32>
    }
    %scan3A_517 = arith.constant 128 : i32
    %slice3A_518 = vector.extract_strided_slice %scan3A_516 {offsets = [0], sizes = [1], strides = [1]} : vector<16xi32> to vector<1xi32>
    %squeeze3A_519 = vector.extract %slice3A_518[0] : i32 from vector<1xi32>
    %dma_start3A_520 = arith.constant 0 : i32
    %dma_start3A_521 = arith.constant 0 : i32
    %dma_start3A_522 = tpu.memref_slice %arg4[%select_n3A_502, %dma_start3A_520, %dma_start3A_521] : memref<16x4096x128xf32, #tpu.memory_space<hbm>> -> memref<1x4096x128xf32, #tpu.memory_space<hbm>>
    %dma_start3A_523 = tpu.memref_squeeze %dma_start3A_522 : memref<1x4096x128xf32, #tpu.memory_space<hbm>> -> memref<4096x128xf32, #tpu.memory_space<hbm>>
    %dma_start3A_524 = arith.constant 0 : i32
    %dma_start3A_525 = arith.constant 0 : i32
    %dma_start3A_526 = tpu.memref_slice %dma_start3A_523[%dma_start3A_524, %dma_start3A_525] : memref<4096x128xf32, #tpu.memory_space<hbm>> -> memref<4096x128xf32, #tpu.memory_space<hbm>>
    tpu.enqueue_indirect_dma source(%dma_start3A_526 : memref<4096x128xf32, #tpu.memory_space<hbm>>) target(%arg14 : memref<64x128xf32, #tpu.memory_space<vmem>>) offsets(%arg12 : memref<64xi32, #tpu.memory_space<vmem>>) semaphore(%arg17 : memref<!tpu.dma_semaphore, #tpu.memory_space<semaphore_mem>>)
    %dma_wait3A_527 = arith.constant 0 : i32
    %dma_wait3A_528 = arith.constant 0 : i32
    %dma_wait3A_529 = tpu.memref_slice %arg4[%select_n3A_502, %dma_wait3A_527, %dma_wait3A_528] : memref<16x4096x128xf32, #tpu.memory_space<hbm>> -> memref<1x4096x128xf32, #tpu.memory_space<hbm>>
    %dma_wait3A_530 = tpu.memref_squeeze %dma_wait3A_529 : memref<1x4096x128xf32, #tpu.memory_space<hbm>> -> memref<4096x128xf32, #tpu.memory_space<hbm>>
    %dma_wait3A_531 = arith.constant 0 : i32
    %dma_wait3A_532 = arith.constant 0 : i32
    %dma_wait3A_533 = tpu.memref_slice %dma_wait3A_530[%dma_wait3A_531, %dma_wait3A_532] : memref<4096x128xf32, #tpu.memory_space<hbm>> -> memref<4096x128xf32, #tpu.memory_space<hbm>>
    tpu.wait_indirect_dma semaphore(%arg17 : memref<!tpu.dma_semaphore, #tpu.memory_space<semaphore_mem>>) src(%dma_wait3A_533 : memref<4096x128xf32, #tpu.memory_space<hbm>>) dst(%arg14 : memref<64x128xf32, #tpu.memory_space<vmem>>)
    %mul3A_534 = arith.constant 64 : i32
    %mul3A_535 = arith.muli %sub3A_505, %mul3A_534 : i32
    "tpu.region"() ({
      %run_scoped3A = tpu.sem_alloc : memref<!tpu.dma_semaphore, #tpu.memory_space<semaphore_mem>>
      %dma_start3A_599 = arith.constant 0 : i32
      %dma_start3A_600 = arith.constant 0 : i32
      %dma_start3A_601 = tpu.memref_slice %arg6[%select_n3A_502, %dma_start3A_599, %dma_start3A_600] : memref<16x1280x128xf32, #tpu.memory_space<hbm>> -> memref<1x1280x128xf32, #tpu.memory_space<hbm>>
      %dma_start3A_602 = tpu.memref_squeeze %dma_start3A_601 : memref<1x1280x128xf32, #tpu.memory_space<hbm>> -> memref<1280x128xf32, #tpu.memory_space<hbm>>
      %dma_start3A_603 = arith.constant 0 : i32
      %dma_start3A_604 = tpu.memref_slice %dma_start3A_602[%mul3A_535, %dma_start3A_603] : memref<1280x128xf32, #tpu.memory_space<hbm>> -> memref<64x128xf32, #tpu.memory_space<hbm>>
      %dma_start3A_605 = arith.constant 0 : i32
      %dma_start3A_606 = arith.constant 0 : i32
      %dma_start3A_607 = tpu.memref_slice %arg6[%select_n3A_502, %dma_start3A_605, %dma_start3A_606] : memref<16x1280x128xf32, #tpu.memory_space<hbm>> -> memref<1x1280x128xf32, #tpu.memory_space<hbm>>
      %dma_start3A_608 = tpu.memref_squeeze %dma_start3A_607 : memref<1x1280x128xf32, #tpu.memory_space<hbm>> -> memref<1280x128xf32, #tpu.memory_space<hbm>>
      %dma_start3A_609 = arith.constant 0 : i32
      %dma_start3A_610 = tpu.memref_slice %dma_start3A_608[%mul3A_535, %dma_start3A_609] : memref<1280x128xf32, #tpu.memory_space<hbm>> -> memref<64x128xf32, #tpu.memory_space<hbm>>
      tpu.enqueue_dma source(%arg14 : memref<64x128xf32, #tpu.memory_space<vmem>>) target(%dma_start3A_610 : memref<64x128xf32, #tpu.memory_space<hbm>>) target_semaphore(%run_scoped3A : memref<!tpu.dma_semaphore, #tpu.memory_space<semaphore_mem>>)
      %dma_wait3A_611 = arith.constant 0 : i32
      %dma_wait3A_612 = arith.constant 0 : i32
      %dma_wait3A_613 = tpu.memref_slice %arg6[%select_n3A_502, %dma_wait3A_611, %dma_wait3A_612] : memref<16x1280x128xf32, #tpu.memory_space<hbm>> -> memref<1x1280x128xf32, #tpu.memory_space<hbm>>
      %dma_wait3A_614 = tpu.memref_squeeze %dma_wait3A_613 : memref<1x1280x128xf32, #tpu.memory_space<hbm>> -> memref<1280x128xf32, #tpu.memory_space<hbm>>
      %dma_wait3A_615 = arith.constant 0 : i32
      %dma_wait3A_616 = tpu.memref_slice %dma_wait3A_614[%mul3A_535, %dma_wait3A_615] : memref<1280x128xf32, #tpu.memory_space<hbm>> -> memref<64x128xf32, #tpu.memory_space<hbm>>
      %dma_wait3A_617 = arith.constant 0 : i32
      %dma_wait3A_618 = arith.constant 0 : i32
      %dma_wait3A_619 = tpu.memref_slice %arg6[%select_n3A_502, %dma_wait3A_617, %dma_wait3A_618] : memref<16x1280x128xf32, #tpu.memory_space<hbm>> -> memref<1x1280x128xf32, #tpu.memory_space<hbm>>
      %dma_wait3A_620 = tpu.memref_squeeze %dma_wait3A_619 : memref<1x1280x128xf32, #tpu.memory_space<hbm>> -> memref<1280x128xf32, #tpu.memory_space<hbm>>
      %dma_wait3A_621 = arith.constant 0 : i32
      %dma_wait3A_622 = tpu.memref_slice %dma_wait3A_620[%mul3A_535, %dma_wait3A_621] : memref<1280x128xf32, #tpu.memory_space<hbm>> -> memref<64x128xf32, #tpu.memory_space<hbm>>
      tpu.wait_dma2 semaphore(%run_scoped3A : memref<!tpu.dma_semaphore, #tpu.memory_space<semaphore_mem>>) src(%arg14 : memref<64x128xf32, #tpu.memory_space<vmem>>) dst(%dma_wait3A_622 : memref<64x128xf32, #tpu.memory_space<hbm>>)
      tpu.yield
    }) : () -> ()
    %mul3A_536 = arith.constant 10 : i32
    %mul3A_537 = arith.muli %add3A, %mul3A_536 : i32
    %add3A_538 = arith.constant 9 : i32
    %add3A_539 = arith.addi %mul3A_537, %add3A_538 : i32
    %jit3A_540 = arith.constant 20 : i32
    %div3A_541 = arith.divsi %add3A_539, %jit3A_540 : i32
    %sign3A_542 = arith.constant 0 : i32
    %sign3A_543 = arith.cmpi sgt, %add3A_539, %sign3A_542 : i32
    %sign3A_544 = arith.extui %sign3A_543 : i1 to i32
    %sign3A_545 = arith.constant 0 : i32
    %sign3A_546 = arith.cmpi slt, %add3A_539, %sign3A_545 : i32
    %sign3A_547 = arith.extui %sign3A_546 : i1 to i32
    %sign3A_548 = arith.subi %sign3A_544, %sign3A_547 : i32
    %sign3A_549 = arith.constant 0 : i32
    %sign3A_550 = arith.cmpi sgt, %jit3A_540, %sign3A_549 : i32
    %sign3A_551 = arith.extui %sign3A_550 : i1 to i32
    %sign3A_552 = arith.constant 0 : i32
    %sign3A_553 = arith.cmpi slt, %jit3A_540, %sign3A_552 : i32
    %sign3A_554 = arith.extui %sign3A_553 : i1 to i32
    %sign3A_555 = arith.subi %sign3A_551, %sign3A_554 : i32
    %ne3A_556 = arith.cmpi ne, %sign3A_548, %sign3A_555 : i32
    %rem3A_557 = arith.remsi %add3A_539, %jit3A_540 : i32
    %ne3A_558 = arith.constant 0 : i32
    %ne3A_559 = arith.cmpi ne, %rem3A_557, %ne3A_558 : i32
    %and3A_560 = arith.andi %ne3A_556, %ne3A_559 : i1
    %sub3A_561 = arith.constant 1 : i32
    %sub3A_562 = arith.subi %div3A_541, %sub3A_561 : i32
    %select_n3A_563 = arith.select %and3A_560, %sub3A_562, %div3A_541 : i32
    %mul3A_564 = arith.constant 20 : i32
    %mul3A_565 = arith.muli %select_n3A_563, %mul3A_564 : i32
    %sub3A_566 = arith.subi %add3A_539, %mul3A_565 : i32
    "tpu.region"() ({
      %run_scoped3A = tpu.sem_alloc : memref<!tpu.dma_semaphore, #tpu.memory_space<semaphore_mem>>
      %dma_start3A_599 = arith.constant 0 : i32
      %dma_start3A_600 = arith.constant 0 : i32
      %dma_start3A_601 = tpu.memref_slice %arg2[%select_n3A_563, %dma_start3A_599, %dma_start3A_600] : memref<16x20x4096xf32, #tpu.memory_space<hbm>> -> memref<1x20x4096xf32, #tpu.memory_space<hbm>>
      %dma_start3A_602 = tpu.memref_squeeze %dma_start3A_601 : memref<1x20x4096xf32, #tpu.memory_space<hbm>> -> memref<20x4096xf32, #tpu.memory_space<hbm>>
      %dma_start3A_603 = arith.constant 0 : i32
      %dma_start3A_604 = tpu.memref_slice %dma_start3A_602[%sub3A_566, %dma_start3A_603] : memref<20x4096xf32, #tpu.memory_space<hbm>> -> memref<1x4096xf32, #tpu.memory_space<hbm>>
      %dma_start3A_605 = tpu.memref_squeeze %dma_start3A_604 : memref<1x4096xf32, #tpu.memory_space<hbm>> -> memref<4096xf32, #tpu.memory_space<hbm>>
      %dma_start3A_606 = arith.constant 0 : i32
      %dma_start3A_607 = arith.constant 0 : i32
      %dma_start3A_608 = tpu.memref_slice %arg2[%select_n3A_563, %dma_start3A_606, %dma_start3A_607] : memref<16x20x4096xf32, #tpu.memory_space<hbm>> -> memref<1x20x4096xf32, #tpu.memory_space<hbm>>
      %dma_start3A_609 = tpu.memref_squeeze %dma_start3A_608 : memref<1x20x4096xf32, #tpu.memory_space<hbm>> -> memref<20x4096xf32, #tpu.memory_space<hbm>>
      %dma_start3A_610 = arith.constant 0 : i32
      %dma_start3A_611 = tpu.memref_slice %dma_start3A_609[%sub3A_566, %dma_start3A_610] : memref<20x4096xf32, #tpu.memory_space<hbm>> -> memref<1x4096xf32, #tpu.memory_space<hbm>>
      %dma_start3A_612 = tpu.memref_squeeze %dma_start3A_611 : memref<1x4096xf32, #tpu.memory_space<hbm>> -> memref<4096xf32, #tpu.memory_space<hbm>>
      tpu.enqueue_dma source(%dma_start3A_612 : memref<4096xf32, #tpu.memory_space<hbm>>) target(%arg9 : memref<4096xf32, #tpu.memory_space<vmem>>) target_semaphore(%run_scoped3A : memref<!tpu.dma_semaphore, #tpu.memory_space<semaphore_mem>>)
      %dma_wait3A_613 = arith.constant 0 : i32
      %dma_wait3A_614 = arith.constant 0 : i32
      %dma_wait3A_615 = tpu.memref_slice %arg2[%select_n3A_563, %dma_wait3A_613, %dma_wait3A_614] : memref<16x20x4096xf32, #tpu.memory_space<hbm>> -> memref<1x20x4096xf32, #tpu.memory_space<hbm>>
      %dma_wait3A_616 = tpu.memref_squeeze %dma_wait3A_615 : memref<1x20x4096xf32, #tpu.memory_space<hbm>> -> memref<20x4096xf32, #tpu.memory_space<hbm>>
      %dma_wait3A_617 = arith.constant 0 : i32
      %dma_wait3A_618 = tpu.memref_slice %dma_wait3A_616[%sub3A_566, %dma_wait3A_617] : memref<20x4096xf32, #tpu.memory_space<hbm>> -> memref<1x4096xf32, #tpu.memory_space<hbm>>
      %dma_wait3A_619 = tpu.memref_squeeze %dma_wait3A_618 : memref<1x4096xf32, #tpu.memory_space<hbm>> -> memref<4096xf32, #tpu.memory_space<hbm>>
      %dma_wait3A_620 = arith.constant 0 : i32
      %dma_wait3A_621 = arith.constant 0 : i32
      %dma_wait3A_622 = tpu.memref_slice %arg2[%select_n3A_563, %dma_wait3A_620, %dma_wait3A_621] : memref<16x20x4096xf32, #tpu.memory_space<hbm>> -> memref<1x20x4096xf32, #tpu.memory_space<hbm>>
      %dma_wait3A_623 = tpu.memref_squeeze %dma_wait3A_622 : memref<1x20x4096xf32, #tpu.memory_space<hbm>> -> memref<20x4096xf32, #tpu.memory_space<hbm>>
      %dma_wait3A_624 = arith.constant 0 : i32
      %dma_wait3A_625 = tpu.memref_slice %dma_wait3A_623[%sub3A_566, %dma_wait3A_624] : memref<20x4096xf32, #tpu.memory_space<hbm>> -> memref<1x4096xf32, #tpu.memory_space<hbm>>
      %dma_wait3A_626 = tpu.memref_squeeze %dma_wait3A_625 : memref<1x4096xf32, #tpu.memory_space<hbm>> -> memref<4096xf32, #tpu.memory_space<hbm>>
      tpu.wait_dma2 semaphore(%run_scoped3A : memref<!tpu.dma_semaphore, #tpu.memory_space<semaphore_mem>>) src(%dma_wait3A_626 : memref<4096xf32, #tpu.memory_space<hbm>>) dst(%arg9 : memref<4096xf32, #tpu.memory_space<vmem>>)
      tpu.yield
    }) : () -> ()
    %broadcast_in_dim3A_567 = arith.constant 1 : i32
    %broadcast_in_dim3A_568 = vector.broadcast %broadcast_in_dim3A_567 : i32 to vector<16xi32>
    %broadcast_in_dim3A_569 = arith.constant 0 : i32
    %broadcast_in_dim3A_570 = vector.broadcast %broadcast_in_dim3A_569 : i32 to vector<16xi32>
    %broadcast_in_dim3A_571 = arith.constant 0 : i32
    %broadcast_in_dim3A_572 = vector.broadcast %broadcast_in_dim3A_571 : i32 to vector<16xi32>
    %scan3A_573 = arith.constant 0 : i32
    %scan3A_574 = arith.constant 128 : i32
    %scan3A_575 = arith.addi %scan3A_573, %scan3A_574 : i32
    %scan3A_576 = arith.constant 1 : i32
    %scan3A_577 = scf.for %scan3A_599 = %scan3A_573 to %scan3A_575 step %scan3A_576 iter_args(%scan3A_600 = %broadcast_in_dim3A_572) -> (vector<16xi32>)  : i32 {
      %mul3A_601 = arith.constant 2 : i32
      %mul3A_602 = arith.muli %scan3A_599, %mul3A_601 : i32
      %add3A_603 = arith.constant 0 : i32
      %add3A_604 = arith.addi %mul3A_602, %add3A_603 : i32
      %mul3A_605 = arith.constant 16 : i32
      %mul3A_606 = arith.muli %add3A_604, %mul3A_605 : i32
      %get3A = arith.index_cast %mul3A_606 : i32 to index
      %get3A_607 = tpu.vector_load %arg9[%get3A] {strides = array<i32>} : memref<4096xf32, #tpu.memory_space<vmem>>, vector<16xf32>,
      %gt3A = arith.constant 5.000000e-01 : f32
      %gt3A_608 = vector.broadcast %gt3A : f32 to vector<16xf32>
      %gt3A_609 = arith.cmpf ogt, %get3A_607, %gt3A_608 : vector<16xf32>
      %select_n3A_610 = arith.select %gt3A_609, %broadcast_in_dim3A_568, %broadcast_in_dim3A_570 : vector<16xi1>, vector<16xi32>
      %broadcast_in_dim3A_611 = arith.constant true
      %broadcast_in_dim3A_612 = vector.broadcast %broadcast_in_dim3A_611 : i1 to vector<16xi1>
      %masked_cumsum3A = tpu.scan <sum>, %select_n3A_610 masked %broadcast_in_dim3A_612 : vector<16xi32>, vector<16xi1> -> vector<16xi32>
      %sub3A_613 = arith.subi %masked_cumsum3A, %select_n3A_610 : vector<16xi32>
      %iota3A = tpu.iota {dimensions = array<i32: 0>} : vector<16xi32>
      %mul3A_614 = arith.constant 16 : i32
      %mul3A_615 = arith.muli %add3A_604, %mul3A_614 : i32
      %add3A_616 = vector.broadcast %mul3A_615 : i32 to vector<16xi32>
      %add3A_617 = arith.addi %iota3A, %add3A_616 : vector<16xi32>
      %add3A_618 = arith.addi %sub3A_613, %scan3A_600 : vector<16xi32>
      tpu.vector_store_idx %arg12[%add3A_618], %add3A_617 masked %gt3A_609 : memref<64xi32, #tpu.memory_space<vmem>>[vector<16xi32>], vector<16xi32>, vector<16xi1>
      %all_reduce_population_count3A = tpu.all_reduce %gt3A_609 {dim = 0 : i64, kind = #tpu.reduction_kind<sum>} : vector<16xi1> -> vector<16xi32>
      %add3A_619 = arith.addi %scan3A_600, %all_reduce_population_count3A : vector<16xi32>
      %mul3A_620 = arith.constant 2 : i32
      %mul3A_621 = arith.muli %scan3A_599, %mul3A_620 : i32
      %add3A_622 = arith.constant 1 : i32
      %add3A_623 = arith.addi %mul3A_621, %add3A_622 : i32
      %mul3A_624 = arith.constant 16 : i32
      %mul3A_625 = arith.muli %add3A_623, %mul3A_624 : i32
      %get3A_626 = arith.index_cast %mul3A_625 : i32 to index
      %get3A_627 = tpu.vector_load %arg9[%get3A_626] {strides = array<i32>} : memref<4096xf32, #tpu.memory_space<vmem>>, vector<16xf32>,
      %gt3A_628 = arith.constant 5.000000e-01 : f32
      %gt3A_629 = vector.broadcast %gt3A_628 : f32 to vector<16xf32>
      %gt3A_630 = arith.cmpf ogt, %get3A_627, %gt3A_629 : vector<16xf32>
      %select_n3A_631 = arith.select %gt3A_630, %broadcast_in_dim3A_568, %broadcast_in_dim3A_570 : vector<16xi1>, vector<16xi32>
      %broadcast_in_dim3A_632 = arith.constant true
      %broadcast_in_dim3A_633 = vector.broadcast %broadcast_in_dim3A_632 : i1 to vector<16xi1>
      %masked_cumsum3A_634 = tpu.scan <sum>, %select_n3A_631 masked %broadcast_in_dim3A_633 : vector<16xi32>, vector<16xi1> -> vector<16xi32>
      %sub3A_635 = arith.subi %masked_cumsum3A_634, %select_n3A_631 : vector<16xi32>
      %iota3A_636 = tpu.iota {dimensions = array<i32: 0>} : vector<16xi32>
      %mul3A_637 = arith.constant 16 : i32
      %mul3A_638 = arith.muli %add3A_623, %mul3A_637 : i32
      %add3A_639 = vector.broadcast %mul3A_638 : i32 to vector<16xi32>
      %add3A_640 = arith.addi %iota3A_636, %add3A_639 : vector<16xi32>
      %add3A_641 = arith.addi %sub3A_635, %add3A_619 : vector<16xi32>
      tpu.vector_store_idx %arg12[%add3A_641], %add3A_640 masked %gt3A_630 : memref<64xi32, #tpu.memory_space<vmem>>[vector<16xi32>], vector<16xi32>, vector<16xi1>
      %all_reduce_population_count3A_642 = tpu.all_reduce %gt3A_630 {dim = 0 : i64, kind = #tpu.reduction_kind<sum>} : vector<16xi1> -> vector<16xi32>
      %add3A_643 = arith.addi %add3A_619, %all_reduce_population_count3A_642 : vector<16xi32>
      scf.yield %add3A_643 : vector<16xi32>
    }
    %scan3A_578 = arith.constant 128 : i32
    %slice3A_579 = vector.extract_strided_slice %scan3A_577 {offsets = [0], sizes = [1], strides = [1]} : vector<16xi32> to vector<1xi32>
    %squeeze3A_580 = vector.extract %slice3A_579[0] : i32 from vector<1xi32>
    %dma_start3A_581 = arith.constant 0 : i32
    %dma_start3A_582 = arith.constant 0 : i32
    %dma_start3A_583 = tpu.memref_slice %arg4[%select_n3A_563, %dma_start3A_581, %dma_start3A_582] : memref<16x4096x128xf32, #tpu.memory_space<hbm>> -> memref<1x4096x128xf32, #tpu.memory_space<hbm>>
    %dma_start3A_584 = tpu.memref_squeeze %dma_start3A_583 : memref<1x4096x128xf32, #tpu.memory_space<hbm>> -> memref<4096x128xf32, #tpu.memory_space<hbm>>
    %dma_start3A_585 = arith.constant 0 : i32
    %dma_start3A_586 = arith.constant 0 : i32
    %dma_start3A_587 = tpu.memref_slice %dma_start3A_584[%dma_start3A_585, %dma_start3A_586] : memref<4096x128xf32, #tpu.memory_space<hbm>> -> memref<4096x128xf32, #tpu.memory_space<hbm>>
    tpu.enqueue_indirect_dma source(%dma_start3A_587 : memref<4096x128xf32, #tpu.memory_space<hbm>>) target(%arg14 : memref<64x128xf32, #tpu.memory_space<vmem>>) offsets(%arg12 : memref<64xi32, #tpu.memory_space<vmem>>) semaphore(%arg17 : memref<!tpu.dma_semaphore, #tpu.memory_space<semaphore_mem>>)
    %dma_wait3A_588 = arith.constant 0 : i32
    %dma_wait3A_589 = arith.constant 0 : i32
    %dma_wait3A_590 = tpu.memref_slice %arg4[%select_n3A_563, %dma_wait3A_588, %dma_wait3A_589] : memref<16x4096x128xf32, #tpu.memory_space<hbm>> -> memref<1x4096x128xf32, #tpu.memory_space<hbm>>
    %dma_wait3A_591 = tpu.memref_squeeze %dma_wait3A_590 : memref<1x4096x128xf32, #tpu.memory_space<hbm>> -> memref<4096x128xf32, #tpu.memory_space<hbm>>
    %dma_wait3A_592 = arith.constant 0 : i32
    %dma_wait3A_593 = arith.constant 0 : i32
    %dma_wait3A_594 = tpu.memref_slice %dma_wait3A_591[%dma_wait3A_592, %dma_wait3A_593] : memref<4096x128xf32, #tpu.memory_space<hbm>> -> memref<4096x128xf32, #tpu.memory_space<hbm>>
    tpu.wait_indirect_dma semaphore(%arg17 : memref<!tpu.dma_semaphore, #tpu.memory_space<semaphore_mem>>) src(%dma_wait3A_594 : memref<4096x128xf32, #tpu.memory_space<hbm>>) dst(%arg14 : memref<64x128xf32, #tpu.memory_space<vmem>>)
    %mul3A_595 = arith.constant 64 : i32
    %mul3A_596 = arith.muli %sub3A_566, %mul3A_595 : i32
    "tpu.region"() ({
      %run_scoped3A = tpu.sem_alloc : memref<!tpu.dma_semaphore, #tpu.memory_space<semaphore_mem>>
      %dma_start3A_599 = arith.constant 0 : i32
      %dma_start3A_600 = arith.constant 0 : i32
      %dma_start3A_601 = tpu.memref_slice %arg6[%select_n3A_563, %dma_start3A_599, %dma_start3A_600] : memref<16x1280x128xf32, #tpu.memory_space<hbm>> -> memref<1x1280x128xf32, #tpu.memory_space<hbm>>
      %dma_start3A_602 = tpu.memref_squeeze %dma_start3A_601 : memref<1x1280x128xf32, #tpu.memory_space<hbm>> -> memref<1280x128xf32, #tpu.memory_space<hbm>>
      %dma_start3A_603 = arith.constant 0 : i32
      %dma_start3A_604 = tpu.memref_slice %dma_start3A_602[%mul3A_596, %dma_start3A_603] : memref<1280x128xf32, #tpu.memory_space<hbm>> -> memref<64x128xf32, #tpu.memory_space<hbm>>
      %dma_start3A_605 = arith.constant 0 : i32
      %dma_start3A_606 = arith.constant 0 : i32
      %dma_start3A_607 = tpu.memref_slice %arg6[%select_n3A_563, %dma_start3A_605, %dma_start3A_606] : memref<16x1280x128xf32, #tpu.memory_space<hbm>> -> memref<1x1280x128xf32, #tpu.memory_space<hbm>>
      %dma_start3A_608 = tpu.memref_squeeze %dma_start3A_607 : memref<1x1280x128xf32, #tpu.memory_space<hbm>> -> memref<1280x128xf32, #tpu.memory_space<hbm>>
      %dma_start3A_609 = arith.constant 0 : i32
      %dma_start3A_610 = tpu.memref_slice %dma_start3A_608[%mul3A_596, %dma_start3A_609] : memref<1280x128xf32, #tpu.memory_space<hbm>> -> memref<64x128xf32, #tpu.memory_space<hbm>>
      tpu.enqueue_dma source(%arg14 : memref<64x128xf32, #tpu.memory_space<vmem>>) target(%dma_start3A_610 : memref<64x128xf32, #tpu.memory_space<hbm>>) target_semaphore(%run_scoped3A : memref<!tpu.dma_semaphore, #tpu.memory_space<semaphore_mem>>)
      %dma_wait3A_611 = arith.constant 0 : i32
      %dma_wait3A_612 = arith.constant 0 : i32
      %dma_wait3A_613 = tpu.memref_slice %arg6[%select_n3A_563, %dma_wait3A_611, %dma_wait3A_612] : memref<16x1280x128xf32, #tpu.memory_space<hbm>> -> memref<1x1280x128xf32, #tpu.memory_space<hbm>>
      %dma_wait3A_614 = tpu.memref_squeeze %dma_wait3A_613 : memref<1x1280x128xf32, #tpu.memory_space<hbm>> -> memref<1280x128xf32, #tpu.memory_space<hbm>>
      %dma_wait3A_615 = arith.constant 0 : i32
      %dma_wait3A_616 = tpu.memref_slice %dma_wait3A_614[%mul3A_596, %dma_wait3A_615] : memref<1280x128xf32, #tpu.memory_space<hbm>> -> memref<64x128xf32, #tpu.memory_space<hbm>>
      %dma_wait3A_617 = arith.constant 0 : i32
      %dma_wait3A_618 = arith.constant 0 : i32
      %dma_wait3A_619 = tpu.memref_slice %arg6[%select_n3A_563, %dma_wait3A_617, %dma_wait3A_618] : memref<16x1280x128xf32, #tpu.memory_space<hbm>> -> memref<1x1280x128xf32, #tpu.memory_space<hbm>>
      %dma_wait3A_620 = tpu.memref_squeeze %dma_wait3A_619 : memref<1x1280x128xf32, #tpu.memory_space<hbm>> -> memref<1280x128xf32, #tpu.memory_space<hbm>>
      %dma_wait3A_621 = arith.constant 0 : i32
      %dma_wait3A_622 = tpu.memref_slice %dma_wait3A_620[%mul3A_596, %dma_wait3A_621] : memref<1280x128xf32, #tpu.memory_space<hbm>> -> memref<64x128xf32, #tpu.memory_space<hbm>>
      tpu.wait_dma2 semaphore(%run_scoped3A : memref<!tpu.dma_semaphore, #tpu.memory_space<semaphore_mem>>) src(%arg14 : memref<64x128xf32, #tpu.memory_space<vmem>>) dst(%dma_wait3A_622 : memref<64x128xf32, #tpu.memory_space<hbm>>)
      tpu.yield
    }) : () -> ()
    %lt3A = arith.constant 16 : i32
    %lt3A_597 = arith.cmpi slt, %add3A, %lt3A : i32
    %convert_element_type3A = arith.extui %lt3A_597 : i1 to i32
    %cond3A = arith.constant 0 : i32
    %cond3A_598 = arith.cmpi ne, %convert_element_type3A, %cond3A : i32
    scf.if %cond3A_598 {
      "tpu.region"() ({
        %run_scoped3A = tpu.sem_alloc : memref<!tpu.dma_semaphore, #tpu.memory_space<semaphore_mem>>
        tpu.enqueue_dma source(%arg5 : memref<16xi32, #tpu.memory_space<hbm>>) target(%arg16 : memref<16xi32, #tpu.memory_space<vmem>>) target_semaphore(%run_scoped3A : memref<!tpu.dma_semaphore, #tpu.memory_space<semaphore_mem>>)
        tpu.wait_dma2 semaphore(%run_scoped3A : memref<!tpu.dma_semaphore, #tpu.memory_space<semaphore_mem>>) src(%arg5 : memref<16xi32, #tpu.memory_space<hbm>>) dst(%arg16 : memref<16xi32, #tpu.memory_space<vmem>>)
        tpu.yield
      }) : () -> ()
      %get3A = arith.constant 0 : index
      %get3A_599 = tpu.vector_load %arg16[%get3A] {strides = array<i32>} : memref<16xi32, #tpu.memory_space<vmem>>, vector<16xi32>,
      "tpu.region"() ({
        %run_scoped3A = tpu.sem_alloc : memref<!tpu.dma_semaphore, #tpu.memory_space<semaphore_mem>>
        %dma_start3A_663 = arith.constant 0 : i32
        %dma_start3A_664 = tpu.memref_slice %arg3[%add3A, %dma_start3A_663] : memref<16x4096xi32, #tpu.memory_space<hbm>> -> memref<1x4096xi32, #tpu.memory_space<hbm>>
        %dma_start3A_665 = tpu.memref_squeeze %dma_start3A_664 : memref<1x4096xi32, #tpu.memory_space<hbm>> -> memref<4096xi32, #tpu.memory_space<hbm>>
        %dma_start3A_666 = arith.constant 0 : i32
        %dma_start3A_667 = tpu.memref_slice %arg3[%add3A, %dma_start3A_666] : memref<16x4096xi32, #tpu.memory_space<hbm>> -> memref<1x4096xi32, #tpu.memory_space<hbm>>
        %dma_start3A_668 = tpu.memref_squeeze %dma_start3A_667 : memref<1x4096xi32, #tpu.memory_space<hbm>> -> memref<4096xi32, #tpu.memory_space<hbm>>
        tpu.enqueue_dma source(%dma_start3A_668 : memref<4096xi32, #tpu.memory_space<hbm>>) target(%arg10 : memref<4096xi32, #tpu.memory_space<vmem>>) target_semaphore(%run_scoped3A : memref<!tpu.dma_semaphore, #tpu.memory_space<semaphore_mem>>)
        %dma_wait3A_669 = arith.constant 0 : i32
        %dma_wait3A_670 = tpu.memref_slice %arg3[%add3A, %dma_wait3A_669] : memref<16x4096xi32, #tpu.memory_space<hbm>> -> memref<1x4096xi32, #tpu.memory_space<hbm>>
        %dma_wait3A_671 = tpu.memref_squeeze %dma_wait3A_670 : memref<1x4096xi32, #tpu.memory_space<hbm>> -> memref<4096xi32, #tpu.memory_space<hbm>>
        %dma_wait3A_672 = arith.constant 0 : i32
        %dma_wait3A_673 = tpu.memref_slice %arg3[%add3A, %dma_wait3A_672] : memref<16x4096xi32, #tpu.memory_space<hbm>> -> memref<1x4096xi32, #tpu.memory_space<hbm>>
        %dma_wait3A_674 = tpu.memref_squeeze %dma_wait3A_673 : memref<1x4096xi32, #tpu.memory_space<hbm>> -> memref<4096xi32, #tpu.memory_space<hbm>>
        tpu.wait_dma2 semaphore(%run_scoped3A : memref<!tpu.dma_semaphore, #tpu.memory_space<semaphore_mem>>) src(%dma_wait3A_674 : memref<4096xi32, #tpu.memory_space<hbm>>) dst(%arg10 : memref<4096xi32, #tpu.memory_space<vmem>>)
        tpu.yield
      }) : () -> ()
      %scan3A_600 = arith.constant 0 : i32
      %scan3A_601 = arith.constant 0 : i32
      %scan3A_602 = arith.constant 258 : i32
      %scan3A_603 = arith.addi %scan3A_601, %scan3A_602 : i32
      %scan3A_604 = arith.constant 1 : i32
      %scan3A_605 = scf.for %scan3A_663 = %scan3A_601 to %scan3A_603 step %scan3A_604 iter_args(%scan3A_664 = %scan3A_600) -> (i32)  : i32 {
        %broadcast_in_dim3A_665 = arith.constant 0 : i32
        %broadcast_in_dim3A_666 = vector.broadcast %broadcast_in_dim3A_665 : i32 to vector<16xi32>
        %mul3A_667 = arith.constant 16 : i32
        %mul3A_668 = arith.muli %scan3A_663, %mul3A_667 : i32
        %swap3A_669 = arith.index_cast %mul3A_668 : i32 to index
        %swap3A_670 = tpu.vector_load %arg11[%swap3A_669] {strides = array<i32>} : memref<4128xi32, #tpu.memory_space<vmem>>, vector<16xi32>,
        tpu.vector_store %arg11[%swap3A_669], %broadcast_in_dim3A_666 {strides = array<i32>} : memref<4128xi32, #tpu.memory_space<vmem>>, vector<16xi32>,
        %scan3A_671 = arith.constant 0 : i32
        scf.yield %scan3A_671 : i32
      }
      %scan3A_606 = arith.constant 258 : i32
      %broadcast_in_dim3A_607 = arith.constant 1 : i32
      %broadcast_in_dim3A_608 = vector.broadcast %broadcast_in_dim3A_607 : i32 to vector<16xi32>
      %broadcast_in_dim3A_609 = arith.constant 0 : i32
      %broadcast_in_dim3A_610 = vector.broadcast %broadcast_in_dim3A_609 : i32 to vector<16xi32>
      %broadcast_in_dim3A_611 = arith.constant 0 : i32
      %broadcast_in_dim3A_612 = vector.broadcast %broadcast_in_dim3A_611 : i32 to vector<16xi32>
      %scan3A_613 = arith.constant 0 : i32
      %scan3A_614 = arith.constant 128 : i32
      %scan3A_615 = arith.addi %scan3A_613, %scan3A_614 : i32
      %scan3A_616 = arith.constant 1 : i32
      %scan3A_617 = scf.for %scan3A_663 = %scan3A_613 to %scan3A_615 step %scan3A_616 iter_args(%scan3A_664 = %broadcast_in_dim3A_612) -> (vector<16xi32>)  : i32 {
        %mul3A_665 = arith.constant 2 : i32
        %mul3A_666 = arith.muli %scan3A_663, %mul3A_665 : i32
        %add3A_667 = arith.constant 0 : i32
        %add3A_668 = arith.addi %mul3A_666, %add3A_667 : i32
        %mul3A_669 = arith.constant 16 : i32
        %mul3A_670 = arith.muli %add3A_668, %mul3A_669 : i32
        %get3A_671 = arith.index_cast %mul3A_670 : i32 to index
        %get3A_672 = tpu.vector_load %arg10[%get3A_671] {strides = array<i32>} : memref<4096xi32, #tpu.memory_space<vmem>>, vector<16xi32>,
        %eq3A = arith.cmpi eq, %get3A_672, %get3A_599 : vector<16xi32>
        %select_n3A_673 = arith.select %eq3A, %broadcast_in_dim3A_608, %broadcast_in_dim3A_610 : vector<16xi1>, vector<16xi32>
        %broadcast_in_dim3A_674 = arith.constant true
        %broadcast_in_dim3A_675 = vector.broadcast %broadcast_in_dim3A_674 : i1 to vector<16xi1>
        %masked_cumsum3A = tpu.scan <sum>, %select_n3A_673 masked %broadcast_in_dim3A_675 : vector<16xi32>, vector<16xi1> -> vector<16xi32>
        %sub3A_676 = arith.subi %masked_cumsum3A, %select_n3A_673 : vector<16xi32>
        %iota3A = tpu.iota {dimensions = array<i32: 0>} : vector<16xi32>
        %mul3A_677 = arith.constant 16 : i32
        %mul3A_678 = arith.muli %add3A_668, %mul3A_677 : i32
        %add3A_679 = vector.broadcast %mul3A_678 : i32 to vector<16xi32>
        %add3A_680 = arith.addi %iota3A, %add3A_679 : vector<16xi32>
        %add3A_681 = arith.addi %sub3A_676, %scan3A_664 : vector<16xi32>
        tpu.vector_store_idx %arg11[%add3A_681], %add3A_680 masked %eq3A : memref<4128xi32, #tpu.memory_space<vmem>>[vector<16xi32>], vector<16xi32>, vector<16xi1>
        %all_reduce_population_count3A = tpu.all_reduce %eq3A {dim = 0 : i64, kind = #tpu.reduction_kind<sum>} : vector<16xi1> -> vector<16xi32>
        %add3A_682 = arith.addi %scan3A_664, %all_reduce_population_count3A : vector<16xi32>
        %mul3A_683 = arith.constant 2 : i32
        %mul3A_684 = arith.muli %scan3A_663, %mul3A_683 : i32
        %add3A_685 = arith.constant 1 : i32
        %add3A_686 = arith.addi %mul3A_684, %add3A_685 : i32
        %mul3A_687 = arith.constant 16 : i32
        %mul3A_688 = arith.muli %add3A_686, %mul3A_687 : i32
        %get3A_689 = arith.index_cast %mul3A_688 : i32 to index
        %get3A_690 = tpu.vector_load %arg10[%get3A_689] {strides = array<i32>} : memref<4096xi32, #tpu.memory_space<vmem>>, vector<16xi32>,
        %eq3A_691 = arith.cmpi eq, %get3A_690, %get3A_599 : vector<16xi32>
        %select_n3A_692 = arith.select %eq3A_691, %broadcast_in_dim3A_608, %broadcast_in_dim3A_610 : vector<16xi1>, vector<16xi32>
        %broadcast_in_dim3A_693 = arith.constant true
        %broadcast_in_dim3A_694 = vector.broadcast %broadcast_in_dim3A_693 : i1 to vector<16xi1>
        %masked_cumsum3A_695 = tpu.scan <sum>, %select_n3A_692 masked %broadcast_in_dim3A_694 : vector<16xi32>, vector<16xi1> -> vector<16xi32>
        %sub3A_696 = arith.subi %masked_cumsum3A_695, %select_n3A_692 : vector<16xi32>
        %iota3A_697 = tpu.iota {dimensions = array<i32: 0>} : vector<16xi32>
        %mul3A_698 = arith.constant 16 : i32
        %mul3A_699 = arith.muli %add3A_686, %mul3A_698 : i32
        %add3A_700 = vector.broadcast %mul3A_699 : i32 to vector<16xi32>
        %add3A_701 = arith.addi %iota3A_697, %add3A_700 : vector<16xi32>
        %add3A_702 = arith.addi %sub3A_696, %add3A_682 : vector<16xi32>
        tpu.vector_store_idx %arg11[%add3A_702], %add3A_701 masked %eq3A_691 : memref<4128xi32, #tpu.memory_space<vmem>>[vector<16xi32>], vector<16xi32>, vector<16xi1>
        %all_reduce_population_count3A_703 = tpu.all_reduce %eq3A_691 {dim = 0 : i64, kind = #tpu.reduction_kind<sum>} : vector<16xi1> -> vector<16xi32>
        %add3A_704 = arith.addi %add3A_682, %all_reduce_population_count3A_703 : vector<16xi32>
        scf.yield %add3A_704 : vector<16xi32>
      }
      %scan3A_618 = arith.constant 128 : i32
      %slice3A_619 = vector.extract_strided_slice %scan3A_617 {offsets = [0], sizes = [1], strides = [1]} : vector<16xi32> to vector<1xi32>
      %squeeze3A_620 = vector.extract %slice3A_619[0] : i32 from vector<1xi32>
      %broadcast_in_dim3A_621 = arith.constant 0 : i32
      %broadcast_in_dim3A_622 = vector.broadcast %broadcast_in_dim3A_621 : i32 to vector<16xi32>
      %add3A_623 = vector.broadcast %squeeze3A_620 : i32 to vector<16xi32>
      %add3A_624 = arith.addi %broadcast_in_dim3A_622, %add3A_623 : vector<16xi32>
      %swap3A = arith.constant 0 : index
      %swap3A_625 = tpu.vector_load %arg16[%swap3A] {strides = array<i32>} : memref<16xi32, #tpu.memory_space<vmem>>, vector<16xi32>,
      tpu.vector_store %arg16[%swap3A], %add3A_624 {strides = array<i32>} : memref<16xi32, #tpu.memory_space<vmem>>, vector<16xi32>,
      "tpu.region"() ({
        %run_scoped3A = tpu.sem_alloc : memref<!tpu.dma_semaphore, #tpu.memory_space<semaphore_mem>>
        %dma_start3A_663 = arith.constant 0 : i32
        %dma_start3A_664 = tpu.memref_slice %arg8[%add3A, %dma_start3A_663] : memref<16x16xi32, #tpu.memory_space<hbm>> -> memref<1x16xi32, #tpu.memory_space<hbm>>
        %dma_start3A_665 = tpu.memref_squeeze %dma_start3A_664 : memref<1x16xi32, #tpu.memory_space<hbm>> -> memref<16xi32, #tpu.memory_space<hbm>>
        %dma_start3A_666 = arith.constant 0 : i32
        %dma_start3A_667 = tpu.memref_slice %arg8[%add3A, %dma_start3A_666] : memref<16x16xi32, #tpu.memory_space<hbm>> -> memref<1x16xi32, #tpu.memory_space<hbm>>
        %dma_start3A_668 = tpu.memref_squeeze %dma_start3A_667 : memref<1x16xi32, #tpu.memory_space<hbm>> -> memref<16xi32, #tpu.memory_space<hbm>>
        tpu.enqueue_dma source(%arg16 : memref<16xi32, #tpu.memory_space<vmem>>) target(%dma_start3A_668 : memref<16xi32, #tpu.memory_space<hbm>>) target_semaphore(%run_scoped3A : memref<!tpu.dma_semaphore, #tpu.memory_space<semaphore_mem>>)
        %dma_wait3A_669 = arith.constant 0 : i32
        %dma_wait3A_670 = tpu.memref_slice %arg8[%add3A, %dma_wait3A_669] : memref<16x16xi32, #tpu.memory_space<hbm>> -> memref<1x16xi32, #tpu.memory_space<hbm>>
        %dma_wait3A_671 = tpu.memref_squeeze %dma_wait3A_670 : memref<1x16xi32, #tpu.memory_space<hbm>> -> memref<16xi32, #tpu.memory_space<hbm>>
        %dma_wait3A_672 = arith.constant 0 : i32
        %dma_wait3A_673 = tpu.memref_slice %arg8[%add3A, %dma_wait3A_672] : memref<16x16xi32, #tpu.memory_space<hbm>> -> memref<1x16xi32, #tpu.memory_space<hbm>>
        %dma_wait3A_674 = tpu.memref_squeeze %dma_wait3A_673 : memref<1x16xi32, #tpu.memory_space<hbm>> -> memref<16xi32, #tpu.memory_space<hbm>>
        tpu.wait_dma2 semaphore(%run_scoped3A : memref<!tpu.dma_semaphore, #tpu.memory_space<semaphore_mem>>) src(%arg16 : memref<16xi32, #tpu.memory_space<vmem>>) dst(%dma_wait3A_674 : memref<16xi32, #tpu.memory_space<hbm>>)
        tpu.yield
      }) : () -> ()
      %add3A_626 = arith.constant 127 : i32
      %add3A_627 = arith.addi %squeeze3A_620, %add3A_626 : i32
      %jit3A_628 = arith.constant 128 : i32
      %div3A_629 = arith.divsi %add3A_627, %jit3A_628 : i32
      %sign3A_630 = arith.constant 0 : i32
      %sign3A_631 = arith.cmpi sgt, %add3A_627, %sign3A_630 : i32
      %sign3A_632 = arith.extui %sign3A_631 : i1 to i32
      %sign3A_633 = arith.constant 0 : i32
      %sign3A_634 = arith.cmpi slt, %add3A_627, %sign3A_633 : i32
      %sign3A_635 = arith.extui %sign3A_634 : i1 to i32
      %sign3A_636 = arith.subi %sign3A_632, %sign3A_635 : i32
      %sign3A_637 = arith.constant 0 : i32
      %sign3A_638 = arith.cmpi sgt, %jit3A_628, %sign3A_637 : i32
      %sign3A_639 = arith.extui %sign3A_638 : i1 to i32
      %sign3A_640 = arith.constant 0 : i32
      %sign3A_641 = arith.cmpi slt, %jit3A_628, %sign3A_640 : i32
      %sign3A_642 = arith.extui %sign3A_641 : i1 to i32
      %sign3A_643 = arith.subi %sign3A_639, %sign3A_642 : i32
      %ne3A_644 = arith.cmpi ne, %sign3A_636, %sign3A_643 : i32
      %rem3A_645 = arith.remsi %add3A_627, %jit3A_628 : i32
      %ne3A_646 = arith.constant 0 : i32
      %ne3A_647 = arith.cmpi ne, %rem3A_645, %ne3A_646 : i32
      %and3A_648 = arith.andi %ne3A_644, %ne3A_647 : i1
      %sub3A_649 = arith.constant 1 : i32
      %sub3A_650 = arith.subi %div3A_629, %sub3A_649 : i32
      %select_n3A_651 = arith.select %and3A_648, %sub3A_650, %div3A_629 : i32
      %while3A = arith.constant 0 : i32
      %while3A_652 = arith.constant 0 : i32
      %while3A_653 = arith.subi %select_n3A_651, %while3A : i32
      %while3A_654 = arith.addi %while3A, %while3A_653 : i32
      %while3A_655 = arith.constant 1 : i32
      %while3A_656 = arith.divsi %while3A_653, %while3A_655 : i32
      %while3A_657 = arith.muli %while3A_656, %while3A_655 : i32
      %while3A_658 = arith.addi %while3A, %while3A_657 : i32
      %while3A_659 = arith.constant 1 : i32
      %while3A_660 = scf.for %while3A_663 = %while3A to %while3A_658 step %while3A_659 iter_args(%while3A_664 = %while3A_652) -> (i32)  : i32 {
        %mul3A_665 = arith.constant 128 : i32
        %mul3A_666 = arith.muli %while3A_663, %mul3A_665 : i32
        %add3A_667 = arith.constant 0 : i32
        %add3A_668 = arith.addi %mul3A_666, %add3A_667 : i32
        %get3A_669 = arith.index_cast %add3A_668 : i32 to index
        %get3A_670 = tpu.vector_load %arg11[%get3A_669] {strides = array<i32>} : memref<4128xi32, #tpu.memory_space<vmem>>, vector<16xi32>,
        %swap3A_671 = arith.constant 0 : index
        %swap3A_672 = tpu.vector_load %arg13[%swap3A_671] {strides = array<i32>} : memref<128xi32, #tpu.memory_space<vmem>>, vector<16xi32>,
        tpu.vector_store %arg13[%swap3A_671], %get3A_670 {strides = array<i32>} : memref<128xi32, #tpu.memory_space<vmem>>, vector<16xi32>,
        %mul3A_673 = arith.constant 128 : i32
        %mul3A_674 = arith.muli %while3A_663, %mul3A_673 : i32
        %add3A_675 = arith.constant 16 : i32
        %add3A_676 = arith.addi %mul3A_674, %add3A_675 : i32
        %get3A_677 = arith.index_cast %add3A_676 : i32 to index
        %get3A_678 = tpu.vector_load %arg11[%get3A_677] {strides = array<i32>} : memref<4128xi32, #tpu.memory_space<vmem>>, vector<16xi32>,
        %swap3A_679 = arith.constant 16 : index
        %swap3A_680 = tpu.vector_load %arg13[%swap3A_679] {strides = array<i32>} : memref<128xi32, #tpu.memory_space<vmem>>, vector<16xi32>,
        tpu.vector_store %arg13[%swap3A_679], %get3A_678 {strides = array<i32>} : memref<128xi32, #tpu.memory_space<vmem>>, vector<16xi32>,
        %mul3A_681 = arith.constant 128 : i32
        %mul3A_682 = arith.muli %while3A_663, %mul3A_681 : i32
        %add3A_683 = arith.constant 32 : i32
        %add3A_684 = arith.addi %mul3A_682, %add3A_683 : i32
        %get3A_685 = arith.index_cast %add3A_684 : i32 to index
        %get3A_686 = tpu.vector_load %arg11[%get3A_685] {strides = array<i32>} : memref<4128xi32, #tpu.memory_space<vmem>>, vector<16xi32>,
        %swap3A_687 = arith.constant 32 : index
        %swap3A_688 = tpu.vector_load %arg13[%swap3A_687] {strides = array<i32>} : memref<128xi32, #tpu.memory_space<vmem>>, vector<16xi32>,
        tpu.vector_store %arg13[%swap3A_687], %get3A_686 {strides = array<i32>} : memref<128xi32, #tpu.memory_space<vmem>>, vector<16xi32>,
        %mul3A_689 = arith.constant 128 : i32
        %mul3A_690 = arith.muli %while3A_663, %mul3A_689 : i32
        %add3A_691 = arith.constant 48 : i32
        %add3A_692 = arith.addi %mul3A_690, %add3A_691 : i32
        %get3A_693 = arith.index_cast %add3A_692 : i32 to index
        %get3A_694 = tpu.vector_load %arg11[%get3A_693] {strides = array<i32>} : memref<4128xi32, #tpu.memory_space<vmem>>, vector<16xi32>,
        %swap3A_695 = arith.constant 48 : index
        %swap3A_696 = tpu.vector_load %arg13[%swap3A_695] {strides = array<i32>} : memref<128xi32, #tpu.memory_space<vmem>>, vector<16xi32>,
        tpu.vector_store %arg13[%swap3A_695], %get3A_694 {strides = array<i32>} : memref<128xi32, #tpu.memory_space<vmem>>, vector<16xi32>,
        %mul3A_697 = arith.constant 128 : i32
        %mul3A_698 = arith.muli %while3A_663, %mul3A_697 : i32
        %add3A_699 = arith.constant 64 : i32
        %add3A_700 = arith.addi %mul3A_698, %add3A_699 : i32
        %get3A_701 = arith.index_cast %add3A_700 : i32 to index
        %get3A_702 = tpu.vector_load %arg11[%get3A_701] {strides = array<i32>} : memref<4128xi32, #tpu.memory_space<vmem>>, vector<16xi32>,
        %swap3A_703 = arith.constant 64 : index
        %swap3A_704 = tpu.vector_load %arg13[%swap3A_703] {strides = array<i32>} : memref<128xi32, #tpu.memory_space<vmem>>, vector<16xi32>,
        tpu.vector_store %arg13[%swap3A_703], %get3A_702 {strides = array<i32>} : memref<128xi32, #tpu.memory_space<vmem>>, vector<16xi32>,
        %mul3A_705 = arith.constant 128 : i32
        %mul3A_706 = arith.muli %while3A_663, %mul3A_705 : i32
        %add3A_707 = arith.constant 80 : i32
        %add3A_708 = arith.addi %mul3A_706, %add3A_707 : i32
        %get3A_709 = arith.index_cast %add3A_708 : i32 to index
        %get3A_710 = tpu.vector_load %arg11[%get3A_709] {strides = array<i32>} : memref<4128xi32, #tpu.memory_space<vmem>>, vector<16xi32>,
        %swap3A_711 = arith.constant 80 : index
        %swap3A_712 = tpu.vector_load %arg13[%swap3A_711] {strides = array<i32>} : memref<128xi32, #tpu.memory_space<vmem>>, vector<16xi32>,
        tpu.vector_store %arg13[%swap3A_711], %get3A_710 {strides = array<i32>} : memref<128xi32, #tpu.memory_space<vmem>>, vector<16xi32>,
        %mul3A_713 = arith.constant 128 : i32
        %mul3A_714 = arith.muli %while3A_663, %mul3A_713 : i32
        %add3A_715 = arith.constant 96 : i32
        %add3A_716 = arith.addi %mul3A_714, %add3A_715 : i32
        %get3A_717 = arith.index_cast %add3A_716 : i32 to index
        %get3A_718 = tpu.vector_load %arg11[%get3A_717] {strides = array<i32>} : memref<4128xi32, #tpu.memory_space<vmem>>, vector<16xi32>,
        %swap3A_719 = arith.constant 96 : index
        %swap3A_720 = tpu.vector_load %arg13[%swap3A_719] {strides = array<i32>} : memref<128xi32, #tpu.memory_space<vmem>>, vector<16xi32>,
        tpu.vector_store %arg13[%swap3A_719], %get3A_718 {strides = array<i32>} : memref<128xi32, #tpu.memory_space<vmem>>, vector<16xi32>,
        %mul3A_721 = arith.constant 128 : i32
        %mul3A_722 = arith.muli %while3A_663, %mul3A_721 : i32
        %add3A_723 = arith.constant 112 : i32
        %add3A_724 = arith.addi %mul3A_722, %add3A_723 : i32
        %get3A_725 = arith.index_cast %add3A_724 : i32 to index
        %get3A_726 = tpu.vector_load %arg11[%get3A_725] {strides = array<i32>} : memref<4128xi32, #tpu.memory_space<vmem>>, vector<16xi32>,
        %swap3A_727 = arith.constant 112 : index
        %swap3A_728 = tpu.vector_load %arg13[%swap3A_727] {strides = array<i32>} : memref<128xi32, #tpu.memory_space<vmem>>, vector<16xi32>,
        tpu.vector_store %arg13[%swap3A_727], %get3A_726 {strides = array<i32>} : memref<128xi32, #tpu.memory_space<vmem>>, vector<16xi32>,
        %dma_start3A_729 = arith.constant 0 : i32
        %dma_start3A_730 = arith.constant 0 : i32
        %dma_start3A_731 = tpu.memref_slice %arg4[%add3A, %dma_start3A_729, %dma_start3A_730] : memref<16x4096x128xf32, #tpu.memory_space<hbm>> -> memref<1x4096x128xf32, #tpu.memory_space<hbm>>
        %dma_start3A_732 = tpu.memref_squeeze %dma_start3A_731 : memref<1x4096x128xf32, #tpu.memory_space<hbm>> -> memref<4096x128xf32, #tpu.memory_space<hbm>>
        %dma_start3A_733 = arith.constant 0 : i32
        %dma_start3A_734 = arith.constant 0 : i32
        %dma_start3A_735 = tpu.memref_slice %dma_start3A_732[%dma_start3A_733, %dma_start3A_734] : memref<4096x128xf32, #tpu.memory_space<hbm>> -> memref<4096x128xf32, #tpu.memory_space<hbm>>
        tpu.enqueue_indirect_dma source(%dma_start3A_735 : memref<4096x128xf32, #tpu.memory_space<hbm>>) target(%arg15 : memref<128x128xf32, #tpu.memory_space<vmem>>) offsets(%arg13 : memref<128xi32, #tpu.memory_space<vmem>>) semaphore(%arg17 : memref<!tpu.dma_semaphore, #tpu.memory_space<semaphore_mem>>)
        %dma_wait3A_736 = arith.constant 0 : i32
        %dma_wait3A_737 = arith.constant 0 : i32
        %dma_wait3A_738 = tpu.memref_slice %arg4[%add3A, %dma_wait3A_736, %dma_wait3A_737] : memref<16x4096x128xf32, #tpu.memory_space<hbm>> -> memref<1x4096x128xf32, #tpu.memory_space<hbm>>
        %dma_wait3A_739 = tpu.memref_squeeze %dma_wait3A_738 : memref<1x4096x128xf32, #tpu.memory_space<hbm>> -> memref<4096x128xf32, #tpu.memory_space<hbm>>
        %dma_wait3A_740 = arith.constant 0 : i32
        %dma_wait3A_741 = arith.constant 0 : i32
        %dma_wait3A_742 = tpu.memref_slice %dma_wait3A_739[%dma_wait3A_740, %dma_wait3A_741] : memref<4096x128xf32, #tpu.memory_space<hbm>> -> memref<4096x128xf32, #tpu.memory_space<hbm>>
        tpu.wait_indirect_dma semaphore(%arg17 : memref<!tpu.dma_semaphore, #tpu.memory_space<semaphore_mem>>) src(%dma_wait3A_742 : memref<4096x128xf32, #tpu.memory_space<hbm>>) dst(%arg15 : memref<128x128xf32, #tpu.memory_space<vmem>>)
        %mul3A_743 = arith.constant 128 : i32
        %mul3A_744 = arith.muli %while3A_663, %mul3A_743 : i32
        "tpu.region"() ({
          %run_scoped3A = tpu.sem_alloc : memref<!tpu.dma_semaphore, #tpu.memory_space<semaphore_mem>>
          %dma_start3A_746 = arith.constant 0 : i32
          %dma_start3A_747 = arith.constant 0 : i32
          %dma_start3A_748 = tpu.memref_slice %arg7[%add3A, %dma_start3A_746, %dma_start3A_747] : memref<16x4096x128xf32, #tpu.memory_space<hbm>> -> memref<1x4096x128xf32, #tpu.memory_space<hbm>>
          %dma_start3A_749 = tpu.memref_squeeze %dma_start3A_748 : memref<1x4096x128xf32, #tpu.memory_space<hbm>> -> memref<4096x128xf32, #tpu.memory_space<hbm>>
          %dma_start3A_750 = arith.constant 0 : i32
          %dma_start3A_751 = tpu.memref_slice %dma_start3A_749[%mul3A_744, %dma_start3A_750] : memref<4096x128xf32, #tpu.memory_space<hbm>> -> memref<128x128xf32, #tpu.memory_space<hbm>>
          %dma_start3A_752 = arith.constant 0 : i32
          %dma_start3A_753 = arith.constant 0 : i32
          %dma_start3A_754 = tpu.memref_slice %arg7[%add3A, %dma_start3A_752, %dma_start3A_753] : memref<16x4096x128xf32, #tpu.memory_space<hbm>> -> memref<1x4096x128xf32, #tpu.memory_space<hbm>>
          %dma_start3A_755 = tpu.memref_squeeze %dma_start3A_754 : memref<1x4096x128xf32, #tpu.memory_space<hbm>> -> memref<4096x128xf32, #tpu.memory_space<hbm>>
          %dma_start3A_756 = arith.constant 0 : i32
          %dma_start3A_757 = tpu.memref_slice %dma_start3A_755[%mul3A_744, %dma_start3A_756] : memref<4096x128xf32, #tpu.memory_space<hbm>> -> memref<128x128xf32, #tpu.memory_space<hbm>>
          tpu.enqueue_dma source(%arg15 : memref<128x128xf32, #tpu.memory_space<vmem>>) target(%dma_start3A_757 : memref<128x128xf32, #tpu.memory_space<hbm>>) target_semaphore(%run_scoped3A : memref<!tpu.dma_semaphore, #tpu.memory_space<semaphore_mem>>)
          %dma_wait3A_758 = arith.constant 0 : i32
          %dma_wait3A_759 = arith.constant 0 : i32
          %dma_wait3A_760 = tpu.memref_slice %arg7[%add3A, %dma_wait3A_758, %dma_wait3A_759] : memref<16x4096x128xf32, #tpu.memory_space<hbm>> -> memref<1x4096x128xf32, #tpu.memory_space<hbm>>
          %dma_wait3A_761 = tpu.memref_squeeze %dma_wait3A_760 : memref<1x4096x128xf32, #tpu.memory_space<hbm>> -> memref<4096x128xf32, #tpu.memory_space<hbm>>
          %dma_wait3A_762 = arith.constant 0 : i32
          %dma_wait3A_763 = tpu.memref_slice %dma_wait3A_761[%mul3A_744, %dma_wait3A_762] : memref<4096x128xf32, #tpu.memory_space<hbm>> -> memref<128x128xf32, #tpu.memory_space<hbm>>
          %dma_wait3A_764 = arith.constant 0 : i32
          %dma_wait3A_765 = arith.constant 0 : i32
          %dma_wait3A_766 = tpu.memref_slice %arg7[%add3A, %dma_wait3A_764, %dma_wait3A_765] : memref<16x4096x128xf32, #tpu.memory_space<hbm>> -> memref<1x4096x128xf32, #tpu.memory_space<hbm>>
          %dma_wait3A_767 = tpu.memref_squeeze %dma_wait3A_766 : memref<1x4096x128xf32, #tpu.memory_space<hbm>> -> memref<4096x128xf32, #tpu.memory_space<hbm>>
          %dma_wait3A_768 = arith.constant 0 : i32
          %dma_wait3A_769 = tpu.memref_slice %dma_wait3A_767[%mul3A_744, %dma_wait3A_768] : memref<4096x128xf32, #tpu.memory_space<hbm>> -> memref<128x128xf32, #tpu.memory_space<hbm>>
          tpu.wait_dma2 semaphore(%run_scoped3A : memref<!tpu.dma_semaphore, #tpu.memory_space<semaphore_mem>>) src(%arg15 : memref<128x128xf32, #tpu.memory_space<vmem>>) dst(%dma_wait3A_769 : memref<128x128xf32, #tpu.memory_space<hbm>>)
          tpu.yield
        }) : () -> ()
        %while3A_745 = arith.constant 0 : i32
        scf.yield %while3A_745 : i32
      }
      %while3A_661 = arith.constant 1 : i32
      %while3A_662 = scf.for %while3A_663 = %while3A_658 to %while3A_654 step %while3A_661 iter_args(%while3A_664 = %while3A_660) -> (i32)  : i32 {
        %mul3A_665 = arith.constant 128 : i32
        %mul3A_666 = arith.muli %while3A_663, %mul3A_665 : i32
        %add3A_667 = arith.constant 0 : i32
        %add3A_668 = arith.addi %mul3A_666, %add3A_667 : i32
        %get3A_669 = arith.index_cast %add3A_668 : i32 to index
        %get3A_670 = tpu.vector_load %arg11[%get3A_669] {strides = array<i32>} : memref<4128xi32, #tpu.memory_space<vmem>>, vector<16xi32>,
        %swap3A_671 = arith.constant 0 : index
        %swap3A_672 = tpu.vector_load %arg13[%swap3A_671] {strides = array<i32>} : memref<128xi32, #tpu.memory_space<vmem>>, vector<16xi32>,
        tpu.vector_store %arg13[%swap3A_671], %get3A_670 {strides = array<i32>} : memref<128xi32, #tpu.memory_space<vmem>>, vector<16xi32>,
        %mul3A_673 = arith.constant 128 : i32
        %mul3A_674 = arith.muli %while3A_663, %mul3A_673 : i32
        %add3A_675 = arith.constant 16 : i32
        %add3A_676 = arith.addi %mul3A_674, %add3A_675 : i32
        %get3A_677 = arith.index_cast %add3A_676 : i32 to index
        %get3A_678 = tpu.vector_load %arg11[%get3A_677] {strides = array<i32>} : memref<4128xi32, #tpu.memory_space<vmem>>, vector<16xi32>,
        %swap3A_679 = arith.constant 16 : index
        %swap3A_680 = tpu.vector_load %arg13[%swap3A_679] {strides = array<i32>} : memref<128xi32, #tpu.memory_space<vmem>>, vector<16xi32>,
        tpu.vector_store %arg13[%swap3A_679], %get3A_678 {strides = array<i32>} : memref<128xi32, #tpu.memory_space<vmem>>, vector<16xi32>,
        %mul3A_681 = arith.constant 128 : i32
        %mul3A_682 = arith.muli %while3A_663, %mul3A_681 : i32
        %add3A_683 = arith.constant 32 : i32
        %add3A_684 = arith.addi %mul3A_682, %add3A_683 : i32
        %get3A_685 = arith.index_cast %add3A_684 : i32 to index
        %get3A_686 = tpu.vector_load %arg11[%get3A_685] {strides = array<i32>} : memref<4128xi32, #tpu.memory_space<vmem>>, vector<16xi32>,
        %swap3A_687 = arith.constant 32 : index
        %swap3A_688 = tpu.vector_load %arg13[%swap3A_687] {strides = array<i32>} : memref<128xi32, #tpu.memory_space<vmem>>, vector<16xi32>,
        tpu.vector_store %arg13[%swap3A_687], %get3A_686 {strides = array<i32>} : memref<128xi32, #tpu.memory_space<vmem>>, vector<16xi32>,
        %mul3A_689 = arith.constant 128 : i32
        %mul3A_690 = arith.muli %while3A_663, %mul3A_689 : i32
        %add3A_691 = arith.constant 48 : i32
        %add3A_692 = arith.addi %mul3A_690, %add3A_691 : i32
        %get3A_693 = arith.index_cast %add3A_692 : i32 to index
        %get3A_694 = tpu.vector_load %arg11[%get3A_693] {strides = array<i32>} : memref<4128xi32, #tpu.memory_space<vmem>>, vector<16xi32>,
        %swap3A_695 = arith.constant 48 : index
        %swap3A_696 = tpu.vector_load %arg13[%swap3A_695] {strides = array<i32>} : memref<128xi32, #tpu.memory_space<vmem>>, vector<16xi32>,
        tpu.vector_store %arg13[%swap3A_695], %get3A_694 {strides = array<i32>} : memref<128xi32, #tpu.memory_space<vmem>>, vector<16xi32>,
        %mul3A_697 = arith.constant 128 : i32
        %mul3A_698 = arith.muli %while3A_663, %mul3A_697 : i32
        %add3A_699 = arith.constant 64 : i32
        %add3A_700 = arith.addi %mul3A_698, %add3A_699 : i32
        %get3A_701 = arith.index_cast %add3A_700 : i32 to index
        %get3A_702 = tpu.vector_load %arg11[%get3A_701] {strides = array<i32>} : memref<4128xi32, #tpu.memory_space<vmem>>, vector<16xi32>,
        %swap3A_703 = arith.constant 64 : index
        %swap3A_704 = tpu.vector_load %arg13[%swap3A_703] {strides = array<i32>} : memref<128xi32, #tpu.memory_space<vmem>>, vector<16xi32>,
        tpu.vector_store %arg13[%swap3A_703], %get3A_702 {strides = array<i32>} : memref<128xi32, #tpu.memory_space<vmem>>, vector<16xi32>,
        %mul3A_705 = arith.constant 128 : i32
        %mul3A_706 = arith.muli %while3A_663, %mul3A_705 : i32
        %add3A_707 = arith.constant 80 : i32
        %add3A_708 = arith.addi %mul3A_706, %add3A_707 : i32
        %get3A_709 = arith.index_cast %add3A_708 : i32 to index
        %get3A_710 = tpu.vector_load %arg11[%get3A_709] {strides = array<i32>} : memref<4128xi32, #tpu.memory_space<vmem>>, vector<16xi32>,
        %swap3A_711 = arith.constant 80 : index
        %swap3A_712 = tpu.vector_load %arg13[%swap3A_711] {strides = array<i32>} : memref<128xi32, #tpu.memory_space<vmem>>, vector<16xi32>,
        tpu.vector_store %arg13[%swap3A_711], %get3A_710 {strides = array<i32>} : memref<128xi32, #tpu.memory_space<vmem>>, vector<16xi32>,
        %mul3A_713 = arith.constant 128 : i32
        %mul3A_714 = arith.muli %while3A_663, %mul3A_713 : i32
        %add3A_715 = arith.constant 96 : i32
        %add3A_716 = arith.addi %mul3A_714, %add3A_715 : i32
        %get3A_717 = arith.index_cast %add3A_716 : i32 to index
        %get3A_718 = tpu.vector_load %arg11[%get3A_717] {strides = array<i32>} : memref<4128xi32, #tpu.memory_space<vmem>>, vector<16xi32>,
        %swap3A_719 = arith.constant 96 : index
        %swap3A_720 = tpu.vector_load %arg13[%swap3A_719] {strides = array<i32>} : memref<128xi32, #tpu.memory_space<vmem>>, vector<16xi32>,
        tpu.vector_store %arg13[%swap3A_719], %get3A_718 {strides = array<i32>} : memref<128xi32, #tpu.memory_space<vmem>>, vector<16xi32>,
        %mul3A_721 = arith.constant 128 : i32
        %mul3A_722 = arith.muli %while3A_663, %mul3A_721 : i32
        %add3A_723 = arith.constant 112 : i32
        %add3A_724 = arith.addi %mul3A_722, %add3A_723 : i32
        %get3A_725 = arith.index_cast %add3A_724 : i32 to index
        %get3A_726 = tpu.vector_load %arg11[%get3A_725] {strides = array<i32>} : memref<4128xi32, #tpu.memory_space<vmem>>, vector<16xi32>,
        %swap3A_727 = arith.constant 112 : index
        %swap3A_728 = tpu.vector_load %arg13[%swap3A_727] {strides = array<i32>} : memref<128xi32, #tpu.memory_space<vmem>>, vector<16xi32>,
        tpu.vector_store %arg13[%swap3A_727], %get3A_726 {strides = array<i32>} : memref<128xi32, #tpu.memory_space<vmem>>, vector<16xi32>,
        %dma_start3A_729 = arith.constant 0 : i32
        %dma_start3A_730 = arith.constant 0 : i32
        %dma_start3A_731 = tpu.memref_slice %arg4[%add3A, %dma_start3A_729, %dma_start3A_730] : memref<16x4096x128xf32, #tpu.memory_space<hbm>> -> memref<1x4096x128xf32, #tpu.memory_space<hbm>>
        %dma_start3A_732 = tpu.memref_squeeze %dma_start3A_731 : memref<1x4096x128xf32, #tpu.memory_space<hbm>> -> memref<4096x128xf32, #tpu.memory_space<hbm>>
        %dma_start3A_733 = arith.constant 0 : i32
        %dma_start3A_734 = arith.constant 0 : i32
        %dma_start3A_735 = tpu.memref_slice %dma_start3A_732[%dma_start3A_733, %dma_start3A_734] : memref<4096x128xf32, #tpu.memory_space<hbm>> -> memref<4096x128xf32, #tpu.memory_space<hbm>>
        tpu.enqueue_indirect_dma source(%dma_start3A_735 : memref<4096x128xf32, #tpu.memory_space<hbm>>) target(%arg15 : memref<128x128xf32, #tpu.memory_space<vmem>>) offsets(%arg13 : memref<128xi32, #tpu.memory_space<vmem>>) semaphore(%arg17 : memref<!tpu.dma_semaphore, #tpu.memory_space<semaphore_mem>>)
        %dma_wait3A_736 = arith.constant 0 : i32
        %dma_wait3A_737 = arith.constant 0 : i32
        %dma_wait3A_738 = tpu.memref_slice %arg4[%add3A, %dma_wait3A_736, %dma_wait3A_737] : memref<16x4096x128xf32, #tpu.memory_space<hbm>> -> memref<1x4096x128xf32, #tpu.memory_space<hbm>>
        %dma_wait3A_739 = tpu.memref_squeeze %dma_wait3A_738 : memref<1x4096x128xf32, #tpu.memory_space<hbm>> -> memref<4096x128xf32, #tpu.memory_space<hbm>>
        %dma_wait3A_740 = arith.constant 0 : i32
        %dma_wait3A_741 = arith.constant 0 : i32
        %dma_wait3A_742 = tpu.memref_slice %dma_wait3A_739[%dma_wait3A_740, %dma_wait3A_741] : memref<4096x128xf32, #tpu.memory_space<hbm>> -> memref<4096x128xf32, #tpu.memory_space<hbm>>
        tpu.wait_indirect_dma semaphore(%arg17 : memref<!tpu.dma_semaphore, #tpu.memory_space<semaphore_mem>>) src(%dma_wait3A_742 : memref<4096x128xf32, #tpu.memory_space<hbm>>) dst(%arg15 : memref<128x128xf32, #tpu.memory_space<vmem>>)
        %mul3A_743 = arith.constant 128 : i32
        %mul3A_744 = arith.muli %while3A_663, %mul3A_743 : i32
        "tpu.region"() ({
          %run_scoped3A = tpu.sem_alloc : memref<!tpu.dma_semaphore, #tpu.memory_space<semaphore_mem>>
          %dma_start3A_746 = arith.constant 0 : i32
          %dma_start3A_747 = arith.constant 0 : i32
          %dma_start3A_748 = tpu.memref_slice %arg7[%add3A, %dma_start3A_746, %dma_start3A_747] : memref<16x4096x128xf32, #tpu.memory_space<hbm>> -> memref<1x4096x128xf32, #tpu.memory_space<hbm>>
          %dma_start3A_749 = tpu.memref_squeeze %dma_start3A_748 : memref<1x4096x128xf32, #tpu.memory_space<hbm>> -> memref<4096x128xf32, #tpu.memory_space<hbm>>
          %dma_start3A_750 = arith.constant 0 : i32
          %dma_start3A_751 = tpu.memref_slice %dma_start3A_749[%mul3A_744, %dma_start3A_750] : memref<4096x128xf32, #tpu.memory_space<hbm>> -> memref<128x128xf32, #tpu.memory_space<hbm>>
          %dma_start3A_752 = arith.constant 0 : i32
          %dma_start3A_753 = arith.constant 0 : i32
          %dma_start3A_754 = tpu.memref_slice %arg7[%add3A, %dma_start3A_752, %dma_start3A_753] : memref<16x4096x128xf32, #tpu.memory_space<hbm>> -> memref<1x4096x128xf32, #tpu.memory_space<hbm>>
          %dma_start3A_755 = tpu.memref_squeeze %dma_start3A_754 : memref<1x4096x128xf32, #tpu.memory_space<hbm>> -> memref<4096x128xf32, #tpu.memory_space<hbm>>
          %dma_start3A_756 = arith.constant 0 : i32
          %dma_start3A_757 = tpu.memref_slice %dma_start3A_755[%mul3A_744, %dma_start3A_756] : memref<4096x128xf32, #tpu.memory_space<hbm>> -> memref<128x128xf32, #tpu.memory_space<hbm>>
          tpu.enqueue_dma source(%arg15 : memref<128x128xf32, #tpu.memory_space<vmem>>) target(%dma_start3A_757 : memref<128x128xf32, #tpu.memory_space<hbm>>) target_semaphore(%run_scoped3A : memref<!tpu.dma_semaphore, #tpu.memory_space<semaphore_mem>>)
          %dma_wait3A_758 = arith.constant 0 : i32
          %dma_wait3A_759 = arith.constant 0 : i32
          %dma_wait3A_760 = tpu.memref_slice %arg7[%add3A, %dma_wait3A_758, %dma_wait3A_759] : memref<16x4096x128xf32, #tpu.memory_space<hbm>> -> memref<1x4096x128xf32, #tpu.memory_space<hbm>>
          %dma_wait3A_761 = tpu.memref_squeeze %dma_wait3A_760 : memref<1x4096x128xf32, #tpu.memory_space<hbm>> -> memref<4096x128xf32, #tpu.memory_space<hbm>>
          %dma_wait3A_762 = arith.constant 0 : i32
          %dma_wait3A_763 = tpu.memref_slice %dma_wait3A_761[%mul3A_744, %dma_wait3A_762] : memref<4096x128xf32, #tpu.memory_space<hbm>> -> memref<128x128xf32, #tpu.memory_space<hbm>>
          %dma_wait3A_764 = arith.constant 0 : i32
          %dma_wait3A_765 = arith.constant 0 : i32
          %dma_wait3A_766 = tpu.memref_slice %arg7[%add3A, %dma_wait3A_764, %dma_wait3A_765] : memref<16x4096x128xf32, #tpu.memory_space<hbm>> -> memref<1x4096x128xf32, #tpu.memory_space<hbm>>
          %dma_wait3A_767 = tpu.memref_squeeze %dma_wait3A_766 : memref<1x4096x128xf32, #tpu.memory_space<hbm>> -> memref<4096x128xf32, #tpu.memory_space<hbm>>
          %dma_wait3A_768 = arith.constant 0 : i32
          %dma_wait3A_769 = tpu.memref_slice %dma_wait3A_767[%mul3A_744, %dma_wait3A_768] : memref<4096x128xf32, #tpu.memory_space<hbm>> -> memref<128x128xf32, #tpu.memory_space<hbm>>
          tpu.wait_dma2 semaphore(%run_scoped3A : memref<!tpu.dma_semaphore, #tpu.memory_space<semaphore_mem>>) src(%arg15 : memref<128x128xf32, #tpu.memory_space<vmem>>) dst(%dma_wait3A_769 : memref<128x128xf32, #tpu.memory_space<hbm>>)
          tpu.yield
        }) : () -> ()
        %while3A_745 = arith.constant 0 : i32
        scf.yield %while3A_745 : i32
      }
    } else {
    }
    return
  }
}

module attributes {stable_mosaic.version = 14 : i64} {
  func.func @_topk_body(%arg0: i32, %arg1: memref<1x20x4096xf32, #tpu.memory_space<vmem>>, %arg2: memref<1x20x4096xf32, #tpu.memory_space<vmem>>) attributes {dimension_semantics = [#tpu.dimension_semantics<arbitrary>], iteration_bounds = array<i64: 16>, scalar_prefetch = 0 : i64, scratch_operands = 0 : i64, tpu.core_type = #tpu.core_type<tc>, window_params = [{transform_indices = @transform_0, window_bounds = array<i64: 1, 20, 4096>}, {transform_indices = @transform_1, window_bounds = array<i64: 1, 20, 4096>}]} {
    %get3A = arith.constant 0 : index
    %get3A_0 = arith.constant 0 : index
    %get3A_1 = arith.constant 0 : index
    %get3A_2 = vector.load %arg1[%get3A, %get3A_0, %get3A_1] : memref<1x20x4096xf32, #tpu.memory_space<vmem>>, vector<1x20x4096xf32>
    %get3A_3 = vector.shape_cast %get3A_2 : vector<1x20x4096xf32> to vector<20x4096xf32>
    %iota3A = tpu.iota {dimensions = array<i32: 1>} : vector<20x4096xi32>
    %broadcast_in_dim3A = arith.constant 1 : i32
    %broadcast_in_dim3A_4 = vector.broadcast %broadcast_in_dim3A : i32 to vector<20x4096xi32>
    %broadcast_in_dim3A_5 = arith.constant 0 : i32
    %broadcast_in_dim3A_6 = vector.broadcast %broadcast_in_dim3A_5 : i32 to vector<20x4096xi32>
    %bitcast_convert_type3A = tpu.bitcast %get3A_3 : vector<20x4096xf32> -> vector<20x4096xi32>
    %shift_right_arithmetic3A = arith.constant 31 : i32
    %shift_right_arithmetic3A_7 = vector.broadcast %shift_right_arithmetic3A : i32 to vector<20x4096xi32>
    %shift_right_arithmetic3A_8 = arith.shrsi %bitcast_convert_type3A, %shift_right_arithmetic3A_7 : vector<20x4096xi32>
    %and3A = arith.constant 2147483647 : i32
    %and3A_9 = vector.broadcast %and3A : i32 to vector<20x4096xi32>
    %and3A_10 = arith.andi %shift_right_arithmetic3A_8, %and3A_9 : vector<20x4096xi32>
    %xor3A = arith.xori %bitcast_convert_type3A, %and3A_10 : vector<20x4096xi32>
    %broadcast_in_dim3A_11 = arith.constant 0 : i32
    %broadcast_in_dim3A_12 = vector.broadcast %broadcast_in_dim3A_11 : i32 to vector<20x1xi32>
    %ge3A = vector.broadcast %broadcast_in_dim3A_12 : vector<20x1xi32> to vector<20x4096xi32>
    %ge3A_13 = arith.cmpi sge, %xor3A, %ge3A : vector<20x4096xi32>
    %select_n3A = arith.select %ge3A_13, %broadcast_in_dim3A_4, %broadcast_in_dim3A_6 : vector<20x4096xi1>, vector<20x4096xi32>
    %reduce_sum3A = arith.constant dense<0> : vector<20xi32>
    %reduce_sum3A_14 = vector.multi_reduction <add>, %select_n3A, %reduce_sum3A [1] : vector<20x4096xi32> to vector<20xi32>
    %broadcast_in_dim3A_15 = vector.shape_cast %reduce_sum3A_14 : vector<20xi32> to vector<20x1xi32>
    %ge3A_16 = arith.constant 64 : i32
    %ge3A_17 = vector.broadcast %ge3A_16 : i32 to vector<20x1xi32>
    %ge3A_18 = arith.cmpi sge, %broadcast_in_dim3A_15, %ge3A_17 : vector<20x1xi32>
    %jit3A = arith.constant 0 : i32
    %jit3A_19 = arith.constant -2147483648 : i32
    %broadcast_in_dim3A_20 = vector.broadcast %jit3A : i32 to vector<20x1xi32>
    %broadcast_in_dim3A_21 = vector.broadcast %jit3A_19 : i32 to vector<20x1xi32>
    %select_n3A_22 = arith.select %ge3A_18, %broadcast_in_dim3A_20, %broadcast_in_dim3A_21 : vector<20x1xi1>, vector<20x1xi32>
    %or3A = arith.constant 1073741824 : i32
    %or3A_23 = vector.broadcast %or3A : i32 to vector<20x1xi32>
    %or3A_24 = arith.ori %select_n3A_22, %or3A_23 : vector<20x1xi32>
    %ge3A_25 = vector.broadcast %or3A_24 : vector<20x1xi32> to vector<20x4096xi32>
    %ge3A_26 = arith.cmpi sge, %xor3A, %ge3A_25 : vector<20x4096xi32>
    %select_n3A_27 = arith.select %ge3A_26, %broadcast_in_dim3A_4, %broadcast_in_dim3A_6 : vector<20x4096xi1>, vector<20x4096xi32>
    %reduce_sum3A_28 = arith.constant dense<0> : vector<20xi32>
    %reduce_sum3A_29 = vector.multi_reduction <add>, %select_n3A_27, %reduce_sum3A_28 [1] : vector<20x4096xi32> to vector<20xi32>
    %broadcast_in_dim3A_30 = vector.shape_cast %reduce_sum3A_29 : vector<20xi32> to vector<20x1xi32>
    %ge3A_31 = arith.constant 64 : i32
    %ge3A_32 = vector.broadcast %ge3A_31 : i32 to vector<20x1xi32>
    %ge3A_33 = arith.cmpi sge, %broadcast_in_dim3A_30, %ge3A_32 : vector<20x1xi32>
    %select_n3A_34 = arith.select %ge3A_33, %or3A_24, %select_n3A_22 : vector<20x1xi1>, vector<20x1xi32>
    %or3A_35 = arith.constant 805306368 : i32
    %or3A_36 = vector.broadcast %or3A_35 : i32 to vector<20x1xi32>
    %or3A_37 = arith.ori %select_n3A_34, %or3A_36 : vector<20x1xi32>
    %or3A_38 = arith.constant 536870912 : i32
    %or3A_39 = vector.broadcast %or3A_38 : i32 to vector<20x1xi32>
    %or3A_40 = arith.ori %select_n3A_34, %or3A_39 : vector<20x1xi32>
    %or3A_41 = arith.constant 268435456 : i32
    %or3A_42 = vector.broadcast %or3A_41 : i32 to vector<20x1xi32>
    %or3A_43 = arith.ori %select_n3A_34, %or3A_42 : vector<20x1xi32>
    %ge3A_44 = vector.broadcast %or3A_37 : vector<20x1xi32> to vector<20x4096xi32>
    %ge3A_45 = arith.cmpi sge, %xor3A, %ge3A_44 : vector<20x4096xi32>
    %select_n3A_46 = arith.select %ge3A_45, %broadcast_in_dim3A_4, %broadcast_in_dim3A_6 : vector<20x4096xi1>, vector<20x4096xi32>
    %reduce_sum3A_47 = arith.constant dense<0> : vector<20xi32>
    %reduce_sum3A_48 = vector.multi_reduction <add>, %select_n3A_46, %reduce_sum3A_47 [1] : vector<20x4096xi32> to vector<20xi32>
    %broadcast_in_dim3A_49 = vector.shape_cast %reduce_sum3A_48 : vector<20xi32> to vector<20x1xi32>
    %ge3A_50 = arith.constant 64 : i32
    %ge3A_51 = vector.broadcast %ge3A_50 : i32 to vector<20x1xi32>
    %ge3A_52 = arith.cmpi sge, %broadcast_in_dim3A_49, %ge3A_51 : vector<20x1xi32>
    %ge3A_53 = vector.broadcast %or3A_40 : vector<20x1xi32> to vector<20x4096xi32>
    %ge3A_54 = arith.cmpi sge, %xor3A, %ge3A_53 : vector<20x4096xi32>
    %select_n3A_55 = arith.select %ge3A_54, %broadcast_in_dim3A_4, %broadcast_in_dim3A_6 : vector<20x4096xi1>, vector<20x4096xi32>
    %reduce_sum3A_56 = arith.constant dense<0> : vector<20xi32>
    %reduce_sum3A_57 = vector.multi_reduction <add>, %select_n3A_55, %reduce_sum3A_56 [1] : vector<20x4096xi32> to vector<20xi32>
    %broadcast_in_dim3A_58 = vector.shape_cast %reduce_sum3A_57 : vector<20xi32> to vector<20x1xi32>
    %ge3A_59 = arith.constant 64 : i32
    %ge3A_60 = vector.broadcast %ge3A_59 : i32 to vector<20x1xi32>
    %ge3A_61 = arith.cmpi sge, %broadcast_in_dim3A_58, %ge3A_60 : vector<20x1xi32>
    %ge3A_62 = vector.broadcast %or3A_43 : vector<20x1xi32> to vector<20x4096xi32>
    %ge3A_63 = arith.cmpi sge, %xor3A, %ge3A_62 : vector<20x4096xi32>
    %select_n3A_64 = arith.select %ge3A_63, %broadcast_in_dim3A_4, %broadcast_in_dim3A_6 : vector<20x4096xi1>, vector<20x4096xi32>
    %reduce_sum3A_65 = arith.constant dense<0> : vector<20xi32>
    %reduce_sum3A_66 = vector.multi_reduction <add>, %select_n3A_64, %reduce_sum3A_65 [1] : vector<20x4096xi32> to vector<20xi32>
    %broadcast_in_dim3A_67 = vector.shape_cast %reduce_sum3A_66 : vector<20xi32> to vector<20x1xi32>
    %ge3A_68 = arith.constant 64 : i32
    %ge3A_69 = vector.broadcast %ge3A_68 : i32 to vector<20x1xi32>
    %ge3A_70 = arith.cmpi sge, %broadcast_in_dim3A_67, %ge3A_69 : vector<20x1xi32>
    %select_n3A_71 = arith.select %ge3A_70, %or3A_43, %select_n3A_34 : vector<20x1xi1>, vector<20x1xi32>
    %select_n3A_72 = arith.select %ge3A_61, %or3A_40, %select_n3A_71 : vector<20x1xi1>, vector<20x1xi32>
    %select_n3A_73 = arith.select %ge3A_52, %or3A_37, %select_n3A_72 : vector<20x1xi1>, vector<20x1xi32>
    %or3A_74 = arith.constant 201326592 : i32
    %or3A_75 = vector.broadcast %or3A_74 : i32 to vector<20x1xi32>
    %or3A_76 = arith.ori %select_n3A_73, %or3A_75 : vector<20x1xi32>
    %or3A_77 = arith.constant 134217728 : i32
    %or3A_78 = vector.broadcast %or3A_77 : i32 to vector<20x1xi32>
    %or3A_79 = arith.ori %select_n3A_73, %or3A_78 : vector<20x1xi32>
    %or3A_80 = arith.constant 67108864 : i32
    %or3A_81 = vector.broadcast %or3A_80 : i32 to vector<20x1xi32>
    %or3A_82 = arith.ori %select_n3A_73, %or3A_81 : vector<20x1xi32>
    %ge3A_83 = vector.broadcast %or3A_76 : vector<20x1xi32> to vector<20x4096xi32>
    %ge3A_84 = arith.cmpi sge, %xor3A, %ge3A_83 : vector<20x4096xi32>
    %select_n3A_85 = arith.select %ge3A_84, %broadcast_in_dim3A_4, %broadcast_in_dim3A_6 : vector<20x4096xi1>, vector<20x4096xi32>
    %reduce_sum3A_86 = arith.constant dense<0> : vector<20xi32>
    %reduce_sum3A_87 = vector.multi_reduction <add>, %select_n3A_85, %reduce_sum3A_86 [1] : vector<20x4096xi32> to vector<20xi32>
    %broadcast_in_dim3A_88 = vector.shape_cast %reduce_sum3A_87 : vector<20xi32> to vector<20x1xi32>
    %ge3A_89 = arith.constant 64 : i32
    %ge3A_90 = vector.broadcast %ge3A_89 : i32 to vector<20x1xi32>
    %ge3A_91 = arith.cmpi sge, %broadcast_in_dim3A_88, %ge3A_90 : vector<20x1xi32>
    %ge3A_92 = vector.broadcast %or3A_79 : vector<20x1xi32> to vector<20x4096xi32>
    %ge3A_93 = arith.cmpi sge, %xor3A, %ge3A_92 : vector<20x4096xi32>
    %select_n3A_94 = arith.select %ge3A_93, %broadcast_in_dim3A_4, %broadcast_in_dim3A_6 : vector<20x4096xi1>, vector<20x4096xi32>
    %reduce_sum3A_95 = arith.constant dense<0> : vector<20xi32>
    %reduce_sum3A_96 = vector.multi_reduction <add>, %select_n3A_94, %reduce_sum3A_95 [1] : vector<20x4096xi32> to vector<20xi32>
    %broadcast_in_dim3A_97 = vector.shape_cast %reduce_sum3A_96 : vector<20xi32> to vector<20x1xi32>
    %ge3A_98 = arith.constant 64 : i32
    %ge3A_99 = vector.broadcast %ge3A_98 : i32 to vector<20x1xi32>
    %ge3A_100 = arith.cmpi sge, %broadcast_in_dim3A_97, %ge3A_99 : vector<20x1xi32>
    %ge3A_101 = vector.broadcast %or3A_82 : vector<20x1xi32> to vector<20x4096xi32>
    %ge3A_102 = arith.cmpi sge, %xor3A, %ge3A_101 : vector<20x4096xi32>
    %select_n3A_103 = arith.select %ge3A_102, %broadcast_in_dim3A_4, %broadcast_in_dim3A_6 : vector<20x4096xi1>, vector<20x4096xi32>
    %reduce_sum3A_104 = arith.constant dense<0> : vector<20xi32>
    %reduce_sum3A_105 = vector.multi_reduction <add>, %select_n3A_103, %reduce_sum3A_104 [1] : vector<20x4096xi32> to vector<20xi32>
    %broadcast_in_dim3A_106 = vector.shape_cast %reduce_sum3A_105 : vector<20xi32> to vector<20x1xi32>
    %ge3A_107 = arith.constant 64 : i32
    %ge3A_108 = vector.broadcast %ge3A_107 : i32 to vector<20x1xi32>
    %ge3A_109 = arith.cmpi sge, %broadcast_in_dim3A_106, %ge3A_108 : vector<20x1xi32>
    %select_n3A_110 = arith.select %ge3A_109, %or3A_82, %select_n3A_73 : vector<20x1xi1>, vector<20x1xi32>
    %select_n3A_111 = arith.select %ge3A_100, %or3A_79, %select_n3A_110 : vector<20x1xi1>, vector<20x1xi32>
    %select_n3A_112 = arith.select %ge3A_91, %or3A_76, %select_n3A_111 : vector<20x1xi1>, vector<20x1xi32>
    %or3A_113 = arith.constant 50331648 : i32
    %or3A_114 = vector.broadcast %or3A_113 : i32 to vector<20x1xi32>
    %or3A_115 = arith.ori %select_n3A_112, %or3A_114 : vector<20x1xi32>
    %or3A_116 = arith.constant 33554432 : i32
    %or3A_117 = vector.broadcast %or3A_116 : i32 to vector<20x1xi32>
    %or3A_118 = arith.ori %select_n3A_112, %or3A_117 : vector<20x1xi32>
    %or3A_119 = arith.constant 16777216 : i32
    %or3A_120 = vector.broadcast %or3A_119 : i32 to vector<20x1xi32>
    %or3A_121 = arith.ori %select_n3A_112, %or3A_120 : vector<20x1xi32>
    %ge3A_122 = vector.broadcast %or3A_115 : vector<20x1xi32> to vector<20x4096xi32>
    %ge3A_123 = arith.cmpi sge, %xor3A, %ge3A_122 : vector<20x4096xi32>
    %select_n3A_124 = arith.select %ge3A_123, %broadcast_in_dim3A_4, %broadcast_in_dim3A_6 : vector<20x4096xi1>, vector<20x4096xi32>
    %reduce_sum3A_125 = arith.constant dense<0> : vector<20xi32>
    %reduce_sum3A_126 = vector.multi_reduction <add>, %select_n3A_124, %reduce_sum3A_125 [1] : vector<20x4096xi32> to vector<20xi32>
    %broadcast_in_dim3A_127 = vector.shape_cast %reduce_sum3A_126 : vector<20xi32> to vector<20x1xi32>
    %ge3A_128 = arith.constant 64 : i32
    %ge3A_129 = vector.broadcast %ge3A_128 : i32 to vector<20x1xi32>
    %ge3A_130 = arith.cmpi sge, %broadcast_in_dim3A_127, %ge3A_129 : vector<20x1xi32>
    %ge3A_131 = vector.broadcast %or3A_118 : vector<20x1xi32> to vector<20x4096xi32>
    %ge3A_132 = arith.cmpi sge, %xor3A, %ge3A_131 : vector<20x4096xi32>
    %select_n3A_133 = arith.select %ge3A_132, %broadcast_in_dim3A_4, %broadcast_in_dim3A_6 : vector<20x4096xi1>, vector<20x4096xi32>
    %reduce_sum3A_134 = arith.constant dense<0> : vector<20xi32>
    %reduce_sum3A_135 = vector.multi_reduction <add>, %select_n3A_133, %reduce_sum3A_134 [1] : vector<20x4096xi32> to vector<20xi32>
    %broadcast_in_dim3A_136 = vector.shape_cast %reduce_sum3A_135 : vector<20xi32> to vector<20x1xi32>
    %ge3A_137 = arith.constant 64 : i32
    %ge3A_138 = vector.broadcast %ge3A_137 : i32 to vector<20x1xi32>
    %ge3A_139 = arith.cmpi sge, %broadcast_in_dim3A_136, %ge3A_138 : vector<20x1xi32>
    %ge3A_140 = vector.broadcast %or3A_121 : vector<20x1xi32> to vector<20x4096xi32>
    %ge3A_141 = arith.cmpi sge, %xor3A, %ge3A_140 : vector<20x4096xi32>
    %select_n3A_142 = arith.select %ge3A_141, %broadcast_in_dim3A_4, %broadcast_in_dim3A_6 : vector<20x4096xi1>, vector<20x4096xi32>
    %reduce_sum3A_143 = arith.constant dense<0> : vector<20xi32>
    %reduce_sum3A_144 = vector.multi_reduction <add>, %select_n3A_142, %reduce_sum3A_143 [1] : vector<20x4096xi32> to vector<20xi32>
    %broadcast_in_dim3A_145 = vector.shape_cast %reduce_sum3A_144 : vector<20xi32> to vector<20x1xi32>
    %ge3A_146 = arith.constant 64 : i32
    %ge3A_147 = vector.broadcast %ge3A_146 : i32 to vector<20x1xi32>
    %ge3A_148 = arith.cmpi sge, %broadcast_in_dim3A_145, %ge3A_147 : vector<20x1xi32>
    %select_n3A_149 = arith.select %ge3A_148, %or3A_121, %select_n3A_112 : vector<20x1xi1>, vector<20x1xi32>
    %select_n3A_150 = arith.select %ge3A_139, %or3A_118, %select_n3A_149 : vector<20x1xi1>, vector<20x1xi32>
    %select_n3A_151 = arith.select %ge3A_130, %or3A_115, %select_n3A_150 : vector<20x1xi1>, vector<20x1xi32>
    %or3A_152 = arith.constant 12582912 : i32
    %or3A_153 = vector.broadcast %or3A_152 : i32 to vector<20x1xi32>
    %or3A_154 = arith.ori %select_n3A_151, %or3A_153 : vector<20x1xi32>
    %or3A_155 = arith.constant 8388608 : i32
    %or3A_156 = vector.broadcast %or3A_155 : i32 to vector<20x1xi32>
    %or3A_157 = arith.ori %select_n3A_151, %or3A_156 : vector<20x1xi32>
    %or3A_158 = arith.constant 4194304 : i32
    %or3A_159 = vector.broadcast %or3A_158 : i32 to vector<20x1xi32>
    %or3A_160 = arith.ori %select_n3A_151, %or3A_159 : vector<20x1xi32>
    %ge3A_161 = vector.broadcast %or3A_154 : vector<20x1xi32> to vector<20x4096xi32>
    %ge3A_162 = arith.cmpi sge, %xor3A, %ge3A_161 : vector<20x4096xi32>
    %select_n3A_163 = arith.select %ge3A_162, %broadcast_in_dim3A_4, %broadcast_in_dim3A_6 : vector<20x4096xi1>, vector<20x4096xi32>
    %reduce_sum3A_164 = arith.constant dense<0> : vector<20xi32>
    %reduce_sum3A_165 = vector.multi_reduction <add>, %select_n3A_163, %reduce_sum3A_164 [1] : vector<20x4096xi32> to vector<20xi32>
    %broadcast_in_dim3A_166 = vector.shape_cast %reduce_sum3A_165 : vector<20xi32> to vector<20x1xi32>
    %ge3A_167 = arith.constant 64 : i32
    %ge3A_168 = vector.broadcast %ge3A_167 : i32 to vector<20x1xi32>
    %ge3A_169 = arith.cmpi sge, %broadcast_in_dim3A_166, %ge3A_168 : vector<20x1xi32>
    %ge3A_170 = vector.broadcast %or3A_157 : vector<20x1xi32> to vector<20x4096xi32>
    %ge3A_171 = arith.cmpi sge, %xor3A, %ge3A_170 : vector<20x4096xi32>
    %select_n3A_172 = arith.select %ge3A_171, %broadcast_in_dim3A_4, %broadcast_in_dim3A_6 : vector<20x4096xi1>, vector<20x4096xi32>
    %reduce_sum3A_173 = arith.constant dense<0> : vector<20xi32>
    %reduce_sum3A_174 = vector.multi_reduction <add>, %select_n3A_172, %reduce_sum3A_173 [1] : vector<20x4096xi32> to vector<20xi32>
    %broadcast_in_dim3A_175 = vector.shape_cast %reduce_sum3A_174 : vector<20xi32> to vector<20x1xi32>
    %ge3A_176 = arith.constant 64 : i32
    %ge3A_177 = vector.broadcast %ge3A_176 : i32 to vector<20x1xi32>
    %ge3A_178 = arith.cmpi sge, %broadcast_in_dim3A_175, %ge3A_177 : vector<20x1xi32>
    %ge3A_179 = vector.broadcast %or3A_160 : vector<20x1xi32> to vector<20x4096xi32>
    %ge3A_180 = arith.cmpi sge, %xor3A, %ge3A_179 : vector<20x4096xi32>
    %select_n3A_181 = arith.select %ge3A_180, %broadcast_in_dim3A_4, %broadcast_in_dim3A_6 : vector<20x4096xi1>, vector<20x4096xi32>
    %reduce_sum3A_182 = arith.constant dense<0> : vector<20xi32>
    %reduce_sum3A_183 = vector.multi_reduction <add>, %select_n3A_181, %reduce_sum3A_182 [1] : vector<20x4096xi32> to vector<20xi32>
    %broadcast_in_dim3A_184 = vector.shape_cast %reduce_sum3A_183 : vector<20xi32> to vector<20x1xi32>
    %ge3A_185 = arith.constant 64 : i32
    %ge3A_186 = vector.broadcast %ge3A_185 : i32 to vector<20x1xi32>
    %ge3A_187 = arith.cmpi sge, %broadcast_in_dim3A_184, %ge3A_186 : vector<20x1xi32>
    %select_n3A_188 = arith.select %ge3A_187, %or3A_160, %select_n3A_151 : vector<20x1xi1>, vector<20x1xi32>
    %select_n3A_189 = arith.select %ge3A_178, %or3A_157, %select_n3A_188 : vector<20x1xi1>, vector<20x1xi32>
    %select_n3A_190 = arith.select %ge3A_169, %or3A_154, %select_n3A_189 : vector<20x1xi1>, vector<20x1xi32>
    %or3A_191 = arith.constant 3145728 : i32
    %or3A_192 = vector.broadcast %or3A_191 : i32 to vector<20x1xi32>
    %or3A_193 = arith.ori %select_n3A_190, %or3A_192 : vector<20x1xi32>
    %or3A_194 = arith.constant 2097152 : i32
    %or3A_195 = vector.broadcast %or3A_194 : i32 to vector<20x1xi32>
    %or3A_196 = arith.ori %select_n3A_190, %or3A_195 : vector<20x1xi32>
    %or3A_197 = arith.constant 1048576 : i32
    %or3A_198 = vector.broadcast %or3A_197 : i32 to vector<20x1xi32>
    %or3A_199 = arith.ori %select_n3A_190, %or3A_198 : vector<20x1xi32>
    %ge3A_200 = vector.broadcast %or3A_193 : vector<20x1xi32> to vector<20x4096xi32>
    %ge3A_201 = arith.cmpi sge, %xor3A, %ge3A_200 : vector<20x4096xi32>
    %select_n3A_202 = arith.select %ge3A_201, %broadcast_in_dim3A_4, %broadcast_in_dim3A_6 : vector<20x4096xi1>, vector<20x4096xi32>
    %reduce_sum3A_203 = arith.constant dense<0> : vector<20xi32>
    %reduce_sum3A_204 = vector.multi_reduction <add>, %select_n3A_202, %reduce_sum3A_203 [1] : vector<20x4096xi32> to vector<20xi32>
    %broadcast_in_dim3A_205 = vector.shape_cast %reduce_sum3A_204 : vector<20xi32> to vector<20x1xi32>
    %ge3A_206 = arith.constant 64 : i32
    %ge3A_207 = vector.broadcast %ge3A_206 : i32 to vector<20x1xi32>
    %ge3A_208 = arith.cmpi sge, %broadcast_in_dim3A_205, %ge3A_207 : vector<20x1xi32>
    %ge3A_209 = vector.broadcast %or3A_196 : vector<20x1xi32> to vector<20x4096xi32>
    %ge3A_210 = arith.cmpi sge, %xor3A, %ge3A_209 : vector<20x4096xi32>
    %select_n3A_211 = arith.select %ge3A_210, %broadcast_in_dim3A_4, %broadcast_in_dim3A_6 : vector<20x4096xi1>, vector<20x4096xi32>
    %reduce_sum3A_212 = arith.constant dense<0> : vector<20xi32>
    %reduce_sum3A_213 = vector.multi_reduction <add>, %select_n3A_211, %reduce_sum3A_212 [1] : vector<20x4096xi32> to vector<20xi32>
    %broadcast_in_dim3A_214 = vector.shape_cast %reduce_sum3A_213 : vector<20xi32> to vector<20x1xi32>
    %ge3A_215 = arith.constant 64 : i32
    %ge3A_216 = vector.broadcast %ge3A_215 : i32 to vector<20x1xi32>
    %ge3A_217 = arith.cmpi sge, %broadcast_in_dim3A_214, %ge3A_216 : vector<20x1xi32>
    %ge3A_218 = vector.broadcast %or3A_199 : vector<20x1xi32> to vector<20x4096xi32>
    %ge3A_219 = arith.cmpi sge, %xor3A, %ge3A_218 : vector<20x4096xi32>
    %select_n3A_220 = arith.select %ge3A_219, %broadcast_in_dim3A_4, %broadcast_in_dim3A_6 : vector<20x4096xi1>, vector<20x4096xi32>
    %reduce_sum3A_221 = arith.constant dense<0> : vector<20xi32>
    %reduce_sum3A_222 = vector.multi_reduction <add>, %select_n3A_220, %reduce_sum3A_221 [1] : vector<20x4096xi32> to vector<20xi32>
    %broadcast_in_dim3A_223 = vector.shape_cast %reduce_sum3A_222 : vector<20xi32> to vector<20x1xi32>
    %ge3A_224 = arith.constant 64 : i32
    %ge3A_225 = vector.broadcast %ge3A_224 : i32 to vector<20x1xi32>
    %ge3A_226 = arith.cmpi sge, %broadcast_in_dim3A_223, %ge3A_225 : vector<20x1xi32>
    %select_n3A_227 = arith.select %ge3A_226, %or3A_199, %select_n3A_190 : vector<20x1xi1>, vector<20x1xi32>
    %select_n3A_228 = arith.select %ge3A_217, %or3A_196, %select_n3A_227 : vector<20x1xi1>, vector<20x1xi32>
    %select_n3A_229 = arith.select %ge3A_208, %or3A_193, %select_n3A_228 : vector<20x1xi1>, vector<20x1xi32>
    %or3A_230 = arith.constant 786432 : i32
    %or3A_231 = vector.broadcast %or3A_230 : i32 to vector<20x1xi32>
    %or3A_232 = arith.ori %select_n3A_229, %or3A_231 : vector<20x1xi32>
    %or3A_233 = arith.constant 524288 : i32
    %or3A_234 = vector.broadcast %or3A_233 : i32 to vector<20x1xi32>
    %or3A_235 = arith.ori %select_n3A_229, %or3A_234 : vector<20x1xi32>
    %or3A_236 = arith.constant 262144 : i32
    %or3A_237 = vector.broadcast %or3A_236 : i32 to vector<20x1xi32>
    %or3A_238 = arith.ori %select_n3A_229, %or3A_237 : vector<20x1xi32>
    %ge3A_239 = vector.broadcast %or3A_232 : vector<20x1xi32> to vector<20x4096xi32>
    %ge3A_240 = arith.cmpi sge, %xor3A, %ge3A_239 : vector<20x4096xi32>
    %select_n3A_241 = arith.select %ge3A_240, %broadcast_in_dim3A_4, %broadcast_in_dim3A_6 : vector<20x4096xi1>, vector<20x4096xi32>
    %reduce_sum3A_242 = arith.constant dense<0> : vector<20xi32>
    %reduce_sum3A_243 = vector.multi_reduction <add>, %select_n3A_241, %reduce_sum3A_242 [1] : vector<20x4096xi32> to vector<20xi32>
    %broadcast_in_dim3A_244 = vector.shape_cast %reduce_sum3A_243 : vector<20xi32> to vector<20x1xi32>
    %ge3A_245 = arith.constant 64 : i32
    %ge3A_246 = vector.broadcast %ge3A_245 : i32 to vector<20x1xi32>
    %ge3A_247 = arith.cmpi sge, %broadcast_in_dim3A_244, %ge3A_246 : vector<20x1xi32>
    %ge3A_248 = vector.broadcast %or3A_235 : vector<20x1xi32> to vector<20x4096xi32>
    %ge3A_249 = arith.cmpi sge, %xor3A, %ge3A_248 : vector<20x4096xi32>
    %select_n3A_250 = arith.select %ge3A_249, %broadcast_in_dim3A_4, %broadcast_in_dim3A_6 : vector<20x4096xi1>, vector<20x4096xi32>
    %reduce_sum3A_251 = arith.constant dense<0> : vector<20xi32>
    %reduce_sum3A_252 = vector.multi_reduction <add>, %select_n3A_250, %reduce_sum3A_251 [1] : vector<20x4096xi32> to vector<20xi32>
    %broadcast_in_dim3A_253 = vector.shape_cast %reduce_sum3A_252 : vector<20xi32> to vector<20x1xi32>
    %ge3A_254 = arith.constant 64 : i32
    %ge3A_255 = vector.broadcast %ge3A_254 : i32 to vector<20x1xi32>
    %ge3A_256 = arith.cmpi sge, %broadcast_in_dim3A_253, %ge3A_255 : vector<20x1xi32>
    %ge3A_257 = vector.broadcast %or3A_238 : vector<20x1xi32> to vector<20x4096xi32>
    %ge3A_258 = arith.cmpi sge, %xor3A, %ge3A_257 : vector<20x4096xi32>
    %select_n3A_259 = arith.select %ge3A_258, %broadcast_in_dim3A_4, %broadcast_in_dim3A_6 : vector<20x4096xi1>, vector<20x4096xi32>
    %reduce_sum3A_260 = arith.constant dense<0> : vector<20xi32>
    %reduce_sum3A_261 = vector.multi_reduction <add>, %select_n3A_259, %reduce_sum3A_260 [1] : vector<20x4096xi32> to vector<20xi32>
    %broadcast_in_dim3A_262 = vector.shape_cast %reduce_sum3A_261 : vector<20xi32> to vector<20x1xi32>
    %ge3A_263 = arith.constant 64 : i32
    %ge3A_264 = vector.broadcast %ge3A_263 : i32 to vector<20x1xi32>
    %ge3A_265 = arith.cmpi sge, %broadcast_in_dim3A_262, %ge3A_264 : vector<20x1xi32>
    %select_n3A_266 = arith.select %ge3A_265, %or3A_238, %select_n3A_229 : vector<20x1xi1>, vector<20x1xi32>
    %select_n3A_267 = arith.select %ge3A_256, %or3A_235, %select_n3A_266 : vector<20x1xi1>, vector<20x1xi32>
    %select_n3A_268 = arith.select %ge3A_247, %or3A_232, %select_n3A_267 : vector<20x1xi1>, vector<20x1xi32>
    %or3A_269 = arith.constant 196608 : i32
    %or3A_270 = vector.broadcast %or3A_269 : i32 to vector<20x1xi32>
    %or3A_271 = arith.ori %select_n3A_268, %or3A_270 : vector<20x1xi32>
    %or3A_272 = arith.constant 131072 : i32
    %or3A_273 = vector.broadcast %or3A_272 : i32 to vector<20x1xi32>
    %or3A_274 = arith.ori %select_n3A_268, %or3A_273 : vector<20x1xi32>
    %or3A_275 = arith.constant 65536 : i32
    %or3A_276 = vector.broadcast %or3A_275 : i32 to vector<20x1xi32>
    %or3A_277 = arith.ori %select_n3A_268, %or3A_276 : vector<20x1xi32>
    %ge3A_278 = vector.broadcast %or3A_271 : vector<20x1xi32> to vector<20x4096xi32>
    %ge3A_279 = arith.cmpi sge, %xor3A, %ge3A_278 : vector<20x4096xi32>
    %select_n3A_280 = arith.select %ge3A_279, %broadcast_in_dim3A_4, %broadcast_in_dim3A_6 : vector<20x4096xi1>, vector<20x4096xi32>
    %reduce_sum3A_281 = arith.constant dense<0> : vector<20xi32>
    %reduce_sum3A_282 = vector.multi_reduction <add>, %select_n3A_280, %reduce_sum3A_281 [1] : vector<20x4096xi32> to vector<20xi32>
    %broadcast_in_dim3A_283 = vector.shape_cast %reduce_sum3A_282 : vector<20xi32> to vector<20x1xi32>
    %ge3A_284 = arith.constant 64 : i32
    %ge3A_285 = vector.broadcast %ge3A_284 : i32 to vector<20x1xi32>
    %ge3A_286 = arith.cmpi sge, %broadcast_in_dim3A_283, %ge3A_285 : vector<20x1xi32>
    %ge3A_287 = vector.broadcast %or3A_274 : vector<20x1xi32> to vector<20x4096xi32>
    %ge3A_288 = arith.cmpi sge, %xor3A, %ge3A_287 : vector<20x4096xi32>
    %select_n3A_289 = arith.select %ge3A_288, %broadcast_in_dim3A_4, %broadcast_in_dim3A_6 : vector<20x4096xi1>, vector<20x4096xi32>
    %reduce_sum3A_290 = arith.constant dense<0> : vector<20xi32>
    %reduce_sum3A_291 = vector.multi_reduction <add>, %select_n3A_289, %reduce_sum3A_290 [1] : vector<20x4096xi32> to vector<20xi32>
    %broadcast_in_dim3A_292 = vector.shape_cast %reduce_sum3A_291 : vector<20xi32> to vector<20x1xi32>
    %ge3A_293 = arith.constant 64 : i32
    %ge3A_294 = vector.broadcast %ge3A_293 : i32 to vector<20x1xi32>
    %ge3A_295 = arith.cmpi sge, %broadcast_in_dim3A_292, %ge3A_294 : vector<20x1xi32>
    %ge3A_296 = vector.broadcast %or3A_277 : vector<20x1xi32> to vector<20x4096xi32>
    %ge3A_297 = arith.cmpi sge, %xor3A, %ge3A_296 : vector<20x4096xi32>
    %select_n3A_298 = arith.select %ge3A_297, %broadcast_in_dim3A_4, %broadcast_in_dim3A_6 : vector<20x4096xi1>, vector<20x4096xi32>
    %reduce_sum3A_299 = arith.constant dense<0> : vector<20xi32>
    %reduce_sum3A_300 = vector.multi_reduction <add>, %select_n3A_298, %reduce_sum3A_299 [1] : vector<20x4096xi32> to vector<20xi32>
    %broadcast_in_dim3A_301 = vector.shape_cast %reduce_sum3A_300 : vector<20xi32> to vector<20x1xi32>
    %ge3A_302 = arith.constant 64 : i32
    %ge3A_303 = vector.broadcast %ge3A_302 : i32 to vector<20x1xi32>
    %ge3A_304 = arith.cmpi sge, %broadcast_in_dim3A_301, %ge3A_303 : vector<20x1xi32>
    %select_n3A_305 = arith.select %ge3A_304, %or3A_277, %select_n3A_268 : vector<20x1xi1>, vector<20x1xi32>
    %select_n3A_306 = arith.select %ge3A_295, %or3A_274, %select_n3A_305 : vector<20x1xi1>, vector<20x1xi32>
    %select_n3A_307 = arith.select %ge3A_286, %or3A_271, %select_n3A_306 : vector<20x1xi1>, vector<20x1xi32>
    %or3A_308 = arith.constant 49152 : i32
    %or3A_309 = vector.broadcast %or3A_308 : i32 to vector<20x1xi32>
    %or3A_310 = arith.ori %select_n3A_307, %or3A_309 : vector<20x1xi32>
    %or3A_311 = arith.constant 32768 : i32
    %or3A_312 = vector.broadcast %or3A_311 : i32 to vector<20x1xi32>
    %or3A_313 = arith.ori %select_n3A_307, %or3A_312 : vector<20x1xi32>
    %or3A_314 = arith.constant 16384 : i32
    %or3A_315 = vector.broadcast %or3A_314 : i32 to vector<20x1xi32>
    %or3A_316 = arith.ori %select_n3A_307, %or3A_315 : vector<20x1xi32>
    %ge3A_317 = vector.broadcast %or3A_310 : vector<20x1xi32> to vector<20x4096xi32>
    %ge3A_318 = arith.cmpi sge, %xor3A, %ge3A_317 : vector<20x4096xi32>
    %select_n3A_319 = arith.select %ge3A_318, %broadcast_in_dim3A_4, %broadcast_in_dim3A_6 : vector<20x4096xi1>, vector<20x4096xi32>
    %reduce_sum3A_320 = arith.constant dense<0> : vector<20xi32>
    %reduce_sum3A_321 = vector.multi_reduction <add>, %select_n3A_319, %reduce_sum3A_320 [1] : vector<20x4096xi32> to vector<20xi32>
    %broadcast_in_dim3A_322 = vector.shape_cast %reduce_sum3A_321 : vector<20xi32> to vector<20x1xi32>
    %ge3A_323 = arith.constant 64 : i32
    %ge3A_324 = vector.broadcast %ge3A_323 : i32 to vector<20x1xi32>
    %ge3A_325 = arith.cmpi sge, %broadcast_in_dim3A_322, %ge3A_324 : vector<20x1xi32>
    %ge3A_326 = vector.broadcast %or3A_313 : vector<20x1xi32> to vector<20x4096xi32>
    %ge3A_327 = arith.cmpi sge, %xor3A, %ge3A_326 : vector<20x4096xi32>
    %select_n3A_328 = arith.select %ge3A_327, %broadcast_in_dim3A_4, %broadcast_in_dim3A_6 : vector<20x4096xi1>, vector<20x4096xi32>
    %reduce_sum3A_329 = arith.constant dense<0> : vector<20xi32>
    %reduce_sum3A_330 = vector.multi_reduction <add>, %select_n3A_328, %reduce_sum3A_329 [1] : vector<20x4096xi32> to vector<20xi32>
    %broadcast_in_dim3A_331 = vector.shape_cast %reduce_sum3A_330 : vector<20xi32> to vector<20x1xi32>
    %ge3A_332 = arith.constant 64 : i32
    %ge3A_333 = vector.broadcast %ge3A_332 : i32 to vector<20x1xi32>
    %ge3A_334 = arith.cmpi sge, %broadcast_in_dim3A_331, %ge3A_333 : vector<20x1xi32>
    %ge3A_335 = vector.broadcast %or3A_316 : vector<20x1xi32> to vector<20x4096xi32>
    %ge3A_336 = arith.cmpi sge, %xor3A, %ge3A_335 : vector<20x4096xi32>
    %select_n3A_337 = arith.select %ge3A_336, %broadcast_in_dim3A_4, %broadcast_in_dim3A_6 : vector<20x4096xi1>, vector<20x4096xi32>
    %reduce_sum3A_338 = arith.constant dense<0> : vector<20xi32>
    %reduce_sum3A_339 = vector.multi_reduction <add>, %select_n3A_337, %reduce_sum3A_338 [1] : vector<20x4096xi32> to vector<20xi32>
    %broadcast_in_dim3A_340 = vector.shape_cast %reduce_sum3A_339 : vector<20xi32> to vector<20x1xi32>
    %ge3A_341 = arith.constant 64 : i32
    %ge3A_342 = vector.broadcast %ge3A_341 : i32 to vector<20x1xi32>
    %ge3A_343 = arith.cmpi sge, %broadcast_in_dim3A_340, %ge3A_342 : vector<20x1xi32>
    %select_n3A_344 = arith.select %ge3A_343, %or3A_316, %select_n3A_307 : vector<20x1xi1>, vector<20x1xi32>
    %select_n3A_345 = arith.select %ge3A_334, %or3A_313, %select_n3A_344 : vector<20x1xi1>, vector<20x1xi32>
    %select_n3A_346 = arith.select %ge3A_325, %or3A_310, %select_n3A_345 : vector<20x1xi1>, vector<20x1xi32>
    %or3A_347 = arith.constant 12288 : i32
    %or3A_348 = vector.broadcast %or3A_347 : i32 to vector<20x1xi32>
    %or3A_349 = arith.ori %select_n3A_346, %or3A_348 : vector<20x1xi32>
    %or3A_350 = arith.constant 8192 : i32
    %or3A_351 = vector.broadcast %or3A_350 : i32 to vector<20x1xi32>
    %or3A_352 = arith.ori %select_n3A_346, %or3A_351 : vector<20x1xi32>
    %or3A_353 = arith.constant 4096 : i32
    %or3A_354 = vector.broadcast %or3A_353 : i32 to vector<20x1xi32>
    %or3A_355 = arith.ori %select_n3A_346, %or3A_354 : vector<20x1xi32>
    %ge3A_356 = vector.broadcast %or3A_349 : vector<20x1xi32> to vector<20x4096xi32>
    %ge3A_357 = arith.cmpi sge, %xor3A, %ge3A_356 : vector<20x4096xi32>
    %select_n3A_358 = arith.select %ge3A_357, %broadcast_in_dim3A_4, %broadcast_in_dim3A_6 : vector<20x4096xi1>, vector<20x4096xi32>
    %reduce_sum3A_359 = arith.constant dense<0> : vector<20xi32>
    %reduce_sum3A_360 = vector.multi_reduction <add>, %select_n3A_358, %reduce_sum3A_359 [1] : vector<20x4096xi32> to vector<20xi32>
    %broadcast_in_dim3A_361 = vector.shape_cast %reduce_sum3A_360 : vector<20xi32> to vector<20x1xi32>
    %ge3A_362 = arith.constant 64 : i32
    %ge3A_363 = vector.broadcast %ge3A_362 : i32 to vector<20x1xi32>
    %ge3A_364 = arith.cmpi sge, %broadcast_in_dim3A_361, %ge3A_363 : vector<20x1xi32>
    %ge3A_365 = vector.broadcast %or3A_352 : vector<20x1xi32> to vector<20x4096xi32>
    %ge3A_366 = arith.cmpi sge, %xor3A, %ge3A_365 : vector<20x4096xi32>
    %select_n3A_367 = arith.select %ge3A_366, %broadcast_in_dim3A_4, %broadcast_in_dim3A_6 : vector<20x4096xi1>, vector<20x4096xi32>
    %reduce_sum3A_368 = arith.constant dense<0> : vector<20xi32>
    %reduce_sum3A_369 = vector.multi_reduction <add>, %select_n3A_367, %reduce_sum3A_368 [1] : vector<20x4096xi32> to vector<20xi32>
    %broadcast_in_dim3A_370 = vector.shape_cast %reduce_sum3A_369 : vector<20xi32> to vector<20x1xi32>
    %ge3A_371 = arith.constant 64 : i32
    %ge3A_372 = vector.broadcast %ge3A_371 : i32 to vector<20x1xi32>
    %ge3A_373 = arith.cmpi sge, %broadcast_in_dim3A_370, %ge3A_372 : vector<20x1xi32>
    %ge3A_374 = vector.broadcast %or3A_355 : vector<20x1xi32> to vector<20x4096xi32>
    %ge3A_375 = arith.cmpi sge, %xor3A, %ge3A_374 : vector<20x4096xi32>
    %select_n3A_376 = arith.select %ge3A_375, %broadcast_in_dim3A_4, %broadcast_in_dim3A_6 : vector<20x4096xi1>, vector<20x4096xi32>
    %reduce_sum3A_377 = arith.constant dense<0> : vector<20xi32>
    %reduce_sum3A_378 = vector.multi_reduction <add>, %select_n3A_376, %reduce_sum3A_377 [1] : vector<20x4096xi32> to vector<20xi32>
    %broadcast_in_dim3A_379 = vector.shape_cast %reduce_sum3A_378 : vector<20xi32> to vector<20x1xi32>
    %ge3A_380 = arith.constant 64 : i32
    %ge3A_381 = vector.broadcast %ge3A_380 : i32 to vector<20x1xi32>
    %ge3A_382 = arith.cmpi sge, %broadcast_in_dim3A_379, %ge3A_381 : vector<20x1xi32>
    %select_n3A_383 = arith.select %ge3A_382, %or3A_355, %select_n3A_346 : vector<20x1xi1>, vector<20x1xi32>
    %select_n3A_384 = arith.select %ge3A_373, %or3A_352, %select_n3A_383 : vector<20x1xi1>, vector<20x1xi32>
    %select_n3A_385 = arith.select %ge3A_364, %or3A_349, %select_n3A_384 : vector<20x1xi1>, vector<20x1xi32>
    %or3A_386 = arith.constant 3072 : i32
    %or3A_387 = vector.broadcast %or3A_386 : i32 to vector<20x1xi32>
    %or3A_388 = arith.ori %select_n3A_385, %or3A_387 : vector<20x1xi32>
    %or3A_389 = arith.constant 2048 : i32
    %or3A_390 = vector.broadcast %or3A_389 : i32 to vector<20x1xi32>
    %or3A_391 = arith.ori %select_n3A_385, %or3A_390 : vector<20x1xi32>
    %or3A_392 = arith.constant 1024 : i32
    %or3A_393 = vector.broadcast %or3A_392 : i32 to vector<20x1xi32>
    %or3A_394 = arith.ori %select_n3A_385, %or3A_393 : vector<20x1xi32>
    %ge3A_395 = vector.broadcast %or3A_388 : vector<20x1xi32> to vector<20x4096xi32>
    %ge3A_396 = arith.cmpi sge, %xor3A, %ge3A_395 : vector<20x4096xi32>
    %select_n3A_397 = arith.select %ge3A_396, %broadcast_in_dim3A_4, %broadcast_in_dim3A_6 : vector<20x4096xi1>, vector<20x4096xi32>
    %reduce_sum3A_398 = arith.constant dense<0> : vector<20xi32>
    %reduce_sum3A_399 = vector.multi_reduction <add>, %select_n3A_397, %reduce_sum3A_398 [1] : vector<20x4096xi32> to vector<20xi32>
    %broadcast_in_dim3A_400 = vector.shape_cast %reduce_sum3A_399 : vector<20xi32> to vector<20x1xi32>
    %ge3A_401 = arith.constant 64 : i32
    %ge3A_402 = vector.broadcast %ge3A_401 : i32 to vector<20x1xi32>
    %ge3A_403 = arith.cmpi sge, %broadcast_in_dim3A_400, %ge3A_402 : vector<20x1xi32>
    %ge3A_404 = vector.broadcast %or3A_391 : vector<20x1xi32> to vector<20x4096xi32>
    %ge3A_405 = arith.cmpi sge, %xor3A, %ge3A_404 : vector<20x4096xi32>
    %select_n3A_406 = arith.select %ge3A_405, %broadcast_in_dim3A_4, %broadcast_in_dim3A_6 : vector<20x4096xi1>, vector<20x4096xi32>
    %reduce_sum3A_407 = arith.constant dense<0> : vector<20xi32>
    %reduce_sum3A_408 = vector.multi_reduction <add>, %select_n3A_406, %reduce_sum3A_407 [1] : vector<20x4096xi32> to vector<20xi32>
    %broadcast_in_dim3A_409 = vector.shape_cast %reduce_sum3A_408 : vector<20xi32> to vector<20x1xi32>
    %ge3A_410 = arith.constant 64 : i32
    %ge3A_411 = vector.broadcast %ge3A_410 : i32 to vector<20x1xi32>
    %ge3A_412 = arith.cmpi sge, %broadcast_in_dim3A_409, %ge3A_411 : vector<20x1xi32>
    %ge3A_413 = vector.broadcast %or3A_394 : vector<20x1xi32> to vector<20x4096xi32>
    %ge3A_414 = arith.cmpi sge, %xor3A, %ge3A_413 : vector<20x4096xi32>
    %select_n3A_415 = arith.select %ge3A_414, %broadcast_in_dim3A_4, %broadcast_in_dim3A_6 : vector<20x4096xi1>, vector<20x4096xi32>
    %reduce_sum3A_416 = arith.constant dense<0> : vector<20xi32>
    %reduce_sum3A_417 = vector.multi_reduction <add>, %select_n3A_415, %reduce_sum3A_416 [1] : vector<20x4096xi32> to vector<20xi32>
    %broadcast_in_dim3A_418 = vector.shape_cast %reduce_sum3A_417 : vector<20xi32> to vector<20x1xi32>
    %ge3A_419 = arith.constant 64 : i32
    %ge3A_420 = vector.broadcast %ge3A_419 : i32 to vector<20x1xi32>
    %ge3A_421 = arith.cmpi sge, %broadcast_in_dim3A_418, %ge3A_420 : vector<20x1xi32>
    %select_n3A_422 = arith.select %ge3A_421, %or3A_394, %select_n3A_385 : vector<20x1xi1>, vector<20x1xi32>
    %select_n3A_423 = arith.select %ge3A_412, %or3A_391, %select_n3A_422 : vector<20x1xi1>, vector<20x1xi32>
    %select_n3A_424 = arith.select %ge3A_403, %or3A_388, %select_n3A_423 : vector<20x1xi1>, vector<20x1xi32>
    %or3A_425 = arith.constant 768 : i32
    %or3A_426 = vector.broadcast %or3A_425 : i32 to vector<20x1xi32>
    %or3A_427 = arith.ori %select_n3A_424, %or3A_426 : vector<20x1xi32>
    %or3A_428 = arith.constant 512 : i32
    %or3A_429 = vector.broadcast %or3A_428 : i32 to vector<20x1xi32>
    %or3A_430 = arith.ori %select_n3A_424, %or3A_429 : vector<20x1xi32>
    %or3A_431 = arith.constant 256 : i32
    %or3A_432 = vector.broadcast %or3A_431 : i32 to vector<20x1xi32>
    %or3A_433 = arith.ori %select_n3A_424, %or3A_432 : vector<20x1xi32>
    %ge3A_434 = vector.broadcast %or3A_427 : vector<20x1xi32> to vector<20x4096xi32>
    %ge3A_435 = arith.cmpi sge, %xor3A, %ge3A_434 : vector<20x4096xi32>
    %select_n3A_436 = arith.select %ge3A_435, %broadcast_in_dim3A_4, %broadcast_in_dim3A_6 : vector<20x4096xi1>, vector<20x4096xi32>
    %reduce_sum3A_437 = arith.constant dense<0> : vector<20xi32>
    %reduce_sum3A_438 = vector.multi_reduction <add>, %select_n3A_436, %reduce_sum3A_437 [1] : vector<20x4096xi32> to vector<20xi32>
    %broadcast_in_dim3A_439 = vector.shape_cast %reduce_sum3A_438 : vector<20xi32> to vector<20x1xi32>
    %ge3A_440 = arith.constant 64 : i32
    %ge3A_441 = vector.broadcast %ge3A_440 : i32 to vector<20x1xi32>
    %ge3A_442 = arith.cmpi sge, %broadcast_in_dim3A_439, %ge3A_441 : vector<20x1xi32>
    %ge3A_443 = vector.broadcast %or3A_430 : vector<20x1xi32> to vector<20x4096xi32>
    %ge3A_444 = arith.cmpi sge, %xor3A, %ge3A_443 : vector<20x4096xi32>
    %select_n3A_445 = arith.select %ge3A_444, %broadcast_in_dim3A_4, %broadcast_in_dim3A_6 : vector<20x4096xi1>, vector<20x4096xi32>
    %reduce_sum3A_446 = arith.constant dense<0> : vector<20xi32>
    %reduce_sum3A_447 = vector.multi_reduction <add>, %select_n3A_445, %reduce_sum3A_446 [1] : vector<20x4096xi32> to vector<20xi32>
    %broadcast_in_dim3A_448 = vector.shape_cast %reduce_sum3A_447 : vector<20xi32> to vector<20x1xi32>
    %ge3A_449 = arith.constant 64 : i32
    %ge3A_450 = vector.broadcast %ge3A_449 : i32 to vector<20x1xi32>
    %ge3A_451 = arith.cmpi sge, %broadcast_in_dim3A_448, %ge3A_450 : vector<20x1xi32>
    %ge3A_452 = vector.broadcast %or3A_433 : vector<20x1xi32> to vector<20x4096xi32>
    %ge3A_453 = arith.cmpi sge, %xor3A, %ge3A_452 : vector<20x4096xi32>
    %select_n3A_454 = arith.select %ge3A_453, %broadcast_in_dim3A_4, %broadcast_in_dim3A_6 : vector<20x4096xi1>, vector<20x4096xi32>
    %reduce_sum3A_455 = arith.constant dense<0> : vector<20xi32>
    %reduce_sum3A_456 = vector.multi_reduction <add>, %select_n3A_454, %reduce_sum3A_455 [1] : vector<20x4096xi32> to vector<20xi32>
    %broadcast_in_dim3A_457 = vector.shape_cast %reduce_sum3A_456 : vector<20xi32> to vector<20x1xi32>
    %ge3A_458 = arith.constant 64 : i32
    %ge3A_459 = vector.broadcast %ge3A_458 : i32 to vector<20x1xi32>
    %ge3A_460 = arith.cmpi sge, %broadcast_in_dim3A_457, %ge3A_459 : vector<20x1xi32>
    %select_n3A_461 = arith.select %ge3A_460, %or3A_433, %select_n3A_424 : vector<20x1xi1>, vector<20x1xi32>
    %select_n3A_462 = arith.select %ge3A_451, %or3A_430, %select_n3A_461 : vector<20x1xi1>, vector<20x1xi32>
    %select_n3A_463 = arith.select %ge3A_442, %or3A_427, %select_n3A_462 : vector<20x1xi1>, vector<20x1xi32>
    %or3A_464 = arith.constant 192 : i32
    %or3A_465 = vector.broadcast %or3A_464 : i32 to vector<20x1xi32>
    %or3A_466 = arith.ori %select_n3A_463, %or3A_465 : vector<20x1xi32>
    %or3A_467 = arith.constant 128 : i32
    %or3A_468 = vector.broadcast %or3A_467 : i32 to vector<20x1xi32>
    %or3A_469 = arith.ori %select_n3A_463, %or3A_468 : vector<20x1xi32>
    %or3A_470 = arith.constant 64 : i32
    %or3A_471 = vector.broadcast %or3A_470 : i32 to vector<20x1xi32>
    %or3A_472 = arith.ori %select_n3A_463, %or3A_471 : vector<20x1xi32>
    %ge3A_473 = vector.broadcast %or3A_466 : vector<20x1xi32> to vector<20x4096xi32>
    %ge3A_474 = arith.cmpi sge, %xor3A, %ge3A_473 : vector<20x4096xi32>
    %select_n3A_475 = arith.select %ge3A_474, %broadcast_in_dim3A_4, %broadcast_in_dim3A_6 : vector<20x4096xi1>, vector<20x4096xi32>
    %reduce_sum3A_476 = arith.constant dense<0> : vector<20xi32>
    %reduce_sum3A_477 = vector.multi_reduction <add>, %select_n3A_475, %reduce_sum3A_476 [1] : vector<20x4096xi32> to vector<20xi32>
    %broadcast_in_dim3A_478 = vector.shape_cast %reduce_sum3A_477 : vector<20xi32> to vector<20x1xi32>
    %ge3A_479 = arith.constant 64 : i32
    %ge3A_480 = vector.broadcast %ge3A_479 : i32 to vector<20x1xi32>
    %ge3A_481 = arith.cmpi sge, %broadcast_in_dim3A_478, %ge3A_480 : vector<20x1xi32>
    %ge3A_482 = vector.broadcast %or3A_469 : vector<20x1xi32> to vector<20x4096xi32>
    %ge3A_483 = arith.cmpi sge, %xor3A, %ge3A_482 : vector<20x4096xi32>
    %select_n3A_484 = arith.select %ge3A_483, %broadcast_in_dim3A_4, %broadcast_in_dim3A_6 : vector<20x4096xi1>, vector<20x4096xi32>
    %reduce_sum3A_485 = arith.constant dense<0> : vector<20xi32>
    %reduce_sum3A_486 = vector.multi_reduction <add>, %select_n3A_484, %reduce_sum3A_485 [1] : vector<20x4096xi32> to vector<20xi32>
    %broadcast_in_dim3A_487 = vector.shape_cast %reduce_sum3A_486 : vector<20xi32> to vector<20x1xi32>
    %ge3A_488 = arith.constant 64 : i32
    %ge3A_489 = vector.broadcast %ge3A_488 : i32 to vector<20x1xi32>
    %ge3A_490 = arith.cmpi sge, %broadcast_in_dim3A_487, %ge3A_489 : vector<20x1xi32>
    %ge3A_491 = vector.broadcast %or3A_472 : vector<20x1xi32> to vector<20x4096xi32>
    %ge3A_492 = arith.cmpi sge, %xor3A, %ge3A_491 : vector<20x4096xi32>
    %select_n3A_493 = arith.select %ge3A_492, %broadcast_in_dim3A_4, %broadcast_in_dim3A_6 : vector<20x4096xi1>, vector<20x4096xi32>
    %reduce_sum3A_494 = arith.constant dense<0> : vector<20xi32>
    %reduce_sum3A_495 = vector.multi_reduction <add>, %select_n3A_493, %reduce_sum3A_494 [1] : vector<20x4096xi32> to vector<20xi32>
    %broadcast_in_dim3A_496 = vector.shape_cast %reduce_sum3A_495 : vector<20xi32> to vector<20x1xi32>
    %ge3A_497 = arith.constant 64 : i32
    %ge3A_498 = vector.broadcast %ge3A_497 : i32 to vector<20x1xi32>
    %ge3A_499 = arith.cmpi sge, %broadcast_in_dim3A_496, %ge3A_498 : vector<20x1xi32>
    %select_n3A_500 = arith.select %ge3A_499, %or3A_472, %select_n3A_463 : vector<20x1xi1>, vector<20x1xi32>
    %select_n3A_501 = arith.select %ge3A_490, %or3A_469, %select_n3A_500 : vector<20x1xi1>, vector<20x1xi32>
    %select_n3A_502 = arith.select %ge3A_481, %or3A_466, %select_n3A_501 : vector<20x1xi1>, vector<20x1xi32>
    %or3A_503 = arith.constant 48 : i32
    %or3A_504 = vector.broadcast %or3A_503 : i32 to vector<20x1xi32>
    %or3A_505 = arith.ori %select_n3A_502, %or3A_504 : vector<20x1xi32>
    %or3A_506 = arith.constant 32 : i32
    %or3A_507 = vector.broadcast %or3A_506 : i32 to vector<20x1xi32>
    %or3A_508 = arith.ori %select_n3A_502, %or3A_507 : vector<20x1xi32>
    %or3A_509 = arith.constant 16 : i32
    %or3A_510 = vector.broadcast %or3A_509 : i32 to vector<20x1xi32>
    %or3A_511 = arith.ori %select_n3A_502, %or3A_510 : vector<20x1xi32>
    %ge3A_512 = vector.broadcast %or3A_505 : vector<20x1xi32> to vector<20x4096xi32>
    %ge3A_513 = arith.cmpi sge, %xor3A, %ge3A_512 : vector<20x4096xi32>
    %select_n3A_514 = arith.select %ge3A_513, %broadcast_in_dim3A_4, %broadcast_in_dim3A_6 : vector<20x4096xi1>, vector<20x4096xi32>
    %reduce_sum3A_515 = arith.constant dense<0> : vector<20xi32>
    %reduce_sum3A_516 = vector.multi_reduction <add>, %select_n3A_514, %reduce_sum3A_515 [1] : vector<20x4096xi32> to vector<20xi32>
    %broadcast_in_dim3A_517 = vector.shape_cast %reduce_sum3A_516 : vector<20xi32> to vector<20x1xi32>
    %ge3A_518 = arith.constant 64 : i32
    %ge3A_519 = vector.broadcast %ge3A_518 : i32 to vector<20x1xi32>
    %ge3A_520 = arith.cmpi sge, %broadcast_in_dim3A_517, %ge3A_519 : vector<20x1xi32>
    %ge3A_521 = vector.broadcast %or3A_508 : vector<20x1xi32> to vector<20x4096xi32>
    %ge3A_522 = arith.cmpi sge, %xor3A, %ge3A_521 : vector<20x4096xi32>
    %select_n3A_523 = arith.select %ge3A_522, %broadcast_in_dim3A_4, %broadcast_in_dim3A_6 : vector<20x4096xi1>, vector<20x4096xi32>
    %reduce_sum3A_524 = arith.constant dense<0> : vector<20xi32>
    %reduce_sum3A_525 = vector.multi_reduction <add>, %select_n3A_523, %reduce_sum3A_524 [1] : vector<20x4096xi32> to vector<20xi32>
    %broadcast_in_dim3A_526 = vector.shape_cast %reduce_sum3A_525 : vector<20xi32> to vector<20x1xi32>
    %ge3A_527 = arith.constant 64 : i32
    %ge3A_528 = vector.broadcast %ge3A_527 : i32 to vector<20x1xi32>
    %ge3A_529 = arith.cmpi sge, %broadcast_in_dim3A_526, %ge3A_528 : vector<20x1xi32>
    %ge3A_530 = vector.broadcast %or3A_511 : vector<20x1xi32> to vector<20x4096xi32>
    %ge3A_531 = arith.cmpi sge, %xor3A, %ge3A_530 : vector<20x4096xi32>
    %select_n3A_532 = arith.select %ge3A_531, %broadcast_in_dim3A_4, %broadcast_in_dim3A_6 : vector<20x4096xi1>, vector<20x4096xi32>
    %reduce_sum3A_533 = arith.constant dense<0> : vector<20xi32>
    %reduce_sum3A_534 = vector.multi_reduction <add>, %select_n3A_532, %reduce_sum3A_533 [1] : vector<20x4096xi32> to vector<20xi32>
    %broadcast_in_dim3A_535 = vector.shape_cast %reduce_sum3A_534 : vector<20xi32> to vector<20x1xi32>
    %ge3A_536 = arith.constant 64 : i32
    %ge3A_537 = vector.broadcast %ge3A_536 : i32 to vector<20x1xi32>
    %ge3A_538 = arith.cmpi sge, %broadcast_in_dim3A_535, %ge3A_537 : vector<20x1xi32>
    %select_n3A_539 = arith.select %ge3A_538, %or3A_511, %select_n3A_502 : vector<20x1xi1>, vector<20x1xi32>
    %select_n3A_540 = arith.select %ge3A_529, %or3A_508, %select_n3A_539 : vector<20x1xi1>, vector<20x1xi32>
    %select_n3A_541 = arith.select %ge3A_520, %or3A_505, %select_n3A_540 : vector<20x1xi1>, vector<20x1xi32>
    %or3A_542 = arith.constant 12 : i32
    %or3A_543 = vector.broadcast %or3A_542 : i32 to vector<20x1xi32>
    %or3A_544 = arith.ori %select_n3A_541, %or3A_543 : vector<20x1xi32>
    %or3A_545 = arith.constant 8 : i32
    %or3A_546 = vector.broadcast %or3A_545 : i32 to vector<20x1xi32>
    %or3A_547 = arith.ori %select_n3A_541, %or3A_546 : vector<20x1xi32>
    %or3A_548 = arith.constant 4 : i32
    %or3A_549 = vector.broadcast %or3A_548 : i32 to vector<20x1xi32>
    %or3A_550 = arith.ori %select_n3A_541, %or3A_549 : vector<20x1xi32>
    %ge3A_551 = vector.broadcast %or3A_544 : vector<20x1xi32> to vector<20x4096xi32>
    %ge3A_552 = arith.cmpi sge, %xor3A, %ge3A_551 : vector<20x4096xi32>
    %select_n3A_553 = arith.select %ge3A_552, %broadcast_in_dim3A_4, %broadcast_in_dim3A_6 : vector<20x4096xi1>, vector<20x4096xi32>
    %reduce_sum3A_554 = arith.constant dense<0> : vector<20xi32>
    %reduce_sum3A_555 = vector.multi_reduction <add>, %select_n3A_553, %reduce_sum3A_554 [1] : vector<20x4096xi32> to vector<20xi32>
    %broadcast_in_dim3A_556 = vector.shape_cast %reduce_sum3A_555 : vector<20xi32> to vector<20x1xi32>
    %ge3A_557 = arith.constant 64 : i32
    %ge3A_558 = vector.broadcast %ge3A_557 : i32 to vector<20x1xi32>
    %ge3A_559 = arith.cmpi sge, %broadcast_in_dim3A_556, %ge3A_558 : vector<20x1xi32>
    %ge3A_560 = vector.broadcast %or3A_547 : vector<20x1xi32> to vector<20x4096xi32>
    %ge3A_561 = arith.cmpi sge, %xor3A, %ge3A_560 : vector<20x4096xi32>
    %select_n3A_562 = arith.select %ge3A_561, %broadcast_in_dim3A_4, %broadcast_in_dim3A_6 : vector<20x4096xi1>, vector<20x4096xi32>
    %reduce_sum3A_563 = arith.constant dense<0> : vector<20xi32>
    %reduce_sum3A_564 = vector.multi_reduction <add>, %select_n3A_562, %reduce_sum3A_563 [1] : vector<20x4096xi32> to vector<20xi32>
    %broadcast_in_dim3A_565 = vector.shape_cast %reduce_sum3A_564 : vector<20xi32> to vector<20x1xi32>
    %ge3A_566 = arith.constant 64 : i32
    %ge3A_567 = vector.broadcast %ge3A_566 : i32 to vector<20x1xi32>
    %ge3A_568 = arith.cmpi sge, %broadcast_in_dim3A_565, %ge3A_567 : vector<20x1xi32>
    %ge3A_569 = vector.broadcast %or3A_550 : vector<20x1xi32> to vector<20x4096xi32>
    %ge3A_570 = arith.cmpi sge, %xor3A, %ge3A_569 : vector<20x4096xi32>
    %select_n3A_571 = arith.select %ge3A_570, %broadcast_in_dim3A_4, %broadcast_in_dim3A_6 : vector<20x4096xi1>, vector<20x4096xi32>
    %reduce_sum3A_572 = arith.constant dense<0> : vector<20xi32>
    %reduce_sum3A_573 = vector.multi_reduction <add>, %select_n3A_571, %reduce_sum3A_572 [1] : vector<20x4096xi32> to vector<20xi32>
    %broadcast_in_dim3A_574 = vector.shape_cast %reduce_sum3A_573 : vector<20xi32> to vector<20x1xi32>
    %ge3A_575 = arith.constant 64 : i32
    %ge3A_576 = vector.broadcast %ge3A_575 : i32 to vector<20x1xi32>
    %ge3A_577 = arith.cmpi sge, %broadcast_in_dim3A_574, %ge3A_576 : vector<20x1xi32>
    %select_n3A_578 = arith.select %ge3A_577, %or3A_550, %select_n3A_541 : vector<20x1xi1>, vector<20x1xi32>
    %select_n3A_579 = arith.select %ge3A_568, %or3A_547, %select_n3A_578 : vector<20x1xi1>, vector<20x1xi32>
    %select_n3A_580 = arith.select %ge3A_559, %or3A_544, %select_n3A_579 : vector<20x1xi1>, vector<20x1xi32>
    %or3A_581 = arith.constant 3 : i32
    %or3A_582 = vector.broadcast %or3A_581 : i32 to vector<20x1xi32>
    %or3A_583 = arith.ori %select_n3A_580, %or3A_582 : vector<20x1xi32>
    %or3A_584 = arith.constant 2 : i32
    %or3A_585 = vector.broadcast %or3A_584 : i32 to vector<20x1xi32>
    %or3A_586 = arith.ori %select_n3A_580, %or3A_585 : vector<20x1xi32>
    %or3A_587 = arith.constant 1 : i32
    %or3A_588 = vector.broadcast %or3A_587 : i32 to vector<20x1xi32>
    %or3A_589 = arith.ori %select_n3A_580, %or3A_588 : vector<20x1xi32>
    %ge3A_590 = vector.broadcast %or3A_583 : vector<20x1xi32> to vector<20x4096xi32>
    %ge3A_591 = arith.cmpi sge, %xor3A, %ge3A_590 : vector<20x4096xi32>
    %select_n3A_592 = arith.select %ge3A_591, %broadcast_in_dim3A_4, %broadcast_in_dim3A_6 : vector<20x4096xi1>, vector<20x4096xi32>
    %reduce_sum3A_593 = arith.constant dense<0> : vector<20xi32>
    %reduce_sum3A_594 = vector.multi_reduction <add>, %select_n3A_592, %reduce_sum3A_593 [1] : vector<20x4096xi32> to vector<20xi32>
    %broadcast_in_dim3A_595 = vector.shape_cast %reduce_sum3A_594 : vector<20xi32> to vector<20x1xi32>
    %ge3A_596 = arith.constant 64 : i32
    %ge3A_597 = vector.broadcast %ge3A_596 : i32 to vector<20x1xi32>
    %ge3A_598 = arith.cmpi sge, %broadcast_in_dim3A_595, %ge3A_597 : vector<20x1xi32>
    %ge3A_599 = vector.broadcast %or3A_586 : vector<20x1xi32> to vector<20x4096xi32>
    %ge3A_600 = arith.cmpi sge, %xor3A, %ge3A_599 : vector<20x4096xi32>
    %select_n3A_601 = arith.select %ge3A_600, %broadcast_in_dim3A_4, %broadcast_in_dim3A_6 : vector<20x4096xi1>, vector<20x4096xi32>
    %reduce_sum3A_602 = arith.constant dense<0> : vector<20xi32>
    %reduce_sum3A_603 = vector.multi_reduction <add>, %select_n3A_601, %reduce_sum3A_602 [1] : vector<20x4096xi32> to vector<20xi32>
    %broadcast_in_dim3A_604 = vector.shape_cast %reduce_sum3A_603 : vector<20xi32> to vector<20x1xi32>
    %ge3A_605 = arith.constant 64 : i32
    %ge3A_606 = vector.broadcast %ge3A_605 : i32 to vector<20x1xi32>
    %ge3A_607 = arith.cmpi sge, %broadcast_in_dim3A_604, %ge3A_606 : vector<20x1xi32>
    %ge3A_608 = vector.broadcast %or3A_589 : vector<20x1xi32> to vector<20x4096xi32>
    %ge3A_609 = arith.cmpi sge, %xor3A, %ge3A_608 : vector<20x4096xi32>
    %select_n3A_610 = arith.select %ge3A_609, %broadcast_in_dim3A_4, %broadcast_in_dim3A_6 : vector<20x4096xi1>, vector<20x4096xi32>
    %reduce_sum3A_611 = arith.constant dense<0> : vector<20xi32>
    %reduce_sum3A_612 = vector.multi_reduction <add>, %select_n3A_610, %reduce_sum3A_611 [1] : vector<20x4096xi32> to vector<20xi32>
    %broadcast_in_dim3A_613 = vector.shape_cast %reduce_sum3A_612 : vector<20xi32> to vector<20x1xi32>
    %ge3A_614 = arith.constant 64 : i32
    %ge3A_615 = vector.broadcast %ge3A_614 : i32 to vector<20x1xi32>
    %ge3A_616 = arith.cmpi sge, %broadcast_in_dim3A_613, %ge3A_615 : vector<20x1xi32>
    %select_n3A_617 = arith.select %ge3A_616, %or3A_589, %select_n3A_580 : vector<20x1xi1>, vector<20x1xi32>
    %select_n3A_618 = arith.select %ge3A_607, %or3A_586, %select_n3A_617 : vector<20x1xi1>, vector<20x1xi32>
    %select_n3A_619 = arith.select %ge3A_598, %or3A_583, %select_n3A_618 : vector<20x1xi1>, vector<20x1xi32>
    %gt3A = vector.broadcast %select_n3A_619 : vector<20x1xi32> to vector<20x4096xi32>
    %gt3A_620 = arith.cmpi sgt, %xor3A, %gt3A : vector<20x4096xi32>
    %eq3A = vector.broadcast %select_n3A_619 : vector<20x1xi32> to vector<20x4096xi32>
    %eq3A_621 = arith.cmpi eq, %xor3A, %eq3A : vector<20x4096xi32>
    %select_n3A_622 = arith.select %gt3A_620, %broadcast_in_dim3A_4, %broadcast_in_dim3A_6 : vector<20x4096xi1>, vector<20x4096xi32>
    %reduce_sum3A_623 = arith.constant dense<0> : vector<20xi32>
    %reduce_sum3A_624 = vector.multi_reduction <add>, %select_n3A_622, %reduce_sum3A_623 [1] : vector<20x4096xi32> to vector<20xi32>
    %broadcast_in_dim3A_625 = vector.shape_cast %reduce_sum3A_624 : vector<20xi32> to vector<20x1xi32>
    %sub3A = arith.constant 64 : i32
    %sub3A_626 = vector.broadcast %sub3A : i32 to vector<20x1xi32>
    %sub3A_627 = arith.subi %sub3A_626, %broadcast_in_dim3A_625 : vector<20x1xi32>
    %broadcast_in_dim3A_628 = arith.constant 0 : i32
    %broadcast_in_dim3A_629 = vector.broadcast %broadcast_in_dim3A_628 : i32 to vector<20x1xi32>
    %or3A_630 = arith.constant 3072 : i32
    %or3A_631 = vector.broadcast %or3A_630 : i32 to vector<20x1xi32>
    %or3A_632 = arith.ori %broadcast_in_dim3A_629, %or3A_631 : vector<20x1xi32>
    %or3A_633 = arith.constant 2048 : i32
    %or3A_634 = vector.broadcast %or3A_633 : i32 to vector<20x1xi32>
    %or3A_635 = arith.ori %broadcast_in_dim3A_629, %or3A_634 : vector<20x1xi32>
    %or3A_636 = arith.constant 1024 : i32
    %or3A_637 = vector.broadcast %or3A_636 : i32 to vector<20x1xi32>
    %or3A_638 = arith.ori %broadcast_in_dim3A_629, %or3A_637 : vector<20x1xi32>
    %lt3A = vector.broadcast %or3A_632 : vector<20x1xi32> to vector<20x4096xi32>
    %lt3A_639 = arith.cmpi slt, %iota3A, %lt3A : vector<20x4096xi32>
    %and3A_640 = arith.andi %eq3A_621, %lt3A_639 : vector<20x4096xi1>
    %select_n3A_641 = arith.select %and3A_640, %broadcast_in_dim3A_4, %broadcast_in_dim3A_6 : vector<20x4096xi1>, vector<20x4096xi32>
    %reduce_sum3A_642 = arith.constant dense<0> : vector<20xi32>
    %reduce_sum3A_643 = vector.multi_reduction <add>, %select_n3A_641, %reduce_sum3A_642 [1] : vector<20x4096xi32> to vector<20xi32>
    %broadcast_in_dim3A_644 = vector.shape_cast %reduce_sum3A_643 : vector<20xi32> to vector<20x1xi32>
    %lt3A_645 = arith.cmpi slt, %broadcast_in_dim3A_644, %sub3A_627 : vector<20x1xi32>
    %lt3A_646 = vector.broadcast %or3A_635 : vector<20x1xi32> to vector<20x4096xi32>
    %lt3A_647 = arith.cmpi slt, %iota3A, %lt3A_646 : vector<20x4096xi32>
    %and3A_648 = arith.andi %eq3A_621, %lt3A_647 : vector<20x4096xi1>
    %select_n3A_649 = arith.select %and3A_648, %broadcast_in_dim3A_4, %broadcast_in_dim3A_6 : vector<20x4096xi1>, vector<20x4096xi32>
    %reduce_sum3A_650 = arith.constant dense<0> : vector<20xi32>
    %reduce_sum3A_651 = vector.multi_reduction <add>, %select_n3A_649, %reduce_sum3A_650 [1] : vector<20x4096xi32> to vector<20xi32>
    %broadcast_in_dim3A_652 = vector.shape_cast %reduce_sum3A_651 : vector<20xi32> to vector<20x1xi32>
    %lt3A_653 = arith.cmpi slt, %broadcast_in_dim3A_652, %sub3A_627 : vector<20x1xi32>
    %lt3A_654 = vector.broadcast %or3A_638 : vector<20x1xi32> to vector<20x4096xi32>
    %lt3A_655 = arith.cmpi slt, %iota3A, %lt3A_654 : vector<20x4096xi32>
    %and3A_656 = arith.andi %eq3A_621, %lt3A_655 : vector<20x4096xi1>
    %select_n3A_657 = arith.select %and3A_656, %broadcast_in_dim3A_4, %broadcast_in_dim3A_6 : vector<20x4096xi1>, vector<20x4096xi32>
    %reduce_sum3A_658 = arith.constant dense<0> : vector<20xi32>
    %reduce_sum3A_659 = vector.multi_reduction <add>, %select_n3A_657, %reduce_sum3A_658 [1] : vector<20x4096xi32> to vector<20xi32>
    %broadcast_in_dim3A_660 = vector.shape_cast %reduce_sum3A_659 : vector<20xi32> to vector<20x1xi32>
    %lt3A_661 = arith.cmpi slt, %broadcast_in_dim3A_660, %sub3A_627 : vector<20x1xi32>
    %select_n3A_662 = arith.select %lt3A_661, %or3A_638, %broadcast_in_dim3A_629 : vector<20x1xi1>, vector<20x1xi32>
    %select_n3A_663 = arith.select %lt3A_653, %or3A_635, %select_n3A_662 : vector<20x1xi1>, vector<20x1xi32>
    %select_n3A_664 = arith.select %lt3A_645, %or3A_632, %select_n3A_663 : vector<20x1xi1>, vector<20x1xi32>
    %or3A_665 = arith.constant 768 : i32
    %or3A_666 = vector.broadcast %or3A_665 : i32 to vector<20x1xi32>
    %or3A_667 = arith.ori %select_n3A_664, %or3A_666 : vector<20x1xi32>
    %or3A_668 = arith.constant 512 : i32
    %or3A_669 = vector.broadcast %or3A_668 : i32 to vector<20x1xi32>
    %or3A_670 = arith.ori %select_n3A_664, %or3A_669 : vector<20x1xi32>
    %or3A_671 = arith.constant 256 : i32
    %or3A_672 = vector.broadcast %or3A_671 : i32 to vector<20x1xi32>
    %or3A_673 = arith.ori %select_n3A_664, %or3A_672 : vector<20x1xi32>
    %lt3A_674 = vector.broadcast %or3A_667 : vector<20x1xi32> to vector<20x4096xi32>
    %lt3A_675 = arith.cmpi slt, %iota3A, %lt3A_674 : vector<20x4096xi32>
    %and3A_676 = arith.andi %eq3A_621, %lt3A_675 : vector<20x4096xi1>
    %select_n3A_677 = arith.select %and3A_676, %broadcast_in_dim3A_4, %broadcast_in_dim3A_6 : vector<20x4096xi1>, vector<20x4096xi32>
    %reduce_sum3A_678 = arith.constant dense<0> : vector<20xi32>
    %reduce_sum3A_679 = vector.multi_reduction <add>, %select_n3A_677, %reduce_sum3A_678 [1] : vector<20x4096xi32> to vector<20xi32>
    %broadcast_in_dim3A_680 = vector.shape_cast %reduce_sum3A_679 : vector<20xi32> to vector<20x1xi32>
    %lt3A_681 = arith.cmpi slt, %broadcast_in_dim3A_680, %sub3A_627 : vector<20x1xi32>
    %lt3A_682 = vector.broadcast %or3A_670 : vector<20x1xi32> to vector<20x4096xi32>
    %lt3A_683 = arith.cmpi slt, %iota3A, %lt3A_682 : vector<20x4096xi32>
    %and3A_684 = arith.andi %eq3A_621, %lt3A_683 : vector<20x4096xi1>
    %select_n3A_685 = arith.select %and3A_684, %broadcast_in_dim3A_4, %broadcast_in_dim3A_6 : vector<20x4096xi1>, vector<20x4096xi32>
    %reduce_sum3A_686 = arith.constant dense<0> : vector<20xi32>
    %reduce_sum3A_687 = vector.multi_reduction <add>, %select_n3A_685, %reduce_sum3A_686 [1] : vector<20x4096xi32> to vector<20xi32>
    %broadcast_in_dim3A_688 = vector.shape_cast %reduce_sum3A_687 : vector<20xi32> to vector<20x1xi32>
    %lt3A_689 = arith.cmpi slt, %broadcast_in_dim3A_688, %sub3A_627 : vector<20x1xi32>
    %lt3A_690 = vector.broadcast %or3A_673 : vector<20x1xi32> to vector<20x4096xi32>
    %lt3A_691 = arith.cmpi slt, %iota3A, %lt3A_690 : vector<20x4096xi32>
    %and3A_692 = arith.andi %eq3A_621, %lt3A_691 : vector<20x4096xi1>
    %select_n3A_693 = arith.select %and3A_692, %broadcast_in_dim3A_4, %broadcast_in_dim3A_6 : vector<20x4096xi1>, vector<20x4096xi32>
    %reduce_sum3A_694 = arith.constant dense<0> : vector<20xi32>
    %reduce_sum3A_695 = vector.multi_reduction <add>, %select_n3A_693, %reduce_sum3A_694 [1] : vector<20x4096xi32> to vector<20xi32>
    %broadcast_in_dim3A_696 = vector.shape_cast %reduce_sum3A_695 : vector<20xi32> to vector<20x1xi32>
    %lt3A_697 = arith.cmpi slt, %broadcast_in_dim3A_696, %sub3A_627 : vector<20x1xi32>
    %select_n3A_698 = arith.select %lt3A_697, %or3A_673, %select_n3A_664 : vector<20x1xi1>, vector<20x1xi32>
    %select_n3A_699 = arith.select %lt3A_689, %or3A_670, %select_n3A_698 : vector<20x1xi1>, vector<20x1xi32>
    %select_n3A_700 = arith.select %lt3A_681, %or3A_667, %select_n3A_699 : vector<20x1xi1>, vector<20x1xi32>
    %or3A_701 = arith.constant 192 : i32
    %or3A_702 = vector.broadcast %or3A_701 : i32 to vector<20x1xi32>
    %or3A_703 = arith.ori %select_n3A_700, %or3A_702 : vector<20x1xi32>
    %or3A_704 = arith.constant 128 : i32
    %or3A_705 = vector.broadcast %or3A_704 : i32 to vector<20x1xi32>
    %or3A_706 = arith.ori %select_n3A_700, %or3A_705 : vector<20x1xi32>
    %or3A_707 = arith.constant 64 : i32
    %or3A_708 = vector.broadcast %or3A_707 : i32 to vector<20x1xi32>
    %or3A_709 = arith.ori %select_n3A_700, %or3A_708 : vector<20x1xi32>
    %lt3A_710 = vector.broadcast %or3A_703 : vector<20x1xi32> to vector<20x4096xi32>
    %lt3A_711 = arith.cmpi slt, %iota3A, %lt3A_710 : vector<20x4096xi32>
    %and3A_712 = arith.andi %eq3A_621, %lt3A_711 : vector<20x4096xi1>
    %select_n3A_713 = arith.select %and3A_712, %broadcast_in_dim3A_4, %broadcast_in_dim3A_6 : vector<20x4096xi1>, vector<20x4096xi32>
    %reduce_sum3A_714 = arith.constant dense<0> : vector<20xi32>
    %reduce_sum3A_715 = vector.multi_reduction <add>, %select_n3A_713, %reduce_sum3A_714 [1] : vector<20x4096xi32> to vector<20xi32>
    %broadcast_in_dim3A_716 = vector.shape_cast %reduce_sum3A_715 : vector<20xi32> to vector<20x1xi32>
    %lt3A_717 = arith.cmpi slt, %broadcast_in_dim3A_716, %sub3A_627 : vector<20x1xi32>
    %lt3A_718 = vector.broadcast %or3A_706 : vector<20x1xi32> to vector<20x4096xi32>
    %lt3A_719 = arith.cmpi slt, %iota3A, %lt3A_718 : vector<20x4096xi32>
    %and3A_720 = arith.andi %eq3A_621, %lt3A_719 : vector<20x4096xi1>
    %select_n3A_721 = arith.select %and3A_720, %broadcast_in_dim3A_4, %broadcast_in_dim3A_6 : vector<20x4096xi1>, vector<20x4096xi32>
    %reduce_sum3A_722 = arith.constant dense<0> : vector<20xi32>
    %reduce_sum3A_723 = vector.multi_reduction <add>, %select_n3A_721, %reduce_sum3A_722 [1] : vector<20x4096xi32> to vector<20xi32>
    %broadcast_in_dim3A_724 = vector.shape_cast %reduce_sum3A_723 : vector<20xi32> to vector<20x1xi32>
    %lt3A_725 = arith.cmpi slt, %broadcast_in_dim3A_724, %sub3A_627 : vector<20x1xi32>
    %lt3A_726 = vector.broadcast %or3A_709 : vector<20x1xi32> to vector<20x4096xi32>
    %lt3A_727 = arith.cmpi slt, %iota3A, %lt3A_726 : vector<20x4096xi32>
    %and3A_728 = arith.andi %eq3A_621, %lt3A_727 : vector<20x4096xi1>
    %select_n3A_729 = arith.select %and3A_728, %broadcast_in_dim3A_4, %broadcast_in_dim3A_6 : vector<20x4096xi1>, vector<20x4096xi32>
    %reduce_sum3A_730 = arith.constant dense<0> : vector<20xi32>
    %reduce_sum3A_731 = vector.multi_reduction <add>, %select_n3A_729, %reduce_sum3A_730 [1] : vector<20x4096xi32> to vector<20xi32>
    %broadcast_in_dim3A_732 = vector.shape_cast %reduce_sum3A_731 : vector<20xi32> to vector<20x1xi32>
    %lt3A_733 = arith.cmpi slt, %broadcast_in_dim3A_732, %sub3A_627 : vector<20x1xi32>
    %select_n3A_734 = arith.select %lt3A_733, %or3A_709, %select_n3A_700 : vector<20x1xi1>, vector<20x1xi32>
    %select_n3A_735 = arith.select %lt3A_725, %or3A_706, %select_n3A_734 : vector<20x1xi1>, vector<20x1xi32>
    %select_n3A_736 = arith.select %lt3A_717, %or3A_703, %select_n3A_735 : vector<20x1xi1>, vector<20x1xi32>
    %or3A_737 = arith.constant 48 : i32
    %or3A_738 = vector.broadcast %or3A_737 : i32 to vector<20x1xi32>
    %or3A_739 = arith.ori %select_n3A_736, %or3A_738 : vector<20x1xi32>
    %or3A_740 = arith.constant 32 : i32
    %or3A_741 = vector.broadcast %or3A_740 : i32 to vector<20x1xi32>
    %or3A_742 = arith.ori %select_n3A_736, %or3A_741 : vector<20x1xi32>
    %or3A_743 = arith.constant 16 : i32
    %or3A_744 = vector.broadcast %or3A_743 : i32 to vector<20x1xi32>
    %or3A_745 = arith.ori %select_n3A_736, %or3A_744 : vector<20x1xi32>
    %lt3A_746 = vector.broadcast %or3A_739 : vector<20x1xi32> to vector<20x4096xi32>
    %lt3A_747 = arith.cmpi slt, %iota3A, %lt3A_746 : vector<20x4096xi32>
    %and3A_748 = arith.andi %eq3A_621, %lt3A_747 : vector<20x4096xi1>
    %select_n3A_749 = arith.select %and3A_748, %broadcast_in_dim3A_4, %broadcast_in_dim3A_6 : vector<20x4096xi1>, vector<20x4096xi32>
    %reduce_sum3A_750 = arith.constant dense<0> : vector<20xi32>
    %reduce_sum3A_751 = vector.multi_reduction <add>, %select_n3A_749, %reduce_sum3A_750 [1] : vector<20x4096xi32> to vector<20xi32>
    %broadcast_in_dim3A_752 = vector.shape_cast %reduce_sum3A_751 : vector<20xi32> to vector<20x1xi32>
    %lt3A_753 = arith.cmpi slt, %broadcast_in_dim3A_752, %sub3A_627 : vector<20x1xi32>
    %lt3A_754 = vector.broadcast %or3A_742 : vector<20x1xi32> to vector<20x4096xi32>
    %lt3A_755 = arith.cmpi slt, %iota3A, %lt3A_754 : vector<20x4096xi32>
    %and3A_756 = arith.andi %eq3A_621, %lt3A_755 : vector<20x4096xi1>
    %select_n3A_757 = arith.select %and3A_756, %broadcast_in_dim3A_4, %broadcast_in_dim3A_6 : vector<20x4096xi1>, vector<20x4096xi32>
    %reduce_sum3A_758 = arith.constant dense<0> : vector<20xi32>
    %reduce_sum3A_759 = vector.multi_reduction <add>, %select_n3A_757, %reduce_sum3A_758 [1] : vector<20x4096xi32> to vector<20xi32>
    %broadcast_in_dim3A_760 = vector.shape_cast %reduce_sum3A_759 : vector<20xi32> to vector<20x1xi32>
    %lt3A_761 = arith.cmpi slt, %broadcast_in_dim3A_760, %sub3A_627 : vector<20x1xi32>
    %lt3A_762 = vector.broadcast %or3A_745 : vector<20x1xi32> to vector<20x4096xi32>
    %lt3A_763 = arith.cmpi slt, %iota3A, %lt3A_762 : vector<20x4096xi32>
    %and3A_764 = arith.andi %eq3A_621, %lt3A_763 : vector<20x4096xi1>
    %select_n3A_765 = arith.select %and3A_764, %broadcast_in_dim3A_4, %broadcast_in_dim3A_6 : vector<20x4096xi1>, vector<20x4096xi32>
    %reduce_sum3A_766 = arith.constant dense<0> : vector<20xi32>
    %reduce_sum3A_767 = vector.multi_reduction <add>, %select_n3A_765, %reduce_sum3A_766 [1] : vector<20x4096xi32> to vector<20xi32>
    %broadcast_in_dim3A_768 = vector.shape_cast %reduce_sum3A_767 : vector<20xi32> to vector<20x1xi32>
    %lt3A_769 = arith.cmpi slt, %broadcast_in_dim3A_768, %sub3A_627 : vector<20x1xi32>
    %select_n3A_770 = arith.select %lt3A_769, %or3A_745, %select_n3A_736 : vector<20x1xi1>, vector<20x1xi32>
    %select_n3A_771 = arith.select %lt3A_761, %or3A_742, %select_n3A_770 : vector<20x1xi1>, vector<20x1xi32>
    %select_n3A_772 = arith.select %lt3A_753, %or3A_739, %select_n3A_771 : vector<20x1xi1>, vector<20x1xi32>
    %or3A_773 = arith.constant 12 : i32
    %or3A_774 = vector.broadcast %or3A_773 : i32 to vector<20x1xi32>
    %or3A_775 = arith.ori %select_n3A_772, %or3A_774 : vector<20x1xi32>
    %or3A_776 = arith.constant 8 : i32
    %or3A_777 = vector.broadcast %or3A_776 : i32 to vector<20x1xi32>
    %or3A_778 = arith.ori %select_n3A_772, %or3A_777 : vector<20x1xi32>
    %or3A_779 = arith.constant 4 : i32
    %or3A_780 = vector.broadcast %or3A_779 : i32 to vector<20x1xi32>
    %or3A_781 = arith.ori %select_n3A_772, %or3A_780 : vector<20x1xi32>
    %lt3A_782 = vector.broadcast %or3A_775 : vector<20x1xi32> to vector<20x4096xi32>
    %lt3A_783 = arith.cmpi slt, %iota3A, %lt3A_782 : vector<20x4096xi32>
    %and3A_784 = arith.andi %eq3A_621, %lt3A_783 : vector<20x4096xi1>
    %select_n3A_785 = arith.select %and3A_784, %broadcast_in_dim3A_4, %broadcast_in_dim3A_6 : vector<20x4096xi1>, vector<20x4096xi32>
    %reduce_sum3A_786 = arith.constant dense<0> : vector<20xi32>
    %reduce_sum3A_787 = vector.multi_reduction <add>, %select_n3A_785, %reduce_sum3A_786 [1] : vector<20x4096xi32> to vector<20xi32>
    %broadcast_in_dim3A_788 = vector.shape_cast %reduce_sum3A_787 : vector<20xi32> to vector<20x1xi32>
    %lt3A_789 = arith.cmpi slt, %broadcast_in_dim3A_788, %sub3A_627 : vector<20x1xi32>
    %lt3A_790 = vector.broadcast %or3A_778 : vector<20x1xi32> to vector<20x4096xi32>
    %lt3A_791 = arith.cmpi slt, %iota3A, %lt3A_790 : vector<20x4096xi32>
    %and3A_792 = arith.andi %eq3A_621, %lt3A_791 : vector<20x4096xi1>
    %select_n3A_793 = arith.select %and3A_792, %broadcast_in_dim3A_4, %broadcast_in_dim3A_6 : vector<20x4096xi1>, vector<20x4096xi32>
    %reduce_sum3A_794 = arith.constant dense<0> : vector<20xi32>
    %reduce_sum3A_795 = vector.multi_reduction <add>, %select_n3A_793, %reduce_sum3A_794 [1] : vector<20x4096xi32> to vector<20xi32>
    %broadcast_in_dim3A_796 = vector.shape_cast %reduce_sum3A_795 : vector<20xi32> to vector<20x1xi32>
    %lt3A_797 = arith.cmpi slt, %broadcast_in_dim3A_796, %sub3A_627 : vector<20x1xi32>
    %lt3A_798 = vector.broadcast %or3A_781 : vector<20x1xi32> to vector<20x4096xi32>
    %lt3A_799 = arith.cmpi slt, %iota3A, %lt3A_798 : vector<20x4096xi32>
    %and3A_800 = arith.andi %eq3A_621, %lt3A_799 : vector<20x4096xi1>
    %select_n3A_801 = arith.select %and3A_800, %broadcast_in_dim3A_4, %broadcast_in_dim3A_6 : vector<20x4096xi1>, vector<20x4096xi32>
    %reduce_sum3A_802 = arith.constant dense<0> : vector<20xi32>
    %reduce_sum3A_803 = vector.multi_reduction <add>, %select_n3A_801, %reduce_sum3A_802 [1] : vector<20x4096xi32> to vector<20xi32>
    %broadcast_in_dim3A_804 = vector.shape_cast %reduce_sum3A_803 : vector<20xi32> to vector<20x1xi32>
    %lt3A_805 = arith.cmpi slt, %broadcast_in_dim3A_804, %sub3A_627 : vector<20x1xi32>
    %select_n3A_806 = arith.select %lt3A_805, %or3A_781, %select_n3A_772 : vector<20x1xi1>, vector<20x1xi32>
    %select_n3A_807 = arith.select %lt3A_797, %or3A_778, %select_n3A_806 : vector<20x1xi1>, vector<20x1xi32>
    %select_n3A_808 = arith.select %lt3A_789, %or3A_775, %select_n3A_807 : vector<20x1xi1>, vector<20x1xi32>
    %or3A_809 = arith.constant 3 : i32
    %or3A_810 = vector.broadcast %or3A_809 : i32 to vector<20x1xi32>
    %or3A_811 = arith.ori %select_n3A_808, %or3A_810 : vector<20x1xi32>
    %or3A_812 = arith.constant 2 : i32
    %or3A_813 = vector.broadcast %or3A_812 : i32 to vector<20x1xi32>
    %or3A_814 = arith.ori %select_n3A_808, %or3A_813 : vector<20x1xi32>
    %or3A_815 = arith.constant 1 : i32
    %or3A_816 = vector.broadcast %or3A_815 : i32 to vector<20x1xi32>
    %or3A_817 = arith.ori %select_n3A_808, %or3A_816 : vector<20x1xi32>
    %lt3A_818 = vector.broadcast %or3A_811 : vector<20x1xi32> to vector<20x4096xi32>
    %lt3A_819 = arith.cmpi slt, %iota3A, %lt3A_818 : vector<20x4096xi32>
    %and3A_820 = arith.andi %eq3A_621, %lt3A_819 : vector<20x4096xi1>
    %select_n3A_821 = arith.select %and3A_820, %broadcast_in_dim3A_4, %broadcast_in_dim3A_6 : vector<20x4096xi1>, vector<20x4096xi32>
    %reduce_sum3A_822 = arith.constant dense<0> : vector<20xi32>
    %reduce_sum3A_823 = vector.multi_reduction <add>, %select_n3A_821, %reduce_sum3A_822 [1] : vector<20x4096xi32> to vector<20xi32>
    %broadcast_in_dim3A_824 = vector.shape_cast %reduce_sum3A_823 : vector<20xi32> to vector<20x1xi32>
    %lt3A_825 = arith.cmpi slt, %broadcast_in_dim3A_824, %sub3A_627 : vector<20x1xi32>
    %lt3A_826 = vector.broadcast %or3A_814 : vector<20x1xi32> to vector<20x4096xi32>
    %lt3A_827 = arith.cmpi slt, %iota3A, %lt3A_826 : vector<20x4096xi32>
    %and3A_828 = arith.andi %eq3A_621, %lt3A_827 : vector<20x4096xi1>
    %select_n3A_829 = arith.select %and3A_828, %broadcast_in_dim3A_4, %broadcast_in_dim3A_6 : vector<20x4096xi1>, vector<20x4096xi32>
    %reduce_sum3A_830 = arith.constant dense<0> : vector<20xi32>
    %reduce_sum3A_831 = vector.multi_reduction <add>, %select_n3A_829, %reduce_sum3A_830 [1] : vector<20x4096xi32> to vector<20xi32>
    %broadcast_in_dim3A_832 = vector.shape_cast %reduce_sum3A_831 : vector<20xi32> to vector<20x1xi32>
    %lt3A_833 = arith.cmpi slt, %broadcast_in_dim3A_832, %sub3A_627 : vector<20x1xi32>
    %lt3A_834 = vector.broadcast %or3A_817 : vector<20x1xi32> to vector<20x4096xi32>
    %lt3A_835 = arith.cmpi slt, %iota3A, %lt3A_834 : vector<20x4096xi32>
    %and3A_836 = arith.andi %eq3A_621, %lt3A_835 : vector<20x4096xi1>
    %select_n3A_837 = arith.select %and3A_836, %broadcast_in_dim3A_4, %broadcast_in_dim3A_6 : vector<20x4096xi1>, vector<20x4096xi32>
    %reduce_sum3A_838 = arith.constant dense<0> : vector<20xi32>
    %reduce_sum3A_839 = vector.multi_reduction <add>, %select_n3A_837, %reduce_sum3A_838 [1] : vector<20x4096xi32> to vector<20xi32>
    %broadcast_in_dim3A_840 = vector.shape_cast %reduce_sum3A_839 : vector<20xi32> to vector<20x1xi32>
    %lt3A_841 = arith.cmpi slt, %broadcast_in_dim3A_840, %sub3A_627 : vector<20x1xi32>
    %select_n3A_842 = arith.select %lt3A_841, %or3A_817, %select_n3A_808 : vector<20x1xi1>, vector<20x1xi32>
    %select_n3A_843 = arith.select %lt3A_833, %or3A_814, %select_n3A_842 : vector<20x1xi1>, vector<20x1xi32>
    %select_n3A_844 = arith.select %lt3A_825, %or3A_811, %select_n3A_843 : vector<20x1xi1>, vector<20x1xi32>
    %add3A = arith.constant 1 : i32
    %add3A_845 = vector.broadcast %add3A : i32 to vector<20x1xi32>
    %add3A_846 = arith.addi %select_n3A_844, %add3A_845 : vector<20x1xi32>
    %lt3A_847 = vector.broadcast %add3A_846 : vector<20x1xi32> to vector<20x4096xi32>
    %lt3A_848 = arith.cmpi slt, %iota3A, %lt3A_847 : vector<20x4096xi32>
    %and3A_849 = arith.andi %eq3A_621, %lt3A_848 : vector<20x4096xi1>
    %or3A_850 = arith.ori %gt3A_620, %and3A_849 : vector<20x4096xi1>
    %jit3A_851 = arith.constant 1.000000e+00 : f32
    %jit3A_852 = arith.constant 0.000000e+00 : f32
    %broadcast_in_dim3A_853 = vector.broadcast %jit3A_851 : f32 to vector<20x4096xf32>
    %broadcast_in_dim3A_854 = vector.broadcast %jit3A_852 : f32 to vector<20x4096xf32>
    %select_n3A_855 = arith.select %or3A_850, %broadcast_in_dim3A_853, %broadcast_in_dim3A_854 : vector<20x4096xi1>, vector<20x4096xf32>
    %swap3A = arith.constant 0 : index
    %swap3A_856 = arith.constant 0 : index
    %swap3A_857 = arith.constant 0 : index
    %swap3A_858 = vector.load %arg2[%swap3A, %swap3A_856, %swap3A_857] : memref<1x20x4096xf32, #tpu.memory_space<vmem>>, vector<1x20x4096xf32>
    %swap3A_859 = vector.shape_cast %swap3A_858 : vector<1x20x4096xf32> to vector<20x4096xf32>
    %swap3A_860 = vector.shape_cast %select_n3A_855 : vector<20x4096xf32> to vector<1x20x4096xf32>
    tpu.vector_store %arg2[%swap3A, %swap3A_856, %swap3A_857], %swap3A_860 {strides = array<i32>} : memref<1x20x4096xf32, #tpu.memory_space<vmem>>, vector<1x20x4096xf32>,
    return
  }
  func.func @transform_0(%arg0: i32) -> (i32, i32, i32) {
    %c0_i32 = arith.constant 0 : i32
    %c0_i32_0 = arith.constant 0 : i32
    %c0_i32_1 = arith.constant 0 : i32
    return %arg0, %c0_i32, %c0_i32_0 : i32, i32, i32
  }
  func.func @transform_1(%arg0: i32) -> (i32, i32, i32) {
    %c0_i32 = arith.constant 0 : i32
    %c0_i32_0 = arith.constant 0 : i32
    %c0_i32_1 = arith.constant 0 : i32
    return %arg0, %c0_i32, %c0_i32_0 : i32, i32, i32
  }
}

module attributes {stable_mosaic.version = 14 : i64} {
  func.func @_main_body(%arg0: i32, %arg1: memref<1x1x16xi32, #tpu.memory_space<smem>>, %arg2: memref<1x1280x128xf32, #tpu.memory_space<vmem>>, %arg3: memref<1x1x20xi32, #tpu.memory_space<vmem>>, %arg4: memref<1x4096x128xf32, #tpu.memory_space<vmem>>, %arg5: memref<1x8x128xf32, #tpu.memory_space<vmem>>, %arg6: memref<1x8x128xf32, #tpu.memory_space<vmem>>, %arg7: memref<1280x128xf32, #tpu.memory_space<vmem>>, %arg8: memref<4096x128xf32, #tpu.memory_space<vmem>>) attributes {dimension_semantics = [#tpu.dimension_semantics<arbitrary>], iteration_bounds = array<i64: 16>, scalar_prefetch = 0 : i64, scratch_operands = 2 : i64, tpu.core_type = #tpu.core_type<tc>, window_params = [{transform_indices = @transform_0, window_bounds = array<i64: 1, 1, 16>}, {transform_indices = @transform_1, window_bounds = array<i64: 1, 1280, 128>}, {transform_indices = @transform_2, window_bounds = array<i64: 1, 1, 20>}, {transform_indices = @transform_3, window_bounds = array<i64: 1, 4096, 128>}, {transform_indices = @transform_4, window_bounds = array<i64: 1, 8, 128>}, {transform_indices = @transform_5, window_bounds = array<i64: 1, 8, 128>}]} {
    %get3A = arith.constant 0 : index
    %get3A_0 = arith.constant 0 : index
    %get3A_1 = arith.constant 0 : index
    %get3A_2 = memref.load %arg1[%get3A, %get3A_0, %get3A_1] : memref<1x1x16xi32, #tpu.memory_space<smem>>
    %convert_element_type3A = arith.sitofp %get3A_2 : i32 to f32
    %get3A_3 = arith.constant 0 : index
    %get3A_4 = arith.constant 0 : index
    %get3A_5 = arith.constant 0 : index
    %get3A_6 = vector.load %arg3[%get3A_3, %get3A_4, %get3A_5] : memref<1x1x20xi32, #tpu.memory_space<vmem>>, vector<1x1x20xi32>
    %get3A_7 = vector.shape_cast %get3A_6 : vector<1x1x20xi32> to vector<1x20xi32>
    %eq3A = arith.constant 1 : i32
    %eq3A_8 = vector.broadcast %eq3A : i32 to vector<1x20xi32>
    %eq3A_9 = arith.cmpi eq, %get3A_7, %eq3A_8 : vector<1x20xi32>
    %convert_element_type3A_10 = arith.extui %eq3A_9 : vector<1x20xi1> to vector<1x20xi32>
    %convert_element_type3A_11 = arith.sitofp %convert_element_type3A_10 : vector<1x20xi32> to vector<1x20xf32>
    %iota3A = tpu.iota {dimensions = array<i32: 1>} : vector<20x1280xi32>
    %jit3A = arith.constant 64 : i32
    %div3A = vector.broadcast %jit3A : i32 to vector<20x1280xi32>
    %div3A_12 = arith.divsi %iota3A, %div3A : vector<20x1280xi32>
    %sign3A = arith.constant 0 : i32
    %sign3A_13 = vector.broadcast %sign3A : i32 to vector<20x1280xi32>
    %sign3A_14 = arith.cmpi sgt, %iota3A, %sign3A_13 : vector<20x1280xi32>
    %sign3A_15 = arith.extui %sign3A_14 : vector<20x1280xi1> to vector<20x1280xi32>
    %sign3A_16 = arith.constant 0 : i32
    %sign3A_17 = vector.broadcast %sign3A_16 : i32 to vector<20x1280xi32>
    %sign3A_18 = arith.cmpi slt, %iota3A, %sign3A_17 : vector<20x1280xi32>
    %sign3A_19 = arith.extui %sign3A_18 : vector<20x1280xi1> to vector<20x1280xi32>
    %sign3A_20 = arith.subi %sign3A_15, %sign3A_19 : vector<20x1280xi32>
    %sign3A_21 = arith.constant 0 : i32
    %sign3A_22 = arith.cmpi sgt, %jit3A, %sign3A_21 : i32
    %sign3A_23 = arith.extui %sign3A_22 : i1 to i32
    %sign3A_24 = arith.constant 0 : i32
    %sign3A_25 = arith.cmpi slt, %jit3A, %sign3A_24 : i32
    %sign3A_26 = arith.extui %sign3A_25 : i1 to i32
    %sign3A_27 = arith.subi %sign3A_23, %sign3A_26 : i32
    %ne3A = vector.broadcast %sign3A_27 : i32 to vector<20x1280xi32>
    %ne3A_28 = arith.cmpi ne, %sign3A_20, %ne3A : vector<20x1280xi32>
    %rem3A = vector.broadcast %jit3A : i32 to vector<20x1280xi32>
    %rem3A_29 = arith.remsi %iota3A, %rem3A : vector<20x1280xi32>
    %ne3A_30 = arith.constant 0 : i32
    %ne3A_31 = vector.broadcast %ne3A_30 : i32 to vector<20x1280xi32>
    %ne3A_32 = arith.cmpi ne, %rem3A_29, %ne3A_31 : vector<20x1280xi32>
    %and3A = arith.andi %ne3A_28, %ne3A_32 : vector<20x1280xi1>
    %sub3A = arith.constant 1 : i32
    %sub3A_33 = vector.broadcast %sub3A : i32 to vector<20x1280xi32>
    %sub3A_34 = arith.subi %div3A_12, %sub3A_33 : vector<20x1280xi32>
    %select_n3A = arith.select %and3A, %sub3A_34, %div3A_12 : vector<20x1280xi1>, vector<20x1280xi32>
    %iota3A_35 = tpu.iota {dimensions = array<i32: 0>} : vector<20x1280xi32>
    %eq3A_36 = arith.cmpi eq, %select_n3A, %iota3A_35 : vector<20x1280xi32>
    %convert_element_type3A_37 = arith.extui %eq3A_36 : vector<20x1280xi1> to vector<20x1280xi32>
    %convert_element_type3A_38 = arith.sitofp %convert_element_type3A_37 : vector<20x1280xi32> to vector<20x1280xf32>
    %dot_general3A = arith.constant dense<0.000000e+00> : vector<1x1280xf32>
    %dot_general3A_39 = tpu.matmul %convert_element_type3A_11, %convert_element_type3A_38, %dot_general3A {dimension_numbers = #tpu.dot_dimension_numbers<[1], [0], [0], [1], [0, 0, 1, 1], [], []>, transpose_lhs_hint = false} : vector<1x20xf32>, vector<20x1280xf32>, vector<1x1280xf32> -> vector<1x1280xf32>
    %reduce_sum3A = vector.shape_cast %dot_general3A_39 : vector<1x1280xf32> to vector<1x1x1280xf32>
    %reduce_sum3A_40 = arith.constant dense<0.000000e+00> : vector<1xf32>
    %reduce_sum3A_41 = vector.multi_reduction <add>, %reduce_sum3A, %reduce_sum3A_40 [1, 2] : vector<1x1x1280xf32> to vector<1xf32>
    %reduce_sum3A_42 = vector.shape_cast %reduce_sum3A_41 : vector<1xf32> to vector<1x1x1xf32>
    %reduce_sum3A_43 = vector.extract %reduce_sum3A_42[0, 0, 0] : f32 from vector<1x1x1xf32>
    %add3A = arith.constant 255 : i32
    %add3A_44 = arith.addi %get3A_2, %add3A : i32
    %div3A_45 = arith.constant 256 : i32
    %div3A_46 = arith.divsi %add3A_44, %div3A_45 : i32
    %get3A_47 = arith.constant 0 : index
    %get3A_48 = arith.constant 0 : index
    %get3A_49 = arith.constant 0 : index
    %get3A_50 = vector.load %arg2[%get3A_47, %get3A_48, %get3A_49] : memref<1x1280x128xf32, #tpu.memory_space<vmem>>, vector<1x256x128xf32>
    %get3A_51 = vector.shape_cast %get3A_50 : vector<1x256x128xf32> to vector<256x128xf32>
    %mul3A = arith.mulf %get3A_51, %get3A_51 : vector<256x128xf32>
    %reduce_sum3A_52 = arith.constant dense<0.000000e+00> : vector<256xf32>
    %reduce_sum3A_53 = vector.multi_reduction <add>, %mul3A, %reduce_sum3A_52 [1] : vector<256x128xf32> to vector<256xf32>
    %broadcast_in_dim3A = vector.shape_cast %reduce_sum3A_53 : vector<256xf32> to vector<256x1xf32>
    %max3A = arith.constant 1.000000e-24 : f32
    %max3A_54 = vector.broadcast %max3A : f32 to vector<256x1xf32>
    %max3A_55 = arith.maximumf %broadcast_in_dim3A, %max3A_54 : vector<256x1xf32>
    %sqrt3A = math.sqrt %max3A_55 : vector<256x1xf32>
    %div3A_56 = vector.broadcast %sqrt3A : vector<256x1xf32> to vector<256x128xf32>
    %div3A_57 = arith.divf %get3A_51, %div3A_56 : vector<256x128xf32>
    %swap3A = arith.constant 0 : index
    %swap3A_58 = arith.constant 0 : index
    %swap3A_59 = vector.load %arg7[%swap3A, %swap3A_58] : memref<1280x128xf32, #tpu.memory_space<vmem>>, vector<256x128xf32>
    tpu.vector_store %arg7[%swap3A, %swap3A_58], %div3A_57 {strides = array<i32>} : memref<1280x128xf32, #tpu.memory_space<vmem>>, vector<256x128xf32>,
    %get3A_60 = arith.constant 0 : index
    %get3A_61 = arith.constant 256 : index
    %get3A_62 = arith.constant 0 : index
    %get3A_63 = vector.load %arg2[%get3A_60, %get3A_61, %get3A_62] : memref<1x1280x128xf32, #tpu.memory_space<vmem>>, vector<1x256x128xf32>
    %get3A_64 = vector.shape_cast %get3A_63 : vector<1x256x128xf32> to vector<256x128xf32>
    %mul3A_65 = arith.mulf %get3A_64, %get3A_64 : vector<256x128xf32>
    %reduce_sum3A_66 = arith.constant dense<0.000000e+00> : vector<256xf32>
    %reduce_sum3A_67 = vector.multi_reduction <add>, %mul3A_65, %reduce_sum3A_66 [1] : vector<256x128xf32> to vector<256xf32>
    %broadcast_in_dim3A_68 = vector.shape_cast %reduce_sum3A_67 : vector<256xf32> to vector<256x1xf32>
    %max3A_69 = arith.constant 1.000000e-24 : f32
    %max3A_70 = vector.broadcast %max3A_69 : f32 to vector<256x1xf32>
    %max3A_71 = arith.maximumf %broadcast_in_dim3A_68, %max3A_70 : vector<256x1xf32>
    %sqrt3A_72 = math.sqrt %max3A_71 : vector<256x1xf32>
    %div3A_73 = vector.broadcast %sqrt3A_72 : vector<256x1xf32> to vector<256x128xf32>
    %div3A_74 = arith.divf %get3A_64, %div3A_73 : vector<256x128xf32>
    %swap3A_75 = arith.constant 256 : index
    %swap3A_76 = arith.constant 0 : index
    %swap3A_77 = vector.load %arg7[%swap3A_75, %swap3A_76] : memref<1280x128xf32, #tpu.memory_space<vmem>>, vector<256x128xf32>
    tpu.vector_store %arg7[%swap3A_75, %swap3A_76], %div3A_74 {strides = array<i32>} : memref<1280x128xf32, #tpu.memory_space<vmem>>, vector<256x128xf32>,
    %get3A_78 = arith.constant 0 : index
    %get3A_79 = arith.constant 512 : index
    %get3A_80 = arith.constant 0 : index
    %get3A_81 = vector.load %arg2[%get3A_78, %get3A_79, %get3A_80] : memref<1x1280x128xf32, #tpu.memory_space<vmem>>, vector<1x256x128xf32>
    %get3A_82 = vector.shape_cast %get3A_81 : vector<1x256x128xf32> to vector<256x128xf32>
    %mul3A_83 = arith.mulf %get3A_82, %get3A_82 : vector<256x128xf32>
    %reduce_sum3A_84 = arith.constant dense<0.000000e+00> : vector<256xf32>
    %reduce_sum3A_85 = vector.multi_reduction <add>, %mul3A_83, %reduce_sum3A_84 [1] : vector<256x128xf32> to vector<256xf32>
    %broadcast_in_dim3A_86 = vector.shape_cast %reduce_sum3A_85 : vector<256xf32> to vector<256x1xf32>
    %max3A_87 = arith.constant 1.000000e-24 : f32
    %max3A_88 = vector.broadcast %max3A_87 : f32 to vector<256x1xf32>
    %max3A_89 = arith.maximumf %broadcast_in_dim3A_86, %max3A_88 : vector<256x1xf32>
    %sqrt3A_90 = math.sqrt %max3A_89 : vector<256x1xf32>
    %div3A_91 = vector.broadcast %sqrt3A_90 : vector<256x1xf32> to vector<256x128xf32>
    %div3A_92 = arith.divf %get3A_82, %div3A_91 : vector<256x128xf32>
    %swap3A_93 = arith.constant 512 : index
    %swap3A_94 = arith.constant 0 : index
    %swap3A_95 = vector.load %arg7[%swap3A_93, %swap3A_94] : memref<1280x128xf32, #tpu.memory_space<vmem>>, vector<256x128xf32>
    tpu.vector_store %arg7[%swap3A_93, %swap3A_94], %div3A_92 {strides = array<i32>} : memref<1280x128xf32, #tpu.memory_space<vmem>>, vector<256x128xf32>,
    %get3A_96 = arith.constant 0 : index
    %get3A_97 = arith.constant 768 : index
    %get3A_98 = arith.constant 0 : index
    %get3A_99 = vector.load %arg2[%get3A_96, %get3A_97, %get3A_98] : memref<1x1280x128xf32, #tpu.memory_space<vmem>>, vector<1x256x128xf32>
    %get3A_100 = vector.shape_cast %get3A_99 : vector<1x256x128xf32> to vector<256x128xf32>
    %mul3A_101 = arith.mulf %get3A_100, %get3A_100 : vector<256x128xf32>
    %reduce_sum3A_102 = arith.constant dense<0.000000e+00> : vector<256xf32>
    %reduce_sum3A_103 = vector.multi_reduction <add>, %mul3A_101, %reduce_sum3A_102 [1] : vector<256x128xf32> to vector<256xf32>
    %broadcast_in_dim3A_104 = vector.shape_cast %reduce_sum3A_103 : vector<256xf32> to vector<256x1xf32>
    %max3A_105 = arith.constant 1.000000e-24 : f32
    %max3A_106 = vector.broadcast %max3A_105 : f32 to vector<256x1xf32>
    %max3A_107 = arith.maximumf %broadcast_in_dim3A_104, %max3A_106 : vector<256x1xf32>
    %sqrt3A_108 = math.sqrt %max3A_107 : vector<256x1xf32>
    %div3A_109 = vector.broadcast %sqrt3A_108 : vector<256x1xf32> to vector<256x128xf32>
    %div3A_110 = arith.divf %get3A_100, %div3A_109 : vector<256x128xf32>
    %swap3A_111 = arith.constant 768 : index
    %swap3A_112 = arith.constant 0 : index
    %swap3A_113 = vector.load %arg7[%swap3A_111, %swap3A_112] : memref<1280x128xf32, #tpu.memory_space<vmem>>, vector<256x128xf32>
    tpu.vector_store %arg7[%swap3A_111, %swap3A_112], %div3A_110 {strides = array<i32>} : memref<1280x128xf32, #tpu.memory_space<vmem>>, vector<256x128xf32>,
    %get3A_114 = arith.constant 0 : index
    %get3A_115 = arith.constant 1024 : index
    %get3A_116 = arith.constant 0 : index
    %get3A_117 = vector.load %arg2[%get3A_114, %get3A_115, %get3A_116] : memref<1x1280x128xf32, #tpu.memory_space<vmem>>, vector<1x256x128xf32>
    %get3A_118 = vector.shape_cast %get3A_117 : vector<1x256x128xf32> to vector<256x128xf32>
    %mul3A_119 = arith.mulf %get3A_118, %get3A_118 : vector<256x128xf32>
    %reduce_sum3A_120 = arith.constant dense<0.000000e+00> : vector<256xf32>
    %reduce_sum3A_121 = vector.multi_reduction <add>, %mul3A_119, %reduce_sum3A_120 [1] : vector<256x128xf32> to vector<256xf32>
    %broadcast_in_dim3A_122 = vector.shape_cast %reduce_sum3A_121 : vector<256xf32> to vector<256x1xf32>
    %max3A_123 = arith.constant 1.000000e-24 : f32
    %max3A_124 = vector.broadcast %max3A_123 : f32 to vector<256x1xf32>
    %max3A_125 = arith.maximumf %broadcast_in_dim3A_122, %max3A_124 : vector<256x1xf32>
    %sqrt3A_126 = math.sqrt %max3A_125 : vector<256x1xf32>
    %div3A_127 = vector.broadcast %sqrt3A_126 : vector<256x1xf32> to vector<256x128xf32>
    %div3A_128 = arith.divf %get3A_118, %div3A_127 : vector<256x128xf32>
    %swap3A_129 = arith.constant 1024 : index
    %swap3A_130 = arith.constant 0 : index
    %swap3A_131 = vector.load %arg7[%swap3A_129, %swap3A_130] : memref<1280x128xf32, #tpu.memory_space<vmem>>, vector<256x128xf32>
    tpu.vector_store %arg7[%swap3A_129, %swap3A_130], %div3A_128 {strides = array<i32>} : memref<1280x128xf32, #tpu.memory_space<vmem>>, vector<256x128xf32>,
    %while3A = arith.constant 0 : i32
    %while3A_132 = arith.constant 0 : i32
    %while3A_133 = arith.subi %div3A_46, %while3A : i32
    %while3A_134 = arith.addi %while3A, %while3A_133 : i32
    %while3A_135 = arith.constant 1 : i32
    %while3A_136 = arith.divsi %while3A_133, %while3A_135 : i32
    %while3A_137 = arith.muli %while3A_136, %while3A_135 : i32
    %while3A_138 = arith.addi %while3A, %while3A_137 : i32
    %while3A_139 = arith.constant 1 : i32
    %while3A_140 = scf.for %while3A_826 = %while3A to %while3A_138 step %while3A_139 iter_args(%while3A_827 = %while3A_132) -> (i32)  : i32 {
      %mul3A_828 = arith.constant 256 : i32
      %mul3A_829 = arith.muli %while3A_826, %mul3A_828 : i32
      %get3A_830 = arith.constant 0 : index
      %get3A_831 = arith.index_cast %mul3A_829 : i32 to index
      %get3A_832 = arith.constant 0 : index
      %get3A_833 = vector.load %arg4[%get3A_830, %get3A_831, %get3A_832] : memref<1x4096x128xf32, #tpu.memory_space<vmem>>, vector<1x256x128xf32>
      %get3A_834 = vector.shape_cast %get3A_833 : vector<1x256x128xf32> to vector<256x128xf32>
      %mul3A_835 = arith.mulf %get3A_834, %get3A_834 : vector<256x128xf32>
      %reduce_sum3A_836 = arith.constant dense<0.000000e+00> : vector<256xf32>
      %reduce_sum3A_837 = vector.multi_reduction <add>, %mul3A_835, %reduce_sum3A_836 [1] : vector<256x128xf32> to vector<256xf32>
      %broadcast_in_dim3A_838 = vector.shape_cast %reduce_sum3A_837 : vector<256xf32> to vector<256x1xf32>
      %max3A_839 = arith.constant 1.000000e-24 : f32
      %max3A_840 = vector.broadcast %max3A_839 : f32 to vector<256x1xf32>
      %max3A_841 = arith.maximumf %broadcast_in_dim3A_838, %max3A_840 : vector<256x1xf32>
      %sqrt3A_842 = math.sqrt %max3A_841 : vector<256x1xf32>
      %div3A_843 = vector.broadcast %sqrt3A_842 : vector<256x1xf32> to vector<256x128xf32>
      %div3A_844 = arith.divf %get3A_834, %div3A_843 : vector<256x128xf32>
      %mul3A_845 = arith.constant 256 : i32
      %mul3A_846 = arith.muli %while3A_826, %mul3A_845 : i32
      %swap3A_847 = arith.index_cast %mul3A_846 : i32 to index
      %swap3A_848 = arith.constant 0 : index
      %swap3A_849 = vector.load %arg8[%swap3A_847, %swap3A_848] : memref<4096x128xf32, #tpu.memory_space<vmem>>, vector<256x128xf32>
      tpu.vector_store %arg8[%swap3A_847, %swap3A_848], %div3A_844 {strides = array<i32>} : memref<4096x128xf32, #tpu.memory_space<vmem>>, vector<256x128xf32>,
      %while3A_850 = arith.constant 0 : i32
      scf.yield %while3A_850 : i32
    }
    %while3A_141 = arith.constant 1 : i32
    %while3A_142 = scf.for %while3A_826 = %while3A_138 to %while3A_134 step %while3A_141 iter_args(%while3A_827 = %while3A_140) -> (i32)  : i32 {
      %mul3A_828 = arith.constant 256 : i32
      %mul3A_829 = arith.muli %while3A_826, %mul3A_828 : i32
      %get3A_830 = arith.constant 0 : index
      %get3A_831 = arith.index_cast %mul3A_829 : i32 to index
      %get3A_832 = arith.constant 0 : index
      %get3A_833 = vector.load %arg4[%get3A_830, %get3A_831, %get3A_832] : memref<1x4096x128xf32, #tpu.memory_space<vmem>>, vector<1x256x128xf32>
      %get3A_834 = vector.shape_cast %get3A_833 : vector<1x256x128xf32> to vector<256x128xf32>
      %mul3A_835 = arith.mulf %get3A_834, %get3A_834 : vector<256x128xf32>
      %reduce_sum3A_836 = arith.constant dense<0.000000e+00> : vector<256xf32>
      %reduce_sum3A_837 = vector.multi_reduction <add>, %mul3A_835, %reduce_sum3A_836 [1] : vector<256x128xf32> to vector<256xf32>
      %broadcast_in_dim3A_838 = vector.shape_cast %reduce_sum3A_837 : vector<256xf32> to vector<256x1xf32>
      %max3A_839 = arith.constant 1.000000e-24 : f32
      %max3A_840 = vector.broadcast %max3A_839 : f32 to vector<256x1xf32>
      %max3A_841 = arith.maximumf %broadcast_in_dim3A_838, %max3A_840 : vector<256x1xf32>
      %sqrt3A_842 = math.sqrt %max3A_841 : vector<256x1xf32>
      %div3A_843 = vector.broadcast %sqrt3A_842 : vector<256x1xf32> to vector<256x128xf32>
      %div3A_844 = arith.divf %get3A_834, %div3A_843 : vector<256x128xf32>
      %mul3A_845 = arith.constant 256 : i32
      %mul3A_846 = arith.muli %while3A_826, %mul3A_845 : i32
      %swap3A_847 = arith.index_cast %mul3A_846 : i32 to index
      %swap3A_848 = arith.constant 0 : index
      %swap3A_849 = vector.load %arg8[%swap3A_847, %swap3A_848] : memref<4096x128xf32, #tpu.memory_space<vmem>>, vector<256x128xf32>
      tpu.vector_store %arg8[%swap3A_847, %swap3A_848], %div3A_844 {strides = array<i32>} : memref<4096x128xf32, #tpu.memory_space<vmem>>, vector<256x128xf32>,
      %while3A_850 = arith.constant 0 : i32
      scf.yield %while3A_850 : i32
    }
    %get3A_143 = arith.constant 0 : index
    %get3A_144 = arith.constant 0 : index
    %get3A_145 = vector.load %arg7[%get3A_143, %get3A_144] : memref<1280x128xf32, #tpu.memory_space<vmem>>, vector<256x128xf32>
    %slice3A = vector.extract_strided_slice %dot_general3A_39 {offsets = [0, 0], sizes = [1, 256], strides = [1, 1]} : vector<1x1280xf32> to vector<1x256xf32>
    %broadcast_in_dim3A_146 = arith.constant 0x7F800000 : f32
    %broadcast_in_dim3A_147 = vector.broadcast %broadcast_in_dim3A_146 : f32 to vector<256x1xf32>
    %get3A_148 = arith.constant 0 : index
    %get3A_149 = arith.constant 0 : index
    %get3A_150 = vector.load %arg7[%get3A_148, %get3A_149] : memref<1280x128xf32, #tpu.memory_space<vmem>>, vector<256x128xf32>
    %dot_general3A_151 = arith.constant dense<0.000000e+00> : vector<256x256xf32>
    %dot_general3A_152 = tpu.matmul %get3A_145, %get3A_150, %dot_general3A_151 {dimension_numbers = #tpu.dot_dimension_numbers<[1], [1], [0], [0], [0, 0, 1, 0], [], []>, transpose_lhs_hint = false} : vector<256x128xf32>, vector<256x128xf32>, vector<256x256xf32> -> vector<256x256xf32>
    %slice3A_153 = vector.extract_strided_slice %dot_general3A_39 {offsets = [0, 0], sizes = [1, 256], strides = [1, 1]} : vector<1x1280xf32> to vector<1x256xf32>
    %gt3A = arith.constant 0.000000e+00 : f32
    %gt3A_154 = vector.broadcast %gt3A : f32 to vector<1x256xf32>
    %gt3A_155 = arith.cmpf ogt, %slice3A_153, %gt3A_154 : vector<1x256xf32>
    %jit3A_156 = arith.constant 0x7F800000 : f32
    %broadcast_in_dim3A_157 = vector.shape_cast %gt3A_155 : vector<1x256xi1> to vector<1x256xi1>
    %broadcast_in_dim3A_158 = vector.broadcast %broadcast_in_dim3A_157 : vector<1x256xi1> to vector<256x256xi1>
    %broadcast_in_dim3A_159 = vector.broadcast %jit3A_156 : f32 to vector<256x256xf32>
    %select_n3A_160 = arith.select %broadcast_in_dim3A_158, %dot_general3A_152, %broadcast_in_dim3A_159 : vector<256x256xi1>, vector<256x256xf32>
    %reduce_min3A = arith.constant dense<0x7F800000> : vector<256xf32>
    %reduce_min3A_161 = vector.multi_reduction <minimumf>, %select_n3A_160, %reduce_min3A [1] : vector<256x256xf32> to vector<256xf32>
    %broadcast_in_dim3A_162 = vector.shape_cast %reduce_min3A_161 : vector<256xf32> to vector<256x1xf32>
    %min3A = arith.minimumf %broadcast_in_dim3A_147, %broadcast_in_dim3A_162 : vector<256x1xf32>
    %get3A_163 = arith.constant 256 : index
    %get3A_164 = arith.constant 0 : index
    %get3A_165 = vector.load %arg7[%get3A_163, %get3A_164] : memref<1280x128xf32, #tpu.memory_space<vmem>>, vector<256x128xf32>
    %dot_general3A_166 = arith.constant dense<0.000000e+00> : vector<256x256xf32>
    %dot_general3A_167 = tpu.matmul %get3A_145, %get3A_165, %dot_general3A_166 {dimension_numbers = #tpu.dot_dimension_numbers<[1], [1], [0], [0], [0, 0, 1, 0], [], []>, transpose_lhs_hint = false} : vector<256x128xf32>, vector<256x128xf32>, vector<256x256xf32> -> vector<256x256xf32>
    %slice3A_168 = vector.extract_strided_slice %dot_general3A_39 {offsets = [0, 256], sizes = [1, 256], strides = [1, 1]} : vector<1x1280xf32> to vector<1x256xf32>
    %gt3A_169 = arith.constant 0.000000e+00 : f32
    %gt3A_170 = vector.broadcast %gt3A_169 : f32 to vector<1x256xf32>
    %gt3A_171 = arith.cmpf ogt, %slice3A_168, %gt3A_170 : vector<1x256xf32>
    %jit3A_172 = arith.constant 0x7F800000 : f32
    %broadcast_in_dim3A_173 = vector.shape_cast %gt3A_171 : vector<1x256xi1> to vector<1x256xi1>
    %broadcast_in_dim3A_174 = vector.broadcast %broadcast_in_dim3A_173 : vector<1x256xi1> to vector<256x256xi1>
    %broadcast_in_dim3A_175 = vector.broadcast %jit3A_172 : f32 to vector<256x256xf32>
    %select_n3A_176 = arith.select %broadcast_in_dim3A_174, %dot_general3A_167, %broadcast_in_dim3A_175 : vector<256x256xi1>, vector<256x256xf32>
    %reduce_min3A_177 = arith.constant dense<0x7F800000> : vector<256xf32>
    %reduce_min3A_178 = vector.multi_reduction <minimumf>, %select_n3A_176, %reduce_min3A_177 [1] : vector<256x256xf32> to vector<256xf32>
    %broadcast_in_dim3A_179 = vector.shape_cast %reduce_min3A_178 : vector<256xf32> to vector<256x1xf32>
    %min3A_180 = arith.minimumf %min3A, %broadcast_in_dim3A_179 : vector<256x1xf32>
    %get3A_181 = arith.constant 512 : index
    %get3A_182 = arith.constant 0 : index
    %get3A_183 = vector.load %arg7[%get3A_181, %get3A_182] : memref<1280x128xf32, #tpu.memory_space<vmem>>, vector<256x128xf32>
    %dot_general3A_184 = arith.constant dense<0.000000e+00> : vector<256x256xf32>
    %dot_general3A_185 = tpu.matmul %get3A_145, %get3A_183, %dot_general3A_184 {dimension_numbers = #tpu.dot_dimension_numbers<[1], [1], [0], [0], [0, 0, 1, 0], [], []>, transpose_lhs_hint = false} : vector<256x128xf32>, vector<256x128xf32>, vector<256x256xf32> -> vector<256x256xf32>
    %slice3A_186 = vector.extract_strided_slice %dot_general3A_39 {offsets = [0, 512], sizes = [1, 256], strides = [1, 1]} : vector<1x1280xf32> to vector<1x256xf32>
    %gt3A_187 = arith.constant 0.000000e+00 : f32
    %gt3A_188 = vector.broadcast %gt3A_187 : f32 to vector<1x256xf32>
    %gt3A_189 = arith.cmpf ogt, %slice3A_186, %gt3A_188 : vector<1x256xf32>
    %jit3A_190 = arith.constant 0x7F800000 : f32
    %broadcast_in_dim3A_191 = vector.shape_cast %gt3A_189 : vector<1x256xi1> to vector<1x256xi1>
    %broadcast_in_dim3A_192 = vector.broadcast %broadcast_in_dim3A_191 : vector<1x256xi1> to vector<256x256xi1>
    %broadcast_in_dim3A_193 = vector.broadcast %jit3A_190 : f32 to vector<256x256xf32>
    %select_n3A_194 = arith.select %broadcast_in_dim3A_192, %dot_general3A_185, %broadcast_in_dim3A_193 : vector<256x256xi1>, vector<256x256xf32>
    %reduce_min3A_195 = arith.constant dense<0x7F800000> : vector<256xf32>
    %reduce_min3A_196 = vector.multi_reduction <minimumf>, %select_n3A_194, %reduce_min3A_195 [1] : vector<256x256xf32> to vector<256xf32>
    %broadcast_in_dim3A_197 = vector.shape_cast %reduce_min3A_196 : vector<256xf32> to vector<256x1xf32>
    %min3A_198 = arith.minimumf %min3A_180, %broadcast_in_dim3A_197 : vector<256x1xf32>
    %get3A_199 = arith.constant 768 : index
    %get3A_200 = arith.constant 0 : index
    %get3A_201 = vector.load %arg7[%get3A_199, %get3A_200] : memref<1280x128xf32, #tpu.memory_space<vmem>>, vector<256x128xf32>
    %dot_general3A_202 = arith.constant dense<0.000000e+00> : vector<256x256xf32>
    %dot_general3A_203 = tpu.matmul %get3A_145, %get3A_201, %dot_general3A_202 {dimension_numbers = #tpu.dot_dimension_numbers<[1], [1], [0], [0], [0, 0, 1, 0], [], []>, transpose_lhs_hint = false} : vector<256x128xf32>, vector<256x128xf32>, vector<256x256xf32> -> vector<256x256xf32>
    %slice3A_204 = vector.extract_strided_slice %dot_general3A_39 {offsets = [0, 768], sizes = [1, 256], strides = [1, 1]} : vector<1x1280xf32> to vector<1x256xf32>
    %gt3A_205 = arith.constant 0.000000e+00 : f32
    %gt3A_206 = vector.broadcast %gt3A_205 : f32 to vector<1x256xf32>
    %gt3A_207 = arith.cmpf ogt, %slice3A_204, %gt3A_206 : vector<1x256xf32>
    %jit3A_208 = arith.constant 0x7F800000 : f32
    %broadcast_in_dim3A_209 = vector.shape_cast %gt3A_207 : vector<1x256xi1> to vector<1x256xi1>
    %broadcast_in_dim3A_210 = vector.broadcast %broadcast_in_dim3A_209 : vector<1x256xi1> to vector<256x256xi1>
    %broadcast_in_dim3A_211 = vector.broadcast %jit3A_208 : f32 to vector<256x256xf32>
    %select_n3A_212 = arith.select %broadcast_in_dim3A_210, %dot_general3A_203, %broadcast_in_dim3A_211 : vector<256x256xi1>, vector<256x256xf32>
    %reduce_min3A_213 = arith.constant dense<0x7F800000> : vector<256xf32>
    %reduce_min3A_214 = vector.multi_reduction <minimumf>, %select_n3A_212, %reduce_min3A_213 [1] : vector<256x256xf32> to vector<256xf32>
    %broadcast_in_dim3A_215 = vector.shape_cast %reduce_min3A_214 : vector<256xf32> to vector<256x1xf32>
    %min3A_216 = arith.minimumf %min3A_198, %broadcast_in_dim3A_215 : vector<256x1xf32>
    %get3A_217 = arith.constant 1024 : index
    %get3A_218 = arith.constant 0 : index
    %get3A_219 = vector.load %arg7[%get3A_217, %get3A_218] : memref<1280x128xf32, #tpu.memory_space<vmem>>, vector<256x128xf32>
    %dot_general3A_220 = arith.constant dense<0.000000e+00> : vector<256x256xf32>
    %dot_general3A_221 = tpu.matmul %get3A_145, %get3A_219, %dot_general3A_220 {dimension_numbers = #tpu.dot_dimension_numbers<[1], [1], [0], [0], [0, 0, 1, 0], [], []>, transpose_lhs_hint = false} : vector<256x128xf32>, vector<256x128xf32>, vector<256x256xf32> -> vector<256x256xf32>
    %slice3A_222 = vector.extract_strided_slice %dot_general3A_39 {offsets = [0, 1024], sizes = [1, 256], strides = [1, 1]} : vector<1x1280xf32> to vector<1x256xf32>
    %gt3A_223 = arith.constant 0.000000e+00 : f32
    %gt3A_224 = vector.broadcast %gt3A_223 : f32 to vector<1x256xf32>
    %gt3A_225 = arith.cmpf ogt, %slice3A_222, %gt3A_224 : vector<1x256xf32>
    %jit3A_226 = arith.constant 0x7F800000 : f32
    %broadcast_in_dim3A_227 = vector.shape_cast %gt3A_225 : vector<1x256xi1> to vector<1x256xi1>
    %broadcast_in_dim3A_228 = vector.broadcast %broadcast_in_dim3A_227 : vector<1x256xi1> to vector<256x256xi1>
    %broadcast_in_dim3A_229 = vector.broadcast %jit3A_226 : f32 to vector<256x256xf32>
    %select_n3A_230 = arith.select %broadcast_in_dim3A_228, %dot_general3A_221, %broadcast_in_dim3A_229 : vector<256x256xi1>, vector<256x256xf32>
    %reduce_min3A_231 = arith.constant dense<0x7F800000> : vector<256xf32>
    %reduce_min3A_232 = vector.multi_reduction <minimumf>, %select_n3A_230, %reduce_min3A_231 [1] : vector<256x256xf32> to vector<256xf32>
    %broadcast_in_dim3A_233 = vector.shape_cast %reduce_min3A_232 : vector<256xf32> to vector<256x1xf32>
    %min3A_234 = arith.minimumf %min3A_216, %broadcast_in_dim3A_233 : vector<256x1xf32>
    %sub3A_235 = arith.constant 5.000000e-01 : f32
    %sub3A_236 = vector.broadcast %sub3A_235 : f32 to vector<256x1xf32>
    %sub3A_237 = arith.subf %sub3A_236, %min3A_234 : vector<256x1xf32>
    %max3A_238 = arith.constant 0.000000e+00 : f32
    %max3A_239 = vector.broadcast %max3A_238 : f32 to vector<256x1xf32>
    %max3A_240 = arith.maximumf %sub3A_237, %max3A_239 : vector<256x1xf32>
    %dot_general3A_241 = arith.constant dense<0.000000e+00> : vector<1x1xf32>
    %dot_general3A_242 = tpu.matmul %slice3A, %max3A_240, %dot_general3A_241 {dimension_numbers = #tpu.dot_dimension_numbers<[1], [0], [0], [1], [0, 0, 1, 1], [], []>, transpose_lhs_hint = false} : vector<1x256xf32>, vector<256x1xf32>, vector<1x1xf32> -> vector<1x1xf32>
    %squeeze3A = vector.extract %dot_general3A_242[0, 0] : f32 from vector<1x1xf32>
    %add3A_243 = arith.constant 0.000000e+00 : f32
    %add3A_244 = arith.addf %add3A_243, %squeeze3A : f32
    %broadcast_in_dim3A_245 = arith.constant 0xFF800000 : f32
    %broadcast_in_dim3A_246 = vector.broadcast %broadcast_in_dim3A_245 : f32 to vector<256x1xf32>
    %while3A_247 = arith.constant 0 : i32
    %while3A_248 = arith.subi %div3A_46, %while3A_247 : i32
    %while3A_249 = arith.addi %while3A_247, %while3A_248 : i32
    %while3A_250 = arith.constant 1 : i32
    %while3A_251 = arith.divsi %while3A_248, %while3A_250 : i32
    %while3A_252 = arith.muli %while3A_251, %while3A_250 : i32
    %while3A_253 = arith.addi %while3A_247, %while3A_252 : i32
    %while3A_254 = arith.constant 1 : i32
    %while3A_255 = scf.for %while3A_826 = %while3A_247 to %while3A_253 step %while3A_254 iter_args(%while3A_827 = %broadcast_in_dim3A_246) -> (vector<256x1xf32>)  : i32 {
      %mul3A_828 = arith.constant 256 : i32
      %mul3A_829 = arith.muli %while3A_826, %mul3A_828 : i32
      %get3A_830 = arith.index_cast %mul3A_829 : i32 to index
      %get3A_831 = arith.constant 0 : index
      %get3A_832 = vector.load %arg8[%get3A_830, %get3A_831] : memref<4096x128xf32, #tpu.memory_space<vmem>>, vector<256x128xf32>
      %dot_general3A_833 = arith.constant dense<0.000000e+00> : vector<256x256xf32>
      %dot_general3A_834 = tpu.matmul %get3A_145, %get3A_832, %dot_general3A_833 {dimension_numbers = #tpu.dot_dimension_numbers<[1], [1], [0], [0], [0, 0, 1, 0], [], []>, transpose_lhs_hint = false} : vector<256x128xf32>, vector<256x128xf32>, vector<256x256xf32> -> vector<256x256xf32>
      %iota3A_835 = tpu.iota {dimensions = array<i32: 1>} : vector<1x256xi32>
      %mul3A_836 = arith.constant 256 : i32
      %mul3A_837 = arith.muli %while3A_826, %mul3A_836 : i32
      %add3A_838 = vector.broadcast %mul3A_837 : i32 to vector<1x256xi32>
      %add3A_839 = arith.addi %iota3A_835, %add3A_838 : vector<1x256xi32>
      %lt3A = vector.broadcast %get3A_2 : i32 to vector<1x256xi32>
      %lt3A_840 = arith.cmpi slt, %add3A_839, %lt3A : vector<1x256xi32>
      %jit3A_841 = arith.constant 0xFF800000 : f32
      %broadcast_in_dim3A_842 = vector.shape_cast %lt3A_840 : vector<1x256xi1> to vector<1x256xi1>
      %broadcast_in_dim3A_843 = vector.broadcast %broadcast_in_dim3A_842 : vector<1x256xi1> to vector<256x256xi1>
      %broadcast_in_dim3A_844 = vector.broadcast %jit3A_841 : f32 to vector<256x256xf32>
      %select_n3A_845 = arith.select %broadcast_in_dim3A_843, %dot_general3A_834, %broadcast_in_dim3A_844 : vector<256x256xi1>, vector<256x256xf32>
      %reduce_max3A = arith.constant dense<0xFF800000> : vector<256xf32>
      %reduce_max3A_846 = vector.multi_reduction <maximumf>, %select_n3A_845, %reduce_max3A [1] : vector<256x256xf32> to vector<256xf32>
      %broadcast_in_dim3A_847 = vector.shape_cast %reduce_max3A_846 : vector<256xf32> to vector<256x1xf32>
      %max3A_848 = arith.maximumf %while3A_827, %broadcast_in_dim3A_847 : vector<256x1xf32>
      scf.yield %max3A_848 : vector<256x1xf32>
    }
    %while3A_256 = arith.constant 1 : i32
    %while3A_257 = scf.for %while3A_826 = %while3A_253 to %while3A_249 step %while3A_256 iter_args(%while3A_827 = %while3A_255) -> (vector<256x1xf32>)  : i32 {
      %mul3A_828 = arith.constant 256 : i32
      %mul3A_829 = arith.muli %while3A_826, %mul3A_828 : i32
      %get3A_830 = arith.index_cast %mul3A_829 : i32 to index
      %get3A_831 = arith.constant 0 : index
      %get3A_832 = vector.load %arg8[%get3A_830, %get3A_831] : memref<4096x128xf32, #tpu.memory_space<vmem>>, vector<256x128xf32>
      %dot_general3A_833 = arith.constant dense<0.000000e+00> : vector<256x256xf32>
      %dot_general3A_834 = tpu.matmul %get3A_145, %get3A_832, %dot_general3A_833 {dimension_numbers = #tpu.dot_dimension_numbers<[1], [1], [0], [0], [0, 0, 1, 0], [], []>, transpose_lhs_hint = false} : vector<256x128xf32>, vector<256x128xf32>, vector<256x256xf32> -> vector<256x256xf32>
      %iota3A_835 = tpu.iota {dimensions = array<i32: 1>} : vector<1x256xi32>
      %mul3A_836 = arith.constant 256 : i32
      %mul3A_837 = arith.muli %while3A_826, %mul3A_836 : i32
      %add3A_838 = vector.broadcast %mul3A_837 : i32 to vector<1x256xi32>
      %add3A_839 = arith.addi %iota3A_835, %add3A_838 : vector<1x256xi32>
      %lt3A = vector.broadcast %get3A_2 : i32 to vector<1x256xi32>
      %lt3A_840 = arith.cmpi slt, %add3A_839, %lt3A : vector<1x256xi32>
      %jit3A_841 = arith.constant 0xFF800000 : f32
      %broadcast_in_dim3A_842 = vector.shape_cast %lt3A_840 : vector<1x256xi1> to vector<1x256xi1>
      %broadcast_in_dim3A_843 = vector.broadcast %broadcast_in_dim3A_842 : vector<1x256xi1> to vector<256x256xi1>
      %broadcast_in_dim3A_844 = vector.broadcast %jit3A_841 : f32 to vector<256x256xf32>
      %select_n3A_845 = arith.select %broadcast_in_dim3A_843, %dot_general3A_834, %broadcast_in_dim3A_844 : vector<256x256xi1>, vector<256x256xf32>
      %reduce_max3A = arith.constant dense<0xFF800000> : vector<256xf32>
      %reduce_max3A_846 = vector.multi_reduction <maximumf>, %select_n3A_845, %reduce_max3A [1] : vector<256x256xf32> to vector<256xf32>
      %broadcast_in_dim3A_847 = vector.shape_cast %reduce_max3A_846 : vector<256xf32> to vector<256x1xf32>
      %max3A_848 = arith.maximumf %while3A_827, %broadcast_in_dim3A_847 : vector<256x1xf32>
      scf.yield %max3A_848 : vector<256x1xf32>
    }
    %sub3A_258 = arith.constant 1.000000e-01 : f32
    %sub3A_259 = vector.broadcast %sub3A_258 : f32 to vector<256x1xf32>
    %sub3A_260 = arith.subf %while3A_257, %sub3A_259 : vector<256x1xf32>
    %max3A_261 = arith.constant 0.000000e+00 : f32
    %max3A_262 = vector.broadcast %max3A_261 : f32 to vector<256x1xf32>
    %max3A_263 = arith.maximumf %sub3A_260, %max3A_262 : vector<256x1xf32>
    %dot_general3A_264 = arith.constant dense<0.000000e+00> : vector<1x1xf32>
    %dot_general3A_265 = tpu.matmul %slice3A, %max3A_263, %dot_general3A_264 {dimension_numbers = #tpu.dot_dimension_numbers<[1], [0], [0], [1], [0, 0, 1, 1], [], []>, transpose_lhs_hint = false} : vector<1x256xf32>, vector<256x1xf32>, vector<1x1xf32> -> vector<1x1xf32>
    %squeeze3A_266 = vector.extract %dot_general3A_265[0, 0] : f32 from vector<1x1xf32>
    %add3A_267 = arith.constant 0.000000e+00 : f32
    %add3A_268 = arith.addf %add3A_267, %squeeze3A_266 : f32
    %get3A_269 = arith.constant 256 : index
    %get3A_270 = arith.constant 0 : index
    %get3A_271 = vector.load %arg7[%get3A_269, %get3A_270] : memref<1280x128xf32, #tpu.memory_space<vmem>>, vector<256x128xf32>
    %slice3A_272 = vector.extract_strided_slice %dot_general3A_39 {offsets = [0, 256], sizes = [1, 256], strides = [1, 1]} : vector<1x1280xf32> to vector<1x256xf32>
    %broadcast_in_dim3A_273 = arith.constant 0x7F800000 : f32
    %broadcast_in_dim3A_274 = vector.broadcast %broadcast_in_dim3A_273 : f32 to vector<256x1xf32>
    %get3A_275 = arith.constant 0 : index
    %get3A_276 = arith.constant 0 : index
    %get3A_277 = vector.load %arg7[%get3A_275, %get3A_276] : memref<1280x128xf32, #tpu.memory_space<vmem>>, vector<256x128xf32>
    %dot_general3A_278 = arith.constant dense<0.000000e+00> : vector<256x256xf32>
    %dot_general3A_279 = tpu.matmul %get3A_271, %get3A_277, %dot_general3A_278 {dimension_numbers = #tpu.dot_dimension_numbers<[1], [1], [0], [0], [0, 0, 1, 0], [], []>, transpose_lhs_hint = false} : vector<256x128xf32>, vector<256x128xf32>, vector<256x256xf32> -> vector<256x256xf32>
    %slice3A_280 = vector.extract_strided_slice %dot_general3A_39 {offsets = [0, 0], sizes = [1, 256], strides = [1, 1]} : vector<1x1280xf32> to vector<1x256xf32>
    %gt3A_281 = arith.constant 0.000000e+00 : f32
    %gt3A_282 = vector.broadcast %gt3A_281 : f32 to vector<1x256xf32>
    %gt3A_283 = arith.cmpf ogt, %slice3A_280, %gt3A_282 : vector<1x256xf32>
    %jit3A_284 = arith.constant 0x7F800000 : f32
    %broadcast_in_dim3A_285 = vector.shape_cast %gt3A_283 : vector<1x256xi1> to vector<1x256xi1>
    %broadcast_in_dim3A_286 = vector.broadcast %broadcast_in_dim3A_285 : vector<1x256xi1> to vector<256x256xi1>
    %broadcast_in_dim3A_287 = vector.broadcast %jit3A_284 : f32 to vector<256x256xf32>
    %select_n3A_288 = arith.select %broadcast_in_dim3A_286, %dot_general3A_279, %broadcast_in_dim3A_287 : vector<256x256xi1>, vector<256x256xf32>
    %reduce_min3A_289 = arith.constant dense<0x7F800000> : vector<256xf32>
    %reduce_min3A_290 = vector.multi_reduction <minimumf>, %select_n3A_288, %reduce_min3A_289 [1] : vector<256x256xf32> to vector<256xf32>
    %broadcast_in_dim3A_291 = vector.shape_cast %reduce_min3A_290 : vector<256xf32> to vector<256x1xf32>
    %min3A_292 = arith.minimumf %broadcast_in_dim3A_274, %broadcast_in_dim3A_291 : vector<256x1xf32>
    %get3A_293 = arith.constant 256 : index
    %get3A_294 = arith.constant 0 : index
    %get3A_295 = vector.load %arg7[%get3A_293, %get3A_294] : memref<1280x128xf32, #tpu.memory_space<vmem>>, vector<256x128xf32>
    %dot_general3A_296 = arith.constant dense<0.000000e+00> : vector<256x256xf32>
    %dot_general3A_297 = tpu.matmul %get3A_271, %get3A_295, %dot_general3A_296 {dimension_numbers = #tpu.dot_dimension_numbers<[1], [1], [0], [0], [0, 0, 1, 0], [], []>, transpose_lhs_hint = false} : vector<256x128xf32>, vector<256x128xf32>, vector<256x256xf32> -> vector<256x256xf32>
    %slice3A_298 = vector.extract_strided_slice %dot_general3A_39 {offsets = [0, 256], sizes = [1, 256], strides = [1, 1]} : vector<1x1280xf32> to vector<1x256xf32>
    %gt3A_299 = arith.constant 0.000000e+00 : f32
    %gt3A_300 = vector.broadcast %gt3A_299 : f32 to vector<1x256xf32>
    %gt3A_301 = arith.cmpf ogt, %slice3A_298, %gt3A_300 : vector<1x256xf32>
    %jit3A_302 = arith.constant 0x7F800000 : f32
    %broadcast_in_dim3A_303 = vector.shape_cast %gt3A_301 : vector<1x256xi1> to vector<1x256xi1>
    %broadcast_in_dim3A_304 = vector.broadcast %broadcast_in_dim3A_303 : vector<1x256xi1> to vector<256x256xi1>
    %broadcast_in_dim3A_305 = vector.broadcast %jit3A_302 : f32 to vector<256x256xf32>
    %select_n3A_306 = arith.select %broadcast_in_dim3A_304, %dot_general3A_297, %broadcast_in_dim3A_305 : vector<256x256xi1>, vector<256x256xf32>
    %reduce_min3A_307 = arith.constant dense<0x7F800000> : vector<256xf32>
    %reduce_min3A_308 = vector.multi_reduction <minimumf>, %select_n3A_306, %reduce_min3A_307 [1] : vector<256x256xf32> to vector<256xf32>
    %broadcast_in_dim3A_309 = vector.shape_cast %reduce_min3A_308 : vector<256xf32> to vector<256x1xf32>
    %min3A_310 = arith.minimumf %min3A_292, %broadcast_in_dim3A_309 : vector<256x1xf32>
    %get3A_311 = arith.constant 512 : index
    %get3A_312 = arith.constant 0 : index
    %get3A_313 = vector.load %arg7[%get3A_311, %get3A_312] : memref<1280x128xf32, #tpu.memory_space<vmem>>, vector<256x128xf32>
    %dot_general3A_314 = arith.constant dense<0.000000e+00> : vector<256x256xf32>
    %dot_general3A_315 = tpu.matmul %get3A_271, %get3A_313, %dot_general3A_314 {dimension_numbers = #tpu.dot_dimension_numbers<[1], [1], [0], [0], [0, 0, 1, 0], [], []>, transpose_lhs_hint = false} : vector<256x128xf32>, vector<256x128xf32>, vector<256x256xf32> -> vector<256x256xf32>
    %slice3A_316 = vector.extract_strided_slice %dot_general3A_39 {offsets = [0, 512], sizes = [1, 256], strides = [1, 1]} : vector<1x1280xf32> to vector<1x256xf32>
    %gt3A_317 = arith.constant 0.000000e+00 : f32
    %gt3A_318 = vector.broadcast %gt3A_317 : f32 to vector<1x256xf32>
    %gt3A_319 = arith.cmpf ogt, %slice3A_316, %gt3A_318 : vector<1x256xf32>
    %jit3A_320 = arith.constant 0x7F800000 : f32
    %broadcast_in_dim3A_321 = vector.shape_cast %gt3A_319 : vector<1x256xi1> to vector<1x256xi1>
    %broadcast_in_dim3A_322 = vector.broadcast %broadcast_in_dim3A_321 : vector<1x256xi1> to vector<256x256xi1>
    %broadcast_in_dim3A_323 = vector.broadcast %jit3A_320 : f32 to vector<256x256xf32>
    %select_n3A_324 = arith.select %broadcast_in_dim3A_322, %dot_general3A_315, %broadcast_in_dim3A_323 : vector<256x256xi1>, vector<256x256xf32>
    %reduce_min3A_325 = arith.constant dense<0x7F800000> : vector<256xf32>
    %reduce_min3A_326 = vector.multi_reduction <minimumf>, %select_n3A_324, %reduce_min3A_325 [1] : vector<256x256xf32> to vector<256xf32>
    %broadcast_in_dim3A_327 = vector.shape_cast %reduce_min3A_326 : vector<256xf32> to vector<256x1xf32>
    %min3A_328 = arith.minimumf %min3A_310, %broadcast_in_dim3A_327 : vector<256x1xf32>
    %get3A_329 = arith.constant 768 : index
    %get3A_330 = arith.constant 0 : index
    %get3A_331 = vector.load %arg7[%get3A_329, %get3A_330] : memref<1280x128xf32, #tpu.memory_space<vmem>>, vector<256x128xf32>
    %dot_general3A_332 = arith.constant dense<0.000000e+00> : vector<256x256xf32>
    %dot_general3A_333 = tpu.matmul %get3A_271, %get3A_331, %dot_general3A_332 {dimension_numbers = #tpu.dot_dimension_numbers<[1], [1], [0], [0], [0, 0, 1, 0], [], []>, transpose_lhs_hint = false} : vector<256x128xf32>, vector<256x128xf32>, vector<256x256xf32> -> vector<256x256xf32>
    %slice3A_334 = vector.extract_strided_slice %dot_general3A_39 {offsets = [0, 768], sizes = [1, 256], strides = [1, 1]} : vector<1x1280xf32> to vector<1x256xf32>
    %gt3A_335 = arith.constant 0.000000e+00 : f32
    %gt3A_336 = vector.broadcast %gt3A_335 : f32 to vector<1x256xf32>
    %gt3A_337 = arith.cmpf ogt, %slice3A_334, %gt3A_336 : vector<1x256xf32>
    %jit3A_338 = arith.constant 0x7F800000 : f32
    %broadcast_in_dim3A_339 = vector.shape_cast %gt3A_337 : vector<1x256xi1> to vector<1x256xi1>
    %broadcast_in_dim3A_340 = vector.broadcast %broadcast_in_dim3A_339 : vector<1x256xi1> to vector<256x256xi1>
    %broadcast_in_dim3A_341 = vector.broadcast %jit3A_338 : f32 to vector<256x256xf32>
    %select_n3A_342 = arith.select %broadcast_in_dim3A_340, %dot_general3A_333, %broadcast_in_dim3A_341 : vector<256x256xi1>, vector<256x256xf32>
    %reduce_min3A_343 = arith.constant dense<0x7F800000> : vector<256xf32>
    %reduce_min3A_344 = vector.multi_reduction <minimumf>, %select_n3A_342, %reduce_min3A_343 [1] : vector<256x256xf32> to vector<256xf32>
    %broadcast_in_dim3A_345 = vector.shape_cast %reduce_min3A_344 : vector<256xf32> to vector<256x1xf32>
    %min3A_346 = arith.minimumf %min3A_328, %broadcast_in_dim3A_345 : vector<256x1xf32>
    %get3A_347 = arith.constant 1024 : index
    %get3A_348 = arith.constant 0 : index
    %get3A_349 = vector.load %arg7[%get3A_347, %get3A_348] : memref<1280x128xf32, #tpu.memory_space<vmem>>, vector<256x128xf32>
    %dot_general3A_350 = arith.constant dense<0.000000e+00> : vector<256x256xf32>
    %dot_general3A_351 = tpu.matmul %get3A_271, %get3A_349, %dot_general3A_350 {dimension_numbers = #tpu.dot_dimension_numbers<[1], [1], [0], [0], [0, 0, 1, 0], [], []>, transpose_lhs_hint = false} : vector<256x128xf32>, vector<256x128xf32>, vector<256x256xf32> -> vector<256x256xf32>
    %slice3A_352 = vector.extract_strided_slice %dot_general3A_39 {offsets = [0, 1024], sizes = [1, 256], strides = [1, 1]} : vector<1x1280xf32> to vector<1x256xf32>
    %gt3A_353 = arith.constant 0.000000e+00 : f32
    %gt3A_354 = vector.broadcast %gt3A_353 : f32 to vector<1x256xf32>
    %gt3A_355 = arith.cmpf ogt, %slice3A_352, %gt3A_354 : vector<1x256xf32>
    %jit3A_356 = arith.constant 0x7F800000 : f32
    %broadcast_in_dim3A_357 = vector.shape_cast %gt3A_355 : vector<1x256xi1> to vector<1x256xi1>
    %broadcast_in_dim3A_358 = vector.broadcast %broadcast_in_dim3A_357 : vector<1x256xi1> to vector<256x256xi1>
    %broadcast_in_dim3A_359 = vector.broadcast %jit3A_356 : f32 to vector<256x256xf32>
    %select_n3A_360 = arith.select %broadcast_in_dim3A_358, %dot_general3A_351, %broadcast_in_dim3A_359 : vector<256x256xi1>, vector<256x256xf32>
    %reduce_min3A_361 = arith.constant dense<0x7F800000> : vector<256xf32>
    %reduce_min3A_362 = vector.multi_reduction <minimumf>, %select_n3A_360, %reduce_min3A_361 [1] : vector<256x256xf32> to vector<256xf32>
    %broadcast_in_dim3A_363 = vector.shape_cast %reduce_min3A_362 : vector<256xf32> to vector<256x1xf32>
    %min3A_364 = arith.minimumf %min3A_346, %broadcast_in_dim3A_363 : vector<256x1xf32>
    %sub3A_365 = arith.constant 5.000000e-01 : f32
    %sub3A_366 = vector.broadcast %sub3A_365 : f32 to vector<256x1xf32>
    %sub3A_367 = arith.subf %sub3A_366, %min3A_364 : vector<256x1xf32>
    %max3A_368 = arith.constant 0.000000e+00 : f32
    %max3A_369 = vector.broadcast %max3A_368 : f32 to vector<256x1xf32>
    %max3A_370 = arith.maximumf %sub3A_367, %max3A_369 : vector<256x1xf32>
    %dot_general3A_371 = arith.constant dense<0.000000e+00> : vector<1x1xf32>
    %dot_general3A_372 = tpu.matmul %slice3A_272, %max3A_370, %dot_general3A_371 {dimension_numbers = #tpu.dot_dimension_numbers<[1], [0], [0], [1], [0, 0, 1, 1], [], []>, transpose_lhs_hint = false} : vector<1x256xf32>, vector<256x1xf32>, vector<1x1xf32> -> vector<1x1xf32>
    %squeeze3A_373 = vector.extract %dot_general3A_372[0, 0] : f32 from vector<1x1xf32>
    %add3A_374 = arith.addf %add3A_244, %squeeze3A_373 : f32
    %broadcast_in_dim3A_375 = arith.constant 0xFF800000 : f32
    %broadcast_in_dim3A_376 = vector.broadcast %broadcast_in_dim3A_375 : f32 to vector<256x1xf32>
    %while3A_377 = arith.constant 0 : i32
    %while3A_378 = arith.subi %div3A_46, %while3A_377 : i32
    %while3A_379 = arith.addi %while3A_377, %while3A_378 : i32
    %while3A_380 = arith.constant 1 : i32
    %while3A_381 = arith.divsi %while3A_378, %while3A_380 : i32
    %while3A_382 = arith.muli %while3A_381, %while3A_380 : i32
    %while3A_383 = arith.addi %while3A_377, %while3A_382 : i32
    %while3A_384 = arith.constant 1 : i32
    %while3A_385 = scf.for %while3A_826 = %while3A_377 to %while3A_383 step %while3A_384 iter_args(%while3A_827 = %broadcast_in_dim3A_376) -> (vector<256x1xf32>)  : i32 {
      %mul3A_828 = arith.constant 256 : i32
      %mul3A_829 = arith.muli %while3A_826, %mul3A_828 : i32
      %get3A_830 = arith.index_cast %mul3A_829 : i32 to index
      %get3A_831 = arith.constant 0 : index
      %get3A_832 = vector.load %arg8[%get3A_830, %get3A_831] : memref<4096x128xf32, #tpu.memory_space<vmem>>, vector<256x128xf32>
      %dot_general3A_833 = arith.constant dense<0.000000e+00> : vector<256x256xf32>
      %dot_general3A_834 = tpu.matmul %get3A_271, %get3A_832, %dot_general3A_833 {dimension_numbers = #tpu.dot_dimension_numbers<[1], [1], [0], [0], [0, 0, 1, 0], [], []>, transpose_lhs_hint = false} : vector<256x128xf32>, vector<256x128xf32>, vector<256x256xf32> -> vector<256x256xf32>
      %iota3A_835 = tpu.iota {dimensions = array<i32: 1>} : vector<1x256xi32>
      %mul3A_836 = arith.constant 256 : i32
      %mul3A_837 = arith.muli %while3A_826, %mul3A_836 : i32
      %add3A_838 = vector.broadcast %mul3A_837 : i32 to vector<1x256xi32>
      %add3A_839 = arith.addi %iota3A_835, %add3A_838 : vector<1x256xi32>
      %lt3A = vector.broadcast %get3A_2 : i32 to vector<1x256xi32>
      %lt3A_840 = arith.cmpi slt, %add3A_839, %lt3A : vector<1x256xi32>
      %jit3A_841 = arith.constant 0xFF800000 : f32
      %broadcast_in_dim3A_842 = vector.shape_cast %lt3A_840 : vector<1x256xi1> to vector<1x256xi1>
      %broadcast_in_dim3A_843 = vector.broadcast %broadcast_in_dim3A_842 : vector<1x256xi1> to vector<256x256xi1>
      %broadcast_in_dim3A_844 = vector.broadcast %jit3A_841 : f32 to vector<256x256xf32>
      %select_n3A_845 = arith.select %broadcast_in_dim3A_843, %dot_general3A_834, %broadcast_in_dim3A_844 : vector<256x256xi1>, vector<256x256xf32>
      %reduce_max3A = arith.constant dense<0xFF800000> : vector<256xf32>
      %reduce_max3A_846 = vector.multi_reduction <maximumf>, %select_n3A_845, %reduce_max3A [1] : vector<256x256xf32> to vector<256xf32>
      %broadcast_in_dim3A_847 = vector.shape_cast %reduce_max3A_846 : vector<256xf32> to vector<256x1xf32>
      %max3A_848 = arith.maximumf %while3A_827, %broadcast_in_dim3A_847 : vector<256x1xf32>
      scf.yield %max3A_848 : vector<256x1xf32>
    }
    %while3A_386 = arith.constant 1 : i32
    %while3A_387 = scf.for %while3A_826 = %while3A_383 to %while3A_379 step %while3A_386 iter_args(%while3A_827 = %while3A_385) -> (vector<256x1xf32>)  : i32 {
      %mul3A_828 = arith.constant 256 : i32
      %mul3A_829 = arith.muli %while3A_826, %mul3A_828 : i32
      %get3A_830 = arith.index_cast %mul3A_829 : i32 to index
      %get3A_831 = arith.constant 0 : index
      %get3A_832 = vector.load %arg8[%get3A_830, %get3A_831] : memref<4096x128xf32, #tpu.memory_space<vmem>>, vector<256x128xf32>
      %dot_general3A_833 = arith.constant dense<0.000000e+00> : vector<256x256xf32>
      %dot_general3A_834 = tpu.matmul %get3A_271, %get3A_832, %dot_general3A_833 {dimension_numbers = #tpu.dot_dimension_numbers<[1], [1], [0], [0], [0, 0, 1, 0], [], []>, transpose_lhs_hint = false} : vector<256x128xf32>, vector<256x128xf32>, vector<256x256xf32> -> vector<256x256xf32>
      %iota3A_835 = tpu.iota {dimensions = array<i32: 1>} : vector<1x256xi32>
      %mul3A_836 = arith.constant 256 : i32
      %mul3A_837 = arith.muli %while3A_826, %mul3A_836 : i32
      %add3A_838 = vector.broadcast %mul3A_837 : i32 to vector<1x256xi32>
      %add3A_839 = arith.addi %iota3A_835, %add3A_838 : vector<1x256xi32>
      %lt3A = vector.broadcast %get3A_2 : i32 to vector<1x256xi32>
      %lt3A_840 = arith.cmpi slt, %add3A_839, %lt3A : vector<1x256xi32>
      %jit3A_841 = arith.constant 0xFF800000 : f32
      %broadcast_in_dim3A_842 = vector.shape_cast %lt3A_840 : vector<1x256xi1> to vector<1x256xi1>
      %broadcast_in_dim3A_843 = vector.broadcast %broadcast_in_dim3A_842 : vector<1x256xi1> to vector<256x256xi1>
      %broadcast_in_dim3A_844 = vector.broadcast %jit3A_841 : f32 to vector<256x256xf32>
      %select_n3A_845 = arith.select %broadcast_in_dim3A_843, %dot_general3A_834, %broadcast_in_dim3A_844 : vector<256x256xi1>, vector<256x256xf32>
      %reduce_max3A = arith.constant dense<0xFF800000> : vector<256xf32>
      %reduce_max3A_846 = vector.multi_reduction <maximumf>, %select_n3A_845, %reduce_max3A [1] : vector<256x256xf32> to vector<256xf32>
      %broadcast_in_dim3A_847 = vector.shape_cast %reduce_max3A_846 : vector<256xf32> to vector<256x1xf32>
      %max3A_848 = arith.maximumf %while3A_827, %broadcast_in_dim3A_847 : vector<256x1xf32>
      scf.yield %max3A_848 : vector<256x1xf32>
    }
    %sub3A_388 = arith.constant 1.000000e-01 : f32
    %sub3A_389 = vector.broadcast %sub3A_388 : f32 to vector<256x1xf32>
    %sub3A_390 = arith.subf %while3A_387, %sub3A_389 : vector<256x1xf32>
    %max3A_391 = arith.constant 0.000000e+00 : f32
    %max3A_392 = vector.broadcast %max3A_391 : f32 to vector<256x1xf32>
    %max3A_393 = arith.maximumf %sub3A_390, %max3A_392 : vector<256x1xf32>
    %dot_general3A_394 = arith.constant dense<0.000000e+00> : vector<1x1xf32>
    %dot_general3A_395 = tpu.matmul %slice3A_272, %max3A_393, %dot_general3A_394 {dimension_numbers = #tpu.dot_dimension_numbers<[1], [0], [0], [1], [0, 0, 1, 1], [], []>, transpose_lhs_hint = false} : vector<1x256xf32>, vector<256x1xf32>, vector<1x1xf32> -> vector<1x1xf32>
    %squeeze3A_396 = vector.extract %dot_general3A_395[0, 0] : f32 from vector<1x1xf32>
    %add3A_397 = arith.addf %add3A_268, %squeeze3A_396 : f32
    %get3A_398 = arith.constant 512 : index
    %get3A_399 = arith.constant 0 : index
    %get3A_400 = vector.load %arg7[%get3A_398, %get3A_399] : memref<1280x128xf32, #tpu.memory_space<vmem>>, vector<256x128xf32>
    %slice3A_401 = vector.extract_strided_slice %dot_general3A_39 {offsets = [0, 512], sizes = [1, 256], strides = [1, 1]} : vector<1x1280xf32> to vector<1x256xf32>
    %broadcast_in_dim3A_402 = arith.constant 0x7F800000 : f32
    %broadcast_in_dim3A_403 = vector.broadcast %broadcast_in_dim3A_402 : f32 to vector<256x1xf32>
    %get3A_404 = arith.constant 0 : index
    %get3A_405 = arith.constant 0 : index
    %get3A_406 = vector.load %arg7[%get3A_404, %get3A_405] : memref<1280x128xf32, #tpu.memory_space<vmem>>, vector<256x128xf32>
    %dot_general3A_407 = arith.constant dense<0.000000e+00> : vector<256x256xf32>
    %dot_general3A_408 = tpu.matmul %get3A_400, %get3A_406, %dot_general3A_407 {dimension_numbers = #tpu.dot_dimension_numbers<[1], [1], [0], [0], [0, 0, 1, 0], [], []>, transpose_lhs_hint = false} : vector<256x128xf32>, vector<256x128xf32>, vector<256x256xf32> -> vector<256x256xf32>
    %slice3A_409 = vector.extract_strided_slice %dot_general3A_39 {offsets = [0, 0], sizes = [1, 256], strides = [1, 1]} : vector<1x1280xf32> to vector<1x256xf32>
    %gt3A_410 = arith.constant 0.000000e+00 : f32
    %gt3A_411 = vector.broadcast %gt3A_410 : f32 to vector<1x256xf32>
    %gt3A_412 = arith.cmpf ogt, %slice3A_409, %gt3A_411 : vector<1x256xf32>
    %jit3A_413 = arith.constant 0x7F800000 : f32
    %broadcast_in_dim3A_414 = vector.shape_cast %gt3A_412 : vector<1x256xi1> to vector<1x256xi1>
    %broadcast_in_dim3A_415 = vector.broadcast %broadcast_in_dim3A_414 : vector<1x256xi1> to vector<256x256xi1>
    %broadcast_in_dim3A_416 = vector.broadcast %jit3A_413 : f32 to vector<256x256xf32>
    %select_n3A_417 = arith.select %broadcast_in_dim3A_415, %dot_general3A_408, %broadcast_in_dim3A_416 : vector<256x256xi1>, vector<256x256xf32>
    %reduce_min3A_418 = arith.constant dense<0x7F800000> : vector<256xf32>
    %reduce_min3A_419 = vector.multi_reduction <minimumf>, %select_n3A_417, %reduce_min3A_418 [1] : vector<256x256xf32> to vector<256xf32>
    %broadcast_in_dim3A_420 = vector.shape_cast %reduce_min3A_419 : vector<256xf32> to vector<256x1xf32>
    %min3A_421 = arith.minimumf %broadcast_in_dim3A_403, %broadcast_in_dim3A_420 : vector<256x1xf32>
    %get3A_422 = arith.constant 256 : index
    %get3A_423 = arith.constant 0 : index
    %get3A_424 = vector.load %arg7[%get3A_422, %get3A_423] : memref<1280x128xf32, #tpu.memory_space<vmem>>, vector<256x128xf32>
    %dot_general3A_425 = arith.constant dense<0.000000e+00> : vector<256x256xf32>
    %dot_general3A_426 = tpu.matmul %get3A_400, %get3A_424, %dot_general3A_425 {dimension_numbers = #tpu.dot_dimension_numbers<[1], [1], [0], [0], [0, 0, 1, 0], [], []>, transpose_lhs_hint = false} : vector<256x128xf32>, vector<256x128xf32>, vector<256x256xf32> -> vector<256x256xf32>
    %slice3A_427 = vector.extract_strided_slice %dot_general3A_39 {offsets = [0, 256], sizes = [1, 256], strides = [1, 1]} : vector<1x1280xf32> to vector<1x256xf32>
    %gt3A_428 = arith.constant 0.000000e+00 : f32
    %gt3A_429 = vector.broadcast %gt3A_428 : f32 to vector<1x256xf32>
    %gt3A_430 = arith.cmpf ogt, %slice3A_427, %gt3A_429 : vector<1x256xf32>
    %jit3A_431 = arith.constant 0x7F800000 : f32
    %broadcast_in_dim3A_432 = vector.shape_cast %gt3A_430 : vector<1x256xi1> to vector<1x256xi1>
    %broadcast_in_dim3A_433 = vector.broadcast %broadcast_in_dim3A_432 : vector<1x256xi1> to vector<256x256xi1>
    %broadcast_in_dim3A_434 = vector.broadcast %jit3A_431 : f32 to vector<256x256xf32>
    %select_n3A_435 = arith.select %broadcast_in_dim3A_433, %dot_general3A_426, %broadcast_in_dim3A_434 : vector<256x256xi1>, vector<256x256xf32>
    %reduce_min3A_436 = arith.constant dense<0x7F800000> : vector<256xf32>
    %reduce_min3A_437 = vector.multi_reduction <minimumf>, %select_n3A_435, %reduce_min3A_436 [1] : vector<256x256xf32> to vector<256xf32>
    %broadcast_in_dim3A_438 = vector.shape_cast %reduce_min3A_437 : vector<256xf32> to vector<256x1xf32>
    %min3A_439 = arith.minimumf %min3A_421, %broadcast_in_dim3A_438 : vector<256x1xf32>
    %get3A_440 = arith.constant 512 : index
    %get3A_441 = arith.constant 0 : index
    %get3A_442 = vector.load %arg7[%get3A_440, %get3A_441] : memref<1280x128xf32, #tpu.memory_space<vmem>>, vector<256x128xf32>
    %dot_general3A_443 = arith.constant dense<0.000000e+00> : vector<256x256xf32>
    %dot_general3A_444 = tpu.matmul %get3A_400, %get3A_442, %dot_general3A_443 {dimension_numbers = #tpu.dot_dimension_numbers<[1], [1], [0], [0], [0, 0, 1, 0], [], []>, transpose_lhs_hint = false} : vector<256x128xf32>, vector<256x128xf32>, vector<256x256xf32> -> vector<256x256xf32>
    %slice3A_445 = vector.extract_strided_slice %dot_general3A_39 {offsets = [0, 512], sizes = [1, 256], strides = [1, 1]} : vector<1x1280xf32> to vector<1x256xf32>
    %gt3A_446 = arith.constant 0.000000e+00 : f32
    %gt3A_447 = vector.broadcast %gt3A_446 : f32 to vector<1x256xf32>
    %gt3A_448 = arith.cmpf ogt, %slice3A_445, %gt3A_447 : vector<1x256xf32>
    %jit3A_449 = arith.constant 0x7F800000 : f32
    %broadcast_in_dim3A_450 = vector.shape_cast %gt3A_448 : vector<1x256xi1> to vector<1x256xi1>
    %broadcast_in_dim3A_451 = vector.broadcast %broadcast_in_dim3A_450 : vector<1x256xi1> to vector<256x256xi1>
    %broadcast_in_dim3A_452 = vector.broadcast %jit3A_449 : f32 to vector<256x256xf32>
    %select_n3A_453 = arith.select %broadcast_in_dim3A_451, %dot_general3A_444, %broadcast_in_dim3A_452 : vector<256x256xi1>, vector<256x256xf32>
    %reduce_min3A_454 = arith.constant dense<0x7F800000> : vector<256xf32>
    %reduce_min3A_455 = vector.multi_reduction <minimumf>, %select_n3A_453, %reduce_min3A_454 [1] : vector<256x256xf32> to vector<256xf32>
    %broadcast_in_dim3A_456 = vector.shape_cast %reduce_min3A_455 : vector<256xf32> to vector<256x1xf32>
    %min3A_457 = arith.minimumf %min3A_439, %broadcast_in_dim3A_456 : vector<256x1xf32>
    %get3A_458 = arith.constant 768 : index
    %get3A_459 = arith.constant 0 : index
    %get3A_460 = vector.load %arg7[%get3A_458, %get3A_459] : memref<1280x128xf32, #tpu.memory_space<vmem>>, vector<256x128xf32>
    %dot_general3A_461 = arith.constant dense<0.000000e+00> : vector<256x256xf32>
    %dot_general3A_462 = tpu.matmul %get3A_400, %get3A_460, %dot_general3A_461 {dimension_numbers = #tpu.dot_dimension_numbers<[1], [1], [0], [0], [0, 0, 1, 0], [], []>, transpose_lhs_hint = false} : vector<256x128xf32>, vector<256x128xf32>, vector<256x256xf32> -> vector<256x256xf32>
    %slice3A_463 = vector.extract_strided_slice %dot_general3A_39 {offsets = [0, 768], sizes = [1, 256], strides = [1, 1]} : vector<1x1280xf32> to vector<1x256xf32>
    %gt3A_464 = arith.constant 0.000000e+00 : f32
    %gt3A_465 = vector.broadcast %gt3A_464 : f32 to vector<1x256xf32>
    %gt3A_466 = arith.cmpf ogt, %slice3A_463, %gt3A_465 : vector<1x256xf32>
    %jit3A_467 = arith.constant 0x7F800000 : f32
    %broadcast_in_dim3A_468 = vector.shape_cast %gt3A_466 : vector<1x256xi1> to vector<1x256xi1>
    %broadcast_in_dim3A_469 = vector.broadcast %broadcast_in_dim3A_468 : vector<1x256xi1> to vector<256x256xi1>
    %broadcast_in_dim3A_470 = vector.broadcast %jit3A_467 : f32 to vector<256x256xf32>
    %select_n3A_471 = arith.select %broadcast_in_dim3A_469, %dot_general3A_462, %broadcast_in_dim3A_470 : vector<256x256xi1>, vector<256x256xf32>
    %reduce_min3A_472 = arith.constant dense<0x7F800000> : vector<256xf32>
    %reduce_min3A_473 = vector.multi_reduction <minimumf>, %select_n3A_471, %reduce_min3A_472 [1] : vector<256x256xf32> to vector<256xf32>
    %broadcast_in_dim3A_474 = vector.shape_cast %reduce_min3A_473 : vector<256xf32> to vector<256x1xf32>
    %min3A_475 = arith.minimumf %min3A_457, %broadcast_in_dim3A_474 : vector<256x1xf32>
    %get3A_476 = arith.constant 1024 : index
    %get3A_477 = arith.constant 0 : index
    %get3A_478 = vector.load %arg7[%get3A_476, %get3A_477] : memref<1280x128xf32, #tpu.memory_space<vmem>>, vector<256x128xf32>
    %dot_general3A_479 = arith.constant dense<0.000000e+00> : vector<256x256xf32>
    %dot_general3A_480 = tpu.matmul %get3A_400, %get3A_478, %dot_general3A_479 {dimension_numbers = #tpu.dot_dimension_numbers<[1], [1], [0], [0], [0, 0, 1, 0], [], []>, transpose_lhs_hint = false} : vector<256x128xf32>, vector<256x128xf32>, vector<256x256xf32> -> vector<256x256xf32>
    %slice3A_481 = vector.extract_strided_slice %dot_general3A_39 {offsets = [0, 1024], sizes = [1, 256], strides = [1, 1]} : vector<1x1280xf32> to vector<1x256xf32>
    %gt3A_482 = arith.constant 0.000000e+00 : f32
    %gt3A_483 = vector.broadcast %gt3A_482 : f32 to vector<1x256xf32>
    %gt3A_484 = arith.cmpf ogt, %slice3A_481, %gt3A_483 : vector<1x256xf32>
    %jit3A_485 = arith.constant 0x7F800000 : f32
    %broadcast_in_dim3A_486 = vector.shape_cast %gt3A_484 : vector<1x256xi1> to vector<1x256xi1>
    %broadcast_in_dim3A_487 = vector.broadcast %broadcast_in_dim3A_486 : vector<1x256xi1> to vector<256x256xi1>
    %broadcast_in_dim3A_488 = vector.broadcast %jit3A_485 : f32 to vector<256x256xf32>
    %select_n3A_489 = arith.select %broadcast_in_dim3A_487, %dot_general3A_480, %broadcast_in_dim3A_488 : vector<256x256xi1>, vector<256x256xf32>
    %reduce_min3A_490 = arith.constant dense<0x7F800000> : vector<256xf32>
    %reduce_min3A_491 = vector.multi_reduction <minimumf>, %select_n3A_489, %reduce_min3A_490 [1] : vector<256x256xf32> to vector<256xf32>
    %broadcast_in_dim3A_492 = vector.shape_cast %reduce_min3A_491 : vector<256xf32> to vector<256x1xf32>
    %min3A_493 = arith.minimumf %min3A_475, %broadcast_in_dim3A_492 : vector<256x1xf32>
    %sub3A_494 = arith.constant 5.000000e-01 : f32
    %sub3A_495 = vector.broadcast %sub3A_494 : f32 to vector<256x1xf32>
    %sub3A_496 = arith.subf %sub3A_495, %min3A_493 : vector<256x1xf32>
    %max3A_497 = arith.constant 0.000000e+00 : f32
    %max3A_498 = vector.broadcast %max3A_497 : f32 to vector<256x1xf32>
    %max3A_499 = arith.maximumf %sub3A_496, %max3A_498 : vector<256x1xf32>
    %dot_general3A_500 = arith.constant dense<0.000000e+00> : vector<1x1xf32>
    %dot_general3A_501 = tpu.matmul %slice3A_401, %max3A_499, %dot_general3A_500 {dimension_numbers = #tpu.dot_dimension_numbers<[1], [0], [0], [1], [0, 0, 1, 1], [], []>, transpose_lhs_hint = false} : vector<1x256xf32>, vector<256x1xf32>, vector<1x1xf32> -> vector<1x1xf32>
    %squeeze3A_502 = vector.extract %dot_general3A_501[0, 0] : f32 from vector<1x1xf32>
    %add3A_503 = arith.addf %add3A_374, %squeeze3A_502 : f32
    %broadcast_in_dim3A_504 = arith.constant 0xFF800000 : f32
    %broadcast_in_dim3A_505 = vector.broadcast %broadcast_in_dim3A_504 : f32 to vector<256x1xf32>
    %while3A_506 = arith.constant 0 : i32
    %while3A_507 = arith.subi %div3A_46, %while3A_506 : i32
    %while3A_508 = arith.addi %while3A_506, %while3A_507 : i32
    %while3A_509 = arith.constant 1 : i32
    %while3A_510 = arith.divsi %while3A_507, %while3A_509 : i32
    %while3A_511 = arith.muli %while3A_510, %while3A_509 : i32
    %while3A_512 = arith.addi %while3A_506, %while3A_511 : i32
    %while3A_513 = arith.constant 1 : i32
    %while3A_514 = scf.for %while3A_826 = %while3A_506 to %while3A_512 step %while3A_513 iter_args(%while3A_827 = %broadcast_in_dim3A_505) -> (vector<256x1xf32>)  : i32 {
      %mul3A_828 = arith.constant 256 : i32
      %mul3A_829 = arith.muli %while3A_826, %mul3A_828 : i32
      %get3A_830 = arith.index_cast %mul3A_829 : i32 to index
      %get3A_831 = arith.constant 0 : index
      %get3A_832 = vector.load %arg8[%get3A_830, %get3A_831] : memref<4096x128xf32, #tpu.memory_space<vmem>>, vector<256x128xf32>
      %dot_general3A_833 = arith.constant dense<0.000000e+00> : vector<256x256xf32>
      %dot_general3A_834 = tpu.matmul %get3A_400, %get3A_832, %dot_general3A_833 {dimension_numbers = #tpu.dot_dimension_numbers<[1], [1], [0], [0], [0, 0, 1, 0], [], []>, transpose_lhs_hint = false} : vector<256x128xf32>, vector<256x128xf32>, vector<256x256xf32> -> vector<256x256xf32>
      %iota3A_835 = tpu.iota {dimensions = array<i32: 1>} : vector<1x256xi32>
      %mul3A_836 = arith.constant 256 : i32
      %mul3A_837 = arith.muli %while3A_826, %mul3A_836 : i32
      %add3A_838 = vector.broadcast %mul3A_837 : i32 to vector<1x256xi32>
      %add3A_839 = arith.addi %iota3A_835, %add3A_838 : vector<1x256xi32>
      %lt3A = vector.broadcast %get3A_2 : i32 to vector<1x256xi32>
      %lt3A_840 = arith.cmpi slt, %add3A_839, %lt3A : vector<1x256xi32>
      %jit3A_841 = arith.constant 0xFF800000 : f32
      %broadcast_in_dim3A_842 = vector.shape_cast %lt3A_840 : vector<1x256xi1> to vector<1x256xi1>
      %broadcast_in_dim3A_843 = vector.broadcast %broadcast_in_dim3A_842 : vector<1x256xi1> to vector<256x256xi1>
      %broadcast_in_dim3A_844 = vector.broadcast %jit3A_841 : f32 to vector<256x256xf32>
      %select_n3A_845 = arith.select %broadcast_in_dim3A_843, %dot_general3A_834, %broadcast_in_dim3A_844 : vector<256x256xi1>, vector<256x256xf32>
      %reduce_max3A = arith.constant dense<0xFF800000> : vector<256xf32>
      %reduce_max3A_846 = vector.multi_reduction <maximumf>, %select_n3A_845, %reduce_max3A [1] : vector<256x256xf32> to vector<256xf32>
      %broadcast_in_dim3A_847 = vector.shape_cast %reduce_max3A_846 : vector<256xf32> to vector<256x1xf32>
      %max3A_848 = arith.maximumf %while3A_827, %broadcast_in_dim3A_847 : vector<256x1xf32>
      scf.yield %max3A_848 : vector<256x1xf32>
    }
    %while3A_515 = arith.constant 1 : i32
    %while3A_516 = scf.for %while3A_826 = %while3A_512 to %while3A_508 step %while3A_515 iter_args(%while3A_827 = %while3A_514) -> (vector<256x1xf32>)  : i32 {
      %mul3A_828 = arith.constant 256 : i32
      %mul3A_829 = arith.muli %while3A_826, %mul3A_828 : i32
      %get3A_830 = arith.index_cast %mul3A_829 : i32 to index
      %get3A_831 = arith.constant 0 : index
      %get3A_832 = vector.load %arg8[%get3A_830, %get3A_831] : memref<4096x128xf32, #tpu.memory_space<vmem>>, vector<256x128xf32>
      %dot_general3A_833 = arith.constant dense<0.000000e+00> : vector<256x256xf32>
      %dot_general3A_834 = tpu.matmul %get3A_400, %get3A_832, %dot_general3A_833 {dimension_numbers = #tpu.dot_dimension_numbers<[1], [1], [0], [0], [0, 0, 1, 0], [], []>, transpose_lhs_hint = false} : vector<256x128xf32>, vector<256x128xf32>, vector<256x256xf32> -> vector<256x256xf32>
      %iota3A_835 = tpu.iota {dimensions = array<i32: 1>} : vector<1x256xi32>
      %mul3A_836 = arith.constant 256 : i32
      %mul3A_837 = arith.muli %while3A_826, %mul3A_836 : i32
      %add3A_838 = vector.broadcast %mul3A_837 : i32 to vector<1x256xi32>
      %add3A_839 = arith.addi %iota3A_835, %add3A_838 : vector<1x256xi32>
      %lt3A = vector.broadcast %get3A_2 : i32 to vector<1x256xi32>
      %lt3A_840 = arith.cmpi slt, %add3A_839, %lt3A : vector<1x256xi32>
      %jit3A_841 = arith.constant 0xFF800000 : f32
      %broadcast_in_dim3A_842 = vector.shape_cast %lt3A_840 : vector<1x256xi1> to vector<1x256xi1>
      %broadcast_in_dim3A_843 = vector.broadcast %broadcast_in_dim3A_842 : vector<1x256xi1> to vector<256x256xi1>
      %broadcast_in_dim3A_844 = vector.broadcast %jit3A_841 : f32 to vector<256x256xf32>
      %select_n3A_845 = arith.select %broadcast_in_dim3A_843, %dot_general3A_834, %broadcast_in_dim3A_844 : vector<256x256xi1>, vector<256x256xf32>
      %reduce_max3A = arith.constant dense<0xFF800000> : vector<256xf32>
      %reduce_max3A_846 = vector.multi_reduction <maximumf>, %select_n3A_845, %reduce_max3A [1] : vector<256x256xf32> to vector<256xf32>
      %broadcast_in_dim3A_847 = vector.shape_cast %reduce_max3A_846 : vector<256xf32> to vector<256x1xf32>
      %max3A_848 = arith.maximumf %while3A_827, %broadcast_in_dim3A_847 : vector<256x1xf32>
      scf.yield %max3A_848 : vector<256x1xf32>
    }
    %sub3A_517 = arith.constant 1.000000e-01 : f32
    %sub3A_518 = vector.broadcast %sub3A_517 : f32 to vector<256x1xf32>
    %sub3A_519 = arith.subf %while3A_516, %sub3A_518 : vector<256x1xf32>
    %max3A_520 = arith.constant 0.000000e+00 : f32
    %max3A_521 = vector.broadcast %max3A_520 : f32 to vector<256x1xf32>
    %max3A_522 = arith.maximumf %sub3A_519, %max3A_521 : vector<256x1xf32>
    %dot_general3A_523 = arith.constant dense<0.000000e+00> : vector<1x1xf32>
    %dot_general3A_524 = tpu.matmul %slice3A_401, %max3A_522, %dot_general3A_523 {dimension_numbers = #tpu.dot_dimension_numbers<[1], [0], [0], [1], [0, 0, 1, 1], [], []>, transpose_lhs_hint = false} : vector<1x256xf32>, vector<256x1xf32>, vector<1x1xf32> -> vector<1x1xf32>
    %squeeze3A_525 = vector.extract %dot_general3A_524[0, 0] : f32 from vector<1x1xf32>
    %add3A_526 = arith.addf %add3A_397, %squeeze3A_525 : f32
    %get3A_527 = arith.constant 768 : index
    %get3A_528 = arith.constant 0 : index
    %get3A_529 = vector.load %arg7[%get3A_527, %get3A_528] : memref<1280x128xf32, #tpu.memory_space<vmem>>, vector<256x128xf32>
    %slice3A_530 = vector.extract_strided_slice %dot_general3A_39 {offsets = [0, 768], sizes = [1, 256], strides = [1, 1]} : vector<1x1280xf32> to vector<1x256xf32>
    %broadcast_in_dim3A_531 = arith.constant 0x7F800000 : f32
    %broadcast_in_dim3A_532 = vector.broadcast %broadcast_in_dim3A_531 : f32 to vector<256x1xf32>
    %get3A_533 = arith.constant 0 : index
    %get3A_534 = arith.constant 0 : index
    %get3A_535 = vector.load %arg7[%get3A_533, %get3A_534] : memref<1280x128xf32, #tpu.memory_space<vmem>>, vector<256x128xf32>
    %dot_general3A_536 = arith.constant dense<0.000000e+00> : vector<256x256xf32>
    %dot_general3A_537 = tpu.matmul %get3A_529, %get3A_535, %dot_general3A_536 {dimension_numbers = #tpu.dot_dimension_numbers<[1], [1], [0], [0], [0, 0, 1, 0], [], []>, transpose_lhs_hint = false} : vector<256x128xf32>, vector<256x128xf32>, vector<256x256xf32> -> vector<256x256xf32>
    %slice3A_538 = vector.extract_strided_slice %dot_general3A_39 {offsets = [0, 0], sizes = [1, 256], strides = [1, 1]} : vector<1x1280xf32> to vector<1x256xf32>
    %gt3A_539 = arith.constant 0.000000e+00 : f32
    %gt3A_540 = vector.broadcast %gt3A_539 : f32 to vector<1x256xf32>
    %gt3A_541 = arith.cmpf ogt, %slice3A_538, %gt3A_540 : vector<1x256xf32>
    %jit3A_542 = arith.constant 0x7F800000 : f32
    %broadcast_in_dim3A_543 = vector.shape_cast %gt3A_541 : vector<1x256xi1> to vector<1x256xi1>
    %broadcast_in_dim3A_544 = vector.broadcast %broadcast_in_dim3A_543 : vector<1x256xi1> to vector<256x256xi1>
    %broadcast_in_dim3A_545 = vector.broadcast %jit3A_542 : f32 to vector<256x256xf32>
    %select_n3A_546 = arith.select %broadcast_in_dim3A_544, %dot_general3A_537, %broadcast_in_dim3A_545 : vector<256x256xi1>, vector<256x256xf32>
    %reduce_min3A_547 = arith.constant dense<0x7F800000> : vector<256xf32>
    %reduce_min3A_548 = vector.multi_reduction <minimumf>, %select_n3A_546, %reduce_min3A_547 [1] : vector<256x256xf32> to vector<256xf32>
    %broadcast_in_dim3A_549 = vector.shape_cast %reduce_min3A_548 : vector<256xf32> to vector<256x1xf32>
    %min3A_550 = arith.minimumf %broadcast_in_dim3A_532, %broadcast_in_dim3A_549 : vector<256x1xf32>
    %get3A_551 = arith.constant 256 : index
    %get3A_552 = arith.constant 0 : index
    %get3A_553 = vector.load %arg7[%get3A_551, %get3A_552] : memref<1280x128xf32, #tpu.memory_space<vmem>>, vector<256x128xf32>
    %dot_general3A_554 = arith.constant dense<0.000000e+00> : vector<256x256xf32>
    %dot_general3A_555 = tpu.matmul %get3A_529, %get3A_553, %dot_general3A_554 {dimension_numbers = #tpu.dot_dimension_numbers<[1], [1], [0], [0], [0, 0, 1, 0], [], []>, transpose_lhs_hint = false} : vector<256x128xf32>, vector<256x128xf32>, vector<256x256xf32> -> vector<256x256xf32>
    %slice3A_556 = vector.extract_strided_slice %dot_general3A_39 {offsets = [0, 256], sizes = [1, 256], strides = [1, 1]} : vector<1x1280xf32> to vector<1x256xf32>
    %gt3A_557 = arith.constant 0.000000e+00 : f32
    %gt3A_558 = vector.broadcast %gt3A_557 : f32 to vector<1x256xf32>
    %gt3A_559 = arith.cmpf ogt, %slice3A_556, %gt3A_558 : vector<1x256xf32>
    %jit3A_560 = arith.constant 0x7F800000 : f32
    %broadcast_in_dim3A_561 = vector.shape_cast %gt3A_559 : vector<1x256xi1> to vector<1x256xi1>
    %broadcast_in_dim3A_562 = vector.broadcast %broadcast_in_dim3A_561 : vector<1x256xi1> to vector<256x256xi1>
    %broadcast_in_dim3A_563 = vector.broadcast %jit3A_560 : f32 to vector<256x256xf32>
    %select_n3A_564 = arith.select %broadcast_in_dim3A_562, %dot_general3A_555, %broadcast_in_dim3A_563 : vector<256x256xi1>, vector<256x256xf32>
    %reduce_min3A_565 = arith.constant dense<0x7F800000> : vector<256xf32>
    %reduce_min3A_566 = vector.multi_reduction <minimumf>, %select_n3A_564, %reduce_min3A_565 [1] : vector<256x256xf32> to vector<256xf32>
    %broadcast_in_dim3A_567 = vector.shape_cast %reduce_min3A_566 : vector<256xf32> to vector<256x1xf32>
    %min3A_568 = arith.minimumf %min3A_550, %broadcast_in_dim3A_567 : vector<256x1xf32>
    %get3A_569 = arith.constant 512 : index
    %get3A_570 = arith.constant 0 : index
    %get3A_571 = vector.load %arg7[%get3A_569, %get3A_570] : memref<1280x128xf32, #tpu.memory_space<vmem>>, vector<256x128xf32>
    %dot_general3A_572 = arith.constant dense<0.000000e+00> : vector<256x256xf32>
    %dot_general3A_573 = tpu.matmul %get3A_529, %get3A_571, %dot_general3A_572 {dimension_numbers = #tpu.dot_dimension_numbers<[1], [1], [0], [0], [0, 0, 1, 0], [], []>, transpose_lhs_hint = false} : vector<256x128xf32>, vector<256x128xf32>, vector<256x256xf32> -> vector<256x256xf32>
    %slice3A_574 = vector.extract_strided_slice %dot_general3A_39 {offsets = [0, 512], sizes = [1, 256], strides = [1, 1]} : vector<1x1280xf32> to vector<1x256xf32>
    %gt3A_575 = arith.constant 0.000000e+00 : f32
    %gt3A_576 = vector.broadcast %gt3A_575 : f32 to vector<1x256xf32>
    %gt3A_577 = arith.cmpf ogt, %slice3A_574, %gt3A_576 : vector<1x256xf32>
    %jit3A_578 = arith.constant 0x7F800000 : f32
    %broadcast_in_dim3A_579 = vector.shape_cast %gt3A_577 : vector<1x256xi1> to vector<1x256xi1>
    %broadcast_in_dim3A_580 = vector.broadcast %broadcast_in_dim3A_579 : vector<1x256xi1> to vector<256x256xi1>
    %broadcast_in_dim3A_581 = vector.broadcast %jit3A_578 : f32 to vector<256x256xf32>
    %select_n3A_582 = arith.select %broadcast_in_dim3A_580, %dot_general3A_573, %broadcast_in_dim3A_581 : vector<256x256xi1>, vector<256x256xf32>
    %reduce_min3A_583 = arith.constant dense<0x7F800000> : vector<256xf32>
    %reduce_min3A_584 = vector.multi_reduction <minimumf>, %select_n3A_582, %reduce_min3A_583 [1] : vector<256x256xf32> to vector<256xf32>
    %broadcast_in_dim3A_585 = vector.shape_cast %reduce_min3A_584 : vector<256xf32> to vector<256x1xf32>
    %min3A_586 = arith.minimumf %min3A_568, %broadcast_in_dim3A_585 : vector<256x1xf32>
    %get3A_587 = arith.constant 768 : index
    %get3A_588 = arith.constant 0 : index
    %get3A_589 = vector.load %arg7[%get3A_587, %get3A_588] : memref<1280x128xf32, #tpu.memory_space<vmem>>, vector<256x128xf32>
    %dot_general3A_590 = arith.constant dense<0.000000e+00> : vector<256x256xf32>
    %dot_general3A_591 = tpu.matmul %get3A_529, %get3A_589, %dot_general3A_590 {dimension_numbers = #tpu.dot_dimension_numbers<[1], [1], [0], [0], [0, 0, 1, 0], [], []>, transpose_lhs_hint = false} : vector<256x128xf32>, vector<256x128xf32>, vector<256x256xf32> -> vector<256x256xf32>
    %slice3A_592 = vector.extract_strided_slice %dot_general3A_39 {offsets = [0, 768], sizes = [1, 256], strides = [1, 1]} : vector<1x1280xf32> to vector<1x256xf32>
    %gt3A_593 = arith.constant 0.000000e+00 : f32
    %gt3A_594 = vector.broadcast %gt3A_593 : f32 to vector<1x256xf32>
    %gt3A_595 = arith.cmpf ogt, %slice3A_592, %gt3A_594 : vector<1x256xf32>
    %jit3A_596 = arith.constant 0x7F800000 : f32
    %broadcast_in_dim3A_597 = vector.shape_cast %gt3A_595 : vector<1x256xi1> to vector<1x256xi1>
    %broadcast_in_dim3A_598 = vector.broadcast %broadcast_in_dim3A_597 : vector<1x256xi1> to vector<256x256xi1>
    %broadcast_in_dim3A_599 = vector.broadcast %jit3A_596 : f32 to vector<256x256xf32>
    %select_n3A_600 = arith.select %broadcast_in_dim3A_598, %dot_general3A_591, %broadcast_in_dim3A_599 : vector<256x256xi1>, vector<256x256xf32>
    %reduce_min3A_601 = arith.constant dense<0x7F800000> : vector<256xf32>
    %reduce_min3A_602 = vector.multi_reduction <minimumf>, %select_n3A_600, %reduce_min3A_601 [1] : vector<256x256xf32> to vector<256xf32>
    %broadcast_in_dim3A_603 = vector.shape_cast %reduce_min3A_602 : vector<256xf32> to vector<256x1xf32>
    %min3A_604 = arith.minimumf %min3A_586, %broadcast_in_dim3A_603 : vector<256x1xf32>
    %get3A_605 = arith.constant 1024 : index
    %get3A_606 = arith.constant 0 : index
    %get3A_607 = vector.load %arg7[%get3A_605, %get3A_606] : memref<1280x128xf32, #tpu.memory_space<vmem>>, vector<256x128xf32>
    %dot_general3A_608 = arith.constant dense<0.000000e+00> : vector<256x256xf32>
    %dot_general3A_609 = tpu.matmul %get3A_529, %get3A_607, %dot_general3A_608 {dimension_numbers = #tpu.dot_dimension_numbers<[1], [1], [0], [0], [0, 0, 1, 0], [], []>, transpose_lhs_hint = false} : vector<256x128xf32>, vector<256x128xf32>, vector<256x256xf32> -> vector<256x256xf32>
    %slice3A_610 = vector.extract_strided_slice %dot_general3A_39 {offsets = [0, 1024], sizes = [1, 256], strides = [1, 1]} : vector<1x1280xf32> to vector<1x256xf32>
    %gt3A_611 = arith.constant 0.000000e+00 : f32
    %gt3A_612 = vector.broadcast %gt3A_611 : f32 to vector<1x256xf32>
    %gt3A_613 = arith.cmpf ogt, %slice3A_610, %gt3A_612 : vector<1x256xf32>
    %jit3A_614 = arith.constant 0x7F800000 : f32
    %broadcast_in_dim3A_615 = vector.shape_cast %gt3A_613 : vector<1x256xi1> to vector<1x256xi1>
    %broadcast_in_dim3A_616 = vector.broadcast %broadcast_in_dim3A_615 : vector<1x256xi1> to vector<256x256xi1>
    %broadcast_in_dim3A_617 = vector.broadcast %jit3A_614 : f32 to vector<256x256xf32>
    %select_n3A_618 = arith.select %broadcast_in_dim3A_616, %dot_general3A_609, %broadcast_in_dim3A_617 : vector<256x256xi1>, vector<256x256xf32>
    %reduce_min3A_619 = arith.constant dense<0x7F800000> : vector<256xf32>
    %reduce_min3A_620 = vector.multi_reduction <minimumf>, %select_n3A_618, %reduce_min3A_619 [1] : vector<256x256xf32> to vector<256xf32>
    %broadcast_in_dim3A_621 = vector.shape_cast %reduce_min3A_620 : vector<256xf32> to vector<256x1xf32>
    %min3A_622 = arith.minimumf %min3A_604, %broadcast_in_dim3A_621 : vector<256x1xf32>
    %sub3A_623 = arith.constant 5.000000e-01 : f32
    %sub3A_624 = vector.broadcast %sub3A_623 : f32 to vector<256x1xf32>
    %sub3A_625 = arith.subf %sub3A_624, %min3A_622 : vector<256x1xf32>
    %max3A_626 = arith.constant 0.000000e+00 : f32
    %max3A_627 = vector.broadcast %max3A_626 : f32 to vector<256x1xf32>
    %max3A_628 = arith.maximumf %sub3A_625, %max3A_627 : vector<256x1xf32>
    %dot_general3A_629 = arith.constant dense<0.000000e+00> : vector<1x1xf32>
    %dot_general3A_630 = tpu.matmul %slice3A_530, %max3A_628, %dot_general3A_629 {dimension_numbers = #tpu.dot_dimension_numbers<[1], [0], [0], [1], [0, 0, 1, 1], [], []>, transpose_lhs_hint = false} : vector<1x256xf32>, vector<256x1xf32>, vector<1x1xf32> -> vector<1x1xf32>
    %squeeze3A_631 = vector.extract %dot_general3A_630[0, 0] : f32 from vector<1x1xf32>
    %add3A_632 = arith.addf %add3A_503, %squeeze3A_631 : f32
    %broadcast_in_dim3A_633 = arith.constant 0xFF800000 : f32
    %broadcast_in_dim3A_634 = vector.broadcast %broadcast_in_dim3A_633 : f32 to vector<256x1xf32>
    %while3A_635 = arith.constant 0 : i32
    %while3A_636 = arith.subi %div3A_46, %while3A_635 : i32
    %while3A_637 = arith.addi %while3A_635, %while3A_636 : i32
    %while3A_638 = arith.constant 1 : i32
    %while3A_639 = arith.divsi %while3A_636, %while3A_638 : i32
    %while3A_640 = arith.muli %while3A_639, %while3A_638 : i32
    %while3A_641 = arith.addi %while3A_635, %while3A_640 : i32
    %while3A_642 = arith.constant 1 : i32
    %while3A_643 = scf.for %while3A_826 = %while3A_635 to %while3A_641 step %while3A_642 iter_args(%while3A_827 = %broadcast_in_dim3A_634) -> (vector<256x1xf32>)  : i32 {
      %mul3A_828 = arith.constant 256 : i32
      %mul3A_829 = arith.muli %while3A_826, %mul3A_828 : i32
      %get3A_830 = arith.index_cast %mul3A_829 : i32 to index
      %get3A_831 = arith.constant 0 : index
      %get3A_832 = vector.load %arg8[%get3A_830, %get3A_831] : memref<4096x128xf32, #tpu.memory_space<vmem>>, vector<256x128xf32>
      %dot_general3A_833 = arith.constant dense<0.000000e+00> : vector<256x256xf32>
      %dot_general3A_834 = tpu.matmul %get3A_529, %get3A_832, %dot_general3A_833 {dimension_numbers = #tpu.dot_dimension_numbers<[1], [1], [0], [0], [0, 0, 1, 0], [], []>, transpose_lhs_hint = false} : vector<256x128xf32>, vector<256x128xf32>, vector<256x256xf32> -> vector<256x256xf32>
      %iota3A_835 = tpu.iota {dimensions = array<i32: 1>} : vector<1x256xi32>
      %mul3A_836 = arith.constant 256 : i32
      %mul3A_837 = arith.muli %while3A_826, %mul3A_836 : i32
      %add3A_838 = vector.broadcast %mul3A_837 : i32 to vector<1x256xi32>
      %add3A_839 = arith.addi %iota3A_835, %add3A_838 : vector<1x256xi32>
      %lt3A = vector.broadcast %get3A_2 : i32 to vector<1x256xi32>
      %lt3A_840 = arith.cmpi slt, %add3A_839, %lt3A : vector<1x256xi32>
      %jit3A_841 = arith.constant 0xFF800000 : f32
      %broadcast_in_dim3A_842 = vector.shape_cast %lt3A_840 : vector<1x256xi1> to vector<1x256xi1>
      %broadcast_in_dim3A_843 = vector.broadcast %broadcast_in_dim3A_842 : vector<1x256xi1> to vector<256x256xi1>
      %broadcast_in_dim3A_844 = vector.broadcast %jit3A_841 : f32 to vector<256x256xf32>
      %select_n3A_845 = arith.select %broadcast_in_dim3A_843, %dot_general3A_834, %broadcast_in_dim3A_844 : vector<256x256xi1>, vector<256x256xf32>
      %reduce_max3A = arith.constant dense<0xFF800000> : vector<256xf32>
      %reduce_max3A_846 = vector.multi_reduction <maximumf>, %select_n3A_845, %reduce_max3A [1] : vector<256x256xf32> to vector<256xf32>
      %broadcast_in_dim3A_847 = vector.shape_cast %reduce_max3A_846 : vector<256xf32> to vector<256x1xf32>
      %max3A_848 = arith.maximumf %while3A_827, %broadcast_in_dim3A_847 : vector<256x1xf32>
      scf.yield %max3A_848 : vector<256x1xf32>
    }
    %while3A_644 = arith.constant 1 : i32
    %while3A_645 = scf.for %while3A_826 = %while3A_641 to %while3A_637 step %while3A_644 iter_args(%while3A_827 = %while3A_643) -> (vector<256x1xf32>)  : i32 {
      %mul3A_828 = arith.constant 256 : i32
      %mul3A_829 = arith.muli %while3A_826, %mul3A_828 : i32
      %get3A_830 = arith.index_cast %mul3A_829 : i32 to index
      %get3A_831 = arith.constant 0 : index
      %get3A_832 = vector.load %arg8[%get3A_830, %get3A_831] : memref<4096x128xf32, #tpu.memory_space<vmem>>, vector<256x128xf32>
      %dot_general3A_833 = arith.constant dense<0.000000e+00> : vector<256x256xf32>
      %dot_general3A_834 = tpu.matmul %get3A_529, %get3A_832, %dot_general3A_833 {dimension_numbers = #tpu.dot_dimension_numbers<[1], [1], [0], [0], [0, 0, 1, 0], [], []>, transpose_lhs_hint = false} : vector<256x128xf32>, vector<256x128xf32>, vector<256x256xf32> -> vector<256x256xf32>
      %iota3A_835 = tpu.iota {dimensions = array<i32: 1>} : vector<1x256xi32>
      %mul3A_836 = arith.constant 256 : i32
      %mul3A_837 = arith.muli %while3A_826, %mul3A_836 : i32
      %add3A_838 = vector.broadcast %mul3A_837 : i32 to vector<1x256xi32>
      %add3A_839 = arith.addi %iota3A_835, %add3A_838 : vector<1x256xi32>
      %lt3A = vector.broadcast %get3A_2 : i32 to vector<1x256xi32>
      %lt3A_840 = arith.cmpi slt, %add3A_839, %lt3A : vector<1x256xi32>
      %jit3A_841 = arith.constant 0xFF800000 : f32
      %broadcast_in_dim3A_842 = vector.shape_cast %lt3A_840 : vector<1x256xi1> to vector<1x256xi1>
      %broadcast_in_dim3A_843 = vector.broadcast %broadcast_in_dim3A_842 : vector<1x256xi1> to vector<256x256xi1>
      %broadcast_in_dim3A_844 = vector.broadcast %jit3A_841 : f32 to vector<256x256xf32>
      %select_n3A_845 = arith.select %broadcast_in_dim3A_843, %dot_general3A_834, %broadcast_in_dim3A_844 : vector<256x256xi1>, vector<256x256xf32>
      %reduce_max3A = arith.constant dense<0xFF800000> : vector<256xf32>
      %reduce_max3A_846 = vector.multi_reduction <maximumf>, %select_n3A_845, %reduce_max3A [1] : vector<256x256xf32> to vector<256xf32>
      %broadcast_in_dim3A_847 = vector.shape_cast %reduce_max3A_846 : vector<256xf32> to vector<256x1xf32>
      %max3A_848 = arith.maximumf %while3A_827, %broadcast_in_dim3A_847 : vector<256x1xf32>
      scf.yield %max3A_848 : vector<256x1xf32>
    }
    %sub3A_646 = arith.constant 1.000000e-01 : f32
    %sub3A_647 = vector.broadcast %sub3A_646 : f32 to vector<256x1xf32>
    %sub3A_648 = arith.subf %while3A_645, %sub3A_647 : vector<256x1xf32>
    %max3A_649 = arith.constant 0.000000e+00 : f32
    %max3A_650 = vector.broadcast %max3A_649 : f32 to vector<256x1xf32>
    %max3A_651 = arith.maximumf %sub3A_648, %max3A_650 : vector<256x1xf32>
    %dot_general3A_652 = arith.constant dense<0.000000e+00> : vector<1x1xf32>
    %dot_general3A_653 = tpu.matmul %slice3A_530, %max3A_651, %dot_general3A_652 {dimension_numbers = #tpu.dot_dimension_numbers<[1], [0], [0], [1], [0, 0, 1, 1], [], []>, transpose_lhs_hint = false} : vector<1x256xf32>, vector<256x1xf32>, vector<1x1xf32> -> vector<1x1xf32>
    %squeeze3A_654 = vector.extract %dot_general3A_653[0, 0] : f32 from vector<1x1xf32>
    %add3A_655 = arith.addf %add3A_526, %squeeze3A_654 : f32
    %get3A_656 = arith.constant 1024 : index
    %get3A_657 = arith.constant 0 : index
    %get3A_658 = vector.load %arg7[%get3A_656, %get3A_657] : memref<1280x128xf32, #tpu.memory_space<vmem>>, vector<256x128xf32>
    %slice3A_659 = vector.extract_strided_slice %dot_general3A_39 {offsets = [0, 1024], sizes = [1, 256], strides = [1, 1]} : vector<1x1280xf32> to vector<1x256xf32>
    %broadcast_in_dim3A_660 = arith.constant 0x7F800000 : f32
    %broadcast_in_dim3A_661 = vector.broadcast %broadcast_in_dim3A_660 : f32 to vector<256x1xf32>
    %get3A_662 = arith.constant 0 : index
    %get3A_663 = arith.constant 0 : index
    %get3A_664 = vector.load %arg7[%get3A_662, %get3A_663] : memref<1280x128xf32, #tpu.memory_space<vmem>>, vector<256x128xf32>
    %dot_general3A_665 = arith.constant dense<0.000000e+00> : vector<256x256xf32>
    %dot_general3A_666 = tpu.matmul %get3A_658, %get3A_664, %dot_general3A_665 {dimension_numbers = #tpu.dot_dimension_numbers<[1], [1], [0], [0], [0, 0, 1, 0], [], []>, transpose_lhs_hint = false} : vector<256x128xf32>, vector<256x128xf32>, vector<256x256xf32> -> vector<256x256xf32>
    %slice3A_667 = vector.extract_strided_slice %dot_general3A_39 {offsets = [0, 0], sizes = [1, 256], strides = [1, 1]} : vector<1x1280xf32> to vector<1x256xf32>
    %gt3A_668 = arith.constant 0.000000e+00 : f32
    %gt3A_669 = vector.broadcast %gt3A_668 : f32 to vector<1x256xf32>
    %gt3A_670 = arith.cmpf ogt, %slice3A_667, %gt3A_669 : vector<1x256xf32>
    %jit3A_671 = arith.constant 0x7F800000 : f32
    %broadcast_in_dim3A_672 = vector.shape_cast %gt3A_670 : vector<1x256xi1> to vector<1x256xi1>
    %broadcast_in_dim3A_673 = vector.broadcast %broadcast_in_dim3A_672 : vector<1x256xi1> to vector<256x256xi1>
    %broadcast_in_dim3A_674 = vector.broadcast %jit3A_671 : f32 to vector<256x256xf32>
    %select_n3A_675 = arith.select %broadcast_in_dim3A_673, %dot_general3A_666, %broadcast_in_dim3A_674 : vector<256x256xi1>, vector<256x256xf32>
    %reduce_min3A_676 = arith.constant dense<0x7F800000> : vector<256xf32>
    %reduce_min3A_677 = vector.multi_reduction <minimumf>, %select_n3A_675, %reduce_min3A_676 [1] : vector<256x256xf32> to vector<256xf32>
    %broadcast_in_dim3A_678 = vector.shape_cast %reduce_min3A_677 : vector<256xf32> to vector<256x1xf32>
    %min3A_679 = arith.minimumf %broadcast_in_dim3A_661, %broadcast_in_dim3A_678 : vector<256x1xf32>
    %get3A_680 = arith.constant 256 : index
    %get3A_681 = arith.constant 0 : index
    %get3A_682 = vector.load %arg7[%get3A_680, %get3A_681] : memref<1280x128xf32, #tpu.memory_space<vmem>>, vector<256x128xf32>
    %dot_general3A_683 = arith.constant dense<0.000000e+00> : vector<256x256xf32>
    %dot_general3A_684 = tpu.matmul %get3A_658, %get3A_682, %dot_general3A_683 {dimension_numbers = #tpu.dot_dimension_numbers<[1], [1], [0], [0], [0, 0, 1, 0], [], []>, transpose_lhs_hint = false} : vector<256x128xf32>, vector<256x128xf32>, vector<256x256xf32> -> vector<256x256xf32>
    %slice3A_685 = vector.extract_strided_slice %dot_general3A_39 {offsets = [0, 256], sizes = [1, 256], strides = [1, 1]} : vector<1x1280xf32> to vector<1x256xf32>
    %gt3A_686 = arith.constant 0.000000e+00 : f32
    %gt3A_687 = vector.broadcast %gt3A_686 : f32 to vector<1x256xf32>
    %gt3A_688 = arith.cmpf ogt, %slice3A_685, %gt3A_687 : vector<1x256xf32>
    %jit3A_689 = arith.constant 0x7F800000 : f32
    %broadcast_in_dim3A_690 = vector.shape_cast %gt3A_688 : vector<1x256xi1> to vector<1x256xi1>
    %broadcast_in_dim3A_691 = vector.broadcast %broadcast_in_dim3A_690 : vector<1x256xi1> to vector<256x256xi1>
    %broadcast_in_dim3A_692 = vector.broadcast %jit3A_689 : f32 to vector<256x256xf32>
    %select_n3A_693 = arith.select %broadcast_in_dim3A_691, %dot_general3A_684, %broadcast_in_dim3A_692 : vector<256x256xi1>, vector<256x256xf32>
    %reduce_min3A_694 = arith.constant dense<0x7F800000> : vector<256xf32>
    %reduce_min3A_695 = vector.multi_reduction <minimumf>, %select_n3A_693, %reduce_min3A_694 [1] : vector<256x256xf32> to vector<256xf32>
    %broadcast_in_dim3A_696 = vector.shape_cast %reduce_min3A_695 : vector<256xf32> to vector<256x1xf32>
    %min3A_697 = arith.minimumf %min3A_679, %broadcast_in_dim3A_696 : vector<256x1xf32>
    %get3A_698 = arith.constant 512 : index
    %get3A_699 = arith.constant 0 : index
    %get3A_700 = vector.load %arg7[%get3A_698, %get3A_699] : memref<1280x128xf32, #tpu.memory_space<vmem>>, vector<256x128xf32>
    %dot_general3A_701 = arith.constant dense<0.000000e+00> : vector<256x256xf32>
    %dot_general3A_702 = tpu.matmul %get3A_658, %get3A_700, %dot_general3A_701 {dimension_numbers = #tpu.dot_dimension_numbers<[1], [1], [0], [0], [0, 0, 1, 0], [], []>, transpose_lhs_hint = false} : vector<256x128xf32>, vector<256x128xf32>, vector<256x256xf32> -> vector<256x256xf32>
    %slice3A_703 = vector.extract_strided_slice %dot_general3A_39 {offsets = [0, 512], sizes = [1, 256], strides = [1, 1]} : vector<1x1280xf32> to vector<1x256xf32>
    %gt3A_704 = arith.constant 0.000000e+00 : f32
    %gt3A_705 = vector.broadcast %gt3A_704 : f32 to vector<1x256xf32>
    %gt3A_706 = arith.cmpf ogt, %slice3A_703, %gt3A_705 : vector<1x256xf32>
    %jit3A_707 = arith.constant 0x7F800000 : f32
    %broadcast_in_dim3A_708 = vector.shape_cast %gt3A_706 : vector<1x256xi1> to vector<1x256xi1>
    %broadcast_in_dim3A_709 = vector.broadcast %broadcast_in_dim3A_708 : vector<1x256xi1> to vector<256x256xi1>
    %broadcast_in_dim3A_710 = vector.broadcast %jit3A_707 : f32 to vector<256x256xf32>
    %select_n3A_711 = arith.select %broadcast_in_dim3A_709, %dot_general3A_702, %broadcast_in_dim3A_710 : vector<256x256xi1>, vector<256x256xf32>
    %reduce_min3A_712 = arith.constant dense<0x7F800000> : vector<256xf32>
    %reduce_min3A_713 = vector.multi_reduction <minimumf>, %select_n3A_711, %reduce_min3A_712 [1] : vector<256x256xf32> to vector<256xf32>
    %broadcast_in_dim3A_714 = vector.shape_cast %reduce_min3A_713 : vector<256xf32> to vector<256x1xf32>
    %min3A_715 = arith.minimumf %min3A_697, %broadcast_in_dim3A_714 : vector<256x1xf32>
    %get3A_716 = arith.constant 768 : index
    %get3A_717 = arith.constant 0 : index
    %get3A_718 = vector.load %arg7[%get3A_716, %get3A_717] : memref<1280x128xf32, #tpu.memory_space<vmem>>, vector<256x128xf32>
    %dot_general3A_719 = arith.constant dense<0.000000e+00> : vector<256x256xf32>
    %dot_general3A_720 = tpu.matmul %get3A_658, %get3A_718, %dot_general3A_719 {dimension_numbers = #tpu.dot_dimension_numbers<[1], [1], [0], [0], [0, 0, 1, 0], [], []>, transpose_lhs_hint = false} : vector<256x128xf32>, vector<256x128xf32>, vector<256x256xf32> -> vector<256x256xf32>
    %slice3A_721 = vector.extract_strided_slice %dot_general3A_39 {offsets = [0, 768], sizes = [1, 256], strides = [1, 1]} : vector<1x1280xf32> to vector<1x256xf32>
    %gt3A_722 = arith.constant 0.000000e+00 : f32
    %gt3A_723 = vector.broadcast %gt3A_722 : f32 to vector<1x256xf32>
    %gt3A_724 = arith.cmpf ogt, %slice3A_721, %gt3A_723 : vector<1x256xf32>
    %jit3A_725 = arith.constant 0x7F800000 : f32
    %broadcast_in_dim3A_726 = vector.shape_cast %gt3A_724 : vector<1x256xi1> to vector<1x256xi1>
    %broadcast_in_dim3A_727 = vector.broadcast %broadcast_in_dim3A_726 : vector<1x256xi1> to vector<256x256xi1>
    %broadcast_in_dim3A_728 = vector.broadcast %jit3A_725 : f32 to vector<256x256xf32>
    %select_n3A_729 = arith.select %broadcast_in_dim3A_727, %dot_general3A_720, %broadcast_in_dim3A_728 : vector<256x256xi1>, vector<256x256xf32>
    %reduce_min3A_730 = arith.constant dense<0x7F800000> : vector<256xf32>
    %reduce_min3A_731 = vector.multi_reduction <minimumf>, %select_n3A_729, %reduce_min3A_730 [1] : vector<256x256xf32> to vector<256xf32>
    %broadcast_in_dim3A_732 = vector.shape_cast %reduce_min3A_731 : vector<256xf32> to vector<256x1xf32>
    %min3A_733 = arith.minimumf %min3A_715, %broadcast_in_dim3A_732 : vector<256x1xf32>
    %get3A_734 = arith.constant 1024 : index
    %get3A_735 = arith.constant 0 : index
    %get3A_736 = vector.load %arg7[%get3A_734, %get3A_735] : memref<1280x128xf32, #tpu.memory_space<vmem>>, vector<256x128xf32>
    %dot_general3A_737 = arith.constant dense<0.000000e+00> : vector<256x256xf32>
    %dot_general3A_738 = tpu.matmul %get3A_658, %get3A_736, %dot_general3A_737 {dimension_numbers = #tpu.dot_dimension_numbers<[1], [1], [0], [0], [0, 0, 1, 0], [], []>, transpose_lhs_hint = false} : vector<256x128xf32>, vector<256x128xf32>, vector<256x256xf32> -> vector<256x256xf32>
    %slice3A_739 = vector.extract_strided_slice %dot_general3A_39 {offsets = [0, 1024], sizes = [1, 256], strides = [1, 1]} : vector<1x1280xf32> to vector<1x256xf32>
    %gt3A_740 = arith.constant 0.000000e+00 : f32
    %gt3A_741 = vector.broadcast %gt3A_740 : f32 to vector<1x256xf32>
    %gt3A_742 = arith.cmpf ogt, %slice3A_739, %gt3A_741 : vector<1x256xf32>
    %jit3A_743 = arith.constant 0x7F800000 : f32
    %broadcast_in_dim3A_744 = vector.shape_cast %gt3A_742 : vector<1x256xi1> to vector<1x256xi1>
    %broadcast_in_dim3A_745 = vector.broadcast %broadcast_in_dim3A_744 : vector<1x256xi1> to vector<256x256xi1>
    %broadcast_in_dim3A_746 = vector.broadcast %jit3A_743 : f32 to vector<256x256xf32>
    %select_n3A_747 = arith.select %broadcast_in_dim3A_745, %dot_general3A_738, %broadcast_in_dim3A_746 : vector<256x256xi1>, vector<256x256xf32>
    %reduce_min3A_748 = arith.constant dense<0x7F800000> : vector<256xf32>
    %reduce_min3A_749 = vector.multi_reduction <minimumf>, %select_n3A_747, %reduce_min3A_748 [1] : vector<256x256xf32> to vector<256xf32>
    %broadcast_in_dim3A_750 = vector.shape_cast %reduce_min3A_749 : vector<256xf32> to vector<256x1xf32>
    %min3A_751 = arith.minimumf %min3A_733, %broadcast_in_dim3A_750 : vector<256x1xf32>
    %sub3A_752 = arith.constant 5.000000e-01 : f32
    %sub3A_753 = vector.broadcast %sub3A_752 : f32 to vector<256x1xf32>
    %sub3A_754 = arith.subf %sub3A_753, %min3A_751 : vector<256x1xf32>
    %max3A_755 = arith.constant 0.000000e+00 : f32
    %max3A_756 = vector.broadcast %max3A_755 : f32 to vector<256x1xf32>
    %max3A_757 = arith.maximumf %sub3A_754, %max3A_756 : vector<256x1xf32>
    %dot_general3A_758 = arith.constant dense<0.000000e+00> : vector<1x1xf32>
    %dot_general3A_759 = tpu.matmul %slice3A_659, %max3A_757, %dot_general3A_758 {dimension_numbers = #tpu.dot_dimension_numbers<[1], [0], [0], [1], [0, 0, 1, 1], [], []>, transpose_lhs_hint = false} : vector<1x256xf32>, vector<256x1xf32>, vector<1x1xf32> -> vector<1x1xf32>
    %squeeze3A_760 = vector.extract %dot_general3A_759[0, 0] : f32 from vector<1x1xf32>
    %add3A_761 = arith.addf %add3A_632, %squeeze3A_760 : f32
    %broadcast_in_dim3A_762 = arith.constant 0xFF800000 : f32
    %broadcast_in_dim3A_763 = vector.broadcast %broadcast_in_dim3A_762 : f32 to vector<256x1xf32>
    %while3A_764 = arith.constant 0 : i32
    %while3A_765 = arith.subi %div3A_46, %while3A_764 : i32
    %while3A_766 = arith.addi %while3A_764, %while3A_765 : i32
    %while3A_767 = arith.constant 1 : i32
    %while3A_768 = arith.divsi %while3A_765, %while3A_767 : i32
    %while3A_769 = arith.muli %while3A_768, %while3A_767 : i32
    %while3A_770 = arith.addi %while3A_764, %while3A_769 : i32
    %while3A_771 = arith.constant 1 : i32
    %while3A_772 = scf.for %while3A_826 = %while3A_764 to %while3A_770 step %while3A_771 iter_args(%while3A_827 = %broadcast_in_dim3A_763) -> (vector<256x1xf32>)  : i32 {
      %mul3A_828 = arith.constant 256 : i32
      %mul3A_829 = arith.muli %while3A_826, %mul3A_828 : i32
      %get3A_830 = arith.index_cast %mul3A_829 : i32 to index
      %get3A_831 = arith.constant 0 : index
      %get3A_832 = vector.load %arg8[%get3A_830, %get3A_831] : memref<4096x128xf32, #tpu.memory_space<vmem>>, vector<256x128xf32>
      %dot_general3A_833 = arith.constant dense<0.000000e+00> : vector<256x256xf32>
      %dot_general3A_834 = tpu.matmul %get3A_658, %get3A_832, %dot_general3A_833 {dimension_numbers = #tpu.dot_dimension_numbers<[1], [1], [0], [0], [0, 0, 1, 0], [], []>, transpose_lhs_hint = false} : vector<256x128xf32>, vector<256x128xf32>, vector<256x256xf32> -> vector<256x256xf32>
      %iota3A_835 = tpu.iota {dimensions = array<i32: 1>} : vector<1x256xi32>
      %mul3A_836 = arith.constant 256 : i32
      %mul3A_837 = arith.muli %while3A_826, %mul3A_836 : i32
      %add3A_838 = vector.broadcast %mul3A_837 : i32 to vector<1x256xi32>
      %add3A_839 = arith.addi %iota3A_835, %add3A_838 : vector<1x256xi32>
      %lt3A = vector.broadcast %get3A_2 : i32 to vector<1x256xi32>
      %lt3A_840 = arith.cmpi slt, %add3A_839, %lt3A : vector<1x256xi32>
      %jit3A_841 = arith.constant 0xFF800000 : f32
      %broadcast_in_dim3A_842 = vector.shape_cast %lt3A_840 : vector<1x256xi1> to vector<1x256xi1>
      %broadcast_in_dim3A_843 = vector.broadcast %broadcast_in_dim3A_842 : vector<1x256xi1> to vector<256x256xi1>
      %broadcast_in_dim3A_844 = vector.broadcast %jit3A_841 : f32 to vector<256x256xf32>
      %select_n3A_845 = arith.select %broadcast_in_dim3A_843, %dot_general3A_834, %broadcast_in_dim3A_844 : vector<256x256xi1>, vector<256x256xf32>
      %reduce_max3A = arith.constant dense<0xFF800000> : vector<256xf32>
      %reduce_max3A_846 = vector.multi_reduction <maximumf>, %select_n3A_845, %reduce_max3A [1] : vector<256x256xf32> to vector<256xf32>
      %broadcast_in_dim3A_847 = vector.shape_cast %reduce_max3A_846 : vector<256xf32> to vector<256x1xf32>
      %max3A_848 = arith.maximumf %while3A_827, %broadcast_in_dim3A_847 : vector<256x1xf32>
      scf.yield %max3A_848 : vector<256x1xf32>
    }
    %while3A_773 = arith.constant 1 : i32
    %while3A_774 = scf.for %while3A_826 = %while3A_770 to %while3A_766 step %while3A_773 iter_args(%while3A_827 = %while3A_772) -> (vector<256x1xf32>)  : i32 {
      %mul3A_828 = arith.constant 256 : i32
      %mul3A_829 = arith.muli %while3A_826, %mul3A_828 : i32
      %get3A_830 = arith.index_cast %mul3A_829 : i32 to index
      %get3A_831 = arith.constant 0 : index
      %get3A_832 = vector.load %arg8[%get3A_830, %get3A_831] : memref<4096x128xf32, #tpu.memory_space<vmem>>, vector<256x128xf32>
      %dot_general3A_833 = arith.constant dense<0.000000e+00> : vector<256x256xf32>
      %dot_general3A_834 = tpu.matmul %get3A_658, %get3A_832, %dot_general3A_833 {dimension_numbers = #tpu.dot_dimension_numbers<[1], [1], [0], [0], [0, 0, 1, 0], [], []>, transpose_lhs_hint = false} : vector<256x128xf32>, vector<256x128xf32>, vector<256x256xf32> -> vector<256x256xf32>
      %iota3A_835 = tpu.iota {dimensions = array<i32: 1>} : vector<1x256xi32>
      %mul3A_836 = arith.constant 256 : i32
      %mul3A_837 = arith.muli %while3A_826, %mul3A_836 : i32
      %add3A_838 = vector.broadcast %mul3A_837 : i32 to vector<1x256xi32>
      %add3A_839 = arith.addi %iota3A_835, %add3A_838 : vector<1x256xi32>
      %lt3A = vector.broadcast %get3A_2 : i32 to vector<1x256xi32>
      %lt3A_840 = arith.cmpi slt, %add3A_839, %lt3A : vector<1x256xi32>
      %jit3A_841 = arith.constant 0xFF800000 : f32
      %broadcast_in_dim3A_842 = vector.shape_cast %lt3A_840 : vector<1x256xi1> to vector<1x256xi1>
      %broadcast_in_dim3A_843 = vector.broadcast %broadcast_in_dim3A_842 : vector<1x256xi1> to vector<256x256xi1>
      %broadcast_in_dim3A_844 = vector.broadcast %jit3A_841 : f32 to vector<256x256xf32>
      %select_n3A_845 = arith.select %broadcast_in_dim3A_843, %dot_general3A_834, %broadcast_in_dim3A_844 : vector<256x256xi1>, vector<256x256xf32>
      %reduce_max3A = arith.constant dense<0xFF800000> : vector<256xf32>
      %reduce_max3A_846 = vector.multi_reduction <maximumf>, %select_n3A_845, %reduce_max3A [1] : vector<256x256xf32> to vector<256xf32>
      %broadcast_in_dim3A_847 = vector.shape_cast %reduce_max3A_846 : vector<256xf32> to vector<256x1xf32>
      %max3A_848 = arith.maximumf %while3A_827, %broadcast_in_dim3A_847 : vector<256x1xf32>
      scf.yield %max3A_848 : vector<256x1xf32>
    }
    %sub3A_775 = arith.constant 1.000000e-01 : f32
    %sub3A_776 = vector.broadcast %sub3A_775 : f32 to vector<256x1xf32>
    %sub3A_777 = arith.subf %while3A_774, %sub3A_776 : vector<256x1xf32>
    %max3A_778 = arith.constant 0.000000e+00 : f32
    %max3A_779 = vector.broadcast %max3A_778 : f32 to vector<256x1xf32>
    %max3A_780 = arith.maximumf %sub3A_777, %max3A_779 : vector<256x1xf32>
    %dot_general3A_781 = arith.constant dense<0.000000e+00> : vector<1x1xf32>
    %dot_general3A_782 = tpu.matmul %slice3A_659, %max3A_780, %dot_general3A_781 {dimension_numbers = #tpu.dot_dimension_numbers<[1], [0], [0], [1], [0, 0, 1, 1], [], []>, transpose_lhs_hint = false} : vector<1x256xf32>, vector<256x1xf32>, vector<1x1xf32> -> vector<1x1xf32>
    %squeeze3A_783 = vector.extract %dot_general3A_782[0, 0] : f32 from vector<1x1xf32>
    %add3A_784 = arith.addf %add3A_655, %squeeze3A_783 : f32
    %while3A_785 = arith.constant 0 : i32
    %while3A_786 = arith.constant 0.000000e+00 : f32
    %while3A_787 = arith.constant 0.000000e+00 : f32
    %while3A_788 = arith.subi %div3A_46, %while3A_785 : i32
    %while3A_789 = arith.addi %while3A_785, %while3A_788 : i32
    %while3A_790 = arith.constant 1 : i32
    %while3A_791 = arith.divsi %while3A_788, %while3A_790 : i32
    %while3A_792 = arith.muli %while3A_791, %while3A_790 : i32
    %while3A_793 = arith.addi %while3A_785, %while3A_792 : i32
    %while3A_794 = arith.constant 1 : i32
    %while3A_795:2 = scf.for %while3A_826 = %while3A_785 to %while3A_793 step %while3A_794 iter_args(%while3A_827 = %while3A_786, %while3A_828 = %while3A_787) -> (f32, f32)  : i32 {
      %mul3A_829 = arith.constant 256 : i32
      %mul3A_830 = arith.muli %while3A_826, %mul3A_829 : i32
      %get3A_831 = arith.index_cast %mul3A_830 : i32 to index
      %get3A_832 = arith.constant 0 : index
      %get3A_833 = vector.load %arg8[%get3A_831, %get3A_832] : memref<4096x128xf32, #tpu.memory_space<vmem>>, vector<256x128xf32>
      %iota3A_834 = tpu.iota {dimensions = array<i32: 0>} : vector<256x1xi32>
      %mul3A_835 = arith.constant 256 : i32
      %mul3A_836 = arith.muli %while3A_826, %mul3A_835 : i32
      %add3A_837 = vector.broadcast %mul3A_836 : i32 to vector<256x1xi32>
      %add3A_838 = arith.addi %iota3A_834, %add3A_837 : vector<256x1xi32>
      %lt3A = vector.broadcast %get3A_2 : i32 to vector<256x1xi32>
      %lt3A_839 = arith.cmpi slt, %add3A_838, %lt3A : vector<256x1xi32>
      %broadcast_in_dim3A_840 = arith.constant 0xFF800000 : f32
      %broadcast_in_dim3A_841 = vector.broadcast %broadcast_in_dim3A_840 : f32 to vector<256x1xf32>
      %get3A_842 = arith.constant 0 : index
      %get3A_843 = arith.constant 0 : index
      %get3A_844 = vector.load %arg7[%get3A_842, %get3A_843] : memref<1280x128xf32, #tpu.memory_space<vmem>>, vector<256x128xf32>
      %dot_general3A_845 = arith.constant dense<0.000000e+00> : vector<256x256xf32>
      %dot_general3A_846 = tpu.matmul %get3A_833, %get3A_844, %dot_general3A_845 {dimension_numbers = #tpu.dot_dimension_numbers<[1], [1], [0], [0], [0, 0, 1, 0], [], []>, transpose_lhs_hint = false} : vector<256x128xf32>, vector<256x128xf32>, vector<256x256xf32> -> vector<256x256xf32>
      %slice3A_847 = vector.extract_strided_slice %dot_general3A_39 {offsets = [0, 0], sizes = [1, 256], strides = [1, 1]} : vector<1x1280xf32> to vector<1x256xf32>
      %gt3A_848 = arith.constant 0.000000e+00 : f32
      %gt3A_849 = vector.broadcast %gt3A_848 : f32 to vector<1x256xf32>
      %gt3A_850 = arith.cmpf ogt, %slice3A_847, %gt3A_849 : vector<1x256xf32>
      %jit3A_851 = arith.constant 0xFF800000 : f32
      %broadcast_in_dim3A_852 = vector.shape_cast %gt3A_850 : vector<1x256xi1> to vector<1x256xi1>
      %broadcast_in_dim3A_853 = vector.broadcast %broadcast_in_dim3A_852 : vector<1x256xi1> to vector<256x256xi1>
      %broadcast_in_dim3A_854 = vector.broadcast %jit3A_851 : f32 to vector<256x256xf32>
      %select_n3A_855 = arith.select %broadcast_in_dim3A_853, %dot_general3A_846, %broadcast_in_dim3A_854 : vector<256x256xi1>, vector<256x256xf32>
      %reduce_max3A = arith.constant dense<0xFF800000> : vector<256xf32>
      %reduce_max3A_856 = vector.multi_reduction <maximumf>, %select_n3A_855, %reduce_max3A [1] : vector<256x256xf32> to vector<256xf32>
      %broadcast_in_dim3A_857 = vector.shape_cast %reduce_max3A_856 : vector<256xf32> to vector<256x1xf32>
      %max3A_858 = arith.maximumf %broadcast_in_dim3A_841, %broadcast_in_dim3A_857 : vector<256x1xf32>
      %get3A_859 = arith.constant 256 : index
      %get3A_860 = arith.constant 0 : index
      %get3A_861 = vector.load %arg7[%get3A_859, %get3A_860] : memref<1280x128xf32, #tpu.memory_space<vmem>>, vector<256x128xf32>
      %dot_general3A_862 = arith.constant dense<0.000000e+00> : vector<256x256xf32>
      %dot_general3A_863 = tpu.matmul %get3A_833, %get3A_861, %dot_general3A_862 {dimension_numbers = #tpu.dot_dimension_numbers<[1], [1], [0], [0], [0, 0, 1, 0], [], []>, transpose_lhs_hint = false} : vector<256x128xf32>, vector<256x128xf32>, vector<256x256xf32> -> vector<256x256xf32>
      %slice3A_864 = vector.extract_strided_slice %dot_general3A_39 {offsets = [0, 256], sizes = [1, 256], strides = [1, 1]} : vector<1x1280xf32> to vector<1x256xf32>
      %gt3A_865 = arith.constant 0.000000e+00 : f32
      %gt3A_866 = vector.broadcast %gt3A_865 : f32 to vector<1x256xf32>
      %gt3A_867 = arith.cmpf ogt, %slice3A_864, %gt3A_866 : vector<1x256xf32>
      %jit3A_868 = arith.constant 0xFF800000 : f32
      %broadcast_in_dim3A_869 = vector.shape_cast %gt3A_867 : vector<1x256xi1> to vector<1x256xi1>
      %broadcast_in_dim3A_870 = vector.broadcast %broadcast_in_dim3A_869 : vector<1x256xi1> to vector<256x256xi1>
      %broadcast_in_dim3A_871 = vector.broadcast %jit3A_868 : f32 to vector<256x256xf32>
      %select_n3A_872 = arith.select %broadcast_in_dim3A_870, %dot_general3A_863, %broadcast_in_dim3A_871 : vector<256x256xi1>, vector<256x256xf32>
      %reduce_max3A_873 = arith.constant dense<0xFF800000> : vector<256xf32>
      %reduce_max3A_874 = vector.multi_reduction <maximumf>, %select_n3A_872, %reduce_max3A_873 [1] : vector<256x256xf32> to vector<256xf32>
      %broadcast_in_dim3A_875 = vector.shape_cast %reduce_max3A_874 : vector<256xf32> to vector<256x1xf32>
      %max3A_876 = arith.maximumf %max3A_858, %broadcast_in_dim3A_875 : vector<256x1xf32>
      %get3A_877 = arith.constant 512 : index
      %get3A_878 = arith.constant 0 : index
      %get3A_879 = vector.load %arg7[%get3A_877, %get3A_878] : memref<1280x128xf32, #tpu.memory_space<vmem>>, vector<256x128xf32>
      %dot_general3A_880 = arith.constant dense<0.000000e+00> : vector<256x256xf32>
      %dot_general3A_881 = tpu.matmul %get3A_833, %get3A_879, %dot_general3A_880 {dimension_numbers = #tpu.dot_dimension_numbers<[1], [1], [0], [0], [0, 0, 1, 0], [], []>, transpose_lhs_hint = false} : vector<256x128xf32>, vector<256x128xf32>, vector<256x256xf32> -> vector<256x256xf32>
      %slice3A_882 = vector.extract_strided_slice %dot_general3A_39 {offsets = [0, 512], sizes = [1, 256], strides = [1, 1]} : vector<1x1280xf32> to vector<1x256xf32>
      %gt3A_883 = arith.constant 0.000000e+00 : f32
      %gt3A_884 = vector.broadcast %gt3A_883 : f32 to vector<1x256xf32>
      %gt3A_885 = arith.cmpf ogt, %slice3A_882, %gt3A_884 : vector<1x256xf32>
      %jit3A_886 = arith.constant 0xFF800000 : f32
      %broadcast_in_dim3A_887 = vector.shape_cast %gt3A_885 : vector<1x256xi1> to vector<1x256xi1>
      %broadcast_in_dim3A_888 = vector.broadcast %broadcast_in_dim3A_887 : vector<1x256xi1> to vector<256x256xi1>
      %broadcast_in_dim3A_889 = vector.broadcast %jit3A_886 : f32 to vector<256x256xf32>
      %select_n3A_890 = arith.select %broadcast_in_dim3A_888, %dot_general3A_881, %broadcast_in_dim3A_889 : vector<256x256xi1>, vector<256x256xf32>
      %reduce_max3A_891 = arith.constant dense<0xFF800000> : vector<256xf32>
      %reduce_max3A_892 = vector.multi_reduction <maximumf>, %select_n3A_890, %reduce_max3A_891 [1] : vector<256x256xf32> to vector<256xf32>
      %broadcast_in_dim3A_893 = vector.shape_cast %reduce_max3A_892 : vector<256xf32> to vector<256x1xf32>
      %max3A_894 = arith.maximumf %max3A_876, %broadcast_in_dim3A_893 : vector<256x1xf32>
      %get3A_895 = arith.constant 768 : index
      %get3A_896 = arith.constant 0 : index
      %get3A_897 = vector.load %arg7[%get3A_895, %get3A_896] : memref<1280x128xf32, #tpu.memory_space<vmem>>, vector<256x128xf32>
      %dot_general3A_898 = arith.constant dense<0.000000e+00> : vector<256x256xf32>
      %dot_general3A_899 = tpu.matmul %get3A_833, %get3A_897, %dot_general3A_898 {dimension_numbers = #tpu.dot_dimension_numbers<[1], [1], [0], [0], [0, 0, 1, 0], [], []>, transpose_lhs_hint = false} : vector<256x128xf32>, vector<256x128xf32>, vector<256x256xf32> -> vector<256x256xf32>
      %slice3A_900 = vector.extract_strided_slice %dot_general3A_39 {offsets = [0, 768], sizes = [1, 256], strides = [1, 1]} : vector<1x1280xf32> to vector<1x256xf32>
      %gt3A_901 = arith.constant 0.000000e+00 : f32
      %gt3A_902 = vector.broadcast %gt3A_901 : f32 to vector<1x256xf32>
      %gt3A_903 = arith.cmpf ogt, %slice3A_900, %gt3A_902 : vector<1x256xf32>
      %jit3A_904 = arith.constant 0xFF800000 : f32
      %broadcast_in_dim3A_905 = vector.shape_cast %gt3A_903 : vector<1x256xi1> to vector<1x256xi1>
      %broadcast_in_dim3A_906 = vector.broadcast %broadcast_in_dim3A_905 : vector<1x256xi1> to vector<256x256xi1>
      %broadcast_in_dim3A_907 = vector.broadcast %jit3A_904 : f32 to vector<256x256xf32>
      %select_n3A_908 = arith.select %broadcast_in_dim3A_906, %dot_general3A_899, %broadcast_in_dim3A_907 : vector<256x256xi1>, vector<256x256xf32>
      %reduce_max3A_909 = arith.constant dense<0xFF800000> : vector<256xf32>
      %reduce_max3A_910 = vector.multi_reduction <maximumf>, %select_n3A_908, %reduce_max3A_909 [1] : vector<256x256xf32> to vector<256xf32>
      %broadcast_in_dim3A_911 = vector.shape_cast %reduce_max3A_910 : vector<256xf32> to vector<256x1xf32>
      %max3A_912 = arith.maximumf %max3A_894, %broadcast_in_dim3A_911 : vector<256x1xf32>
      %get3A_913 = arith.constant 1024 : index
      %get3A_914 = arith.constant 0 : index
      %get3A_915 = vector.load %arg7[%get3A_913, %get3A_914] : memref<1280x128xf32, #tpu.memory_space<vmem>>, vector<256x128xf32>
      %dot_general3A_916 = arith.constant dense<0.000000e+00> : vector<256x256xf32>
      %dot_general3A_917 = tpu.matmul %get3A_833, %get3A_915, %dot_general3A_916 {dimension_numbers = #tpu.dot_dimension_numbers<[1], [1], [0], [0], [0, 0, 1, 0], [], []>, transpose_lhs_hint = false} : vector<256x128xf32>, vector<256x128xf32>, vector<256x256xf32> -> vector<256x256xf32>
      %slice3A_918 = vector.extract_strided_slice %dot_general3A_39 {offsets = [0, 1024], sizes = [1, 256], strides = [1, 1]} : vector<1x1280xf32> to vector<1x256xf32>
      %gt3A_919 = arith.constant 0.000000e+00 : f32
      %gt3A_920 = vector.broadcast %gt3A_919 : f32 to vector<1x256xf32>
      %gt3A_921 = arith.cmpf ogt, %slice3A_918, %gt3A_920 : vector<1x256xf32>
      %jit3A_922 = arith.constant 0xFF800000 : f32
      %broadcast_in_dim3A_923 = vector.shape_cast %gt3A_921 : vector<1x256xi1> to vector<1x256xi1>
      %broadcast_in_dim3A_924 = vector.broadcast %broadcast_in_dim3A_923 : vector<1x256xi1> to vector<256x256xi1>
      %broadcast_in_dim3A_925 = vector.broadcast %jit3A_922 : f32 to vector<256x256xf32>
      %select_n3A_926 = arith.select %broadcast_in_dim3A_924, %dot_general3A_917, %broadcast_in_dim3A_925 : vector<256x256xi1>, vector<256x256xf32>
      %reduce_max3A_927 = arith.constant dense<0xFF800000> : vector<256xf32>
      %reduce_max3A_928 = vector.multi_reduction <maximumf>, %select_n3A_926, %reduce_max3A_927 [1] : vector<256x256xf32> to vector<256xf32>
      %broadcast_in_dim3A_929 = vector.shape_cast %reduce_max3A_928 : vector<256xf32> to vector<256x1xf32>
      %max3A_930 = arith.maximumf %max3A_912, %broadcast_in_dim3A_929 : vector<256x1xf32>
      %sub3A_931 = arith.constant 1.000000e-01 : f32
      %sub3A_932 = vector.broadcast %sub3A_931 : f32 to vector<256x1xf32>
      %sub3A_933 = arith.subf %max3A_930, %sub3A_932 : vector<256x1xf32>
      %max3A_934 = arith.constant 0.000000e+00 : f32
      %max3A_935 = vector.broadcast %max3A_934 : f32 to vector<256x1xf32>
      %max3A_936 = arith.maximumf %sub3A_933, %max3A_935 : vector<256x1xf32>
      %jit3A_937 = arith.constant 0.000000e+00 : f32
      %broadcast_in_dim3A_938 = vector.broadcast %jit3A_937 : f32 to vector<256x1xf32>
      %select_n3A_939 = arith.select %lt3A_839, %max3A_936, %broadcast_in_dim3A_938 : vector<256x1xi1>, vector<256x1xf32>
      %reduce_sum3A_940 = vector.shape_cast %select_n3A_939 : vector<256x1xf32> to vector<1x256x1xf32>
      %reduce_sum3A_941 = arith.constant dense<0.000000e+00> : vector<1xf32>
      %reduce_sum3A_942 = vector.multi_reduction <add>, %reduce_sum3A_940, %reduce_sum3A_941 [1, 2] : vector<1x256x1xf32> to vector<1xf32>
      %reduce_sum3A_943 = vector.shape_cast %reduce_sum3A_942 : vector<1xf32> to vector<1x1x1xf32>
      %reduce_sum3A_944 = vector.extract %reduce_sum3A_943[0, 0, 0] : f32 from vector<1x1x1xf32>
      %add3A_945 = arith.addf %while3A_828, %reduce_sum3A_944 : f32
      %broadcast_in_dim3A_946 = arith.constant 0x7F800000 : f32
      %broadcast_in_dim3A_947 = vector.broadcast %broadcast_in_dim3A_946 : f32 to vector<256x1xf32>
      %while3A_948 = arith.constant 0 : i32
      %while3A_949 = arith.subi %div3A_46, %while3A_948 : i32
      %while3A_950 = arith.addi %while3A_948, %while3A_949 : i32
      %while3A_951 = arith.constant 1 : i32
      %while3A_952 = arith.divsi %while3A_949, %while3A_951 : i32
      %while3A_953 = arith.muli %while3A_952, %while3A_951 : i32
      %while3A_954 = arith.addi %while3A_948, %while3A_953 : i32
      %while3A_955 = arith.constant 1 : i32
      %while3A_956 = scf.for %while3A_974 = %while3A_948 to %while3A_954 step %while3A_955 iter_args(%while3A_975 = %broadcast_in_dim3A_947) -> (vector<256x1xf32>)  : i32 {
        %mul3A_976 = arith.constant 256 : i32
        %mul3A_977 = arith.muli %while3A_974, %mul3A_976 : i32
        %get3A_978 = arith.index_cast %mul3A_977 : i32 to index
        %get3A_979 = arith.constant 0 : index
        %get3A_980 = vector.load %arg8[%get3A_978, %get3A_979] : memref<4096x128xf32, #tpu.memory_space<vmem>>, vector<256x128xf32>
        %dot_general3A_981 = arith.constant dense<0.000000e+00> : vector<256x256xf32>
        %dot_general3A_982 = tpu.matmul %get3A_833, %get3A_980, %dot_general3A_981 {dimension_numbers = #tpu.dot_dimension_numbers<[1], [1], [0], [0], [0, 0, 1, 0], [], []>, transpose_lhs_hint = false} : vector<256x128xf32>, vector<256x128xf32>, vector<256x256xf32> -> vector<256x256xf32>
        %iota3A_983 = tpu.iota {dimensions = array<i32: 1>} : vector<1x256xi32>
        %mul3A_984 = arith.constant 256 : i32
        %mul3A_985 = arith.muli %while3A_974, %mul3A_984 : i32
        %add3A_986 = vector.broadcast %mul3A_985 : i32 to vector<1x256xi32>
        %add3A_987 = arith.addi %iota3A_983, %add3A_986 : vector<1x256xi32>
        %lt3A_988 = vector.broadcast %get3A_2 : i32 to vector<1x256xi32>
        %lt3A_989 = arith.cmpi slt, %add3A_987, %lt3A_988 : vector<1x256xi32>
        %jit3A_990 = arith.constant 0x7F800000 : f32
        %broadcast_in_dim3A_991 = vector.shape_cast %lt3A_989 : vector<1x256xi1> to vector<1x256xi1>
        %broadcast_in_dim3A_992 = vector.broadcast %broadcast_in_dim3A_991 : vector<1x256xi1> to vector<256x256xi1>
        %broadcast_in_dim3A_993 = vector.broadcast %jit3A_990 : f32 to vector<256x256xf32>
        %select_n3A_994 = arith.select %broadcast_in_dim3A_992, %dot_general3A_982, %broadcast_in_dim3A_993 : vector<256x256xi1>, vector<256x256xf32>
        %reduce_min3A_995 = arith.constant dense<0x7F800000> : vector<256xf32>
        %reduce_min3A_996 = vector.multi_reduction <minimumf>, %select_n3A_994, %reduce_min3A_995 [1] : vector<256x256xf32> to vector<256xf32>
        %broadcast_in_dim3A_997 = vector.shape_cast %reduce_min3A_996 : vector<256xf32> to vector<256x1xf32>
        %min3A_998 = arith.minimumf %while3A_975, %broadcast_in_dim3A_997 : vector<256x1xf32>
        scf.yield %min3A_998 : vector<256x1xf32>
      }
      %while3A_957 = arith.constant 1 : i32
      %while3A_958 = scf.for %while3A_974 = %while3A_954 to %while3A_950 step %while3A_957 iter_args(%while3A_975 = %while3A_956) -> (vector<256x1xf32>)  : i32 {
        %mul3A_976 = arith.constant 256 : i32
        %mul3A_977 = arith.muli %while3A_974, %mul3A_976 : i32
        %get3A_978 = arith.index_cast %mul3A_977 : i32 to index
        %get3A_979 = arith.constant 0 : index
        %get3A_980 = vector.load %arg8[%get3A_978, %get3A_979] : memref<4096x128xf32, #tpu.memory_space<vmem>>, vector<256x128xf32>
        %dot_general3A_981 = arith.constant dense<0.000000e+00> : vector<256x256xf32>
        %dot_general3A_982 = tpu.matmul %get3A_833, %get3A_980, %dot_general3A_981 {dimension_numbers = #tpu.dot_dimension_numbers<[1], [1], [0], [0], [0, 0, 1, 0], [], []>, transpose_lhs_hint = false} : vector<256x128xf32>, vector<256x128xf32>, vector<256x256xf32> -> vector<256x256xf32>
        %iota3A_983 = tpu.iota {dimensions = array<i32: 1>} : vector<1x256xi32>
        %mul3A_984 = arith.constant 256 : i32
        %mul3A_985 = arith.muli %while3A_974, %mul3A_984 : i32
        %add3A_986 = vector.broadcast %mul3A_985 : i32 to vector<1x256xi32>
        %add3A_987 = arith.addi %iota3A_983, %add3A_986 : vector<1x256xi32>
        %lt3A_988 = vector.broadcast %get3A_2 : i32 to vector<1x256xi32>
        %lt3A_989 = arith.cmpi slt, %add3A_987, %lt3A_988 : vector<1x256xi32>
        %jit3A_990 = arith.constant 0x7F800000 : f32
        %broadcast_in_dim3A_991 = vector.shape_cast %lt3A_989 : vector<1x256xi1> to vector<1x256xi1>
        %broadcast_in_dim3A_992 = vector.broadcast %broadcast_in_dim3A_991 : vector<1x256xi1> to vector<256x256xi1>
        %broadcast_in_dim3A_993 = vector.broadcast %jit3A_990 : f32 to vector<256x256xf32>
        %select_n3A_994 = arith.select %broadcast_in_dim3A_992, %dot_general3A_982, %broadcast_in_dim3A_993 : vector<256x256xi1>, vector<256x256xf32>
        %reduce_min3A_995 = arith.constant dense<0x7F800000> : vector<256xf32>
        %reduce_min3A_996 = vector.multi_reduction <minimumf>, %select_n3A_994, %reduce_min3A_995 [1] : vector<256x256xf32> to vector<256xf32>
        %broadcast_in_dim3A_997 = vector.shape_cast %reduce_min3A_996 : vector<256xf32> to vector<256x1xf32>
        %min3A_998 = arith.minimumf %while3A_975, %broadcast_in_dim3A_997 : vector<256x1xf32>
        scf.yield %min3A_998 : vector<256x1xf32>
      }
      %sub3A_959 = arith.constant 5.000000e-01 : f32
      %sub3A_960 = vector.broadcast %sub3A_959 : f32 to vector<256x1xf32>
      %sub3A_961 = arith.subf %sub3A_960, %while3A_958 : vector<256x1xf32>
      %max3A_962 = arith.constant 0.000000e+00 : f32
      %max3A_963 = vector.broadcast %max3A_962 : f32 to vector<256x1xf32>
      %max3A_964 = arith.maximumf %sub3A_961, %max3A_963 : vector<256x1xf32>
      %jit3A_965 = arith.constant 0.000000e+00 : f32
      %broadcast_in_dim3A_966 = vector.broadcast %jit3A_965 : f32 to vector<256x1xf32>
      %select_n3A_967 = arith.select %lt3A_839, %max3A_964, %broadcast_in_dim3A_966 : vector<256x1xi1>, vector<256x1xf32>
      %reduce_sum3A_968 = vector.shape_cast %select_n3A_967 : vector<256x1xf32> to vector<1x256x1xf32>
      %reduce_sum3A_969 = arith.constant dense<0.000000e+00> : vector<1xf32>
      %reduce_sum3A_970 = vector.multi_reduction <add>, %reduce_sum3A_968, %reduce_sum3A_969 [1, 2] : vector<1x256x1xf32> to vector<1xf32>
      %reduce_sum3A_971 = vector.shape_cast %reduce_sum3A_970 : vector<1xf32> to vector<1x1x1xf32>
      %reduce_sum3A_972 = vector.extract %reduce_sum3A_971[0, 0, 0] : f32 from vector<1x1x1xf32>
      %add3A_973 = arith.addf %while3A_827, %reduce_sum3A_972 : f32
      scf.yield %add3A_973, %add3A_945 : f32, f32
    }
    %while3A_796 = arith.constant 1 : i32
    %while3A_797:2 = scf.for %while3A_826 = %while3A_793 to %while3A_789 step %while3A_796 iter_args(%while3A_827 = %while3A_795#0, %while3A_828 = %while3A_795#1) -> (f32, f32)  : i32 {
      %mul3A_829 = arith.constant 256 : i32
      %mul3A_830 = arith.muli %while3A_826, %mul3A_829 : i32
      %get3A_831 = arith.index_cast %mul3A_830 : i32 to index
      %get3A_832 = arith.constant 0 : index
      %get3A_833 = vector.load %arg8[%get3A_831, %get3A_832] : memref<4096x128xf32, #tpu.memory_space<vmem>>, vector<256x128xf32>
      %iota3A_834 = tpu.iota {dimensions = array<i32: 0>} : vector<256x1xi32>
      %mul3A_835 = arith.constant 256 : i32
      %mul3A_836 = arith.muli %while3A_826, %mul3A_835 : i32
      %add3A_837 = vector.broadcast %mul3A_836 : i32 to vector<256x1xi32>
      %add3A_838 = arith.addi %iota3A_834, %add3A_837 : vector<256x1xi32>
      %lt3A = vector.broadcast %get3A_2 : i32 to vector<256x1xi32>
      %lt3A_839 = arith.cmpi slt, %add3A_838, %lt3A : vector<256x1xi32>
      %broadcast_in_dim3A_840 = arith.constant 0xFF800000 : f32
      %broadcast_in_dim3A_841 = vector.broadcast %broadcast_in_dim3A_840 : f32 to vector<256x1xf32>
      %get3A_842 = arith.constant 0 : index
      %get3A_843 = arith.constant 0 : index
      %get3A_844 = vector.load %arg7[%get3A_842, %get3A_843] : memref<1280x128xf32, #tpu.memory_space<vmem>>, vector<256x128xf32>
      %dot_general3A_845 = arith.constant dense<0.000000e+00> : vector<256x256xf32>
      %dot_general3A_846 = tpu.matmul %get3A_833, %get3A_844, %dot_general3A_845 {dimension_numbers = #tpu.dot_dimension_numbers<[1], [1], [0], [0], [0, 0, 1, 0], [], []>, transpose_lhs_hint = false} : vector<256x128xf32>, vector<256x128xf32>, vector<256x256xf32> -> vector<256x256xf32>
      %slice3A_847 = vector.extract_strided_slice %dot_general3A_39 {offsets = [0, 0], sizes = [1, 256], strides = [1, 1]} : vector<1x1280xf32> to vector<1x256xf32>
      %gt3A_848 = arith.constant 0.000000e+00 : f32
      %gt3A_849 = vector.broadcast %gt3A_848 : f32 to vector<1x256xf32>
      %gt3A_850 = arith.cmpf ogt, %slice3A_847, %gt3A_849 : vector<1x256xf32>
      %jit3A_851 = arith.constant 0xFF800000 : f32
      %broadcast_in_dim3A_852 = vector.shape_cast %gt3A_850 : vector<1x256xi1> to vector<1x256xi1>
      %broadcast_in_dim3A_853 = vector.broadcast %broadcast_in_dim3A_852 : vector<1x256xi1> to vector<256x256xi1>
      %broadcast_in_dim3A_854 = vector.broadcast %jit3A_851 : f32 to vector<256x256xf32>
      %select_n3A_855 = arith.select %broadcast_in_dim3A_853, %dot_general3A_846, %broadcast_in_dim3A_854 : vector<256x256xi1>, vector<256x256xf32>
      %reduce_max3A = arith.constant dense<0xFF800000> : vector<256xf32>
      %reduce_max3A_856 = vector.multi_reduction <maximumf>, %select_n3A_855, %reduce_max3A [1] : vector<256x256xf32> to vector<256xf32>
      %broadcast_in_dim3A_857 = vector.shape_cast %reduce_max3A_856 : vector<256xf32> to vector<256x1xf32>
      %max3A_858 = arith.maximumf %broadcast_in_dim3A_841, %broadcast_in_dim3A_857 : vector<256x1xf32>
      %get3A_859 = arith.constant 256 : index
      %get3A_860 = arith.constant 0 : index
      %get3A_861 = vector.load %arg7[%get3A_859, %get3A_860] : memref<1280x128xf32, #tpu.memory_space<vmem>>, vector<256x128xf32>
      %dot_general3A_862 = arith.constant dense<0.000000e+00> : vector<256x256xf32>
      %dot_general3A_863 = tpu.matmul %get3A_833, %get3A_861, %dot_general3A_862 {dimension_numbers = #tpu.dot_dimension_numbers<[1], [1], [0], [0], [0, 0, 1, 0], [], []>, transpose_lhs_hint = false} : vector<256x128xf32>, vector<256x128xf32>, vector<256x256xf32> -> vector<256x256xf32>
      %slice3A_864 = vector.extract_strided_slice %dot_general3A_39 {offsets = [0, 256], sizes = [1, 256], strides = [1, 1]} : vector<1x1280xf32> to vector<1x256xf32>
      %gt3A_865 = arith.constant 0.000000e+00 : f32
      %gt3A_866 = vector.broadcast %gt3A_865 : f32 to vector<1x256xf32>
      %gt3A_867 = arith.cmpf ogt, %slice3A_864, %gt3A_866 : vector<1x256xf32>
      %jit3A_868 = arith.constant 0xFF800000 : f32
      %broadcast_in_dim3A_869 = vector.shape_cast %gt3A_867 : vector<1x256xi1> to vector<1x256xi1>
      %broadcast_in_dim3A_870 = vector.broadcast %broadcast_in_dim3A_869 : vector<1x256xi1> to vector<256x256xi1>
      %broadcast_in_dim3A_871 = vector.broadcast %jit3A_868 : f32 to vector<256x256xf32>
      %select_n3A_872 = arith.select %broadcast_in_dim3A_870, %dot_general3A_863, %broadcast_in_dim3A_871 : vector<256x256xi1>, vector<256x256xf32>
      %reduce_max3A_873 = arith.constant dense<0xFF800000> : vector<256xf32>
      %reduce_max3A_874 = vector.multi_reduction <maximumf>, %select_n3A_872, %reduce_max3A_873 [1] : vector<256x256xf32> to vector<256xf32>
      %broadcast_in_dim3A_875 = vector.shape_cast %reduce_max3A_874 : vector<256xf32> to vector<256x1xf32>
      %max3A_876 = arith.maximumf %max3A_858, %broadcast_in_dim3A_875 : vector<256x1xf32>
      %get3A_877 = arith.constant 512 : index
      %get3A_878 = arith.constant 0 : index
      %get3A_879 = vector.load %arg7[%get3A_877, %get3A_878] : memref<1280x128xf32, #tpu.memory_space<vmem>>, vector<256x128xf32>
      %dot_general3A_880 = arith.constant dense<0.000000e+00> : vector<256x256xf32>
      %dot_general3A_881 = tpu.matmul %get3A_833, %get3A_879, %dot_general3A_880 {dimension_numbers = #tpu.dot_dimension_numbers<[1], [1], [0], [0], [0, 0, 1, 0], [], []>, transpose_lhs_hint = false} : vector<256x128xf32>, vector<256x128xf32>, vector<256x256xf32> -> vector<256x256xf32>
      %slice3A_882 = vector.extract_strided_slice %dot_general3A_39 {offsets = [0, 512], sizes = [1, 256], strides = [1, 1]} : vector<1x1280xf32> to vector<1x256xf32>
      %gt3A_883 = arith.constant 0.000000e+00 : f32
      %gt3A_884 = vector.broadcast %gt3A_883 : f32 to vector<1x256xf32>
      %gt3A_885 = arith.cmpf ogt, %slice3A_882, %gt3A_884 : vector<1x256xf32>
      %jit3A_886 = arith.constant 0xFF800000 : f32
      %broadcast_in_dim3A_887 = vector.shape_cast %gt3A_885 : vector<1x256xi1> to vector<1x256xi1>
      %broadcast_in_dim3A_888 = vector.broadcast %broadcast_in_dim3A_887 : vector<1x256xi1> to vector<256x256xi1>
      %broadcast_in_dim3A_889 = vector.broadcast %jit3A_886 : f32 to vector<256x256xf32>
      %select_n3A_890 = arith.select %broadcast_in_dim3A_888, %dot_general3A_881, %broadcast_in_dim3A_889 : vector<256x256xi1>, vector<256x256xf32>
      %reduce_max3A_891 = arith.constant dense<0xFF800000> : vector<256xf32>
      %reduce_max3A_892 = vector.multi_reduction <maximumf>, %select_n3A_890, %reduce_max3A_891 [1] : vector<256x256xf32> to vector<256xf32>
      %broadcast_in_dim3A_893 = vector.shape_cast %reduce_max3A_892 : vector<256xf32> to vector<256x1xf32>
      %max3A_894 = arith.maximumf %max3A_876, %broadcast_in_dim3A_893 : vector<256x1xf32>
      %get3A_895 = arith.constant 768 : index
      %get3A_896 = arith.constant 0 : index
      %get3A_897 = vector.load %arg7[%get3A_895, %get3A_896] : memref<1280x128xf32, #tpu.memory_space<vmem>>, vector<256x128xf32>
      %dot_general3A_898 = arith.constant dense<0.000000e+00> : vector<256x256xf32>
      %dot_general3A_899 = tpu.matmul %get3A_833, %get3A_897, %dot_general3A_898 {dimension_numbers = #tpu.dot_dimension_numbers<[1], [1], [0], [0], [0, 0, 1, 0], [], []>, transpose_lhs_hint = false} : vector<256x128xf32>, vector<256x128xf32>, vector<256x256xf32> -> vector<256x256xf32>
      %slice3A_900 = vector.extract_strided_slice %dot_general3A_39 {offsets = [0, 768], sizes = [1, 256], strides = [1, 1]} : vector<1x1280xf32> to vector<1x256xf32>
      %gt3A_901 = arith.constant 0.000000e+00 : f32
      %gt3A_902 = vector.broadcast %gt3A_901 : f32 to vector<1x256xf32>
      %gt3A_903 = arith.cmpf ogt, %slice3A_900, %gt3A_902 : vector<1x256xf32>
      %jit3A_904 = arith.constant 0xFF800000 : f32
      %broadcast_in_dim3A_905 = vector.shape_cast %gt3A_903 : vector<1x256xi1> to vector<1x256xi1>
      %broadcast_in_dim3A_906 = vector.broadcast %broadcast_in_dim3A_905 : vector<1x256xi1> to vector<256x256xi1>
      %broadcast_in_dim3A_907 = vector.broadcast %jit3A_904 : f32 to vector<256x256xf32>
      %select_n3A_908 = arith.select %broadcast_in_dim3A_906, %dot_general3A_899, %broadcast_in_dim3A_907 : vector<256x256xi1>, vector<256x256xf32>
      %reduce_max3A_909 = arith.constant dense<0xFF800000> : vector<256xf32>
      %reduce_max3A_910 = vector.multi_reduction <maximumf>, %select_n3A_908, %reduce_max3A_909 [1] : vector<256x256xf32> to vector<256xf32>
      %broadcast_in_dim3A_911 = vector.shape_cast %reduce_max3A_910 : vector<256xf32> to vector<256x1xf32>
      %max3A_912 = arith.maximumf %max3A_894, %broadcast_in_dim3A_911 : vector<256x1xf32>
      %get3A_913 = arith.constant 1024 : index
      %get3A_914 = arith.constant 0 : index
      %get3A_915 = vector.load %arg7[%get3A_913, %get3A_914] : memref<1280x128xf32, #tpu.memory_space<vmem>>, vector<256x128xf32>
      %dot_general3A_916 = arith.constant dense<0.000000e+00> : vector<256x256xf32>
      %dot_general3A_917 = tpu.matmul %get3A_833, %get3A_915, %dot_general3A_916 {dimension_numbers = #tpu.dot_dimension_numbers<[1], [1], [0], [0], [0, 0, 1, 0], [], []>, transpose_lhs_hint = false} : vector<256x128xf32>, vector<256x128xf32>, vector<256x256xf32> -> vector<256x256xf32>
      %slice3A_918 = vector.extract_strided_slice %dot_general3A_39 {offsets = [0, 1024], sizes = [1, 256], strides = [1, 1]} : vector<1x1280xf32> to vector<1x256xf32>
      %gt3A_919 = arith.constant 0.000000e+00 : f32
      %gt3A_920 = vector.broadcast %gt3A_919 : f32 to vector<1x256xf32>
      %gt3A_921 = arith.cmpf ogt, %slice3A_918, %gt3A_920 : vector<1x256xf32>
      %jit3A_922 = arith.constant 0xFF800000 : f32
      %broadcast_in_dim3A_923 = vector.shape_cast %gt3A_921 : vector<1x256xi1> to vector<1x256xi1>
      %broadcast_in_dim3A_924 = vector.broadcast %broadcast_in_dim3A_923 : vector<1x256xi1> to vector<256x256xi1>
      %broadcast_in_dim3A_925 = vector.broadcast %jit3A_922 : f32 to vector<256x256xf32>
      %select_n3A_926 = arith.select %broadcast_in_dim3A_924, %dot_general3A_917, %broadcast_in_dim3A_925 : vector<256x256xi1>, vector<256x256xf32>
      %reduce_max3A_927 = arith.constant dense<0xFF800000> : vector<256xf32>
      %reduce_max3A_928 = vector.multi_reduction <maximumf>, %select_n3A_926, %reduce_max3A_927 [1] : vector<256x256xf32> to vector<256xf32>
      %broadcast_in_dim3A_929 = vector.shape_cast %reduce_max3A_928 : vector<256xf32> to vector<256x1xf32>
      %max3A_930 = arith.maximumf %max3A_912, %broadcast_in_dim3A_929 : vector<256x1xf32>
      %sub3A_931 = arith.constant 1.000000e-01 : f32
      %sub3A_932 = vector.broadcast %sub3A_931 : f32 to vector<256x1xf32>
      %sub3A_933 = arith.subf %max3A_930, %sub3A_932 : vector<256x1xf32>
      %max3A_934 = arith.constant 0.000000e+00 : f32
      %max3A_935 = vector.broadcast %max3A_934 : f32 to vector<256x1xf32>
      %max3A_936 = arith.maximumf %sub3A_933, %max3A_935 : vector<256x1xf32>
      %jit3A_937 = arith.constant 0.000000e+00 : f32
      %broadcast_in_dim3A_938 = vector.broadcast %jit3A_937 : f32 to vector<256x1xf32>
      %select_n3A_939 = arith.select %lt3A_839, %max3A_936, %broadcast_in_dim3A_938 : vector<256x1xi1>, vector<256x1xf32>
      %reduce_sum3A_940 = vector.shape_cast %select_n3A_939 : vector<256x1xf32> to vector<1x256x1xf32>
      %reduce_sum3A_941 = arith.constant dense<0.000000e+00> : vector<1xf32>
      %reduce_sum3A_942 = vector.multi_reduction <add>, %reduce_sum3A_940, %reduce_sum3A_941 [1, 2] : vector<1x256x1xf32> to vector<1xf32>
      %reduce_sum3A_943 = vector.shape_cast %reduce_sum3A_942 : vector<1xf32> to vector<1x1x1xf32>
      %reduce_sum3A_944 = vector.extract %reduce_sum3A_943[0, 0, 0] : f32 from vector<1x1x1xf32>
      %add3A_945 = arith.addf %while3A_828, %reduce_sum3A_944 : f32
      %broadcast_in_dim3A_946 = arith.constant 0x7F800000 : f32
      %broadcast_in_dim3A_947 = vector.broadcast %broadcast_in_dim3A_946 : f32 to vector<256x1xf32>
      %while3A_948 = arith.constant 0 : i32
      %while3A_949 = arith.subi %div3A_46, %while3A_948 : i32
      %while3A_950 = arith.addi %while3A_948, %while3A_949 : i32
      %while3A_951 = arith.constant 1 : i32
      %while3A_952 = arith.divsi %while3A_949, %while3A_951 : i32
      %while3A_953 = arith.muli %while3A_952, %while3A_951 : i32
      %while3A_954 = arith.addi %while3A_948, %while3A_953 : i32
      %while3A_955 = arith.constant 1 : i32
      %while3A_956 = scf.for %while3A_974 = %while3A_948 to %while3A_954 step %while3A_955 iter_args(%while3A_975 = %broadcast_in_dim3A_947) -> (vector<256x1xf32>)  : i32 {
        %mul3A_976 = arith.constant 256 : i32
        %mul3A_977 = arith.muli %while3A_974, %mul3A_976 : i32
        %get3A_978 = arith.index_cast %mul3A_977 : i32 to index
        %get3A_979 = arith.constant 0 : index
        %get3A_980 = vector.load %arg8[%get3A_978, %get3A_979] : memref<4096x128xf32, #tpu.memory_space<vmem>>, vector<256x128xf32>
        %dot_general3A_981 = arith.constant dense<0.000000e+00> : vector<256x256xf32>
        %dot_general3A_982 = tpu.matmul %get3A_833, %get3A_980, %dot_general3A_981 {dimension_numbers = #tpu.dot_dimension_numbers<[1], [1], [0], [0], [0, 0, 1, 0], [], []>, transpose_lhs_hint = false} : vector<256x128xf32>, vector<256x128xf32>, vector<256x256xf32> -> vector<256x256xf32>
        %iota3A_983 = tpu.iota {dimensions = array<i32: 1>} : vector<1x256xi32>
        %mul3A_984 = arith.constant 256 : i32
        %mul3A_985 = arith.muli %while3A_974, %mul3A_984 : i32
        %add3A_986 = vector.broadcast %mul3A_985 : i32 to vector<1x256xi32>
        %add3A_987 = arith.addi %iota3A_983, %add3A_986 : vector<1x256xi32>
        %lt3A_988 = vector.broadcast %get3A_2 : i32 to vector<1x256xi32>
        %lt3A_989 = arith.cmpi slt, %add3A_987, %lt3A_988 : vector<1x256xi32>
        %jit3A_990 = arith.constant 0x7F800000 : f32
        %broadcast_in_dim3A_991 = vector.shape_cast %lt3A_989 : vector<1x256xi1> to vector<1x256xi1>
        %broadcast_in_dim3A_992 = vector.broadcast %broadcast_in_dim3A_991 : vector<1x256xi1> to vector<256x256xi1>
        %broadcast_in_dim3A_993 = vector.broadcast %jit3A_990 : f32 to vector<256x256xf32>
        %select_n3A_994 = arith.select %broadcast_in_dim3A_992, %dot_general3A_982, %broadcast_in_dim3A_993 : vector<256x256xi1>, vector<256x256xf32>
        %reduce_min3A_995 = arith.constant dense<0x7F800000> : vector<256xf32>
        %reduce_min3A_996 = vector.multi_reduction <minimumf>, %select_n3A_994, %reduce_min3A_995 [1] : vector<256x256xf32> to vector<256xf32>
        %broadcast_in_dim3A_997 = vector.shape_cast %reduce_min3A_996 : vector<256xf32> to vector<256x1xf32>
        %min3A_998 = arith.minimumf %while3A_975, %broadcast_in_dim3A_997 : vector<256x1xf32>
        scf.yield %min3A_998 : vector<256x1xf32>
      }
      %while3A_957 = arith.constant 1 : i32
      %while3A_958 = scf.for %while3A_974 = %while3A_954 to %while3A_950 step %while3A_957 iter_args(%while3A_975 = %while3A_956) -> (vector<256x1xf32>)  : i32 {
        %mul3A_976 = arith.constant 256 : i32
        %mul3A_977 = arith.muli %while3A_974, %mul3A_976 : i32
        %get3A_978 = arith.index_cast %mul3A_977 : i32 to index
        %get3A_979 = arith.constant 0 : index
        %get3A_980 = vector.load %arg8[%get3A_978, %get3A_979] : memref<4096x128xf32, #tpu.memory_space<vmem>>, vector<256x128xf32>
        %dot_general3A_981 = arith.constant dense<0.000000e+00> : vector<256x256xf32>
        %dot_general3A_982 = tpu.matmul %get3A_833, %get3A_980, %dot_general3A_981 {dimension_numbers = #tpu.dot_dimension_numbers<[1], [1], [0], [0], [0, 0, 1, 0], [], []>, transpose_lhs_hint = false} : vector<256x128xf32>, vector<256x128xf32>, vector<256x256xf32> -> vector<256x256xf32>
        %iota3A_983 = tpu.iota {dimensions = array<i32: 1>} : vector<1x256xi32>
        %mul3A_984 = arith.constant 256 : i32
        %mul3A_985 = arith.muli %while3A_974, %mul3A_984 : i32
        %add3A_986 = vector.broadcast %mul3A_985 : i32 to vector<1x256xi32>
        %add3A_987 = arith.addi %iota3A_983, %add3A_986 : vector<1x256xi32>
        %lt3A_988 = vector.broadcast %get3A_2 : i32 to vector<1x256xi32>
        %lt3A_989 = arith.cmpi slt, %add3A_987, %lt3A_988 : vector<1x256xi32>
        %jit3A_990 = arith.constant 0x7F800000 : f32
        %broadcast_in_dim3A_991 = vector.shape_cast %lt3A_989 : vector<1x256xi1> to vector<1x256xi1>
        %broadcast_in_dim3A_992 = vector.broadcast %broadcast_in_dim3A_991 : vector<1x256xi1> to vector<256x256xi1>
        %broadcast_in_dim3A_993 = vector.broadcast %jit3A_990 : f32 to vector<256x256xf32>
        %select_n3A_994 = arith.select %broadcast_in_dim3A_992, %dot_general3A_982, %broadcast_in_dim3A_993 : vector<256x256xi1>, vector<256x256xf32>
        %reduce_min3A_995 = arith.constant dense<0x7F800000> : vector<256xf32>
        %reduce_min3A_996 = vector.multi_reduction <minimumf>, %select_n3A_994, %reduce_min3A_995 [1] : vector<256x256xf32> to vector<256xf32>
        %broadcast_in_dim3A_997 = vector.shape_cast %reduce_min3A_996 : vector<256xf32> to vector<256x1xf32>
        %min3A_998 = arith.minimumf %while3A_975, %broadcast_in_dim3A_997 : vector<256x1xf32>
        scf.yield %min3A_998 : vector<256x1xf32>
      }
      %sub3A_959 = arith.constant 5.000000e-01 : f32
      %sub3A_960 = vector.broadcast %sub3A_959 : f32 to vector<256x1xf32>
      %sub3A_961 = arith.subf %sub3A_960, %while3A_958 : vector<256x1xf32>
      %max3A_962 = arith.constant 0.000000e+00 : f32
      %max3A_963 = vector.broadcast %max3A_962 : f32 to vector<256x1xf32>
      %max3A_964 = arith.maximumf %sub3A_961, %max3A_963 : vector<256x1xf32>
      %jit3A_965 = arith.constant 0.000000e+00 : f32
      %broadcast_in_dim3A_966 = vector.broadcast %jit3A_965 : f32 to vector<256x1xf32>
      %select_n3A_967 = arith.select %lt3A_839, %max3A_964, %broadcast_in_dim3A_966 : vector<256x1xi1>, vector<256x1xf32>
      %reduce_sum3A_968 = vector.shape_cast %select_n3A_967 : vector<256x1xf32> to vector<1x256x1xf32>
      %reduce_sum3A_969 = arith.constant dense<0.000000e+00> : vector<1xf32>
      %reduce_sum3A_970 = vector.multi_reduction <add>, %reduce_sum3A_968, %reduce_sum3A_969 [1, 2] : vector<1x256x1xf32> to vector<1xf32>
      %reduce_sum3A_971 = vector.shape_cast %reduce_sum3A_970 : vector<1xf32> to vector<1x1x1xf32>
      %reduce_sum3A_972 = vector.extract %reduce_sum3A_971[0, 0, 0] : f32 from vector<1x1x1xf32>
      %add3A_973 = arith.addf %while3A_827, %reduce_sum3A_972 : f32
      scf.yield %add3A_973, %add3A_945 : f32, f32
    }
    %add3A_798 = arith.addf %add3A_761, %add3A_784 : f32
    %div3A_799 = arith.divf %add3A_798, %reduce_sum3A_43 : f32
    %add3A_800 = arith.addf %while3A_797#0, %while3A_797#1 : f32
    %div3A_801 = arith.divf %add3A_800, %convert_element_type3A : f32
    %add3A_802 = arith.addf %div3A_799, %div3A_801 : f32
    %gt3A_803 = arith.constant 0 : i32
    %gt3A_804 = arith.cmpi sgt, %get3A_2, %gt3A_803 : i32
    %broadcast_in_dim3A_805 = arith.constant 0.000000e+00 : f32
    %broadcast_in_dim3A_806 = vector.broadcast %broadcast_in_dim3A_805 : f32 to vector<1x8x128xf32>
    %jit3A_807 = arith.constant 0.000000e+00 : f32
    %select_n3A_808 = arith.select %gt3A_804, %add3A_802, %jit3A_807 : f32
    %add3A_809 = vector.broadcast %select_n3A_808 : f32 to vector<1x8x128xf32>
    %add3A_810 = arith.addf %broadcast_in_dim3A_806, %add3A_809 : vector<1x8x128xf32>
    %swap3A_811 = arith.constant 0 : index
    %swap3A_812 = arith.constant 0 : index
    %swap3A_813 = arith.constant 0 : index
    %swap3A_814 = vector.load %arg5[%swap3A_811, %swap3A_812, %swap3A_813] : memref<1x8x128xf32, #tpu.memory_space<vmem>>, vector<1x8x128xf32>
    tpu.vector_store %arg5[%swap3A_811, %swap3A_812, %swap3A_813], %add3A_810 {strides = array<i32>} : memref<1x8x128xf32, #tpu.memory_space<vmem>>, vector<1x8x128xf32>,
    %broadcast_in_dim3A_815 = arith.constant 0.000000e+00 : f32
    %broadcast_in_dim3A_816 = vector.broadcast %broadcast_in_dim3A_815 : f32 to vector<1x8x128xf32>
    %jit3A_817 = arith.constant 1.000000e+00 : f32
    %jit3A_818 = arith.constant 0.000000e+00 : f32
    %select_n3A_819 = arith.select %gt3A_804, %jit3A_817, %jit3A_818 : f32
    %add3A_820 = vector.broadcast %select_n3A_819 : f32 to vector<1x8x128xf32>
    %add3A_821 = arith.addf %broadcast_in_dim3A_816, %add3A_820 : vector<1x8x128xf32>
    %swap3A_822 = arith.constant 0 : index
    %swap3A_823 = arith.constant 0 : index
    %swap3A_824 = arith.constant 0 : index
    %swap3A_825 = vector.load %arg6[%swap3A_822, %swap3A_823, %swap3A_824] : memref<1x8x128xf32, #tpu.memory_space<vmem>>, vector<1x8x128xf32>
    tpu.vector_store %arg6[%swap3A_822, %swap3A_823, %swap3A_824], %add3A_821 {strides = array<i32>} : memref<1x8x128xf32, #tpu.memory_space<vmem>>, vector<1x8x128xf32>,
    return
  }
  func.func @transform_0(%arg0: i32) -> (i32, i32, i32) {
    %c0_i32 = arith.constant 0 : i32
    %c0_i32_0 = arith.constant 0 : i32
    %c0_i32_1 = arith.constant 0 : i32
    return %arg0, %c0_i32, %c0_i32_0 : i32, i32, i32
  }
  func.func @transform_1(%arg0: i32) -> (i32, i32, i32) {
    %c0_i32 = arith.constant 0 : i32
    %c0_i32_0 = arith.constant 0 : i32
    %c0_i32_1 = arith.constant 0 : i32
    return %arg0, %c0_i32, %c0_i32_0 : i32, i32, i32
  }
  func.func @transform_2(%arg0: i32) -> (i32, i32, i32) {
    %c0_i32 = arith.constant 0 : i32
    %c0_i32_0 = arith.constant 0 : i32
    %c0_i32_1 = arith.constant 0 : i32
    return %arg0, %c0_i32, %c0_i32_0 : i32, i32, i32
  }
  func.func @transform_3(%arg0: i32) -> (i32, i32, i32) {
    %c0_i32 = arith.constant 0 : i32
    %c0_i32_0 = arith.constant 0 : i32
    %c0_i32_1 = arith.constant 0 : i32
    return %arg0, %c0_i32, %c0_i32_0 : i32, i32, i32
  }
  func.func @transform_4(%arg0: i32) -> (i32, i32, i32) {
    %c0_i32 = arith.constant 0 : i32
    %c0_i32_0 = arith.constant 0 : i32
    %c0_i32_1 = arith.constant 0 : i32
    return %arg0, %c0_i32, %c0_i32_0 : i32, i32, i32
  }
  func.func @transform_5(%arg0: i32) -> (i32, i32, i32) {
    %c0_i32 = arith.constant 0 : i32
    %c0_i32_0 = arith.constant 0 : i32
    %c0_i32_1 = arith.constant 0 : i32
    return %arg0, %c0_i32, %c0_i32_0 : i32, i32, i32
  }
}

</mosaic_0001>

<sc_bundles>
// kernel: kernel.5.cloned.1.call-start
scs
__scs_entry_jumppad:
0x0: {  	(pc) =	sbr.rel $0x88, $3  }
0x1: {  	(tag) =	ssettag $0x0;
	lr =	simm.s32 $0x1  }
0x2: {  	[smem:$0x3F9C] =	sst lr;
	_ =	strace $0xD0000000  }
0x3: {  	_ = 	snop  }
0x4: {  	_ = 	snop  }
0x5: {  	_ = 	snop  }
0x6: {  	_ = 	snop  }
0x7: {  	_ = 	snop  }
__scs_overlays_trampoline_lowered:
0x8: {  	[smem:$0x3FAB] =	sst s0  }
0x9: {  	[smem:$0x3FAC] =	sst s1  }
0xa: {  	[smem:$0x3FAD] =	sst s2  }
0xb: {  	[smem:$0x3FAE] =	sst s3  }
0xc: {  	[smem:$0x3FAF] =	sst s4  }
0xd: {  	[smem:$0x3FB0] =	sst s5  }
0xe: {  	[smem:$0x3FB1] =	sst s6  }
0xf: {  	[smem:$0x3FB2] =	sst s7  }
0x10: {  	[smem:$0x3FB3] =	sst s8  }
0x11: {  	[smem:$0x3FB4] =	sst s9;
	s0 =	simm.s32 @!p0 $0x0  }
0x12: {  	s1 =	sld [smem:$0x3F9A];
	s0 =	simm.s32 @p0 $0x1  }
0x13: {  	[smem:$0x3FB5] =	sst s0;
	s0 =	simm.s32 @!p1 $0x0  }
0x14: {  	s2 =	sld [smem:$0x3F99];
	s0 =	simm.s32 @p1 $0x1  }
0x15: {  	[smem:$0x3FB6] =	sst s0;
	s0 =	simm.s32 @!p2 $0x0  }
0x16: {  	s3 =	sld [smem:$0x3FDB];
	s0 =	simm.s32 @p2 $0x1  }
0x17: {  	s4 =	simm.s32 $0x1BF5;
	[smem:$0x3FB8] =	sst s0  }
0x18: {  	s0 =	sld [smem:$0x3F9B];
	_ =	swait.ge [sflag:s4], $0x0  }
0x19: {  	s7 =	sld [smem:$0x3F9C]  }
0x1a: {  	s8 =	sadd.s32 $0xFFFFE003, lr  }
0x1b: {  	s9 =	sadd.s32 $0xFFFFFEF7, lr;
	s5 =	simm.s32 $0xFFFFFFFF;
	p2 =	slt.u32 s8, $0xFFFFF086  }
0x1c: {  	p1 =	slt.u32 s9, $0xF7A;
	s5 =	simm.s32 @!p2 $0x0  }
0x1d: {  	s5 =	simm.s32 @p1 $0x1;
	p0 =	seq.s32 s7, s2  }
0x1e: {  	s7 =	smul.u32 @!p0 $0xF7A, s2;
	p2 =	seq.s32 @!p0 s5, $0x0  }
0x1f: {  	s9 =	smul.u32 $0xF7A, s1;
	s8 =	simm.s32 @!p0 $0x1BF5;
	p2 =	por !p2, p0  }
0x20: {  	[sflag:s8] =	ssyncset.s32 @!p0 $0xFFFFF086;
	s6 =	sadd.s32 @!p0 s3, s7;
	s7 =	simm.s32 @!p0 $0x108  }
0x21: {  	s3 =	sadd.s32 s3, s9;
	s6 =	sadd.s32 @!p0 $0x88, s6;
	s7 =	simm.s32 @p2 $0x1082  }
0x22: {  	[simem:s7], [sflag:s8] =	dma.local @!p0 [hbm:s6], $0xF7A  }
0x23: {  	s9 =	sor.u32 $0xD0000000, s2;
	s6 =	simm.s32 $0x108;
	_ =	swait.ge @!p0 [sflag:s8], $0x0  }
0x24: {  	s3 =	sadd.s32 $0x88, s3;
	s6 =	simm.s32 @!p1 $0x1082;
	[sflag:s4] =	ssyncset.s32 $0xFFFFF086  }
0x25: {  	[simem:s6], [sflag:s4] =	dma.local [hbm:s3], $0xF7A  }
0x26: {  	[smem:$0x3F9C] =	sst s1;
	(tag) =	ssettag s2;
	_ =	strace s9  }
0x27: {  	s1 =	sld [smem:$0x3FAC]  }
0x28: {  	s2 =	sld [smem:$0x3FAD]  }
0x29: {  	s4 =	sld [smem:$0x3FAF]  }
0x2a: {  	p0 =	seq.s32 s5, $0x0;
	s5 =	sld [smem:$0x3FB0]  }
0x2b: {  	s6 =	sld [smem:$0x3FB1]  }
0x2c: {  	s7 =	sld [smem:$0x3FB2]  }
0x2d: {  	s3 =	simm.s32 $0x108;
	s8 =	sld [smem:$0x3FB3]  }
0x2e: {  	s3 =	simm.s32 @!p0 $0x1082;
	s9 =	sld [smem:$0x3FB4]  }
0x2f: {  	lr =	sadd.s32 s0, s3;
	s0 =	sld [smem:$0x3FAB]  }
0x30: {  	s3 =	sld [smem:$0x3FAE]  }
0x31: {  	[smem:$0x3FB7] =	sst s10  }
0x32: {  	s10 =	sld [smem:$0x3FB5];
	_ =	sdelay $0x3  }
0x33: {  	p0 =	seq.s32 s10, $0x1;
	s10 =	sld [smem:$0x3FB7];
	_ =	sdelay $0x3  }
0x34: {  	[smem:$0x3FB7] =	sst s10  }
0x35: {  	s10 =	sld [smem:$0x3FB6];
	_ =	sdelay $0x3  }
0x36: {  	p1 =	seq.s32 s10, $0x1;
	s10 =	sld [smem:$0x3FB7];
	_ =	sdelay $0x3  }
0x37: {  	[smem:$0x3FB7] =	sst s10  }
0x38: {  	s10 =	sld [smem:$0x3FB8]  }
0x39: {  	_ = 	snop;
	(pc) =	sbr.ind lr, $3  }
0x3a: {  	_ = 	snop  }
0x3b: {  	_ = 	snop  }
0x3c: {  	p2 =	seq.s32 s10, $0x1;
	s10 =	sld [smem:$0x3FB7]  }
0x3d: {  	_ =	shalt  }
0x3e: {  	_ =	shalt  }
0x3f: {  	_ =	shalt  }
0x40: {  	_ =	shalt  }
0x41: {  	_ =	shalt  }
0x42: {  	_ =	shalt  }
0x43: {  	_ =	shalt  }
0x44: {  	_ =	shalt  }
0x45: {  	_ =	shalt  }
0x46: {  	_ =	shalt  }
0x47: {  	_ =	shalt  }
0x48: {  	_ =	shalt  }
0x49: {  	_ =	shalt  }
0x4a: {  	_ =	shalt  }
0x4b: {  	_ =	shalt  }
0x4c: {  	_ =	shalt  }
0x4d: {  	_ =	shalt  }
0x4e: {  	_ =	shalt  }
0x4f: {  	_ =	shalt  }
0x50: {  	_ =	shalt  }
0x51: {  	_ =	shalt  }
0x52: {  	_ =	shalt  }
0x53: {  	_ =	shalt  }
0x54: {  	_ =	shalt  }
0x55: {  	_ =	shalt  }
0x56: {  	_ =	shalt  }
0x57: {  	_ =	shalt  }
0x58: {  	_ =	shalt  }
0x59: {  	_ =	shalt  }
0x5a: {  	_ =	shalt  }
0x5b: {  	_ =	shalt  }
0x5c: {  	_ =	shalt  }
0x5d: {  	_ =	shalt  }
0x5e: {  	_ =	shalt  }
0x5f: {  	_ =	shalt  }
0x60: {  	_ =	shalt  }
0x61: {  	_ =	shalt  }
0x62: {  	_ =	shalt  }
0x63: {  	_ =	shalt  }
0x64: {  	_ =	shalt  }
0x65: {  	_ =	shalt  }
0x66: {  	_ =	shalt  }
0x67: {  	_ =	shalt  }
0x68: {  	_ =	shalt  }
0x69: {  	_ =	shalt  }
0x6a: {  	_ =	shalt  }
0x6b: {  	_ =	shalt  }
0x6c: {  	_ =	shalt  }
0x6d: {  	_ =	shalt  }
0x6e: {  	_ =	shalt  }
0x6f: {  	_ =	shalt  }
0x70: {  	_ =	shalt  }
0x71: {  	_ =	shalt  }
0x72: {  	_ =	shalt  }
0x73: {  	_ =	shalt  }
0x74: {  	_ =	shalt  }
0x75: {  	_ =	shalt  }
0x76: {  	_ =	shalt  }
0x77: {  	_ =	shalt  }
0x78: {  	_ =	shalt  }
0x79: {  	_ =	shalt  }
0x7a: {  	_ =	shalt  }
0x7b: {  	_ =	shalt  }
0x7c: {  	_ =	shalt  }
0x7d: {  	_ =	shalt  }
0x7e: {  	_ =	shalt  }
0x7f: {  	_ =	shalt  }
0x80: {  	_ =	shalt  }
0x81: {  	_ =	shalt  }
0x82: {  	_ =	shalt  }
0x83: {  	_ =	shalt  }
0x84: {  	_ =	shalt  }
0x85: {  	_ =	shalt  }
0x86: {  	_ =	shalt  }
0x87: {  	_ =	shalt  }
.Lfunc_end0:
.L_simem_size_0:
called_computation_lowered:
.L_overlay_start_0:
0x88: {  	s2 =	sld [smem:$0x3FD9]  }
0x89: {  	s3 =	sld [smem:$0x3FFE];
	_ =	sdelay $0x1  }
0x8a: {  	s1 =	srdreg.scid  }
0x8b: {  	s0 =	sand.u32 $0x1, s1  }
0x8c: {  	s17 =	sshll.u32 s0, $0xA;
	s2 =	sadd.s32 s3, s2  }
0x8d: {  	s2 =	sadd.s32 s2, s17  }
0x8e: {  	[smem:$0x3FC3] =	sst s2  }
0x8f: {  	_ = 	snop  }
0x90: {  	s2 =	sld [smem:$0x3FC8]  }
0x91: {  	s18 =	sld [smem:$0x3FD0];
	(tm) =	ssettm $0x1  }
0x92: {  	s4 =	sld [smem:$0x3FFB];
	_ =	sdelay $0x3  }
0x93: {  	_ =	strace s4  }
0x94: {  	s4 =	sld [smem:$0x3FFC];
	_ =	sdelay $0x3  }
0x95: {  	_ =	strace s4  }
0x96: {  	s4 =	sld [smem:$0x3FFD];
	_ =	sdelay $0x3  }
0x97: {  	_ =	strace s4  }
0x98: {  	_ =	strace $0x8FFFFFFF  }
0x99: {  	s19 =	sld [smem:$0x3FDB];
	_ =	sdelay $0x1  }
0x9a: {  	s5 =	simm.s32 $_scs_section_size  }
0x9b: {  	s6 =	simm.s32 $_size__tile_overlayer_lowered;
	s7 =	simm.s32 $_tile_overlayer_lowered  }
0x9c: {  	s22 =	simm.s32 $0x1BFF;
	s21 =	sshll.u32 s7, $0x1;
	s4 =	sadd.s32 s5, s19  }
0x9d: {  	s8 =	simm.s32 $0x0;
	s20 =	sshll.u32 s6, $0x1;
	s6 =	sadd.s32 s21, s4  }
0x9e: {  	[timem:s8], [sflag:s22] =	dma.local [hbm:s6], s20  }
0x9f: {  	_ =	swait.ge [sflag:s22], s20  }
0xa0: {  	s5 =	ssub.s32 $0x0, s20;
	[sflag:s22] =	ssyncset.done $0x0  }
0xa1: {  	[sflag:s22] =	ssyncadd.s32 s5;
	_ =	sdelay $0x1  }
0xa2: {  	s23 =	simm.s32 $0x1B8B  }
0xa3: {  	_ =	swait.ge [sflag:s23], $0x1  }
0xa4: {  	[sflag:s23] =	ssyncset.done $0x0  }
0xa5: {  	s25 =	simm.s32 $0x1B8E;
	s24 =	sld [smem:$0x3FFE];
	[sflag:s23] =	ssyncadd.s32 $0xFFFFFFFF  }
0xa6: {  	s26 =	simm.s32 $execute0_lowered;
	[smem:$0x3FD2] =	sst s25  }
0xa7: {  	s6 =	sshll.u32 s26, $0x1;
	_ =	strace $0x80000046;
	[dreg:$0x1] =	wrdreg $0xFFFFFFFF  }
0xa8: {  	s28 =	simm.s32 $_size_execute0_lowered;
	s4 =	sadd.s32 s4, s6;
	[dreg:$0x0] =	wrdreg $0x0  }
0xa9: {  	s6 =	sshll.u32 s28, $0x1;
	[dreg:$0x2] =	wrdreg s4  }
0xaa: {  	[dreg:$0x3] =	wrdreg s6  }
0xab: {  	[dreg:$0x4] =	wrdreg $0xC0  }
0xac: {  	_ =	task [dreg:s8], $0x5FFFF  }
0xad: {  	[dreg:$0x1] =	wrdreg $0xFFFFFFFF  }
0xae: {  	[dreg:$0x0] =	wrdreg $0x60  }
0xaf: {  	[dreg:$0x2] =	wrdreg s24  }
0xb0: {  	[dreg:$0x3] =	wrdreg s2  }
0xb1: {  	[dreg:$0x4] =	wrdreg s18  }
0xb2: {  	[dreg:$0x5] =	wrdreg $0x9  }
0xb3: {  	_ =	task.clear_ibuf [dreg:s8], $0x6FFFF;
	_ =	strace $0x90000046  }
0xb4: {  	s29 =	simm.s32 $0x9;
	_ =	strace $0x80000048  }
0xb5: {  	_ =	swait.ge [sflag:s29], $0x1  }
0xb6: {  	[sflag:s29] =	ssyncadd.s32 $0xFFFFFFFF  }
0xb7: {  	_ =	strace $0x90000048  }
0xb8: {  	_ =	sfence  }
0xb9: {  	s30 =	sld [smem:$0x0];
	_ =	sdelay $0x2  }
0xba: {  	s31 =	sshll.u32 s1, $0xD;
	s1 =	sshrl.u32 s1, $0x2  }
0xbb: {  	s3 =	sand.u32 $0x4000, s31;
	s1 =	sadd.s32 s1, s30  }
0xbc: {  	s0 =	sor.u32 s3, s0;
	s1 =	sshll.u32 s1, $0x11  }
0xbd: {  	s0 =	sor.u32 s1, s0  }
0xbe: {  	s0 =	sadd.s32 $0x8F2B, s0  }
0xbf: {  	[sflag:s0] =	ssyncadd.remote.s32 $0x1  }
0xc0: {  	_ =	sfence.sel $0xFFFF  }
0xc1: {  	[dreg:$0x0] =	wrdreg $0xFFFFFFFF;
	(pc) =	sbr.abs _section_cstart, $3  }
0xc2: {  	[dreg:$0x1] =	wrdreg $0xFFFFFFFF  }
0xc3: {  	_ =	task.clear_ibuf [dreg:s8], $0x2FFFF;
	_ =	strace $0x9FFFFFFF  }
0xc4: {  	(tm) =	ssettm $0x7FFFFFFF  }
0xc5: {  	_ =	shalt  }
tec
execute0_lowered:
.L_overlay_start_1:
0x0: {  	(tag) =	ssettag $0x1  }
0x1: {  	s0 =	srdreg.scid;
	s3 =	stileid.u32  }
0x2: {  	s0 =	sand.u32 $0x1, s0;
	s1 =	sshll.u32 s3, $0x1;
	s26 =	smul.u32 $0xFFFFFFEC, s3  }
0x3: {  	s4 =	smul.u32 $0x3000, s3;
	s13 =	sor.u32 s0, s1  }
0x4: {  	s23 =	rddreg [dreg:$0x0];
	s5 =	ssub.s32 $0x2, s0;
	s2 =	smul.u32 $0xA, s13  }
0x5: {  	s18 =	sadd.s32 $0xA00, s23;
	s0 =	smul.u32 $0x8002, s13;
	s11 =	sshrl.u32 s5, $0x1  }
0x6: {  	s1 =	sadd.s32 s18, s4;
	s12 =	ssub.s32 s5, s11;
	s17 =	sadd.s32 s26, s2  }
0x7: {  	s26 =	sadd.s32 $0x199A, s0;
	[dreg:$0x17] =	wrdreg s12;
	s4 =	sadd.s32 $0x2667, s0  }
0x8: {  	s25 =	sadd.s32 $0x3334, s0;
	s31 =	sadd.s32 $0x4CCE, s0;
	s6 =	sshll.u32 s17, $0xC  }
0x9: {  	s7 =	sshll.u32 s17, $0x7;
	s9 =	sshrl.u32 s26, $0x10;
	[dreg:$0x1f] =	wrdreg s4  }
0xa: {  	s15 =	sor.u32 $0x1, s17;
	s12 =	sshrl.u32 s4, $0x10;
	[smem:$0x7EA] =	sst s25  }
0xb: {  	s17 =	sshll.u32 s17, $0xA;
	s8 =	sand.u32 $0xFFFF8000, s6;
	s10 =	sand.u32 $0x300, s7  }
0xc: {  	[dreg:$0x1c] =	wrdreg s15;
	s16 =	sshll.u32 s15, $0x7;
	s22 =	smul.u32 $0xFFFFFFEC, s12  }
0xd: {  	s17 =	sand.u32 $0x1FFFF800, s17;
	s6 =	sor.u32 s10, s8;
	s10 =	smul.u32 $0xFFFFFFEC, s9  }
0xe: {  	s5 =	sand.u32 $0x380, s16;
	s16 =	sshrl.u32 s25, $0x10;
	s6 =	sshrl.u32 s6, $0x3  }
0xf: {  	s5 =	sor.u32 s5, s8;
	s8 =	sadd.s32 s22, s2;
	s28 =	smul.u32 $0x3000, s16  }
0x10: {  	s14 =	sadd.s32 s6, s1;
	s19 =	sadd.s32 s10, s2;
	s24 =	sshrl.u32 s5, $0x3  }
0x11: {  	s4 =	sadd.s32 $0x3, s8;
	s5 =	smul.u32 $0xFFFFFFEC, s16;
	[dreg:$0x18] =	wrdreg s14  }
0x12: {  	s20 =	sadd.s32 $0x2, s19;
	[dreg:$0x1a] =	wrdreg s4;
	s1 =	sadd.s32 s24, s1  }
0x13: {  	s14 =	sshll.u32 s4, $0x7;
	[dreg:$0x19] =	wrdreg s20;
	s21 =	sshll.u32 s20, $0xC  }
0x14: {  	s3 =	sshll.u32 s20, $0x7;
	[smem:$0x7EC] =	sst s1;
	s10 =	sadd.s32 s5, s2  }
0x15: {  	s8 =	sand.u32 $0x380, s14;
	s5 =	smul.u32 $0x5000, s9;
	s15 =	sadd.s32 $0x4, s10  }
0x16: {  	s7 =	sand.u32 $0xFFFF8000, s21;
	s11 =	sand.u32 $0x300, s3;
	[dreg:$0x1d] =	wrdreg s15  }
0x17: {  	s6 =	sor.u32 s11, s7;
	s7 =	sshll.u32 s4, $0xC;
	[smem:$0x7E9] =	sst s5  }
0x18: {  	s11 =	sadd.s32 $0x4001, s0;
	s19 =	sshll.u32 s15, $0xC;
	[dreg:$0x1b] =	wrdreg s6  }
0x19: {  	s21 =	sshll.u32 s15, $0x7;
	s1 =	sand.u32 $0xFFFF8000, s7;
	[smem:$0x7EB] =	sst s11  }
0x1a: {  	s11 =	sshrl.u32 s11, $0x10;
	s20 =	sand.u32 $0xFFFF8000, s19;
	s19 =	smul.u32 $0x3000, s9  }
0x1b: {  	s14 =	smul.u32 $0xFFFFFFEC, s11;
	s1 =	sor.u32 s8, s1;
	s8 =	sand.u32 $0x300, s21  }
0x1c: {  	s21 =	sadd.s32 $0x599B, s0;
	s5 =	smul.u32 $0x3000, s11;
	[smem:$0x7EE] =	sst s1  }
0x1d: {  	s1 =	sor.u32 s8, s20;
	s8 =	sshrl.u32 s31, $0x10;
	s20 =	sadd.s32 $0x6668, s0  }
0x1e: {  	s22 =	sadd.s32 s14, s2;
	[smem:$0x7F0] =	sst s1;
	s5 =	sadd.s32 s18, s5  }
0x1f: {  	s15 =	smul.u32 $0xFFFFFFEC, s8;
	s24 =	sadd.s32 $0x5, s22;
	[smem:$0x7F3] =	sst s5  }
0x20: {  	s31 =	sand.u32 $0x1F0000, s31;
	s22 =	smul.u32 $0x5000, s16;
	[dreg:$0x1e] =	wrdreg s24  }
0x21: {  	s25 =	sshll.u32 s24, $0xC;
	s4 =	sshll.u32 s24, $0x7;
	s24 =	smul.u32 $0x3000, s12  }
0x22: {  	s6 =	sadd.s32 s15, s2;
	s15 =	smul.u32 $0x5000, s12;
	s12 =	sshrl.u32 s21, $0x10  }
0x23: {  	s1 =	sand.u32 $0xFFFF8000, s25;
	s14 =	sand.u32 $0x380, s4;
	s7 =	smul.u32 $0xFFFFFFEC, s12  }
0x24: {  	s4 =	sshrl.u32 s20, $0x10;
	s1 =	sor.u32 s14, s1;
	s14 =	sadd.s32 $0x6, s6  }
0x25: {  	s29 =	smul.u32 $0xFFFFFFEC, s4;
	s9 =	sshll.u32 s14, $0xC;
	s25 =	sshll.u32 s14, $0x7  }
0x26: {  	s0 =	sadd.s32 s7, s2;
	s9 =	sand.u32 $0xFFFF8000, s9;
	s25 =	sand.u32 $0x300, s25  }
0x27: {  	s16 =	sadd.s32 s29, s2;
	s2 =	sadd.s32 $0x9, s2;
	s10 =	sor.u32 s25, s9  }
0x28: {  	s7 =	smul.u32 $0xCCD, s2;
	[smem:$0x7F4] =	sst s10;
	s10 =	sadd.s32 $0x7, s0  }
0x29: {  	s20 =	sand.u32 $0x1F0000, s20;
	[smem:$0x7F2] =	sst s1;
	s0 =	sshll.u32 s10, $0xC  }
0x2a: {  	s29 =	sshll.u32 s10, $0x7;
	s3 =	sshrl.u32 s7, $0x10;
	s7 =	sand.u32 $0x3F0000, s7  }
0x2b: {  	s25 =	sand.u32 $0xFFFF8000, s0;
	s30 =	sand.u32 $0x380, s29;
	s1 =	smul.u32 $0xFFFFFFEC, s3  }
0x2c: {  	s29 =	sadd.s32 $0x8, s16;
	s16 =	sor.u32 s30, s25;
	s25 =	smul.u32 $0x3000, s8  }
0x2d: {  	s9 =	sshll.u32 s29, $0xC;
	s6 =	sshll.u32 s29, $0x7;
	s8 =	smul.u32 $0x5000, s8  }
0x2e: {  	s9 =	sand.u32 $0xFFFF8000, s9;
	s0 =	sand.u32 $0x300, s6;
	s6 =	smul.u32 $0x3000, s12  }
0x2f: {  	[smem:$0x7F6] =	sst s16;
	s16 =	sadd.s32 s18, s24;
	s24 =	smul.u32 $0x3000, s4  }
0x30: {  	s12 =	smul.u32 $0x5000, s12;
	s0 =	sor.u32 s0, s9;
	[smem:$0x7EF] =	sst s16  }
0x31: {  	s9 =	sadd.s32 s2, s1;
	s2 =	sadd.s32 s18, s19;
	[smem:$0x7F8] =	sst s0  }
0x32: {  	s4 =	smul.u32 $0x5000, s4;
	s19 =	sadd.s32 s18, s28;
	[smem:$0x7ED] =	sst s2  }
0x33: {  	s16 =	stileid.u32;
	[smem:$0x7F1] =	sst s19;
	s0 =	sadd.s32 s18, s25  }
0x34: {  	s25 =	smul.u32 $0x3000, s3;
	s1 =	sadd.s32 s18, s6;
	s5 =	sadd.s32 s18, s24  }
0x35: {  	s6 =	sshll.u32 s13, $0x7;
	s2 =	sshrl.u32 s16, $0x2;
	[smem:$0x7F5] =	sst s0  }
0x36: {  	s19 =	sshll.u32 s9, $0xC;
	s24 =	sshll.u32 s9, $0x7;
	[smem:$0x7F7] =	sst s1  }
0x37: {  	s16 =	smul.u32 $0x5000, s16;
	[smem:$0x7F9] =	sst s5;
	s1 =	sand.u32 $0x380, s6  }
0x38: {  	s6 =	smul.u32 $0x5000, s11;
	s5 =	sand.u32 $0xFFFF8000, s19;
	s11 =	sand.u32 $0x380, s24  }
0x39: {  	s24 =	stileid.u32;
	s19 =	sld [smem:$0x7E9];
	s0 =	sadd.s32 s18, s25  }
0x3a: {  	s25 =	sshll.u32 s2, $0xA;
	s5 =	sor.u32 s11, s5;
	[smem:$0x7FC] =	sst s0  }
0x3b: {  	s2 =	sshll.u32 s2, $0xF;
	[smem:$0x7FB] =	sst s5;
	s0 =	sadd.s32 $0x130A00, s23  }
0x3c: {  	s11 =	sor.u32 s25, s1;
	s2 =	sor.u32 s2, s1;
	s18 =	sadd.s32 s0, s16  }
0x3d: {  	s5 =	sadd.s32 s0, s19;
	s16 =	sadd.s32 s0, s15;
	s19 =	sadd.s32 s0, s22  }
0x3e: {  	s30 =	sadd.s32 s0, s6;
	s22 =	smul.u32 $0x5000, s3;
	s3 =	rddreg [dreg:$0x1]  }
0x3f: {  	s25 =	sadd.s32 s0, s4;
	s6 =	sshll.u32 s24, $0x10;
	s24 =	rddreg [dreg:$0x1c]  }
0x40: {  	s8 =	sadd.s32 s0, s8;
	s12 =	sadd.s32 s0, s12;
	[smem:$0x7FA] =	sst s25  }
0x41: {  	s2 =	sshrl.u32 s2, $0x3;
	s4 =	sshrl.u32 s11, $0x3;
	s25 =	sld [smem:$0x7EA]  }
0x42: {  	s15 =	sadd.s32 s4, s23;
	s4 =	sand.u32 $0x1F0000, s21;
	s21 =	sld [smem:$0x7EC]  }
0x43: {  	s0 =	sadd.s32 s0, s22;
	s22 =	sand.u32 $0x1F0000, s26;
	s26 =	sld [smem:$0x7EB]  }
0x44: {  	[smem:$0x7FD] =	sst s0;
	s0 =	sadd.s32 s3, s2;
	s3 =	sshll.u32 s13, $0x10  }
0x45: {  	s13 =	sadd.s32 $0x30A00, s23;
	s2 =	sshll.u32 s24, $0xA;
	[dreg:$0x4] =	wrdreg s0  }
0x46: {  	s11 =	sadd.s32 s3, s23;
	s6 =	sadd.s32 s13, s6;
	s23 =	rddreg [dreg:$0x1f]  }
0x47: {  	s22 =	sadd.s32 s13, s22;
	s0 =	sand.u32 $0x1F0000, s25;
	s28 =	sadd.s32 s13, s4  }
0x48: {  	s7 =	sadd.s32 s13, s7;
	s2 =	sand.u32 $0x1FFFFC00, s2;
	s1 =	sand.u32 $0x1F0000, s23  }
0x49: {  	s4 =	rddreg [dreg:$0x1b];
	s24 =	sadd.s32 s13, s0;
	s23 =	sadd.s32 s13, s1  }
0x4a: {  	s1 =	sand.u32 $0x1F0000, s26;
	s26 =	sadd.s32 s13, s31;
	s31 =	sadd.s32 s13, s20  }
0x4b: {  	s20 =	sld [smem:$0x7ED];
	s25 =	sadd.s32 s13, s1;
	s13 =	sadd.s32 s13, s3  }
0x4c: {  	s3 =	sadd.s32 s17, s18;
	s17 =	sadd.s32 s2, s18;
	s18 =	rddreg [dreg:$0x19]  }
0x4d: {  	s0 =	sshrl.u32 s4, $0x3;
	s1 =	sshll.u32 s18, $0xA;
	s18 =	sld [smem:$0x7EE]  }
0x4e: {  	s4 =	sadd.s32 s0, s20;
	s2 =	sand.u32 $0x1FFFF800, s1;
	s20 =	sld [smem:$0x7EF]  }
0x4f: {  	s0 =	sadd.s32 s2, s5;
	s2 =	sld [smem:$0x7F0]  }
0x50: {  	s5 =	rddreg [dreg:$0x1d]  }
0x51: {  	s1 =	sshrl.u32 s18, $0x3;
	[dreg:$0x6] =	wrdreg s0  }
0x52: {  	s0 =	sadd.s32 s1, s20;
	s1 =	rddreg [dreg:$0x1a]  }
0x53: {  	s20 =	rddreg [dreg:$0x18]  }
0x54: {  	[dreg:$0x7] =	wrdreg s0;
	s0 =	sshll.u32 s1, $0xA;
	s1 =	sshrl.u32 s2, $0x3  }
0x55: {  	s2 =	sshll.u32 s5, $0xA;
	s5 =	sld [smem:$0x7F3];
	s0 =	sand.u32 $0x1FFFFC00, s0  }
0x56: {  	s0 =	sadd.s32 s0, s16;
	s16 =	sld [smem:$0x7F1]  }
0x57: {  	s18 =	sand.u32 $0x1FFFF800, s2;
	s2 =	rddreg [dreg:$0x1e]  }
0x58: {  	[dreg:$0x8] =	wrdreg s0  }
0x59: {  	s0 =	sadd.s32 s1, s16;
	s1 =	sld [smem:$0x7F2]  }
0x5a: {  	[dreg:$0x9] =	wrdreg s0  }
0x5b: {  	s0 =	sadd.s32 s18, s19;
	s18 =	sld [smem:$0x7F4]  }
0x5c: {  	s19 =	sld [smem:$0x7F5]  }
0x5d: {  	[dreg:$0xa] =	wrdreg s0;
	s0 =	sshrl.u32 s1, $0x3;
	s1 =	sshll.u32 s2, $0xA  }
0x5e: {  	s2 =	sshll.u32 s14, $0xA;
	s14 =	sshll.u32 s10, $0xA;
	s10 =	sld [smem:$0x7FB]  }
0x5f: {  	s0 =	sadd.s32 s0, s5;
	s16 =	sand.u32 $0x1FFFFC00, s1;
	s5 =	sld [smem:$0x7F6]  }
0x60: {  	s1 =	sshrl.u32 s18, $0x3;
	s18 =	sand.u32 $0x1FFFFC00, s14;
	s14 =	sld [smem:$0x7FC]  }
0x61: {  	[dreg:$0xb] =	wrdreg s0  }
0x62: {  	s0 =	sadd.s32 s16, s30;
	s16 =	sld [smem:$0x7F7]  }
0x63: {  	[dreg:$0xc] =	wrdreg s0;
	s0 =	sadd.s32 s1, s19  }
0x64: {  	s19 =	sshll.u32 s29, $0xA;
	s29 =	simm.s32 $0x0;
	[dreg:$0xd] =	wrdreg s0  }
0x65: {  	[smem:$0x7FF] =	sst s29  }
0x66: {  	s0 =	sand.u32 $0x1FFFF800, s2;
	s1 =	sshrl.u32 s5, $0x3;
	s5 =	sld [smem:$0x7F8]  }
0x67: {  	s2 =	smov.u32 s4;
	s4 =	smov.u32 s6;
	s6 =	sld [smem:$0x7F9]  }
0x68: {  	s0 =	sadd.s32 s0, s8;
	s8 =	sld [smem:$0x7FA]  }
0x69: {  	[dreg:$0xe] =	wrdreg s0;
	s0 =	sadd.s32 s1, s16  }
0x6a: {  	s30 =	smov.u32 s7;
	[dreg:$0xf] =	wrdreg s0;
	s0 =	sadd.s32 s18, s12  }
0x6b: {  	s7 =	simm.s32 $0x2;
	[dreg:$0x10] =	wrdreg s0;
	s0 =	sand.u32 $0x1FFFF800, s19  }
0x6c: {  	s1 =	sshrl.u32 s5, $0x3;
	s12 =	sshll.u32 s9, $0xA;
	s0 =	sadd.s32 s0, s8  }
0x6d: {  	s1 =	sadd.s32 s1, s6;
	[dreg:$0x12] =	wrdreg s0;
	s0 =	sshrl.u32 s10, $0x3  }
0x6e: {  	s9 =	simm.s32 $0x40;
	[dreg:$0x11] =	wrdreg s1;
	s0 =	sadd.s32 s0, s14  }
0x6f: {  	s19 =	stileid.u32;
	s6 =	simm.s32 $0x400;
	[dreg:$0x13] =	wrdreg s0  }
0x70: {  	s0 =	smov.u32 s3;
	s3 =	smov.u32 s17;
	s17 =	sadd.s32 $0x180A00, s15  }
0x71: {  	s1 =	sand.u32 $0x1FFFFC00, s12;
	_ =	strace $0x80000047;
	[dreg:$0x15] =	wrdreg s17  }
0x72: {  	p0 =	sgt.u32 s19, $0x7;
	s8 =	simm.s32 $0x3080;
	s16 =	sld [smem:$0x7FD]  }
.Ltmp0:
0x73: {  	s12 =	simm.s32 $0x2000;
	s18 =	rddreg [dreg:$0x17];
	(pc) =	sbr.rel .LBB2_1-.Ltmp0, $4  }
0x74: {  	s10 =	simm.s32 $0x3180;
	[dreg:$0x5] =	wrdreg s4;
	s5 =	smax.u32 s18, $0x1  }
0x75: {  	s14 =	simm.s32 $0x3100;
	s15 =	simm.s32 $0x5180;
	[dreg:$0x16] =	wrdreg s5  }
0x76: {  	s5 =	simm.s32 $0x80;
	s1 =	sadd.s32 s1, s16;
	s16 =	simm.s32 $0x0  }
0x77: {  	v0 =	vimm.s32 $0x0;
	v1 =	vlaneseq.u32;
	[dreg:$0x14] =	wrdreg s1;
	s1 =	sadd.s32 $0x180C00, s11;
	s11 =	simm.s32 $0x1  }
.LBB2_29:
0x78: {  	[sflag:s7] =	ssyncadd.s32 $0xFFFFC000;
	s20 =	smov.u32 s21;
	s21 =	smov.u32 s22  }
0x79: {  	s22 =	smov.u32 s23;
	s23 =	smov.u32 s24;
	s24 =	smov.u32 s25  }
0x7a: {  	s25 =	smov.u32 s26;
	s26 =	smov.u32 s28;
	s28 =	smov.u32 s31  }
0x7b: {  	s31 =	smov.u32 s30;
	s30 =	smov.u32 s0;
	s0 =	smov.u32 s3  }
0x7c: {  	s3 =	smov.u32 s2;
	s2 =	smov.u32 s4;
	s4 =	rddreg [dreg:$0x5]  }
.LBB2_30:
0x7d: {  	s16 =	sadd.s32 $0x1, s16;
	s17 =	rddreg [dreg:$0x16]  }
0x7e: {  	p1 =	sne.s32 s16, s17  }
.Ltmp1:
0x7f: {  	_ = 	snop;
	(pc) =	sbr.rel @!p1 .LBB2_31-.Ltmp1, $1  }
0x80: {  	_ =	sdelay $0x3  }
.LBB2_1:
0x81: {  	[tilespmem:s29], [sflag:$0x2] =	stream.strided.gather [hbm4b:s20+s5], $0x1000, s6, s5, $0x38;
	[tilespmem:$0x9200] =	vst v63  }
0x82: {  	_ =	swait.ge [sflag:s7], $0x1000  }
0x83: {  	[sflag:s7] =	ssyncset.done $0x0  }
0x84: {  	s17 =	simm.s32 $0x10;
	s18 =	simm.s32 $0x0;
	v2 =	vimm.s32 $0x0;
	[sflag:s7] =	ssyncadd.s32 $0xFFFFF000  }
.LBB2_2:
0x85: {  	v3 =	vld [tilespmem:s17+$0xFFFFFFF0];
	_ =	sdelay $0x4  }
0x86: {  	vm0 =	vgt.f32 v3, $5.000000000e-01  }
0x87: {  	v3 =	vsel vm0, $0x1, v0  }
0x88: {  	(xrf0) =	vadd.scan.msk.s32 $0xffff, v3;
	_ =	sdelay $0x4  }
0x89: {  	v3 =	vsel vm0, $0xFFFFFFFF, v0  }
0x8a: {  	v3 =	vadd.s32 v3, v2;
	v4, _, _ =	vpop (xrf0)  }
0x8b: {  	v3 =	vadd.s32 v4, v3;
	_ =	sdelay $0x3  }
0x8c: {  	v61 =	vor.u32 s18, v1  }
0x8d: {  	[tilespmem:v3+s8+$0x0] =	vst.idx.msk vm0, v61  }
0x8e: {  	v3 =	vld [tilespmem:s17+$0x0];
	_ =	sdelay $0x4  }
0x8f: {  	vm1 =	vgt.f32 v3, $5.000000000e-01  }
0x90: {  	v3 =	vsel vm1, $0x1, v0  }
0x91: {  	(xrf0) =	vadd.scan.msk.s32 $0xffff, v3;
	_ =	sdelay $0x2  }
0x92: {  	v3 =	vmpcnt.ones.xlane vm0;
	_ =	sdelay $0x1  }
0x93: {  	v2 =	vadd.s32 v2, v3;
	v3 =	vsel vm1, $0xFFFFFFFF, v0  }
0x94: {  	v3 =	vadd.s32 v3, v2;
	v62, _, _ =	vpop (xrf0)  }
0x95: {  	p1 =	sne.s32 s18, $0xFE0;
	v3 =	vadd.s32 v62, v3  }
.Ltmp2:
0x96: {  	_ = 	snop;
	(pc) =	sbr.rel @p1 .LBB2_2-.Ltmp2, $4  }
0x97: {  	_ = 	snop  }
0x98: {  	s19 =	sadd.s32 $0x10, s18;
	v63 =	vmpcnt.ones.xlane vm1  }
0x99: {  	v5 =	vor.u32 s19, v1  }
0x9a: {  	s18 =	sadd.s32 $0x20, s18;
	s17 =	sadd.s32 $0x20, s17;
	v2 =	vadd.s32 v2, v63;
	[tilespmem:v3+s8+$0x0] =	vst.idx.msk vm1, v5  }
0x9b: {  	[tilespmem:s10], [sflag:$0x1] =	stream.indirect.gather [hbm4b:s4+s9], $0x80, s8, s9, $0xb8;
	[tilespmem:$0x9200] =	vst v63  }
0x9c: {  	_ =	swait.ge [sflag:s11], $0x2000  }
0x9d: {  	[sflag:s11] =	ssyncset.done $0x0  }
0x9e: {  	s17 =	simm.s32 $0x0;
	[sflag:s11] =	ssyncadd.s32 $0xFFFFE000  }
0x9f: {  	[hbm4b:s0+s17] =	stream.linear.scatter [tilespmem:s10], [sflag:$0x2], $0x2000, $0x38;
	[tilespmem:$0x9200] =	vst v63  }
0xa0: {  	_ =	swait.ge [sflag:s7], $0x2000  }
0xa1: {  	[sflag:s7] =	ssyncset.done $0x0  }
0xa2: {  	[sflag:s7] =	ssyncadd.s32 $0xFFFFE000  }
0xa3: {  	[tilespmem:s17], [sflag:$0x2] =	stream.strided.gather [hbm4b:s21+s5], $0x1000, s6, s5, $0x38;
	[tilespmem:$0x9200] =	vst v63  }
0xa4: {  	_ =	swait.ge [sflag:s7], $0x1000  }
0xa5: {  	[sflag:s7] =	ssyncset.done $0x0  }
0xa6: {  	v2 =	vimm.s32 $0x0;
	s18 =	simm.s32 $0x10;
	[sflag:s7] =	ssyncadd.s32 $0xFFFFF000  }
.LBB2_4:
0xa7: {  	v3 =	vld [tilespmem:s18+$0xFFFFFFF0];
	_ =	sdelay $0x4  }
0xa8: {  	vm0 =	vgt.f32 v3, $5.000000000e-01  }
0xa9: {  	v3 =	vsel vm0, $0x1, v0  }
0xaa: {  	(xrf0) =	vadd.scan.msk.s32 $0xffff, v3;
	_ =	sdelay $0x4  }
0xab: {  	v3 =	vsel vm0, $0xFFFFFFFF, v0  }
0xac: {  	v3 =	vadd.s32 v3, v2;
	v4, _, _ =	vpop (xrf0)  }
0xad: {  	v3 =	vadd.s32 v4, v3;
	_ =	sdelay $0x3  }
0xae: {  	v61 =	vor.u32 s17, v1  }
0xaf: {  	[tilespmem:v3+s8+$0x0] =	vst.idx.msk vm0, v61  }
0xb0: {  	v3 =	vld [tilespmem:s18+$0x0];
	_ =	sdelay $0x4  }
0xb1: {  	vm1 =	vgt.f32 v3, $5.000000000e-01  }
0xb2: {  	v3 =	vsel vm1, $0x1, v0  }
0xb3: {  	(xrf0) =	vadd.scan.msk.s32 $0xffff, v3;
	_ =	sdelay $0x2  }
0xb4: {  	v3 =	vmpcnt.ones.xlane vm0;
	_ =	sdelay $0x1  }
0xb5: {  	v2 =	vadd.s32 v2, v3;
	v3 =	vsel vm1, $0xFFFFFFFF, v0  }
0xb6: {  	v3 =	vadd.s32 v3, v2;
	v62, _, _ =	vpop (xrf0)  }
0xb7: {  	p1 =	sne.s32 s17, $0xFE0;
	v3 =	vadd.s32 v62, v3  }
.Ltmp3:
0xb8: {  	_ = 	snop;
	(pc) =	sbr.rel @p1 .LBB2_4-.Ltmp3, $4  }
0xb9: {  	_ = 	snop  }
0xba: {  	s19 =	sadd.s32 $0x10, s17;
	v63 =	vmpcnt.ones.xlane vm1  }
0xbb: {  	v5 =	vor.u32 s19, v1  }
0xbc: {  	s17 =	sadd.s32 $0x20, s17;
	s18 =	sadd.s32 $0x20, s18;
	v2 =	vadd.s32 v2, v63;
	[tilespmem:v3+s8+$0x0] =	vst.idx.msk vm1, v5  }
0xbd: {  	[tilespmem:s10], [sflag:$0x1] =	stream.indirect.gather [hbm4b:s4+s9], $0x80, s8, s9, $0xb8;
	[tilespmem:$0x9200] =	vst v63  }
0xbe: {  	_ =	swait.ge [sflag:s11], $0x2000  }
0xbf: {  	[sflag:s11] =	ssyncset.done $0x0  }
0xc0: {  	s17 =	simm.s32 $0x0;
	[sflag:s11] =	ssyncadd.s32 $0xFFFFE000  }
0xc1: {  	[hbm4b:s3+s17] =	stream.linear.scatter [tilespmem:s10], [sflag:$0x2], $0x2000, $0x38;
	[tilespmem:$0x9200] =	vst v63  }
0xc2: {  	_ =	swait.ge [sflag:s7], $0x2000  }
0xc3: {  	[sflag:s7] =	ssyncset.done $0x0  }
0xc4: {  	[sflag:s7] =	ssyncadd.s32 $0xFFFFE000  }
0xc5: {  	[tilespmem:s17], [sflag:$0x2] =	stream.strided.gather [hbm4b:s2+s5], $0x1000, s6, s5, $0x38;
	[tilespmem:$0x9200] =	vst v63  }
0xc6: {  	_ =	swait.ge [sflag:s7], $0x1000  }
0xc7: {  	[sflag:s7] =	ssyncset.done $0x0  }
0xc8: {  	v2 =	vimm.s32 $0x0;
	s18 =	simm.s32 $0x10;
	[sflag:s7] =	ssyncadd.s32 $0xFFFFF000  }
.LBB2_6:
0xc9: {  	v3 =	vld [tilespmem:s18+$0xFFFFFFF0];
	_ =	sdelay $0x4  }
0xca: {  	vm0 =	vgt.f32 v3, $5.000000000e-01  }
0xcb: {  	v3 =	vsel vm0, $0x1, v0  }
0xcc: {  	(xrf0) =	vadd.scan.msk.s32 $0xffff, v3;
	_ =	sdelay $0x4  }
0xcd: {  	v3 =	vsel vm0, $0xFFFFFFFF, v0  }
0xce: {  	v3 =	vadd.s32 v3, v2;
	v4, _, _ =	vpop (xrf0)  }
0xcf: {  	v3 =	vadd.s32 v4, v3;
	_ =	sdelay $0x3  }
0xd0: {  	v61 =	vor.u32 s17, v1  }
0xd1: {  	[tilespmem:v3+s8+$0x0] =	vst.idx.msk vm0, v61  }
0xd2: {  	v3 =	vld [tilespmem:s18+$0x0];
	_ =	sdelay $0x4  }
0xd3: {  	vm1 =	vgt.f32 v3, $5.000000000e-01  }
0xd4: {  	v3 =	vsel vm1, $0x1, v0  }
0xd5: {  	(xrf0) =	vadd.scan.msk.s32 $0xffff, v3;
	_ =	sdelay $0x2  }
0xd6: {  	v3 =	vmpcnt.ones.xlane vm0;
	_ =	sdelay $0x1  }
0xd7: {  	v2 =	vadd.s32 v2, v3;
	v3 =	vsel vm1, $0xFFFFFFFF, v0  }
0xd8: {  	v3 =	vadd.s32 v3, v2;
	v62, _, _ =	vpop (xrf0)  }
0xd9: {  	p1 =	sne.s32 s17, $0xFE0;
	v3 =	vadd.s32 v62, v3  }
.Ltmp4:
0xda: {  	_ = 	snop;
	(pc) =	sbr.rel @p1 .LBB2_6-.Ltmp4, $4  }
0xdb: {  	_ = 	snop  }
0xdc: {  	s19 =	sadd.s32 $0x10, s17;
	v63 =	vmpcnt.ones.xlane vm1  }
0xdd: {  	v5 =	vor.u32 s19, v1  }
0xde: {  	s17 =	sadd.s32 $0x20, s17;
	s18 =	sadd.s32 $0x20, s18;
	v2 =	vadd.s32 v2, v63;
	[tilespmem:v3+s8+$0x0] =	vst.idx.msk vm1, v5  }
0xdf: {  	[tilespmem:s10], [sflag:$0x1] =	stream.indirect.gather [hbm4b:s22+s9], $0x80, s8, s9, $0xb8;
	[tilespmem:$0x9200] =	vst v63  }
0xe0: {  	_ =	swait.ge [sflag:s11], $0x2000  }
0xe1: {  	[sflag:s11] =	ssyncset.done $0x0  }
0xe2: {  	s17 =	simm.s32 $0x0;
	s18 =	rddreg [dreg:$0x6];
	[sflag:s11] =	ssyncadd.s32 $0xFFFFE000  }
0xe3: {  	[hbm4b:s18+s17] =	stream.linear.scatter [tilespmem:s10], [sflag:$0x2], $0x2000, $0x38;
	[tilespmem:$0x9200] =	vst v63  }
0xe4: {  	_ =	swait.ge [sflag:s7], $0x2000  }
0xe5: {  	[sflag:s7] =	ssyncset.done $0x0  }
0xe6: {  	s19 =	rddreg [dreg:$0x7];
	[sflag:s7] =	ssyncadd.s32 $0xFFFFE000  }
0xe7: {  	[tilespmem:s17], [sflag:$0x2] =	stream.strided.gather [hbm4b:s19+s5], $0x1000, s6, s5, $0x38;
	[tilespmem:$0x9200] =	vst v63  }
0xe8: {  	_ =	swait.ge [sflag:s7], $0x1000  }
0xe9: {  	[sflag:s7] =	ssyncset.done $0x0  }
0xea: {  	v2 =	vimm.s32 $0x0;
	s18 =	simm.s32 $0x10;
	[sflag:s7] =	ssyncadd.s32 $0xFFFFF000  }
.LBB2_8:
0xeb: {  	v3 =	vld [tilespmem:s18+$0xFFFFFFF0];
	_ =	sdelay $0x4  }
0xec: {  	vm0 =	vgt.f32 v3, $5.000000000e-01  }
0xed: {  	v3 =	vsel vm0, $0x1, v0  }
0xee: {  	(xrf0) =	vadd.scan.msk.s32 $0xffff, v3;
	_ =	sdelay $0x4  }
0xef: {  	v3 =	vsel vm0, $0xFFFFFFFF, v0  }
0xf0: {  	v3 =	vadd.s32 v3, v2;
	v4, _, _ =	vpop (xrf0)  }
0xf1: {  	v3 =	vadd.s32 v4, v3;
	_ =	sdelay $0x3  }
0xf2: {  	v61 =	vor.u32 s17, v1  }
0xf3: {  	[tilespmem:v3+s8+$0x0] =	vst.idx.msk vm0, v61  }
0xf4: {  	v3 =	vld [tilespmem:s18+$0x0];
	_ =	sdelay $0x4  }
0xf5: {  	vm1 =	vgt.f32 v3, $5.000000000e-01  }
0xf6: {  	v3 =	vsel vm1, $0x1, v0  }
0xf7: {  	(xrf0) =	vadd.scan.msk.s32 $0xffff, v3;
	_ =	sdelay $0x2  }
0xf8: {  	v3 =	vmpcnt.ones.xlane vm0;
	_ =	sdelay $0x1  }
0xf9: {  	v2 =	vadd.s32 v2, v3;
	v3 =	vsel vm1, $0xFFFFFFFF, v0  }
0xfa: {  	v3 =	vadd.s32 v3, v2;
	v62, _, _ =	vpop (xrf0)  }
0xfb: {  	p1 =	sne.s32 s17, $0xFE0;
	v3 =	vadd.s32 v62, v3  }
.Ltmp5:
0xfc: {  	_ = 	snop;
	(pc) =	sbr.rel @p1 .LBB2_8-.Ltmp5, $4  }
0xfd: {  	_ = 	snop  }
0xfe: {  	s19 =	sadd.s32 $0x10, s17;
	v63 =	vmpcnt.ones.xlane vm1  }
0xff: {  	v5 =	vor.u32 s19, v1  }
0x100: {  	s17 =	sadd.s32 $0x20, s17;
	s18 =	sadd.s32 $0x20, s18;
	v2 =	vadd.s32 v2, v63;
	[tilespmem:v3+s8+$0x0] =	vst.idx.msk vm1, v5  }
0x101: {  	[tilespmem:s10], [sflag:$0x1] =	stream.indirect.gather [hbm4b:s23+s9], $0x80, s8, s9, $0xb8;
	[tilespmem:$0x9200] =	vst v63  }
0x102: {  	_ =	swait.ge [sflag:s11], $0x2000  }
0x103: {  	[sflag:s11] =	ssyncset.done $0x0  }
0x104: {  	s17 =	simm.s32 $0x0;
	s18 =	rddreg [dreg:$0x8];
	[sflag:s11] =	ssyncadd.s32 $0xFFFFE000  }
0x105: {  	[hbm4b:s18+s17] =	stream.linear.scatter [tilespmem:s10], [sflag:$0x2], $0x2000, $0x38;
	[tilespmem:$0x9200] =	vst v63  }
0x106: {  	_ =	swait.ge [sflag:s7], $0x2000  }
0x107: {  	[sflag:s7] =	ssyncset.done $0x0  }
0x108: {  	s19 =	rddreg [dreg:$0x9];
	[sflag:s7] =	ssyncadd.s32 $0xFFFFE000  }
0x109: {  	[tilespmem:s17], [sflag:$0x2] =	stream.strided.gather [hbm4b:s19+s5], $0x1000, s6, s5, $0x38;
	[tilespmem:$0x9200] =	vst v63  }
0x10a: {  	_ =	swait.ge [sflag:s7], $0x1000  }
0x10b: {  	[sflag:s7] =	ssyncset.done $0x0  }
0x10c: {  	v2 =	vimm.s32 $0x0;
	s18 =	simm.s32 $0x10;
	[sflag:s7] =	ssyncadd.s32 $0xFFFFF000  }
.LBB2_10:
0x10d: {  	v3 =	vld [tilespmem:s18+$0xFFFFFFF0];
	_ =	sdelay $0x4  }
0x10e: {  	vm0 =	vgt.f32 v3, $5.000000000e-01  }
0x10f: {  	v3 =	vsel vm0, $0x1, v0  }
0x110: {  	(xrf0) =	vadd.scan.msk.s32 $0xffff, v3;
	_ =	sdelay $0x4  }
0x111: {  	v3 =	vsel vm0, $0xFFFFFFFF, v0  }
0x112: {  	v3 =	vadd.s32 v3, v2;
	v4, _, _ =	vpop (xrf0)  }
0x113: {  	v3 =	vadd.s32 v4, v3;
	_ =	sdelay $0x3  }
0x114: {  	v61 =	vor.u32 s17, v1  }
0x115: {  	[tilespmem:v3+s8+$0x0] =	vst.idx.msk vm0, v61  }
0x116: {  	v3 =	vld [tilespmem:s18+$0x0];
	_ =	sdelay $0x4  }
0x117: {  	vm1 =	vgt.f32 v3, $5.000000000e-01  }
0x118: {  	v3 =	vsel vm1, $0x1, v0  }
0x119: {  	(xrf0) =	vadd.scan.msk.s32 $0xffff, v3;
	_ =	sdelay $0x2  }
0x11a: {  	v3 =	vmpcnt.ones.xlane vm0;
	_ =	sdelay $0x1  }
0x11b: {  	v2 =	vadd.s32 v2, v3;
	v3 =	vsel vm1, $0xFFFFFFFF, v0  }
0x11c: {  	v3 =	vadd.s32 v3, v2;
	v62, _, _ =	vpop (xrf0)  }
0x11d: {  	p1 =	sne.s32 s17, $0xFE0;
	v3 =	vadd.s32 v62, v3  }
.Ltmp6:
0x11e: {  	_ = 	snop;
	(pc) =	sbr.rel @p1 .LBB2_10-.Ltmp6, $4  }
0x11f: {  	_ = 	snop  }
0x120: {  	s19 =	sadd.s32 $0x10, s17;
	v63 =	vmpcnt.ones.xlane vm1  }
0x121: {  	v5 =	vor.u32 s19, v1  }
0x122: {  	s17 =	sadd.s32 $0x20, s17;
	s18 =	sadd.s32 $0x20, s18;
	v2 =	vadd.s32 v2, v63;
	[tilespmem:v3+s8+$0x0] =	vst.idx.msk vm1, v5  }
0x123: {  	[tilespmem:s10], [sflag:$0x1] =	stream.indirect.gather [hbm4b:s24+s9], $0x80, s8, s9, $0xb8;
	[tilespmem:$0x9200] =	vst v63  }
0x124: {  	_ =	swait.ge [sflag:s11], $0x2000  }
0x125: {  	[sflag:s11] =	ssyncset.done $0x0  }
0x126: {  	s17 =	simm.s32 $0x0;
	s18 =	rddreg [dreg:$0xa];
	[sflag:s11] =	ssyncadd.s32 $0xFFFFE000  }
0x127: {  	[hbm4b:s18+s17] =	stream.linear.scatter [tilespmem:s10], [sflag:$0x2], $0x2000, $0x38;
	[tilespmem:$0x9200] =	vst v63  }
0x128: {  	_ =	swait.ge [sflag:s7], $0x2000  }
0x129: {  	[sflag:s7] =	ssyncset.done $0x0  }
0x12a: {  	s19 =	rddreg [dreg:$0xb];
	[sflag:s7] =	ssyncadd.s32 $0xFFFFE000  }
0x12b: {  	[tilespmem:s17], [sflag:$0x2] =	stream.strided.gather [hbm4b:s19+s5], $0x1000, s6, s5, $0x38;
	[tilespmem:$0x9200] =	vst v63  }
0x12c: {  	_ =	swait.ge [sflag:s7], $0x1000  }
0x12d: {  	[sflag:s7] =	ssyncset.done $0x0  }
0x12e: {  	v2 =	vimm.s32 $0x0;
	s18 =	simm.s32 $0x10;
	[sflag:s7] =	ssyncadd.s32 $0xFFFFF000  }
.LBB2_12:
0x12f: {  	v3 =	vld [tilespmem:s18+$0xFFFFFFF0];
	_ =	sdelay $0x4  }
0x130: {  	vm0 =	vgt.f32 v3, $5.000000000e-01  }
0x131: {  	v3 =	vsel vm0, $0x1, v0  }
0x132: {  	(xrf0) =	vadd.scan.msk.s32 $0xffff, v3;
	_ =	sdelay $0x4  }
0x133: {  	v3 =	vsel vm0, $0xFFFFFFFF, v0  }
0x134: {  	v3 =	vadd.s32 v3, v2;
	v4, _, _ =	vpop (xrf0)  }
0x135: {  	v3 =	vadd.s32 v4, v3;
	_ =	sdelay $0x3  }
0x136: {  	v61 =	vor.u32 s17, v1  }
0x137: {  	[tilespmem:v3+s8+$0x0] =	vst.idx.msk vm0, v61  }
0x138: {  	v3 =	vld [tilespmem:s18+$0x0];
	_ =	sdelay $0x4  }
0x139: {  	vm1 =	vgt.f32 v3, $5.000000000e-01  }
0x13a: {  	v3 =	vsel vm1, $0x1, v0  }
0x13b: {  	(xrf0) =	vadd.scan.msk.s32 $0xffff, v3;
	_ =	sdelay $0x2  }
0x13c: {  	v3 =	vmpcnt.ones.xlane vm0;
	_ =	sdelay $0x1  }
0x13d: {  	v2 =	vadd.s32 v2, v3;
	v3 =	vsel vm1, $0xFFFFFFFF, v0  }
0x13e: {  	v3 =	vadd.s32 v3, v2;
	v62, _, _ =	vpop (xrf0)  }
0x13f: {  	p1 =	sne.s32 s17, $0xFE0;
	v3 =	vadd.s32 v62, v3  }
.Ltmp7:
0x140: {  	_ = 	snop;
	(pc) =	sbr.rel @p1 .LBB2_12-.Ltmp7, $4  }
0x141: {  	_ = 	snop  }
0x142: {  	s19 =	sadd.s32 $0x10, s17;
	v63 =	vmpcnt.ones.xlane vm1  }
0x143: {  	v5 =	vor.u32 s19, v1  }
0x144: {  	s17 =	sadd.s32 $0x20, s17;
	s18 =	sadd.s32 $0x20, s18;
	v2 =	vadd.s32 v2, v63;
	[tilespmem:v3+s8+$0x0] =	vst.idx.msk vm1, v5  }
0x145: {  	[tilespmem:s10], [sflag:$0x1] =	stream.indirect.gather [hbm4b:s25+s9], $0x80, s8, s9, $0xb8;
	[tilespmem:$0x9200] =	vst v63  }
0x146: {  	_ =	swait.ge [sflag:s11], $0x2000  }
0x147: {  	[sflag:s11] =	ssyncset.done $0x0  }
0x148: {  	s17 =	simm.s32 $0x0;
	s18 =	rddreg [dreg:$0xc];
	[sflag:s11] =	ssyncadd.s32 $0xFFFFE000  }
0x149: {  	[hbm4b:s18+s17] =	stream.linear.scatter [tilespmem:s10], [sflag:$0x2], $0x2000, $0x38;
	[tilespmem:$0x9200] =	vst v63  }
0x14a: {  	_ =	swait.ge [sflag:s7], $0x2000  }
0x14b: {  	[sflag:s7] =	ssyncset.done $0x0  }
0x14c: {  	s19 =	rddreg [dreg:$0xd];
	[sflag:s7] =	ssyncadd.s32 $0xFFFFE000  }
0x14d: {  	[tilespmem:s17], [sflag:$0x2] =	stream.strided.gather [hbm4b:s19+s5], $0x1000, s6, s5, $0x38;
	[tilespmem:$0x9200] =	vst v63  }
0x14e: {  	_ =	swait.ge [sflag:s7], $0x1000  }
0x14f: {  	[sflag:s7] =	ssyncset.done $0x0  }
0x150: {  	v2 =	vimm.s32 $0x0;
	s18 =	simm.s32 $0x10;
	[sflag:s7] =	ssyncadd.s32 $0xFFFFF000  }
.LBB2_14:
0x151: {  	v3 =	vld [tilespmem:s18+$0xFFFFFFF0];
	_ =	sdelay $0x4  }
0x152: {  	vm0 =	vgt.f32 v3, $5.000000000e-01  }
0x153: {  	v3 =	vsel vm0, $0x1, v0  }
0x154: {  	(xrf0) =	vadd.scan.msk.s32 $0xffff, v3;
	_ =	sdelay $0x4  }
0x155: {  	v3 =	vsel vm0, $0xFFFFFFFF, v0  }
0x156: {  	v3 =	vadd.s32 v3, v2;
	v4, _, _ =	vpop (xrf0)  }
0x157: {  	v3 =	vadd.s32 v4, v3;
	_ =	sdelay $0x3  }
0x158: {  	v61 =	vor.u32 s17, v1  }
0x159: {  	[tilespmem:v3+s8+$0x0] =	vst.idx.msk vm0, v61  }
0x15a: {  	v3 =	vld [tilespmem:s18+$0x0];
	_ =	sdelay $0x4  }
0x15b: {  	vm1 =	vgt.f32 v3, $5.000000000e-01  }
0x15c: {  	v3 =	vsel vm1, $0x1, v0  }
0x15d: {  	(xrf0) =	vadd.scan.msk.s32 $0xffff, v3;
	_ =	sdelay $0x2  }
0x15e: {  	v3 =	vmpcnt.ones.xlane vm0;
	_ =	sdelay $0x1  }
0x15f: {  	v2 =	vadd.s32 v2, v3;
	v3 =	vsel vm1, $0xFFFFFFFF, v0  }
0x160: {  	v3 =	vadd.s32 v3, v2;
	v62, _, _ =	vpop (xrf0)  }
0x161: {  	p1 =	sne.s32 s17, $0xFE0;
	v3 =	vadd.s32 v62, v3  }
.Ltmp8:
0x162: {  	_ = 	snop;
	(pc) =	sbr.rel @p1 .LBB2_14-.Ltmp8, $4  }
0x163: {  	_ = 	snop  }
0x164: {  	s19 =	sadd.s32 $0x10, s17;
	v63 =	vmpcnt.ones.xlane vm1  }
0x165: {  	v5 =	vor.u32 s19, v1  }
0x166: {  	s17 =	sadd.s32 $0x20, s17;
	s18 =	sadd.s32 $0x20, s18;
	v2 =	vadd.s32 v2, v63;
	[tilespmem:v3+s8+$0x0] =	vst.idx.msk vm1, v5  }
0x167: {  	[tilespmem:s10], [sflag:$0x1] =	stream.indirect.gather [hbm4b:s26+s9], $0x80, s8, s9, $0xb8;
	[tilespmem:$0x9200] =	vst v63  }
0x168: {  	_ =	swait.ge [sflag:s11], $0x2000  }
0x169: {  	[sflag:s11] =	ssyncset.done $0x0  }
0x16a: {  	s17 =	simm.s32 $0x0;
	s18 =	rddreg [dreg:$0xe];
	[sflag:s11] =	ssyncadd.s32 $0xFFFFE000  }
0x16b: {  	[hbm4b:s18+s17] =	stream.linear.scatter [tilespmem:s10], [sflag:$0x2], $0x2000, $0x38;
	[tilespmem:$0x9200] =	vst v63  }
0x16c: {  	_ =	swait.ge [sflag:s7], $0x2000  }
0x16d: {  	[sflag:s7] =	ssyncset.done $0x0  }
0x16e: {  	s19 =	rddreg [dreg:$0xf];
	[sflag:s7] =	ssyncadd.s32 $0xFFFFE000  }
0x16f: {  	[tilespmem:s17], [sflag:$0x2] =	stream.strided.gather [hbm4b:s19+s5], $0x1000, s6, s5, $0x38;
	[tilespmem:$0x9200] =	vst v63  }
0x170: {  	_ =	swait.ge [sflag:s7], $0x1000  }
0x171: {  	[sflag:s7] =	ssyncset.done $0x0  }
0x172: {  	v2 =	vimm.s32 $0x0;
	s18 =	simm.s32 $0x10;
	[sflag:s7] =	ssyncadd.s32 $0xFFFFF000  }
.LBB2_16:
0x173: {  	v3 =	vld [tilespmem:s18+$0xFFFFFFF0];
	_ =	sdelay $0x4  }
0x174: {  	vm0 =	vgt.f32 v3, $5.000000000e-01  }
0x175: {  	v3 =	vsel vm0, $0x1, v0  }
0x176: {  	(xrf0) =	vadd.scan.msk.s32 $0xffff, v3;
	_ =	sdelay $0x4  }
0x177: {  	v3 =	vsel vm0, $0xFFFFFFFF, v0  }
0x178: {  	v3 =	vadd.s32 v3, v2;
	v4, _, _ =	vpop (xrf0)  }
0x179: {  	v3 =	vadd.s32 v4, v3;
	_ =	sdelay $0x3  }
0x17a: {  	v61 =	vor.u32 s17, v1  }
0x17b: {  	[tilespmem:v3+s8+$0x0] =	vst.idx.msk vm0, v61  }
0x17c: {  	v3 =	vld [tilespmem:s18+$0x0];
	_ =	sdelay $0x4  }
0x17d: {  	vm1 =	vgt.f32 v3, $5.000000000e-01  }
0x17e: {  	v3 =	vsel vm1, $0x1, v0  }
0x17f: {  	(xrf0) =	vadd.scan.msk.s32 $0xffff, v3;
	_ =	sdelay $0x2  }
0x180: {  	v3 =	vmpcnt.ones.xlane vm0;
	_ =	sdelay $0x1  }
0x181: {  	v2 =	vadd.s32 v2, v3;
	v3 =	vsel vm1, $0xFFFFFFFF, v0  }
0x182: {  	v3 =	vadd.s32 v3, v2;
	v62, _, _ =	vpop (xrf0)  }
0x183: {  	p1 =	sne.s32 s17, $0xFE0;
	v3 =	vadd.s32 v62, v3  }
.Ltmp9:
0x184: {  	_ = 	snop;
	(pc) =	sbr.rel @p1 .LBB2_16-.Ltmp9, $4  }
0x185: {  	_ = 	snop  }
0x186: {  	s19 =	sadd.s32 $0x10, s17;
	v63 =	vmpcnt.ones.xlane vm1  }
0x187: {  	v5 =	vor.u32 s19, v1  }
0x188: {  	s17 =	sadd.s32 $0x20, s17;
	s18 =	sadd.s32 $0x20, s18;
	v2 =	vadd.s32 v2, v63;
	[tilespmem:v3+s8+$0x0] =	vst.idx.msk vm1, v5  }
0x189: {  	[tilespmem:s10], [sflag:$0x1] =	stream.indirect.gather [hbm4b:s28+s9], $0x80, s8, s9, $0xb8;
	[tilespmem:$0x9200] =	vst v63  }
0x18a: {  	_ =	swait.ge [sflag:s11], $0x2000  }
0x18b: {  	[sflag:s11] =	ssyncset.done $0x0  }
0x18c: {  	s17 =	simm.s32 $0x0;
	s18 =	rddreg [dreg:$0x10];
	[sflag:s11] =	ssyncadd.s32 $0xFFFFE000  }
0x18d: {  	[hbm4b:s18+s17] =	stream.linear.scatter [tilespmem:s10], [sflag:$0x2], $0x2000, $0x38;
	[tilespmem:$0x9200] =	vst v63  }
0x18e: {  	_ =	swait.ge [sflag:s7], $0x2000  }
0x18f: {  	[sflag:s7] =	ssyncset.done $0x0  }
0x190: {  	s19 =	rddreg [dreg:$0x11];
	[sflag:s7] =	ssyncadd.s32 $0xFFFFE000  }
0x191: {  	[tilespmem:s17], [sflag:$0x2] =	stream.strided.gather [hbm4b:s19+s5], $0x1000, s6, s5, $0x38;
	[tilespmem:$0x9200] =	vst v63  }
0x192: {  	_ =	swait.ge [sflag:s7], $0x1000  }
0x193: {  	[sflag:s7] =	ssyncset.done $0x0  }
0x194: {  	v2 =	vimm.s32 $0x0;
	s18 =	simm.s32 $0x10;
	[sflag:s7] =	ssyncadd.s32 $0xFFFFF000  }
.LBB2_18:
0x195: {  	v3 =	vld [tilespmem:s18+$0xFFFFFFF0];
	_ =	sdelay $0x4  }
0x196: {  	vm0 =	vgt.f32 v3, $5.000000000e-01  }
0x197: {  	v3 =	vsel vm0, $0x1, v0  }
0x198: {  	(xrf0) =	vadd.scan.msk.s32 $0xffff, v3;
	_ =	sdelay $0x4  }
0x199: {  	v3 =	vsel vm0, $0xFFFFFFFF, v0  }
0x19a: {  	v3 =	vadd.s32 v3, v2;
	v4, _, _ =	vpop (xrf0)  }
0x19b: {  	v3 =	vadd.s32 v4, v3;
	_ =	sdelay $0x3  }
0x19c: {  	v61 =	vor.u32 s17, v1  }
0x19d: {  	[tilespmem:v3+s8+$0x0] =	vst.idx.msk vm0, v61  }
0x19e: {  	v3 =	vld [tilespmem:s18+$0x0];
	_ =	sdelay $0x4  }
0x19f: {  	vm1 =	vgt.f32 v3, $5.000000000e-01  }
0x1a0: {  	v3 =	vsel vm1, $0x1, v0  }
0x1a1: {  	(xrf0) =	vadd.scan.msk.s32 $0xffff, v3;
	_ =	sdelay $0x2  }
0x1a2: {  	v3 =	vmpcnt.ones.xlane vm0;
	_ =	sdelay $0x1  }
0x1a3: {  	v2 =	vadd.s32 v2, v3;
	v3 =	vsel vm1, $0xFFFFFFFF, v0  }
0x1a4: {  	v3 =	vadd.s32 v3, v2;
	v62, _, _ =	vpop (xrf0)  }
0x1a5: {  	p1 =	sne.s32 s17, $0xFE0;
	v3 =	vadd.s32 v62, v3  }
.Ltmp10:
0x1a6: {  	_ = 	snop;
	(pc) =	sbr.rel @p1 .LBB2_18-.Ltmp10, $4  }
0x1a7: {  	_ = 	snop  }
0x1a8: {  	s19 =	sadd.s32 $0x10, s17;
	v63 =	vmpcnt.ones.xlane vm1  }
0x1a9: {  	v5 =	vor.u32 s19, v1  }
0x1aa: {  	s17 =	sadd.s32 $0x20, s17;
	s18 =	sadd.s32 $0x20, s18;
	v2 =	vadd.s32 v2, v63;
	[tilespmem:v3+s8+$0x0] =	vst.idx.msk vm1, v5  }
0x1ab: {  	[tilespmem:s10], [sflag:$0x1] =	stream.indirect.gather [hbm4b:s31+s9], $0x80, s8, s9, $0xb8;
	[tilespmem:$0x9200] =	vst v63  }
0x1ac: {  	_ =	swait.ge [sflag:s11], $0x2000  }
0x1ad: {  	[sflag:s11] =	ssyncset.done $0x0  }
0x1ae: {  	s17 =	simm.s32 $0x0;
	s18 =	rddreg [dreg:$0x12];
	[sflag:s11] =	ssyncadd.s32 $0xFFFFE000  }
0x1af: {  	[hbm4b:s18+s17] =	stream.linear.scatter [tilespmem:s10], [sflag:$0x2], $0x2000, $0x38;
	[tilespmem:$0x9200] =	vst v63  }
0x1b0: {  	_ =	swait.ge [sflag:s7], $0x2000  }
0x1b1: {  	[sflag:s7] =	ssyncset.done $0x0  }
0x1b2: {  	s19 =	rddreg [dreg:$0x13];
	[sflag:s7] =	ssyncadd.s32 $0xFFFFE000  }
0x1b3: {  	[tilespmem:s17], [sflag:$0x2] =	stream.strided.gather [hbm4b:s19+s5], $0x1000, s6, s5, $0x38;
	[tilespmem:$0x9200] =	vst v63  }
0x1b4: {  	_ =	swait.ge [sflag:s7], $0x1000  }
0x1b5: {  	[sflag:s7] =	ssyncset.done $0x0  }
0x1b6: {  	v2 =	vimm.s32 $0x0;
	s18 =	simm.s32 $0x10;
	[sflag:s7] =	ssyncadd.s32 $0xFFFFF000  }
.LBB2_20:
0x1b7: {  	v3 =	vld [tilespmem:s18+$0xFFFFFFF0];
	_ =	sdelay $0x4  }
0x1b8: {  	vm0 =	vgt.f32 v3, $5.000000000e-01  }
0x1b9: {  	v3 =	vsel vm0, $0x1, v0  }
0x1ba: {  	(xrf0) =	vadd.scan.msk.s32 $0xffff, v3;
	_ =	sdelay $0x4  }
0x1bb: {  	v3 =	vsel vm0, $0xFFFFFFFF, v0  }
0x1bc: {  	v3 =	vadd.s32 v3, v2;
	v4, _, _ =	vpop (xrf0)  }
0x1bd: {  	v3 =	vadd.s32 v4, v3;
	_ =	sdelay $0x3  }
0x1be: {  	v61 =	vor.u32 s17, v1  }
0x1bf: {  	[tilespmem:v3+s8+$0x0] =	vst.idx.msk vm0, v61  }
0x1c0: {  	v3 =	vld [tilespmem:s18+$0x0];
	_ =	sdelay $0x4  }
0x1c1: {  	vm1 =	vgt.f32 v3, $5.000000000e-01  }
0x1c2: {  	v3 =	vsel vm1, $0x1, v0  }
0x1c3: {  	(xrf0) =	vadd.scan.msk.s32 $0xffff, v3;
	_ =	sdelay $0x2  }
0x1c4: {  	v3 =	vmpcnt.ones.xlane vm0;
	_ =	sdelay $0x1  }
0x1c5: {  	v2 =	vadd.s32 v2, v3;
	v3 =	vsel vm1, $0xFFFFFFFF, v0  }
0x1c6: {  	v3 =	vadd.s32 v3, v2;
	v62, _, _ =	vpop (xrf0)  }
0x1c7: {  	p1 =	sne.s32 s17, $0xFE0;
	v3 =	vadd.s32 v62, v3  }
.Ltmp11:
0x1c8: {  	_ = 	snop;
	(pc) =	sbr.rel @p1 .LBB2_20-.Ltmp11, $4  }
0x1c9: {  	_ = 	snop  }
0x1ca: {  	s19 =	sadd.s32 $0x10, s17;
	v63 =	vmpcnt.ones.xlane vm1  }
0x1cb: {  	v5 =	vor.u32 s19, v1  }
0x1cc: {  	s17 =	sadd.s32 $0x20, s17;
	s18 =	sadd.s32 $0x20, s18;
	v2 =	vadd.s32 v2, v63;
	[tilespmem:v3+s8+$0x0] =	vst.idx.msk vm1, v5  }
0x1cd: {  	[tilespmem:s10], [sflag:$0x1] =	stream.indirect.gather [hbm4b:s30+s9], $0x80, s8, s9, $0xb8;
	[tilespmem:$0x9200] =	vst v63  }
0x1ce: {  	_ =	swait.ge [sflag:s11], $0x2000  }
0x1cf: {  	[sflag:s11] =	ssyncset.done $0x0  }
.Ltmp12:
0x1d0: {  	s17 =	rddreg [dreg:$0x14];
	[sflag:s11] =	ssyncadd.s32 $0xFFFFE000;
	(pc) =	sbr.rel @p0 .LBB2_30-.Ltmp12, $4  }
0x1d1: {  	[hbm4b:s17+s29] =	stream.linear.scatter [tilespmem:s10], [sflag:$0x2], $0x2000, $0x38;
	[tilespmem:$0x9200] =	vst v63  }
0x1d2: {  	_ =	swait.ge [sflag:s7], $0x2000  }
0x1d3: {  	[sflag:s7] =	ssyncset.done $0x0  }
0x1d4: {  	[sflag:s7] =	ssyncadd.s32 $0xFFFFE000  }
0x1d5: {  	s17 =	simm.s32 $0x0;
	s18 =	rddreg [dreg:$0x2];
	s19 =	simm.s32 $0x9180  }
0x1d6: {  	[tilespmem:s19], [sflag:$0x2] =	stream.linear.gather [hbm4b:s18+s17], $0x80, $0x38;
	[tilespmem:$0x9200] =	vst v63  }
0x1d7: {  	_ =	swait.ge [sflag:s7], $0x80  }
0x1d8: {  	[sflag:s7] =	ssyncset.done $0x0  }
0x1d9: {  	s19 =	simm.s32 $0x1000;
	s18 =	rddreg [dreg:$0x4];
	[sflag:s7] =	ssyncadd.s32 $0xFFFFFF80  }
0x1da: {  	v2 =	vld [tilespmem:$0x9180];
	[tilespmem:s19], [sflag:$0x2] =	stream.strided.gather [hbm4b:s18+s5], $0x1000, s6, s5, $0x38  }
0x1db: {  	_ =	swait.ge [sflag:s7], $0x1000  }
0x1dc: {  	[sflag:s7] =	ssyncset.done $0x0  }
0x1dd: {  	s18 =	simm.s32 $0x0;
	[sflag:s7] =	ssyncadd.s32 $0xFFFFF000  }
.LBB2_23:
0x1de: {  	p1 =	sne.s32 s18, $0x4040  }
.Ltmp13:
0x1df: {  	_ = 	snop;
	(pc) =	sbr.rel @p1 .LBB2_23-.Ltmp13, $3  }
0x1e0: {  	_ =	sdelay $0x1  }
0x1e1: {  	s19 =	sshra.s32 s18, $0x2;
	v3 =	vimm.s32 $0x0  }
0x1e2: {  	s18 =	sadd.s32 $0x40, s18;
	[tilespmem:s19+$0x2000] =	vst v3  }
0x1e3: {  	s18 =	simm.s32 $0x1010  }
.LBB2_25:
0x1e4: {  	v4 =	vld [tilespmem:s18+$0xFFFFFFF0];
	_ =	sdelay $0x4  }
0x1e5: {  	vm0 =	veq.s32 v4, v2  }
0x1e6: {  	v4 =	vsel vm0, $0x1, v0  }
0x1e7: {  	(xrf0) =	vadd.scan.msk.s32 $0xffff, v4;
	_ =	sdelay $0x4  }
0x1e8: {  	v4 =	vsel vm0, $0xFFFFFFFF, v0  }
0x1e9: {  	v4 =	vadd.s32 v4, v3;
	v5, _, _ =	vpop (xrf0)  }
0x1ea: {  	v4 =	vadd.s32 v5, v4;
	_ =	sdelay $0x3  }
0x1eb: {  	v5 =	vor.u32 s17, v1  }
0x1ec: {  	[tilespmem:v4+s12+$0x0] =	vst.idx.msk vm0, v5  }
0x1ed: {  	v4 =	vld [tilespmem:s18+$0x0];
	_ =	sdelay $0x4  }
0x1ee: {  	vm1 =	veq.s32 v4, v2  }
0x1ef: {  	v4 =	vsel vm1, $0x1, v0  }
0x1f0: {  	(xrf0) =	vadd.scan.msk.s32 $0xffff, v4;
	_ =	sdelay $0x2  }
0x1f1: {  	v4 =	vmpcnt.ones.xlane vm0;
	_ =	sdelay $0x1  }
0x1f2: {  	v3 =	vadd.s32 v3, v4;
	v4 =	vsel vm1, $0xFFFFFFFF, v0  }
0x1f3: {  	v4 =	vadd.s32 v4, v3;
	v5, _, _ =	vpop (xrf0)  }
0x1f4: {  	p1 =	sne.s32 s17, $0xFE0;
	v4 =	vadd.s32 v5, v4  }
.Ltmp14:
0x1f5: {  	_ = 	snop;
	(pc) =	sbr.rel @p1 .LBB2_25-.Ltmp14, $4  }
0x1f6: {  	_ = 	snop  }
0x1f7: {  	s19 =	sadd.s32 $0x10, s17;
	v5 =	vmpcnt.ones.xlane vm1  }
0x1f8: {  	v6 =	vor.u32 s19, v1  }
0x1f9: {  	s17 =	sadd.s32 $0x20, s17;
	s18 =	sadd.s32 $0x20, s18;
	v3 =	vadd.s32 v3, v5;
	[tilespmem:v4+s12+$0x0] =	vst.idx.msk vm1, v6  }
0x1fa: {  	(v2sf) =	vpush v3, $0x0;
	_ =	sdelay $0xa  }
0x1fb: {  	v2 =	vbroadcast v3, $0x0;
	_ =	sdelay $0x1  }
0x1fc: {  	s18 =	rddreg [dreg:$0x15];
	s19 =	simm.s32 $0x9180;
	[tilespmem:$0x9180] =	vst v2  }
0x1fd: {  	[hbm4b:s18+s29] =	stream.linear.scatter [tilespmem:s19], [sflag:$0x2], $0x80, $0x38;
	[tilespmem:$0x9200] =	vst v63  }
0x1fe: {  	s17 =	spop (v2sf)  }
0x1ff: {  	s17 =	sadd.s32 $0x7F, s17  }
0x200: {  	s19 =	sand.u32 $0x7F, s17  }
0x201: {  	p2 =	slt.s32 s17, $0x1;
	p1 =	sne.s32 s19, $0x0;
	s19 =	sshra.s32 s17, $0x1F  }
0x202: {  	s18 =	sshrl.u32 s19, $0x19;
	p1 =	por !p2, !p1  }
0x203: {  	s17 =	sadd.s32 s18, s17;
	p1 =	por !p1, !p1;
	s18 =	simm.s32 $0x1  }
0x204: {  	s17 =	sshra.s32 s17, $0x7;
	s18 =	simm.s32 @!p1 $0x0  }
0x205: {  	s19 =	ssub.s32 s17, s18  }
0x206: {  	p1 =	slt.s32 s19, $0x1  }
.Ltmp15:
0x207: {  	_ = 	snop;
	(pc) =	sbr.rel @p1 .LBB2_30-.Ltmp15, $4  }
0x208: {  	_ = 	snop  }
0x209: {  	_ =	swait.ge [sflag:s7], $0x80  }
0x20a: {  	[sflag:s7] =	ssyncset.done $0x0  }
0x20b: {  	[sflag:s7] =	ssyncadd.s32 $0xFFFFFF80  }
0x20c: {  	s17 =	simm.s32 $0x2040  }
0x20d: {  	v2 =	vld [tilespmem:s17+$0xFFFFFFC0];
	_ =	sdelay $0x4  }
0x20e: {  	[tilespmem:$0x3100] =	vst v2  }
0x20f: {  	v2 =	vld [tilespmem:s17+$0xFFFFFFD0];
	_ =	sdelay $0x4  }
0x210: {  	[tilespmem:$0x3110] =	vst v2  }
0x211: {  	v2 =	vld [tilespmem:s17+$0xFFFFFFE0];
	_ =	sdelay $0x4  }
0x212: {  	[tilespmem:$0x3120] =	vst v2  }
0x213: {  	v2 =	vld [tilespmem:s17+$0xFFFFFFF0];
	_ =	sdelay $0x4  }
0x214: {  	[tilespmem:$0x3130] =	vst v2  }
0x215: {  	v2 =	vld [tilespmem:s17+$0x0];
	_ =	sdelay $0x4  }
0x216: {  	[tilespmem:$0x3140] =	vst v2  }
0x217: {  	v2 =	vld [tilespmem:s17+$0x10];
	_ =	sdelay $0x4  }
0x218: {  	[tilespmem:$0x3150] =	vst v2  }
0x219: {  	v2 =	vld [tilespmem:s17+$0x20];
	_ =	sdelay $0x4  }
0x21a: {  	[tilespmem:$0x3160] =	vst v2  }
0x21b: {  	v2 =	vld [tilespmem:s17+$0x30]  }
0x21c: {  	s4 =	smov.u32 s2  }
0x21d: {  	s2 =	smov.u32 s3;
	s3 =	smov.u32 s0;
	s0 =	smov.u32 s30  }
0x21e: {  	s30 =	smov.u32 s31;
	s31 =	smov.u32 s28;
	s28 =	smov.u32 s26  }
0x21f: {  	s26 =	smov.u32 s25;
	s25 =	smov.u32 s24;
	s24 =	smov.u32 s23  }
0x220: {  	s23 =	smov.u32 s22;
	s22 =	smov.u32 s21;
	s21 =	smov.u32 s20;
	[tilespmem:$0x3170] =	vst v2  }
0x221: {  	[tilespmem:s15], [sflag:$0x1] =	stream.indirect.gather [hbm4b:s13+s5], $0x80, s14, s5, $0xb8;
	[tilespmem:$0x9200] =	vst v63  }
0x222: {  	s18 =	simm.s32 $0x0;
	p1 =	sne.s32 s19, $0x1;
	_ =	swait.ge [sflag:s11], $0x4000  }
.Ltmp16:
0x223: {  	s20 =	sand.u32 $0x1FFFF800, s18;
	[sflag:s11] =	ssyncset.done $0x0;
	(pc) =	sbr.rel @!p1 .LBB2_29-.Ltmp16, $4  }
0x224: {  	s20 =	sadd.s32 s20, s1;
	[sflag:s11] =	ssyncadd.s32 $0xFFFFC000  }
0x225: {  	[hbm4b:s20+s29] =	stream.linear.scatter [tilespmem:s15], [sflag:$0x2], $0x4000, $0x38;
	[tilespmem:$0x9200] =	vst v63  }
0x226: {  	_ =	swait.ge [sflag:s7], $0x4000  }
0x227: {  	s19 =	sadd.s32 $0xFFFFFFFF, s19;
	[sflag:s7] =	ssyncset.done $0x0  }
.LBB2_28:
0x228: {  	[sflag:s7] =	ssyncadd.s32 $0xFFFFC000;
	s18 =	sadd.s32 $0x800, s18;
	s17 =	sadd.s32 $0x80, s17  }
0x229: {  	p1 =	sne.s32 s19, $0x1;
	s19 =	sadd.s32 $0xFFFFFFFF, s19;
	v2 =	vld [tilespmem:s17+$0xFFFFFFC0];
	_ =	sdelay $0x4  }
0x22a: {  	[tilespmem:$0x3100] =	vst v2  }
0x22b: {  	v2 =	vld [tilespmem:s17+$0xFFFFFFD0];
	_ =	sdelay $0x4  }
0x22c: {  	[tilespmem:$0x3110] =	vst v2  }
0x22d: {  	v2 =	vld [tilespmem:s17+$0xFFFFFFE0];
	_ =	sdelay $0x4  }
0x22e: {  	[tilespmem:$0x3120] =	vst v2  }
0x22f: {  	v2 =	vld [tilespmem:s17+$0xFFFFFFF0];
	_ =	sdelay $0x4  }
0x230: {  	[tilespmem:$0x3130] =	vst v2  }
0x231: {  	v2 =	vld [tilespmem:s17+$0x0];
	_ =	sdelay $0x4  }
0x232: {  	[tilespmem:$0x3140] =	vst v2  }
0x233: {  	v2 =	vld [tilespmem:s17+$0x10];
	_ =	sdelay $0x4  }
0x234: {  	[tilespmem:$0x3150] =	vst v2  }
0x235: {  	v2 =	vld [tilespmem:s17+$0x20];
	_ =	sdelay $0x4  }
0x236: {  	[tilespmem:$0x3160] =	vst v2  }
0x237: {  	v2 =	vld [tilespmem:s17+$0x30];
	_ =	sdelay $0x4  }
0x238: {  	[tilespmem:$0x3170] =	vst v2  }
0x239: {  	[tilespmem:s15], [sflag:$0x1] =	stream.indirect.gather [hbm4b:s13+s5], $0x80, s14, s5, $0xb8;
	[tilespmem:$0x9200] =	vst v63  }
0x23a: {  	_ =	swait.ge [sflag:s11], $0x4000  }
.Ltmp17:
0x23b: {  	s20 =	sand.u32 $0x1FFFF800, s18;
	[sflag:s11] =	ssyncset.done $0x0;
	(pc) =	sbr.rel @p1 .LBB2_28-.Ltmp17, $4  }
0x23c: {  	s20 =	sadd.s32 s20, s1;
	[sflag:s11] =	ssyncadd.s32 $0xFFFFC000  }
0x23d: {  	[hbm4b:s20+s29] =	stream.linear.scatter [tilespmem:s15], [sflag:$0x2], $0x4000, $0x38;
	[tilespmem:$0x9200] =	vst v63  }
0x23e: {  	_ =	swait.ge [sflag:s7], $0x4000  }
0x23f: {  	[sflag:s7] =	ssyncset.done $0x0  }
.Ltmp18:
0x240: {  	_ = 	snop;
	(pc) =	sbr.rel .LBB2_29-.Ltmp18, $1  }
0x241: {  	_ =	sdelay $0x3  }
.LBB2_31:
0x242: {  	_ =	sfence.sel $0x180000  }
0x243: {  	[bflag:$0x0] =	sbarrier.arrive $0xFFFF  }
0x244: {  	_ =	strace $0x90000047  }
0x245: {  	s0 =	stileid.u32;
	[bflag:$0x2] =	sbarrier.arrive $0xFFFF  }
0x246: {  	p0 =	sne.s32 s0, $0x0;
	s0 =	rddreg [dreg:$0x3]  }
0x247: {  	s0 =	sadd.s32 @!p0 $0x100000, s0  }
0x248: {  	[sflag:s0] =	ssyncadd.tile.s32 @!p0 $0x1;
	_ =	shalt  }
.Lfunc_end2:
_tile_overlayer_lowered:
.L_overlay_start_2:
0x249: {  	(tag) =	ssettag $0x2  }
0x24a: {  	s0 =	rddreg [dreg:$0x0];
	s2 =	stileid.u32  }
0x24b: {  	s1 =	rddreg [dreg:$0x1];
	p0 =	sne.s32 s2, $0x0  }
0x24c: {  	s3 =	rddreg [dreg:$0x2];
	[bflag:$0x3] =	sbarrier.arrive $0xFFFF;
	s2 =	simm.s32 @!p0 $0x1C02  }
0x24d: {  	[timem:s3], [sflag:s2] =	dma.local @!p0 [hbm:s0], s1  }
0x24e: {  	s0 =	simm.s32 @!p0 $0x2  }
0x24f: {  	_ =	swait.ge @!p0 [sflag:s0], s1  }
0x250: {  	s1 =	ssub.s32 @!p0 $0x0, s1;
	[sflag:s0] =	ssyncset.done @!p0 $0x0  }
0x251: {  	[sflag:s0] =	ssyncadd.s32 @!p0 s1  }
0x252: {  	[bflag:$0x3] =	sbarrier.arrive $0xFFFF  }
0x253: {  	_ =	shalt  }

</sc_bundles>
